<compile_context>
chip_gen: v7x
topology: tpu7x:2x2x1
jax: 0.10.2.dev20260603
libtpu: 0.0.44.dev20260713+nightly
codegen_flags: <defaults>
</compile_context>

<pallas_src>
import functools

import jax
import jax.numpy as jnp
from jax import lax
from jax.experimental import pallas as pl
from jax.experimental.pallas import tpu as pltpu
from jax.experimental.pallas import tpu_sc as plsc

_EMB = 128
_E = 320000
_NC, _NS, _L = 2, 16, 16
_NW = _NC * _NS
_EPW = _E // _NW
_CH = 80
_NCHUNK = _EPW // _CH
_NB = 8
_G = 4
_VOCAB = 64


def _build_table_body(w0_ref, w1_ref, w2_ref, t_ref):
    c = lax.broadcasted_iota(jnp.int32, (_VOCAB, 1), 0)
    oh0 = (c // 12 == lax.broadcasted_iota(jnp.int32, (_VOCAB, 5), 1)).astype(jnp.float32)
    oh1 = ((c // 2) % 6 == lax.broadcasted_iota(jnp.int32, (_VOCAB, 6), 1)).astype(jnp.float32)
    oh2 = (c % 2 == lax.broadcasted_iota(jnp.int32, (_VOCAB, 2), 1)).astype(jnp.float32)
    hi = lax.Precision.HIGHEST
    t = (jnp.dot(oh0, w0_ref[:], preferred_element_type=jnp.float32, precision=hi)
         + jnp.dot(oh1, w1_ref[:], preferred_element_type=jnp.float32, precision=hi)
         + jnp.dot(oh2, w2_ref[:], preferred_element_type=jnp.float32, precision=hi))
    for w in range(_NW):
        t_ref[pl.ds(w * _VOCAB, _VOCAB)] = t


_build_table = pl.pallas_call(
    _build_table_body,
    out_shape=jax.ShapeDtypeStruct((_NW * _VOCAB, _EMB), jnp.float32),
)


@functools.partial(
    pl.kernel,
    mesh=plsc.VectorSubcoreMesh(core_axis_name="c", subcore_axis_name="s"),
    out_type=jax.ShapeDtypeStruct((_E, _EMB), jnp.float32),
    scratch_types=[
        pltpu.VMEM((_EPW,), jnp.int32),
        pltpu.VMEM((_EPW,), jnp.int32),
        pltpu.VMEM((_EPW,), jnp.int32),
        pltpu.VMEM((_EPW,), jnp.int32),
        pltpu.VMEM((_NB, _CH, _EMB), jnp.float32),
        pltpu.VMEM_SHARED((_NS * _VOCAB, _EMB), jnp.float32),
        pltpu.SemaphoreType.DMA,
        pltpu.SemaphoreType.DMA,
    ],
)
def _gather_kernel(a0_hbm, a1_hbm, a2_hbm, t_hbm, out_hbm,
                   a0_v, a1_v, a2_v, idx_v, rows_v, spm, gsem, osem):
    sid = lax.axis_index("s")
    wid = sid * _NC + lax.axis_index("c")
    base = wid * _EPW
    pltpu.async_copy(a0_hbm.at[pl.ds(base, _EPW)], a0_v, gsem)
    pltpu.async_copy(a1_hbm.at[pl.ds(base, _EPW)], a1_v, gsem)
    pltpu.async_copy(a2_hbm.at[pl.ds(base, _EPW)], a2_v, gsem)
    pltpu.sync_copy(t_hbm.at[pl.ds(wid * _VOCAB, _VOCAB)],
                    spm.at[pl.ds(sid * _VOCAB, _VOCAB)])
    pltpu.make_async_copy(a0_hbm.at[pl.ds(base, _EPW)], a0_v, gsem).wait()
    pltpu.make_async_copy(a1_hbm.at[pl.ds(base, _EPW)], a1_v, gsem).wait()
    pltpu.make_async_copy(a2_hbm.at[pl.ds(base, _EPW)], a2_v, gsem).wait()

    tbase = sid * _VOCAB

    def compute_idx(c):
        for k in range(_CH // _L):
            s = pl.ds(c * _CH + k * _L, _L)
            idx_v[s] = a0_v[s] * 12 + a1_v[s] * 2 + a2_v[s] + tbase

    def start_gather(c, b):
        compute_idx(c)
        pltpu.async_copy(spm.at[idx_v.at[pl.ds(c * _CH, _CH)]],
                         rows_v.at[b], gsem)

    def wait_gather(b):
        pltpu.make_async_copy(out_hbm.at[pl.ds(0, _CH)], rows_v.at[b],
                              gsem).wait()

    def start_out(c, b):
        pltpu.async_copy(rows_v.at[b], out_hbm.at[pl.ds(base + c * _CH, _CH)],
                         osem)

    def wait_out(b):
        pltpu.make_async_copy(rows_v.at[b], out_hbm.at[pl.ds(0, _CH)],
                              osem).wait()

    def step(j, b):
        bn = (b + _G) % _NB
        wait_out(bn)
        start_gather(j + _G, bn)
        wait_gather(b)
        start_out(j, b)

    for b in range(_G):
        start_gather(b, b)
    for j in range(_NB):
        bn = (j + _G) % _NB
        if j >= _NB - _G:
            wait_out(bn)
        start_gather(j + _G, bn)
        wait_gather(j % _NB)
        start_out(j, j % _NB)

    def body(o, carry):
        for b in range(_NB):
            step(o * _NB + b, b)
        return carry

    lax.fori_loop(1, _NCHUNK // _NB, body, 0)

    for j in range(_NB * (_NCHUNK // _NB), _NCHUNK):
        b = j % _NB
        bn = (b + _G) % _NB
        wait_out(bn)
        if j + _G < _NCHUNK:
            start_gather(j + _G, bn)
        wait_gather(b)
        start_out(j, b)
    for b in range(_NB - _G):
        wait_out(0)


def kernel(edge_attr, W0, W1, W2):
    table = _build_table(W0, W1, W2)
    a0 = edge_attr[:, 0]
    a1 = edge_attr[:, 1]
    a2 = edge_attr[:, 2]
    return _gather_kernel(a0, a1, a2, table)

# --- scband reference (transcript-rebuilt; emitter-appended) ---
"""Pipeline reference for scband-bond-encoder-64381559767594 (READ-ONLY COPY).

The authoritative reference and input builder live on the scoring server;
editing this copy changes nothing except your own understanding.
"""

import jax, jax.numpy as jnp
import numpy as np
import math

FULL_BOND_FEATURE_DIMS = [5, 6, 2]
EMB_DIM = 128
E = 320000


def _xavier_uniform(key, fan_in, fan_out):
    limit = math.sqrt(6.0 / (fan_in + fan_out))
    return jax.random.uniform(key, (fan_in, fan_out), minval=-limit, maxval=limit, dtype=jnp.float32)


def setup_inputs(seed: int = 0) -> dict:
    key = jax.random.key(seed)
    k_idx, k0, k1, k2 = jax.random.split(key, 4)
    edge_attr = jax.random.randint(k_idx, (E, 3), 0, 2).astype(jnp.int32)
    W0 = _xavier_uniform(k0, FULL_BOND_FEATURE_DIMS[0], EMB_DIM)
    W1 = _xavier_uniform(k1, FULL_BOND_FEATURE_DIMS[1], EMB_DIM)
    W2 = _xavier_uniform(k2, FULL_BOND_FEATURE_DIMS[2], EMB_DIM)
    return {"edge_attr": edge_attr, "W0": W0, "W1": W1, "W2": W2}


def reference(edge_attr, W0, W1, W2):
    # BondEncoder.forward: sum of per-column embedding lookups
    tables = [W0, W1, W2]
    bond_embedding = jnp.zeros((edge_attr.shape[0], EMB_DIM), dtype=jnp.float32)
    for i in range(edge_attr.shape[1]):
        idx = edge_attr[:, i].astype(jnp.int32)
        bond_embedding = bond_embedding + jnp.take(tables[i], idx, axis=0)
    return bond_embedding

if __name__ == "__main__":
    import jax
    _d = setup_inputs()
    print(jax.jit(kernel)(*tuple(_d.values())))

</pallas_src>

<mosaic_0001>
#map = affine_map<(d0, d1) -> (0)>
#map1 = affine_map<(d0, d1) -> (0, 0)>
module attributes {stable_mosaic.version = 14 : i64} {
  func.func @_gather_kernel(%arg0: i32, %arg1: i32, %arg2: memref<320000xi32, #tpu.memory_space<hbm>>, %arg3: memref<320000xi32, #tpu.memory_space<hbm>>, %arg4: memref<320000xi32, #tpu.memory_space<hbm>>, %arg5: memref<2048x128xf32, #tpu.memory_space<hbm>>, %arg6: memref<320000x128xf32, #tpu.memory_space<hbm>>, %arg7: memref<10000xi32, #tpu.memory_space<vmem>>, %arg8: memref<10000xi32, #tpu.memory_space<vmem>>, %arg9: memref<10000xi32, #tpu.memory_space<vmem>>, %arg10: memref<10000xi32, #tpu.memory_space<vmem>>, %arg11: memref<8x80x128xf32, #tpu.memory_space<vmem>>, %arg12: memref<1024x128xf32, #tpu.memory_space<vmem_shared>>, %arg13: memref<!tpu.dma_semaphore, #tpu.memory_space<semaphore_mem>>, %arg14: memref<!tpu.dma_semaphore, #tpu.memory_space<semaphore_mem>>) attributes {dimension_semantics = [#tpu.dimension_semantics<core_parallel>, #tpu.dimension_semantics<subcore_parallel>], iteration_bounds = array<i64: 2, 16>, scalar_prefetch = 0 : i64, scratch_operands = 8 : i64, tpu.core_type = #tpu.core_type<sc_vector_subcore>, window_params = [{transform_indices = #map}, {transform_indices = #map}, {transform_indices = #map}, {transform_indices = #map1}, {transform_indices = #map1}]} {
    %mul3A = arith.constant 2 : i32
    %mul3A_0 = arith.muli %arg1, %mul3A : i32
    %add3A = arith.addi %mul3A_0, %arg0 : i32
    %mul3A_1 = arith.constant 10000 : i32
    %mul3A_2 = arith.muli %add3A, %mul3A_1 : i32
    %dma_start3A = tpu.memref_slice %arg2[%mul3A_2] : memref<320000xi32, #tpu.memory_space<hbm>> -> memref<10000xi32, #tpu.memory_space<hbm>>
    %dma_start3A_3 = tpu.memref_slice %arg2[%mul3A_2] : memref<320000xi32, #tpu.memory_space<hbm>> -> memref<10000xi32, #tpu.memory_space<hbm>>
    tpu.enqueue_dma source(%dma_start3A_3 : memref<10000xi32, #tpu.memory_space<hbm>>) target(%arg7 : memref<10000xi32, #tpu.memory_space<vmem>>) target_semaphore(%arg13 : memref<!tpu.dma_semaphore, #tpu.memory_space<semaphore_mem>>)
    %dma_start3A_4 = tpu.memref_slice %arg3[%mul3A_2] : memref<320000xi32, #tpu.memory_space<hbm>> -> memref<10000xi32, #tpu.memory_space<hbm>>
    %dma_start3A_5 = tpu.memref_slice %arg3[%mul3A_2] : memref<320000xi32, #tpu.memory_space<hbm>> -> memref<10000xi32, #tpu.memory_space<hbm>>
    tpu.enqueue_dma source(%dma_start3A_5 : memref<10000xi32, #tpu.memory_space<hbm>>) target(%arg8 : memref<10000xi32, #tpu.memory_space<vmem>>) target_semaphore(%arg13 : memref<!tpu.dma_semaphore, #tpu.memory_space<semaphore_mem>>)
    %dma_start3A_6 = tpu.memref_slice %arg4[%mul3A_2] : memref<320000xi32, #tpu.memory_space<hbm>> -> memref<10000xi32, #tpu.memory_space<hbm>>
    %dma_start3A_7 = tpu.memref_slice %arg4[%mul3A_2] : memref<320000xi32, #tpu.memory_space<hbm>> -> memref<10000xi32, #tpu.memory_space<hbm>>
    tpu.enqueue_dma source(%dma_start3A_7 : memref<10000xi32, #tpu.memory_space<hbm>>) target(%arg9 : memref<10000xi32, #tpu.memory_space<vmem>>) target_semaphore(%arg13 : memref<!tpu.dma_semaphore, #tpu.memory_space<semaphore_mem>>)
    %mul3A_8 = arith.constant 64 : i32
    %mul3A_9 = arith.muli %add3A, %mul3A_8 : i32
    %mul3A_10 = arith.constant 64 : i32
    %mul3A_11 = arith.muli %arg1, %mul3A_10 : i32
    "tpu.region"() ({
      %run_scoped3A = tpu.sem_alloc : memref<!tpu.dma_semaphore, #tpu.memory_space<semaphore_mem>>
      %dma_start3A_2232 = arith.constant 0 : i32
      %dma_start3A_2233 = tpu.memref_slice %arg12[%mul3A_11, %dma_start3A_2232] : memref<1024x128xf32, #tpu.memory_space<vmem_shared>> -> memref<64x128xf32, #tpu.memory_space<vmem_shared>>
      %dma_start3A_2234 = arith.constant 0 : i32
      %dma_start3A_2235 = tpu.memref_slice %arg5[%mul3A_9, %dma_start3A_2234] : memref<2048x128xf32, #tpu.memory_space<hbm>> -> memref<64x128xf32, #tpu.memory_space<hbm>>
      tpu.enqueue_dma source(%dma_start3A_2235 : memref<64x128xf32, #tpu.memory_space<hbm>>) target(%dma_start3A_2233 : memref<64x128xf32, #tpu.memory_space<vmem_shared>>) target_semaphore(%run_scoped3A : memref<!tpu.dma_semaphore, #tpu.memory_space<semaphore_mem>>)
      %dma_wait3A_2236 = arith.constant 0 : i32
      %dma_wait3A_2237 = tpu.memref_slice %arg12[%mul3A_11, %dma_wait3A_2236] : memref<1024x128xf32, #tpu.memory_space<vmem_shared>> -> memref<64x128xf32, #tpu.memory_space<vmem_shared>>
      %dma_wait3A_2238 = arith.constant 0 : i32
      %dma_wait3A_2239 = tpu.memref_slice %arg5[%mul3A_9, %dma_wait3A_2238] : memref<2048x128xf32, #tpu.memory_space<hbm>> -> memref<64x128xf32, #tpu.memory_space<hbm>>
      tpu.wait_dma2 semaphore(%run_scoped3A : memref<!tpu.dma_semaphore, #tpu.memory_space<semaphore_mem>>) src(%dma_wait3A_2239 : memref<64x128xf32, #tpu.memory_space<hbm>>) dst(%dma_wait3A_2237 : memref<64x128xf32, #tpu.memory_space<vmem_shared>>)
      tpu.yield
    }) : () -> ()
    %dma_wait3A = tpu.memref_slice %arg2[%mul3A_2] : memref<320000xi32, #tpu.memory_space<hbm>> -> memref<10000xi32, #tpu.memory_space<hbm>>
    %dma_wait3A_12 = tpu.memref_slice %arg2[%mul3A_2] : memref<320000xi32, #tpu.memory_space<hbm>> -> memref<10000xi32, #tpu.memory_space<hbm>>
    tpu.wait_dma2 semaphore(%arg13 : memref<!tpu.dma_semaphore, #tpu.memory_space<semaphore_mem>>) src(%dma_wait3A_12 : memref<10000xi32, #tpu.memory_space<hbm>>) dst(%arg7 : memref<10000xi32, #tpu.memory_space<vmem>>)
    %dma_wait3A_13 = tpu.memref_slice %arg3[%mul3A_2] : memref<320000xi32, #tpu.memory_space<hbm>> -> memref<10000xi32, #tpu.memory_space<hbm>>
    %dma_wait3A_14 = tpu.memref_slice %arg3[%mul3A_2] : memref<320000xi32, #tpu.memory_space<hbm>> -> memref<10000xi32, #tpu.memory_space<hbm>>
    tpu.wait_dma2 semaphore(%arg13 : memref<!tpu.dma_semaphore, #tpu.memory_space<semaphore_mem>>) src(%dma_wait3A_14 : memref<10000xi32, #tpu.memory_space<hbm>>) dst(%arg8 : memref<10000xi32, #tpu.memory_space<vmem>>)
    %dma_wait3A_15 = tpu.memref_slice %arg4[%mul3A_2] : memref<320000xi32, #tpu.memory_space<hbm>> -> memref<10000xi32, #tpu.memory_space<hbm>>
    %dma_wait3A_16 = tpu.memref_slice %arg4[%mul3A_2] : memref<320000xi32, #tpu.memory_space<hbm>> -> memref<10000xi32, #tpu.memory_space<hbm>>
    tpu.wait_dma2 semaphore(%arg13 : memref<!tpu.dma_semaphore, #tpu.memory_space<semaphore_mem>>) src(%dma_wait3A_16 : memref<10000xi32, #tpu.memory_space<hbm>>) dst(%arg9 : memref<10000xi32, #tpu.memory_space<vmem>>)
    %mul3A_17 = arith.constant 64 : i32
    %mul3A_18 = arith.muli %arg1, %mul3A_17 : i32
    %get3A = arith.constant 0 : index
    %get3A_19 = tpu.vector_load %arg7[%get3A] {strides = array<i32>} : memref<10000xi32, #tpu.memory_space<vmem>>, vector<16xi32>,
    %get3A_20 = vector.shape_cast %get3A_19 : vector<16xi32> to vector<16xi32>
    %mul3A_21 = arith.constant 12 : i32
    %mul3A_22 = vector.broadcast %mul3A_21 : i32 to vector<16xi32>
    %mul3A_23 = arith.muli %get3A_20, %mul3A_22 : vector<16xi32>
    %get3A_24 = arith.constant 0 : index
    %get3A_25 = tpu.vector_load %arg8[%get3A_24] {strides = array<i32>} : memref<10000xi32, #tpu.memory_space<vmem>>, vector<16xi32>,
    %get3A_26 = vector.shape_cast %get3A_25 : vector<16xi32> to vector<16xi32>
    %mul3A_27 = arith.constant 2 : i32
    %mul3A_28 = vector.broadcast %mul3A_27 : i32 to vector<16xi32>
    %mul3A_29 = arith.muli %get3A_26, %mul3A_28 : vector<16xi32>
    %add3A_30 = arith.addi %mul3A_23, %mul3A_29 : vector<16xi32>
    %get3A_31 = arith.constant 0 : index
    %get3A_32 = tpu.vector_load %arg9[%get3A_31] {strides = array<i32>} : memref<10000xi32, #tpu.memory_space<vmem>>, vector<16xi32>,
    %get3A_33 = vector.shape_cast %get3A_32 : vector<16xi32> to vector<16xi32>
    %add3A_34 = arith.addi %add3A_30, %get3A_33 : vector<16xi32>
    %add3A_35 = vector.broadcast %mul3A_18 : i32 to vector<16xi32>
    %add3A_36 = arith.addi %add3A_34, %add3A_35 : vector<16xi32>
    %swap3A = arith.constant 0 : index
    %swap3A_37 = tpu.vector_load %arg10[%swap3A] {strides = array<i32>} : memref<10000xi32, #tpu.memory_space<vmem>>, vector<16xi32>,
    %swap3A_38 = vector.shape_cast %swap3A_37 : vector<16xi32> to vector<16xi32>
    %swap3A_39 = vector.shape_cast %add3A_36 : vector<16xi32> to vector<16xi32>
    tpu.vector_store %arg10[%swap3A], %swap3A_39 {strides = array<i32>} : memref<10000xi32, #tpu.memory_space<vmem>>, vector<16xi32>,
    %get3A_40 = arith.constant 16 : index
    %get3A_41 = tpu.vector_load %arg7[%get3A_40] {strides = array<i32>} : memref<10000xi32, #tpu.memory_space<vmem>>, vector<16xi32>,
    %get3A_42 = vector.shape_cast %get3A_41 : vector<16xi32> to vector<16xi32>
    %mul3A_43 = arith.constant 12 : i32
    %mul3A_44 = vector.broadcast %mul3A_43 : i32 to vector<16xi32>
    %mul3A_45 = arith.muli %get3A_42, %mul3A_44 : vector<16xi32>
    %get3A_46 = arith.constant 16 : index
    %get3A_47 = tpu.vector_load %arg8[%get3A_46] {strides = array<i32>} : memref<10000xi32, #tpu.memory_space<vmem>>, vector<16xi32>,
    %get3A_48 = vector.shape_cast %get3A_47 : vector<16xi32> to vector<16xi32>
    %mul3A_49 = arith.constant 2 : i32
    %mul3A_50 = vector.broadcast %mul3A_49 : i32 to vector<16xi32>
    %mul3A_51 = arith.muli %get3A_48, %mul3A_50 : vector<16xi32>
    %add3A_52 = arith.addi %mul3A_45, %mul3A_51 : vector<16xi32>
    %get3A_53 = arith.constant 16 : index
    %get3A_54 = tpu.vector_load %arg9[%get3A_53] {strides = array<i32>} : memref<10000xi32, #tpu.memory_space<vmem>>, vector<16xi32>,
    %get3A_55 = vector.shape_cast %get3A_54 : vector<16xi32> to vector<16xi32>
    %add3A_56 = arith.addi %add3A_52, %get3A_55 : vector<16xi32>
    %add3A_57 = vector.broadcast %mul3A_18 : i32 to vector<16xi32>
    %add3A_58 = arith.addi %add3A_56, %add3A_57 : vector<16xi32>
    %swap3A_59 = arith.constant 16 : index
    %swap3A_60 = tpu.vector_load %arg10[%swap3A_59] {strides = array<i32>} : memref<10000xi32, #tpu.memory_space<vmem>>, vector<16xi32>,
    %swap3A_61 = vector.shape_cast %swap3A_60 : vector<16xi32> to vector<16xi32>
    %swap3A_62 = vector.shape_cast %add3A_58 : vector<16xi32> to vector<16xi32>
    tpu.vector_store %arg10[%swap3A_59], %swap3A_62 {strides = array<i32>} : memref<10000xi32, #tpu.memory_space<vmem>>, vector<16xi32>,
    %get3A_63 = arith.constant 32 : index
    %get3A_64 = tpu.vector_load %arg7[%get3A_63] {strides = array<i32>} : memref<10000xi32, #tpu.memory_space<vmem>>, vector<16xi32>,
    %get3A_65 = vector.shape_cast %get3A_64 : vector<16xi32> to vector<16xi32>
    %mul3A_66 = arith.constant 12 : i32
    %mul3A_67 = vector.broadcast %mul3A_66 : i32 to vector<16xi32>
    %mul3A_68 = arith.muli %get3A_65, %mul3A_67 : vector<16xi32>
    %get3A_69 = arith.constant 32 : index
    %get3A_70 = tpu.vector_load %arg8[%get3A_69] {strides = array<i32>} : memref<10000xi32, #tpu.memory_space<vmem>>, vector<16xi32>,
    %get3A_71 = vector.shape_cast %get3A_70 : vector<16xi32> to vector<16xi32>
    %mul3A_72 = arith.constant 2 : i32
    %mul3A_73 = vector.broadcast %mul3A_72 : i32 to vector<16xi32>
    %mul3A_74 = arith.muli %get3A_71, %mul3A_73 : vector<16xi32>
    %add3A_75 = arith.addi %mul3A_68, %mul3A_74 : vector<16xi32>
    %get3A_76 = arith.constant 32 : index
    %get3A_77 = tpu.vector_load %arg9[%get3A_76] {strides = array<i32>} : memref<10000xi32, #tpu.memory_space<vmem>>, vector<16xi32>,
    %get3A_78 = vector.shape_cast %get3A_77 : vector<16xi32> to vector<16xi32>
    %add3A_79 = arith.addi %add3A_75, %get3A_78 : vector<16xi32>
    %add3A_80 = vector.broadcast %mul3A_18 : i32 to vector<16xi32>
    %add3A_81 = arith.addi %add3A_79, %add3A_80 : vector<16xi32>
    %swap3A_82 = arith.constant 32 : index
    %swap3A_83 = tpu.vector_load %arg10[%swap3A_82] {strides = array<i32>} : memref<10000xi32, #tpu.memory_space<vmem>>, vector<16xi32>,
    %swap3A_84 = vector.shape_cast %swap3A_83 : vector<16xi32> to vector<16xi32>
    %swap3A_85 = vector.shape_cast %add3A_81 : vector<16xi32> to vector<16xi32>
    tpu.vector_store %arg10[%swap3A_82], %swap3A_85 {strides = array<i32>} : memref<10000xi32, #tpu.memory_space<vmem>>, vector<16xi32>,
    %get3A_86 = arith.constant 48 : index
    %get3A_87 = tpu.vector_load %arg7[%get3A_86] {strides = array<i32>} : memref<10000xi32, #tpu.memory_space<vmem>>, vector<16xi32>,
    %get3A_88 = vector.shape_cast %get3A_87 : vector<16xi32> to vector<16xi32>
    %mul3A_89 = arith.constant 12 : i32
    %mul3A_90 = vector.broadcast %mul3A_89 : i32 to vector<16xi32>
    %mul3A_91 = arith.muli %get3A_88, %mul3A_90 : vector<16xi32>
    %get3A_92 = arith.constant 48 : index
    %get3A_93 = tpu.vector_load %arg8[%get3A_92] {strides = array<i32>} : memref<10000xi32, #tpu.memory_space<vmem>>, vector<16xi32>,
    %get3A_94 = vector.shape_cast %get3A_93 : vector<16xi32> to vector<16xi32>
    %mul3A_95 = arith.constant 2 : i32
    %mul3A_96 = vector.broadcast %mul3A_95 : i32 to vector<16xi32>
    %mul3A_97 = arith.muli %get3A_94, %mul3A_96 : vector<16xi32>
    %add3A_98 = arith.addi %mul3A_91, %mul3A_97 : vector<16xi32>
    %get3A_99 = arith.constant 48 : index
    %get3A_100 = tpu.vector_load %arg9[%get3A_99] {strides = array<i32>} : memref<10000xi32, #tpu.memory_space<vmem>>, vector<16xi32>,
    %get3A_101 = vector.shape_cast %get3A_100 : vector<16xi32> to vector<16xi32>
    %add3A_102 = arith.addi %add3A_98, %get3A_101 : vector<16xi32>
    %add3A_103 = vector.broadcast %mul3A_18 : i32 to vector<16xi32>
    %add3A_104 = arith.addi %add3A_102, %add3A_103 : vector<16xi32>
    %swap3A_105 = arith.constant 48 : index
    %swap3A_106 = tpu.vector_load %arg10[%swap3A_105] {strides = array<i32>} : memref<10000xi32, #tpu.memory_space<vmem>>, vector<16xi32>,
    %swap3A_107 = vector.shape_cast %swap3A_106 : vector<16xi32> to vector<16xi32>
    %swap3A_108 = vector.shape_cast %add3A_104 : vector<16xi32> to vector<16xi32>
    tpu.vector_store %arg10[%swap3A_105], %swap3A_108 {strides = array<i32>} : memref<10000xi32, #tpu.memory_space<vmem>>, vector<16xi32>,
    %get3A_109 = arith.constant 64 : index
    %get3A_110 = tpu.vector_load %arg7[%get3A_109] {strides = array<i32>} : memref<10000xi32, #tpu.memory_space<vmem>>, vector<16xi32>,
    %get3A_111 = vector.shape_cast %get3A_110 : vector<16xi32> to vector<16xi32>
    %mul3A_112 = arith.constant 12 : i32
    %mul3A_113 = vector.broadcast %mul3A_112 : i32 to vector<16xi32>
    %mul3A_114 = arith.muli %get3A_111, %mul3A_113 : vector<16xi32>
    %get3A_115 = arith.constant 64 : index
    %get3A_116 = tpu.vector_load %arg8[%get3A_115] {strides = array<i32>} : memref<10000xi32, #tpu.memory_space<vmem>>, vector<16xi32>,
    %get3A_117 = vector.shape_cast %get3A_116 : vector<16xi32> to vector<16xi32>
    %mul3A_118 = arith.constant 2 : i32
    %mul3A_119 = vector.broadcast %mul3A_118 : i32 to vector<16xi32>
    %mul3A_120 = arith.muli %get3A_117, %mul3A_119 : vector<16xi32>
    %add3A_121 = arith.addi %mul3A_114, %mul3A_120 : vector<16xi32>
    %get3A_122 = arith.constant 64 : index
    %get3A_123 = tpu.vector_load %arg9[%get3A_122] {strides = array<i32>} : memref<10000xi32, #tpu.memory_space<vmem>>, vector<16xi32>,
    %get3A_124 = vector.shape_cast %get3A_123 : vector<16xi32> to vector<16xi32>
    %add3A_125 = arith.addi %add3A_121, %get3A_124 : vector<16xi32>
    %add3A_126 = vector.broadcast %mul3A_18 : i32 to vector<16xi32>
    %add3A_127 = arith.addi %add3A_125, %add3A_126 : vector<16xi32>
    %swap3A_128 = arith.constant 64 : index
    %swap3A_129 = tpu.vector_load %arg10[%swap3A_128] {strides = array<i32>} : memref<10000xi32, #tpu.memory_space<vmem>>, vector<16xi32>,
    %swap3A_130 = vector.shape_cast %swap3A_129 : vector<16xi32> to vector<16xi32>
    %swap3A_131 = vector.shape_cast %add3A_127 : vector<16xi32> to vector<16xi32>
    tpu.vector_store %arg10[%swap3A_128], %swap3A_131 {strides = array<i32>} : memref<10000xi32, #tpu.memory_space<vmem>>, vector<16xi32>,
    %dma_start3A_132 = arith.constant 0 : i32
    %dma_start3A_133 = arith.constant 0 : i32
    %dma_start3A_134 = arith.constant 0 : i32
    %dma_start3A_135 = tpu.memref_slice %arg11[%dma_start3A_132, %dma_start3A_133, %dma_start3A_134] : memref<8x80x128xf32, #tpu.memory_space<vmem>> -> memref<1x80x128xf32, #tpu.memory_space<vmem>>
    %dma_start3A_136 = tpu.memref_squeeze %dma_start3A_135 : memref<1x80x128xf32, #tpu.memory_space<vmem>> -> memref<80x128xf32, #tpu.memory_space<vmem>>
    %dma_start3A_137 = arith.constant 0 : i32
    %dma_start3A_138 = tpu.memref_slice %arg10[%dma_start3A_137] : memref<10000xi32, #tpu.memory_space<vmem>> -> memref<80xi32, #tpu.memory_space<vmem>>
    %dma_start3A_139 = arith.constant 0 : i32
    %dma_start3A_140 = arith.constant 0 : i32
    %dma_start3A_141 = tpu.memref_slice %arg12[%dma_start3A_139, %dma_start3A_140] : memref<1024x128xf32, #tpu.memory_space<vmem_shared>> -> memref<1024x128xf32, #tpu.memory_space<vmem_shared>>
    tpu.enqueue_indirect_dma source(%dma_start3A_141 : memref<1024x128xf32, #tpu.memory_space<vmem_shared>>) target(%dma_start3A_136 : memref<80x128xf32, #tpu.memory_space<vmem>>) offsets(%dma_start3A_138 : memref<80xi32, #tpu.memory_space<vmem>>) semaphore(%arg13 : memref<!tpu.dma_semaphore, #tpu.memory_space<semaphore_mem>>)
    %get3A_142 = arith.constant 80 : index
    %get3A_143 = tpu.vector_load %arg7[%get3A_142] {strides = array<i32>} : memref<10000xi32, #tpu.memory_space<vmem>>, vector<16xi32>,
    %get3A_144 = vector.shape_cast %get3A_143 : vector<16xi32> to vector<16xi32>
    %mul3A_145 = arith.constant 12 : i32
    %mul3A_146 = vector.broadcast %mul3A_145 : i32 to vector<16xi32>
    %mul3A_147 = arith.muli %get3A_144, %mul3A_146 : vector<16xi32>
    %get3A_148 = arith.constant 80 : index
    %get3A_149 = tpu.vector_load %arg8[%get3A_148] {strides = array<i32>} : memref<10000xi32, #tpu.memory_space<vmem>>, vector<16xi32>,
    %get3A_150 = vector.shape_cast %get3A_149 : vector<16xi32> to vector<16xi32>
    %mul3A_151 = arith.constant 2 : i32
    %mul3A_152 = vector.broadcast %mul3A_151 : i32 to vector<16xi32>
    %mul3A_153 = arith.muli %get3A_150, %mul3A_152 : vector<16xi32>
    %add3A_154 = arith.addi %mul3A_147, %mul3A_153 : vector<16xi32>
    %get3A_155 = arith.constant 80 : index
    %get3A_156 = tpu.vector_load %arg9[%get3A_155] {strides = array<i32>} : memref<10000xi32, #tpu.memory_space<vmem>>, vector<16xi32>,
    %get3A_157 = vector.shape_cast %get3A_156 : vector<16xi32> to vector<16xi32>
    %add3A_158 = arith.addi %add3A_154, %get3A_157 : vector<16xi32>
    %add3A_159 = vector.broadcast %mul3A_18 : i32 to vector<16xi32>
    %add3A_160 = arith.addi %add3A_158, %add3A_159 : vector<16xi32>
    %swap3A_161 = arith.constant 80 : index
    %swap3A_162 = tpu.vector_load %arg10[%swap3A_161] {strides = array<i32>} : memref<10000xi32, #tpu.memory_space<vmem>>, vector<16xi32>,
    %swap3A_163 = vector.shape_cast %swap3A_162 : vector<16xi32> to vector<16xi32>
    %swap3A_164 = vector.shape_cast %add3A_160 : vector<16xi32> to vector<16xi32>
    tpu.vector_store %arg10[%swap3A_161], %swap3A_164 {strides = array<i32>} : memref<10000xi32, #tpu.memory_space<vmem>>, vector<16xi32>,
    %get3A_165 = arith.constant 96 : index
    %get3A_166 = tpu.vector_load %arg7[%get3A_165] {strides = array<i32>} : memref<10000xi32, #tpu.memory_space<vmem>>, vector<16xi32>,
    %get3A_167 = vector.shape_cast %get3A_166 : vector<16xi32> to vector<16xi32>
    %mul3A_168 = arith.constant 12 : i32
    %mul3A_169 = vector.broadcast %mul3A_168 : i32 to vector<16xi32>
    %mul3A_170 = arith.muli %get3A_167, %mul3A_169 : vector<16xi32>
    %get3A_171 = arith.constant 96 : index
    %get3A_172 = tpu.vector_load %arg8[%get3A_171] {strides = array<i32>} : memref<10000xi32, #tpu.memory_space<vmem>>, vector<16xi32>,
    %get3A_173 = vector.shape_cast %get3A_172 : vector<16xi32> to vector<16xi32>
    %mul3A_174 = arith.constant 2 : i32
    %mul3A_175 = vector.broadcast %mul3A_174 : i32 to vector<16xi32>
    %mul3A_176 = arith.muli %get3A_173, %mul3A_175 : vector<16xi32>
    %add3A_177 = arith.addi %mul3A_170, %mul3A_176 : vector<16xi32>
    %get3A_178 = arith.constant 96 : index
    %get3A_179 = tpu.vector_load %arg9[%get3A_178] {strides = array<i32>} : memref<10000xi32, #tpu.memory_space<vmem>>, vector<16xi32>,
    %get3A_180 = vector.shape_cast %get3A_179 : vector<16xi32> to vector<16xi32>
    %add3A_181 = arith.addi %add3A_177, %get3A_180 : vector<16xi32>
    %add3A_182 = vector.broadcast %mul3A_18 : i32 to vector<16xi32>
    %add3A_183 = arith.addi %add3A_181, %add3A_182 : vector<16xi32>
    %swap3A_184 = arith.constant 96 : index
    %swap3A_185 = tpu.vector_load %arg10[%swap3A_184] {strides = array<i32>} : memref<10000xi32, #tpu.memory_space<vmem>>, vector<16xi32>,
    %swap3A_186 = vector.shape_cast %swap3A_185 : vector<16xi32> to vector<16xi32>
    %swap3A_187 = vector.shape_cast %add3A_183 : vector<16xi32> to vector<16xi32>
    tpu.vector_store %arg10[%swap3A_184], %swap3A_187 {strides = array<i32>} : memref<10000xi32, #tpu.memory_space<vmem>>, vector<16xi32>,
    %get3A_188 = arith.constant 112 : index
    %get3A_189 = tpu.vector_load %arg7[%get3A_188] {strides = array<i32>} : memref<10000xi32, #tpu.memory_space<vmem>>, vector<16xi32>,
    %get3A_190 = vector.shape_cast %get3A_189 : vector<16xi32> to vector<16xi32>
    %mul3A_191 = arith.constant 12 : i32
    %mul3A_192 = vector.broadcast %mul3A_191 : i32 to vector<16xi32>
    %mul3A_193 = arith.muli %get3A_190, %mul3A_192 : vector<16xi32>
    %get3A_194 = arith.constant 112 : index
    %get3A_195 = tpu.vector_load %arg8[%get3A_194] {strides = array<i32>} : memref<10000xi32, #tpu.memory_space<vmem>>, vector<16xi32>,
    %get3A_196 = vector.shape_cast %get3A_195 : vector<16xi32> to vector<16xi32>
    %mul3A_197 = arith.constant 2 : i32
    %mul3A_198 = vector.broadcast %mul3A_197 : i32 to vector<16xi32>
    %mul3A_199 = arith.muli %get3A_196, %mul3A_198 : vector<16xi32>
    %add3A_200 = arith.addi %mul3A_193, %mul3A_199 : vector<16xi32>
    %get3A_201 = arith.constant 112 : index
    %get3A_202 = tpu.vector_load %arg9[%get3A_201] {strides = array<i32>} : memref<10000xi32, #tpu.memory_space<vmem>>, vector<16xi32>,
    %get3A_203 = vector.shape_cast %get3A_202 : vector<16xi32> to vector<16xi32>
    %add3A_204 = arith.addi %add3A_200, %get3A_203 : vector<16xi32>
    %add3A_205 = vector.broadcast %mul3A_18 : i32 to vector<16xi32>
    %add3A_206 = arith.addi %add3A_204, %add3A_205 : vector<16xi32>
    %swap3A_207 = arith.constant 112 : index
    %swap3A_208 = tpu.vector_load %arg10[%swap3A_207] {strides = array<i32>} : memref<10000xi32, #tpu.memory_space<vmem>>, vector<16xi32>,
    %swap3A_209 = vector.shape_cast %swap3A_208 : vector<16xi32> to vector<16xi32>
    %swap3A_210 = vector.shape_cast %add3A_206 : vector<16xi32> to vector<16xi32>
    tpu.vector_store %arg10[%swap3A_207], %swap3A_210 {strides = array<i32>} : memref<10000xi32, #tpu.memory_space<vmem>>, vector<16xi32>,
    %get3A_211 = arith.constant 128 : index
    %get3A_212 = tpu.vector_load %arg7[%get3A_211] {strides = array<i32>} : memref<10000xi32, #tpu.memory_space<vmem>>, vector<16xi32>,
    %get3A_213 = vector.shape_cast %get3A_212 : vector<16xi32> to vector<16xi32>
    %mul3A_214 = arith.constant 12 : i32
    %mul3A_215 = vector.broadcast %mul3A_214 : i32 to vector<16xi32>
    %mul3A_216 = arith.muli %get3A_213, %mul3A_215 : vector<16xi32>
    %get3A_217 = arith.constant 128 : index
    %get3A_218 = tpu.vector_load %arg8[%get3A_217] {strides = array<i32>} : memref<10000xi32, #tpu.memory_space<vmem>>, vector<16xi32>,
    %get3A_219 = vector.shape_cast %get3A_218 : vector<16xi32> to vector<16xi32>
    %mul3A_220 = arith.constant 2 : i32
    %mul3A_221 = vector.broadcast %mul3A_220 : i32 to vector<16xi32>
    %mul3A_222 = arith.muli %get3A_219, %mul3A_221 : vector<16xi32>
    %add3A_223 = arith.addi %mul3A_216, %mul3A_222 : vector<16xi32>
    %get3A_224 = arith.constant 128 : index
    %get3A_225 = tpu.vector_load %arg9[%get3A_224] {strides = array<i32>} : memref<10000xi32, #tpu.memory_space<vmem>>, vector<16xi32>,
    %get3A_226 = vector.shape_cast %get3A_225 : vector<16xi32> to vector<16xi32>
    %add3A_227 = arith.addi %add3A_223, %get3A_226 : vector<16xi32>
    %add3A_228 = vector.broadcast %mul3A_18 : i32 to vector<16xi32>
    %add3A_229 = arith.addi %add3A_227, %add3A_228 : vector<16xi32>
    %swap3A_230 = arith.constant 128 : index
    %swap3A_231 = tpu.vector_load %arg10[%swap3A_230] {strides = array<i32>} : memref<10000xi32, #tpu.memory_space<vmem>>, vector<16xi32>,
    %swap3A_232 = vector.shape_cast %swap3A_231 : vector<16xi32> to vector<16xi32>
    %swap3A_233 = vector.shape_cast %add3A_229 : vector<16xi32> to vector<16xi32>
    tpu.vector_store %arg10[%swap3A_230], %swap3A_233 {strides = array<i32>} : memref<10000xi32, #tpu.memory_space<vmem>>, vector<16xi32>,
    %get3A_234 = arith.constant 144 : index
    %get3A_235 = tpu.vector_load %arg7[%get3A_234] {strides = array<i32>} : memref<10000xi32, #tpu.memory_space<vmem>>, vector<16xi32>,
    %get3A_236 = vector.shape_cast %get3A_235 : vector<16xi32> to vector<16xi32>
    %mul3A_237 = arith.constant 12 : i32
    %mul3A_238 = vector.broadcast %mul3A_237 : i32 to vector<16xi32>
    %mul3A_239 = arith.muli %get3A_236, %mul3A_238 : vector<16xi32>
    %get3A_240 = arith.constant 144 : index
    %get3A_241 = tpu.vector_load %arg8[%get3A_240] {strides = array<i32>} : memref<10000xi32, #tpu.memory_space<vmem>>, vector<16xi32>,
    %get3A_242 = vector.shape_cast %get3A_241 : vector<16xi32> to vector<16xi32>
    %mul3A_243 = arith.constant 2 : i32
    %mul3A_244 = vector.broadcast %mul3A_243 : i32 to vector<16xi32>
    %mul3A_245 = arith.muli %get3A_242, %mul3A_244 : vector<16xi32>
    %add3A_246 = arith.addi %mul3A_239, %mul3A_245 : vector<16xi32>
    %get3A_247 = arith.constant 144 : index
    %get3A_248 = tpu.vector_load %arg9[%get3A_247] {strides = array<i32>} : memref<10000xi32, #tpu.memory_space<vmem>>, vector<16xi32>,
    %get3A_249 = vector.shape_cast %get3A_248 : vector<16xi32> to vector<16xi32>
    %add3A_250 = arith.addi %add3A_246, %get3A_249 : vector<16xi32>
    %add3A_251 = vector.broadcast %mul3A_18 : i32 to vector<16xi32>
    %add3A_252 = arith.addi %add3A_250, %add3A_251 : vector<16xi32>
    %swap3A_253 = arith.constant 144 : index
    %swap3A_254 = tpu.vector_load %arg10[%swap3A_253] {strides = array<i32>} : memref<10000xi32, #tpu.memory_space<vmem>>, vector<16xi32>,
    %swap3A_255 = vector.shape_cast %swap3A_254 : vector<16xi32> to vector<16xi32>
    %swap3A_256 = vector.shape_cast %add3A_252 : vector<16xi32> to vector<16xi32>
    tpu.vector_store %arg10[%swap3A_253], %swap3A_256 {strides = array<i32>} : memref<10000xi32, #tpu.memory_space<vmem>>, vector<16xi32>,
    %dma_start3A_257 = arith.constant 1 : i32
    %dma_start3A_258 = arith.constant 0 : i32
    %dma_start3A_259 = arith.constant 0 : i32
    %dma_start3A_260 = tpu.memref_slice %arg11[%dma_start3A_257, %dma_start3A_258, %dma_start3A_259] : memref<8x80x128xf32, #tpu.memory_space<vmem>> -> memref<1x80x128xf32, #tpu.memory_space<vmem>>
    %dma_start3A_261 = tpu.memref_squeeze %dma_start3A_260 : memref<1x80x128xf32, #tpu.memory_space<vmem>> -> memref<80x128xf32, #tpu.memory_space<vmem>>
    %dma_start3A_262 = arith.constant 80 : i32
    %dma_start3A_263 = tpu.memref_slice %arg10[%dma_start3A_262] : memref<10000xi32, #tpu.memory_space<vmem>> -> memref<80xi32, #tpu.memory_space<vmem>>
    %dma_start3A_264 = arith.constant 0 : i32
    %dma_start3A_265 = arith.constant 0 : i32
    %dma_start3A_266 = tpu.memref_slice %arg12[%dma_start3A_264, %dma_start3A_265] : memref<1024x128xf32, #tpu.memory_space<vmem_shared>> -> memref<1024x128xf32, #tpu.memory_space<vmem_shared>>
    tpu.enqueue_indirect_dma source(%dma_start3A_266 : memref<1024x128xf32, #tpu.memory_space<vmem_shared>>) target(%dma_start3A_261 : memref<80x128xf32, #tpu.memory_space<vmem>>) offsets(%dma_start3A_263 : memref<80xi32, #tpu.memory_space<vmem>>) semaphore(%arg13 : memref<!tpu.dma_semaphore, #tpu.memory_space<semaphore_mem>>)
    %get3A_267 = arith.constant 160 : index
    %get3A_268 = tpu.vector_load %arg7[%get3A_267] {strides = array<i32>} : memref<10000xi32, #tpu.memory_space<vmem>>, vector<16xi32>,
    %get3A_269 = vector.shape_cast %get3A_268 : vector<16xi32> to vector<16xi32>
    %mul3A_270 = arith.constant 12 : i32
    %mul3A_271 = vector.broadcast %mul3A_270 : i32 to vector<16xi32>
    %mul3A_272 = arith.muli %get3A_269, %mul3A_271 : vector<16xi32>
    %get3A_273 = arith.constant 160 : index
    %get3A_274 = tpu.vector_load %arg8[%get3A_273] {strides = array<i32>} : memref<10000xi32, #tpu.memory_space<vmem>>, vector<16xi32>,
    %get3A_275 = vector.shape_cast %get3A_274 : vector<16xi32> to vector<16xi32>
    %mul3A_276 = arith.constant 2 : i32
    %mul3A_277 = vector.broadcast %mul3A_276 : i32 to vector<16xi32>
    %mul3A_278 = arith.muli %get3A_275, %mul3A_277 : vector<16xi32>
    %add3A_279 = arith.addi %mul3A_272, %mul3A_278 : vector<16xi32>
    %get3A_280 = arith.constant 160 : index
    %get3A_281 = tpu.vector_load %arg9[%get3A_280] {strides = array<i32>} : memref<10000xi32, #tpu.memory_space<vmem>>, vector<16xi32>,
    %get3A_282 = vector.shape_cast %get3A_281 : vector<16xi32> to vector<16xi32>
    %add3A_283 = arith.addi %add3A_279, %get3A_282 : vector<16xi32>
    %add3A_284 = vector.broadcast %mul3A_18 : i32 to vector<16xi32>
    %add3A_285 = arith.addi %add3A_283, %add3A_284 : vector<16xi32>
    %swap3A_286 = arith.constant 160 : index
    %swap3A_287 = tpu.vector_load %arg10[%swap3A_286] {strides = array<i32>} : memref<10000xi32, #tpu.memory_space<vmem>>, vector<16xi32>,
    %swap3A_288 = vector.shape_cast %swap3A_287 : vector<16xi32> to vector<16xi32>
    %swap3A_289 = vector.shape_cast %add3A_285 : vector<16xi32> to vector<16xi32>
    tpu.vector_store %arg10[%swap3A_286], %swap3A_289 {strides = array<i32>} : memref<10000xi32, #tpu.memory_space<vmem>>, vector<16xi32>,
    %get3A_290 = arith.constant 176 : index
    %get3A_291 = tpu.vector_load %arg7[%get3A_290] {strides = array<i32>} : memref<10000xi32, #tpu.memory_space<vmem>>, vector<16xi32>,
    %get3A_292 = vector.shape_cast %get3A_291 : vector<16xi32> to vector<16xi32>
    %mul3A_293 = arith.constant 12 : i32
    %mul3A_294 = vector.broadcast %mul3A_293 : i32 to vector<16xi32>
    %mul3A_295 = arith.muli %get3A_292, %mul3A_294 : vector<16xi32>
    %get3A_296 = arith.constant 176 : index
    %get3A_297 = tpu.vector_load %arg8[%get3A_296] {strides = array<i32>} : memref<10000xi32, #tpu.memory_space<vmem>>, vector<16xi32>,
    %get3A_298 = vector.shape_cast %get3A_297 : vector<16xi32> to vector<16xi32>
    %mul3A_299 = arith.constant 2 : i32
    %mul3A_300 = vector.broadcast %mul3A_299 : i32 to vector<16xi32>
    %mul3A_301 = arith.muli %get3A_298, %mul3A_300 : vector<16xi32>
    %add3A_302 = arith.addi %mul3A_295, %mul3A_301 : vector<16xi32>
    %get3A_303 = arith.constant 176 : index
    %get3A_304 = tpu.vector_load %arg9[%get3A_303] {strides = array<i32>} : memref<10000xi32, #tpu.memory_space<vmem>>, vector<16xi32>,
    %get3A_305 = vector.shape_cast %get3A_304 : vector<16xi32> to vector<16xi32>
    %add3A_306 = arith.addi %add3A_302, %get3A_305 : vector<16xi32>
    %add3A_307 = vector.broadcast %mul3A_18 : i32 to vector<16xi32>
    %add3A_308 = arith.addi %add3A_306, %add3A_307 : vector<16xi32>
    %swap3A_309 = arith.constant 176 : index
    %swap3A_310 = tpu.vector_load %arg10[%swap3A_309] {strides = array<i32>} : memref<10000xi32, #tpu.memory_space<vmem>>, vector<16xi32>,
    %swap3A_311 = vector.shape_cast %swap3A_310 : vector<16xi32> to vector<16xi32>
    %swap3A_312 = vector.shape_cast %add3A_308 : vector<16xi32> to vector<16xi32>
    tpu.vector_store %arg10[%swap3A_309], %swap3A_312 {strides = array<i32>} : memref<10000xi32, #tpu.memory_space<vmem>>, vector<16xi32>,
    %get3A_313 = arith.constant 192 : index
    %get3A_314 = tpu.vector_load %arg7[%get3A_313] {strides = array<i32>} : memref<10000xi32, #tpu.memory_space<vmem>>, vector<16xi32>,
    %get3A_315 = vector.shape_cast %get3A_314 : vector<16xi32> to vector<16xi32>
    %mul3A_316 = arith.constant 12 : i32
    %mul3A_317 = vector.broadcast %mul3A_316 : i32 to vector<16xi32>
    %mul3A_318 = arith.muli %get3A_315, %mul3A_317 : vector<16xi32>
    %get3A_319 = arith.constant 192 : index
    %get3A_320 = tpu.vector_load %arg8[%get3A_319] {strides = array<i32>} : memref<10000xi32, #tpu.memory_space<vmem>>, vector<16xi32>,
    %get3A_321 = vector.shape_cast %get3A_320 : vector<16xi32> to vector<16xi32>
    %mul3A_322 = arith.constant 2 : i32
    %mul3A_323 = vector.broadcast %mul3A_322 : i32 to vector<16xi32>
    %mul3A_324 = arith.muli %get3A_321, %mul3A_323 : vector<16xi32>
    %add3A_325 = arith.addi %mul3A_318, %mul3A_324 : vector<16xi32>
    %get3A_326 = arith.constant 192 : index
    %get3A_327 = tpu.vector_load %arg9[%get3A_326] {strides = array<i32>} : memref<10000xi32, #tpu.memory_space<vmem>>, vector<16xi32>,
    %get3A_328 = vector.shape_cast %get3A_327 : vector<16xi32> to vector<16xi32>
    %add3A_329 = arith.addi %add3A_325, %get3A_328 : vector<16xi32>
    %add3A_330 = vector.broadcast %mul3A_18 : i32 to vector<16xi32>
    %add3A_331 = arith.addi %add3A_329, %add3A_330 : vector<16xi32>
    %swap3A_332 = arith.constant 192 : index
    %swap3A_333 = tpu.vector_load %arg10[%swap3A_332] {strides = array<i32>} : memref<10000xi32, #tpu.memory_space<vmem>>, vector<16xi32>,
    %swap3A_334 = vector.shape_cast %swap3A_333 : vector<16xi32> to vector<16xi32>
    %swap3A_335 = vector.shape_cast %add3A_331 : vector<16xi32> to vector<16xi32>
    tpu.vector_store %arg10[%swap3A_332], %swap3A_335 {strides = array<i32>} : memref<10000xi32, #tpu.memory_space<vmem>>, vector<16xi32>,
    %get3A_336 = arith.constant 208 : index
    %get3A_337 = tpu.vector_load %arg7[%get3A_336] {strides = array<i32>} : memref<10000xi32, #tpu.memory_space<vmem>>, vector<16xi32>,
    %get3A_338 = vector.shape_cast %get3A_337 : vector<16xi32> to vector<16xi32>
    %mul3A_339 = arith.constant 12 : i32
    %mul3A_340 = vector.broadcast %mul3A_339 : i32 to vector<16xi32>
    %mul3A_341 = arith.muli %get3A_338, %mul3A_340 : vector<16xi32>
    %get3A_342 = arith.constant 208 : index
    %get3A_343 = tpu.vector_load %arg8[%get3A_342] {strides = array<i32>} : memref<10000xi32, #tpu.memory_space<vmem>>, vector<16xi32>,
    %get3A_344 = vector.shape_cast %get3A_343 : vector<16xi32> to vector<16xi32>
    %mul3A_345 = arith.constant 2 : i32
    %mul3A_346 = vector.broadcast %mul3A_345 : i32 to vector<16xi32>
    %mul3A_347 = arith.muli %get3A_344, %mul3A_346 : vector<16xi32>
    %add3A_348 = arith.addi %mul3A_341, %mul3A_347 : vector<16xi32>
    %get3A_349 = arith.constant 208 : index
    %get3A_350 = tpu.vector_load %arg9[%get3A_349] {strides = array<i32>} : memref<10000xi32, #tpu.memory_space<vmem>>, vector<16xi32>,
    %get3A_351 = vector.shape_cast %get3A_350 : vector<16xi32> to vector<16xi32>
    %add3A_352 = arith.addi %add3A_348, %get3A_351 : vector<16xi32>
    %add3A_353 = vector.broadcast %mul3A_18 : i32 to vector<16xi32>
    %add3A_354 = arith.addi %add3A_352, %add3A_353 : vector<16xi32>
    %swap3A_355 = arith.constant 208 : index
    %swap3A_356 = tpu.vector_load %arg10[%swap3A_355] {strides = array<i32>} : memref<10000xi32, #tpu.memory_space<vmem>>, vector<16xi32>,
    %swap3A_357 = vector.shape_cast %swap3A_356 : vector<16xi32> to vector<16xi32>
    %swap3A_358 = vector.shape_cast %add3A_354 : vector<16xi32> to vector<16xi32>
    tpu.vector_store %arg10[%swap3A_355], %swap3A_358 {strides = array<i32>} : memref<10000xi32, #tpu.memory_space<vmem>>, vector<16xi32>,
    %get3A_359 = arith.constant 224 : index
    %get3A_360 = tpu.vector_load %arg7[%get3A_359] {strides = array<i32>} : memref<10000xi32, #tpu.memory_space<vmem>>, vector<16xi32>,
    %get3A_361 = vector.shape_cast %get3A_360 : vector<16xi32> to vector<16xi32>
    %mul3A_362 = arith.constant 12 : i32
    %mul3A_363 = vector.broadcast %mul3A_362 : i32 to vector<16xi32>
    %mul3A_364 = arith.muli %get3A_361, %mul3A_363 : vector<16xi32>
    %get3A_365 = arith.constant 224 : index
    %get3A_366 = tpu.vector_load %arg8[%get3A_365] {strides = array<i32>} : memref<10000xi32, #tpu.memory_space<vmem>>, vector<16xi32>,
    %get3A_367 = vector.shape_cast %get3A_366 : vector<16xi32> to vector<16xi32>
    %mul3A_368 = arith.constant 2 : i32
    %mul3A_369 = vector.broadcast %mul3A_368 : i32 to vector<16xi32>
    %mul3A_370 = arith.muli %get3A_367, %mul3A_369 : vector<16xi32>
    %add3A_371 = arith.addi %mul3A_364, %mul3A_370 : vector<16xi32>
    %get3A_372 = arith.constant 224 : index
    %get3A_373 = tpu.vector_load %arg9[%get3A_372] {strides = array<i32>} : memref<10000xi32, #tpu.memory_space<vmem>>, vector<16xi32>,
    %get3A_374 = vector.shape_cast %get3A_373 : vector<16xi32> to vector<16xi32>
    %add3A_375 = arith.addi %add3A_371, %get3A_374 : vector<16xi32>
    %add3A_376 = vector.broadcast %mul3A_18 : i32 to vector<16xi32>
    %add3A_377 = arith.addi %add3A_375, %add3A_376 : vector<16xi32>
    %swap3A_378 = arith.constant 224 : index
    %swap3A_379 = tpu.vector_load %arg10[%swap3A_378] {strides = array<i32>} : memref<10000xi32, #tpu.memory_space<vmem>>, vector<16xi32>,
    %swap3A_380 = vector.shape_cast %swap3A_379 : vector<16xi32> to vector<16xi32>
    %swap3A_381 = vector.shape_cast %add3A_377 : vector<16xi32> to vector<16xi32>
    tpu.vector_store %arg10[%swap3A_378], %swap3A_381 {strides = array<i32>} : memref<10000xi32, #tpu.memory_space<vmem>>, vector<16xi32>,
    %dma_start3A_382 = arith.constant 2 : i32
    %dma_start3A_383 = arith.constant 0 : i32
    %dma_start3A_384 = arith.constant 0 : i32
    %dma_start3A_385 = tpu.memref_slice %arg11[%dma_start3A_382, %dma_start3A_383, %dma_start3A_384] : memref<8x80x128xf32, #tpu.memory_space<vmem>> -> memref<1x80x128xf32, #tpu.memory_space<vmem>>
    %dma_start3A_386 = tpu.memref_squeeze %dma_start3A_385 : memref<1x80x128xf32, #tpu.memory_space<vmem>> -> memref<80x128xf32, #tpu.memory_space<vmem>>
    %dma_start3A_387 = arith.constant 160 : i32
    %dma_start3A_388 = tpu.memref_slice %arg10[%dma_start3A_387] : memref<10000xi32, #tpu.memory_space<vmem>> -> memref<80xi32, #tpu.memory_space<vmem>>
    %dma_start3A_389 = arith.constant 0 : i32
    %dma_start3A_390 = arith.constant 0 : i32
    %dma_start3A_391 = tpu.memref_slice %arg12[%dma_start3A_389, %dma_start3A_390] : memref<1024x128xf32, #tpu.memory_space<vmem_shared>> -> memref<1024x128xf32, #tpu.memory_space<vmem_shared>>
    tpu.enqueue_indirect_dma source(%dma_start3A_391 : memref<1024x128xf32, #tpu.memory_space<vmem_shared>>) target(%dma_start3A_386 : memref<80x128xf32, #tpu.memory_space<vmem>>) offsets(%dma_start3A_388 : memref<80xi32, #tpu.memory_space<vmem>>) semaphore(%arg13 : memref<!tpu.dma_semaphore, #tpu.memory_space<semaphore_mem>>)
    %get3A_392 = arith.constant 240 : index
    %get3A_393 = tpu.vector_load %arg7[%get3A_392] {strides = array<i32>} : memref<10000xi32, #tpu.memory_space<vmem>>, vector<16xi32>,
    %get3A_394 = vector.shape_cast %get3A_393 : vector<16xi32> to vector<16xi32>
    %mul3A_395 = arith.constant 12 : i32
    %mul3A_396 = vector.broadcast %mul3A_395 : i32 to vector<16xi32>
    %mul3A_397 = arith.muli %get3A_394, %mul3A_396 : vector<16xi32>
    %get3A_398 = arith.constant 240 : index
    %get3A_399 = tpu.vector_load %arg8[%get3A_398] {strides = array<i32>} : memref<10000xi32, #tpu.memory_space<vmem>>, vector<16xi32>,
    %get3A_400 = vector.shape_cast %get3A_399 : vector<16xi32> to vector<16xi32>
    %mul3A_401 = arith.constant 2 : i32
    %mul3A_402 = vector.broadcast %mul3A_401 : i32 to vector<16xi32>
    %mul3A_403 = arith.muli %get3A_400, %mul3A_402 : vector<16xi32>
    %add3A_404 = arith.addi %mul3A_397, %mul3A_403 : vector<16xi32>
    %get3A_405 = arith.constant 240 : index
    %get3A_406 = tpu.vector_load %arg9[%get3A_405] {strides = array<i32>} : memref<10000xi32, #tpu.memory_space<vmem>>, vector<16xi32>,
    %get3A_407 = vector.shape_cast %get3A_406 : vector<16xi32> to vector<16xi32>
    %add3A_408 = arith.addi %add3A_404, %get3A_407 : vector<16xi32>
    %add3A_409 = vector.broadcast %mul3A_18 : i32 to vector<16xi32>
    %add3A_410 = arith.addi %add3A_408, %add3A_409 : vector<16xi32>
    %swap3A_411 = arith.constant 240 : index
    %swap3A_412 = tpu.vector_load %arg10[%swap3A_411] {strides = array<i32>} : memref<10000xi32, #tpu.memory_space<vmem>>, vector<16xi32>,
    %swap3A_413 = vector.shape_cast %swap3A_412 : vector<16xi32> to vector<16xi32>
    %swap3A_414 = vector.shape_cast %add3A_410 : vector<16xi32> to vector<16xi32>
    tpu.vector_store %arg10[%swap3A_411], %swap3A_414 {strides = array<i32>} : memref<10000xi32, #tpu.memory_space<vmem>>, vector<16xi32>,
    %get3A_415 = arith.constant 256 : index
    %get3A_416 = tpu.vector_load %arg7[%get3A_415] {strides = array<i32>} : memref<10000xi32, #tpu.memory_space<vmem>>, vector<16xi32>,
    %get3A_417 = vector.shape_cast %get3A_416 : vector<16xi32> to vector<16xi32>
    %mul3A_418 = arith.constant 12 : i32
    %mul3A_419 = vector.broadcast %mul3A_418 : i32 to vector<16xi32>
    %mul3A_420 = arith.muli %get3A_417, %mul3A_419 : vector<16xi32>
    %get3A_421 = arith.constant 256 : index
    %get3A_422 = tpu.vector_load %arg8[%get3A_421] {strides = array<i32>} : memref<10000xi32, #tpu.memory_space<vmem>>, vector<16xi32>,
    %get3A_423 = vector.shape_cast %get3A_422 : vector<16xi32> to vector<16xi32>
    %mul3A_424 = arith.constant 2 : i32
    %mul3A_425 = vector.broadcast %mul3A_424 : i32 to vector<16xi32>
    %mul3A_426 = arith.muli %get3A_423, %mul3A_425 : vector<16xi32>
    %add3A_427 = arith.addi %mul3A_420, %mul3A_426 : vector<16xi32>
    %get3A_428 = arith.constant 256 : index
    %get3A_429 = tpu.vector_load %arg9[%get3A_428] {strides = array<i32>} : memref<10000xi32, #tpu.memory_space<vmem>>, vector<16xi32>,
    %get3A_430 = vector.shape_cast %get3A_429 : vector<16xi32> to vector<16xi32>
    %add3A_431 = arith.addi %add3A_427, %get3A_430 : vector<16xi32>
    %add3A_432 = vector.broadcast %mul3A_18 : i32 to vector<16xi32>
    %add3A_433 = arith.addi %add3A_431, %add3A_432 : vector<16xi32>
    %swap3A_434 = arith.constant 256 : index
    %swap3A_435 = tpu.vector_load %arg10[%swap3A_434] {strides = array<i32>} : memref<10000xi32, #tpu.memory_space<vmem>>, vector<16xi32>,
    %swap3A_436 = vector.shape_cast %swap3A_435 : vector<16xi32> to vector<16xi32>
    %swap3A_437 = vector.shape_cast %add3A_433 : vector<16xi32> to vector<16xi32>
    tpu.vector_store %arg10[%swap3A_434], %swap3A_437 {strides = array<i32>} : memref<10000xi32, #tpu.memory_space<vmem>>, vector<16xi32>,
    %get3A_438 = arith.constant 272 : index
    %get3A_439 = tpu.vector_load %arg7[%get3A_438] {strides = array<i32>} : memref<10000xi32, #tpu.memory_space<vmem>>, vector<16xi32>,
    %get3A_440 = vector.shape_cast %get3A_439 : vector<16xi32> to vector<16xi32>
    %mul3A_441 = arith.constant 12 : i32
    %mul3A_442 = vector.broadcast %mul3A_441 : i32 to vector<16xi32>
    %mul3A_443 = arith.muli %get3A_440, %mul3A_442 : vector<16xi32>
    %get3A_444 = arith.constant 272 : index
    %get3A_445 = tpu.vector_load %arg8[%get3A_444] {strides = array<i32>} : memref<10000xi32, #tpu.memory_space<vmem>>, vector<16xi32>,
    %get3A_446 = vector.shape_cast %get3A_445 : vector<16xi32> to vector<16xi32>
    %mul3A_447 = arith.constant 2 : i32
    %mul3A_448 = vector.broadcast %mul3A_447 : i32 to vector<16xi32>
    %mul3A_449 = arith.muli %get3A_446, %mul3A_448 : vector<16xi32>
    %add3A_450 = arith.addi %mul3A_443, %mul3A_449 : vector<16xi32>
    %get3A_451 = arith.constant 272 : index
    %get3A_452 = tpu.vector_load %arg9[%get3A_451] {strides = array<i32>} : memref<10000xi32, #tpu.memory_space<vmem>>, vector<16xi32>,
    %get3A_453 = vector.shape_cast %get3A_452 : vector<16xi32> to vector<16xi32>
    %add3A_454 = arith.addi %add3A_450, %get3A_453 : vector<16xi32>
    %add3A_455 = vector.broadcast %mul3A_18 : i32 to vector<16xi32>
    %add3A_456 = arith.addi %add3A_454, %add3A_455 : vector<16xi32>
    %swap3A_457 = arith.constant 272 : index
    %swap3A_458 = tpu.vector_load %arg10[%swap3A_457] {strides = array<i32>} : memref<10000xi32, #tpu.memory_space<vmem>>, vector<16xi32>,
    %swap3A_459 = vector.shape_cast %swap3A_458 : vector<16xi32> to vector<16xi32>
    %swap3A_460 = vector.shape_cast %add3A_456 : vector<16xi32> to vector<16xi32>
    tpu.vector_store %arg10[%swap3A_457], %swap3A_460 {strides = array<i32>} : memref<10000xi32, #tpu.memory_space<vmem>>, vector<16xi32>,
    %get3A_461 = arith.constant 288 : index
    %get3A_462 = tpu.vector_load %arg7[%get3A_461] {strides = array<i32>} : memref<10000xi32, #tpu.memory_space<vmem>>, vector<16xi32>,
    %get3A_463 = vector.shape_cast %get3A_462 : vector<16xi32> to vector<16xi32>
    %mul3A_464 = arith.constant 12 : i32
    %mul3A_465 = vector.broadcast %mul3A_464 : i32 to vector<16xi32>
    %mul3A_466 = arith.muli %get3A_463, %mul3A_465 : vector<16xi32>
    %get3A_467 = arith.constant 288 : index
    %get3A_468 = tpu.vector_load %arg8[%get3A_467] {strides = array<i32>} : memref<10000xi32, #tpu.memory_space<vmem>>, vector<16xi32>,
    %get3A_469 = vector.shape_cast %get3A_468 : vector<16xi32> to vector<16xi32>
    %mul3A_470 = arith.constant 2 : i32
    %mul3A_471 = vector.broadcast %mul3A_470 : i32 to vector<16xi32>
    %mul3A_472 = arith.muli %get3A_469, %mul3A_471 : vector<16xi32>
    %add3A_473 = arith.addi %mul3A_466, %mul3A_472 : vector<16xi32>
    %get3A_474 = arith.constant 288 : index
    %get3A_475 = tpu.vector_load %arg9[%get3A_474] {strides = array<i32>} : memref<10000xi32, #tpu.memory_space<vmem>>, vector<16xi32>,
    %get3A_476 = vector.shape_cast %get3A_475 : vector<16xi32> to vector<16xi32>
    %add3A_477 = arith.addi %add3A_473, %get3A_476 : vector<16xi32>
    %add3A_478 = vector.broadcast %mul3A_18 : i32 to vector<16xi32>
    %add3A_479 = arith.addi %add3A_477, %add3A_478 : vector<16xi32>
    %swap3A_480 = arith.constant 288 : index
    %swap3A_481 = tpu.vector_load %arg10[%swap3A_480] {strides = array<i32>} : memref<10000xi32, #tpu.memory_space<vmem>>, vector<16xi32>,
    %swap3A_482 = vector.shape_cast %swap3A_481 : vector<16xi32> to vector<16xi32>
    %swap3A_483 = vector.shape_cast %add3A_479 : vector<16xi32> to vector<16xi32>
    tpu.vector_store %arg10[%swap3A_480], %swap3A_483 {strides = array<i32>} : memref<10000xi32, #tpu.memory_space<vmem>>, vector<16xi32>,
    %get3A_484 = arith.constant 304 : index
    %get3A_485 = tpu.vector_load %arg7[%get3A_484] {strides = array<i32>} : memref<10000xi32, #tpu.memory_space<vmem>>, vector<16xi32>,
    %get3A_486 = vector.shape_cast %get3A_485 : vector<16xi32> to vector<16xi32>
    %mul3A_487 = arith.constant 12 : i32
    %mul3A_488 = vector.broadcast %mul3A_487 : i32 to vector<16xi32>
    %mul3A_489 = arith.muli %get3A_486, %mul3A_488 : vector<16xi32>
    %get3A_490 = arith.constant 304 : index
    %get3A_491 = tpu.vector_load %arg8[%get3A_490] {strides = array<i32>} : memref<10000xi32, #tpu.memory_space<vmem>>, vector<16xi32>,
    %get3A_492 = vector.shape_cast %get3A_491 : vector<16xi32> to vector<16xi32>
    %mul3A_493 = arith.constant 2 : i32
    %mul3A_494 = vector.broadcast %mul3A_493 : i32 to vector<16xi32>
    %mul3A_495 = arith.muli %get3A_492, %mul3A_494 : vector<16xi32>
    %add3A_496 = arith.addi %mul3A_489, %mul3A_495 : vector<16xi32>
    %get3A_497 = arith.constant 304 : index
    %get3A_498 = tpu.vector_load %arg9[%get3A_497] {strides = array<i32>} : memref<10000xi32, #tpu.memory_space<vmem>>, vector<16xi32>,
    %get3A_499 = vector.shape_cast %get3A_498 : vector<16xi32> to vector<16xi32>
    %add3A_500 = arith.addi %add3A_496, %get3A_499 : vector<16xi32>
    %add3A_501 = vector.broadcast %mul3A_18 : i32 to vector<16xi32>
    %add3A_502 = arith.addi %add3A_500, %add3A_501 : vector<16xi32>
    %swap3A_503 = arith.constant 304 : index
    %swap3A_504 = tpu.vector_load %arg10[%swap3A_503] {strides = array<i32>} : memref<10000xi32, #tpu.memory_space<vmem>>, vector<16xi32>,
    %swap3A_505 = vector.shape_cast %swap3A_504 : vector<16xi32> to vector<16xi32>
    %swap3A_506 = vector.shape_cast %add3A_502 : vector<16xi32> to vector<16xi32>
    tpu.vector_store %arg10[%swap3A_503], %swap3A_506 {strides = array<i32>} : memref<10000xi32, #tpu.memory_space<vmem>>, vector<16xi32>,
    %dma_start3A_507 = arith.constant 3 : i32
    %dma_start3A_508 = arith.constant 0 : i32
    %dma_start3A_509 = arith.constant 0 : i32
    %dma_start3A_510 = tpu.memref_slice %arg11[%dma_start3A_507, %dma_start3A_508, %dma_start3A_509] : memref<8x80x128xf32, #tpu.memory_space<vmem>> -> memref<1x80x128xf32, #tpu.memory_space<vmem>>
    %dma_start3A_511 = tpu.memref_squeeze %dma_start3A_510 : memref<1x80x128xf32, #tpu.memory_space<vmem>> -> memref<80x128xf32, #tpu.memory_space<vmem>>
    %dma_start3A_512 = arith.constant 240 : i32
    %dma_start3A_513 = tpu.memref_slice %arg10[%dma_start3A_512] : memref<10000xi32, #tpu.memory_space<vmem>> -> memref<80xi32, #tpu.memory_space<vmem>>
    %dma_start3A_514 = arith.constant 0 : i32
    %dma_start3A_515 = arith.constant 0 : i32
    %dma_start3A_516 = tpu.memref_slice %arg12[%dma_start3A_514, %dma_start3A_515] : memref<1024x128xf32, #tpu.memory_space<vmem_shared>> -> memref<1024x128xf32, #tpu.memory_space<vmem_shared>>
    tpu.enqueue_indirect_dma source(%dma_start3A_516 : memref<1024x128xf32, #tpu.memory_space<vmem_shared>>) target(%dma_start3A_511 : memref<80x128xf32, #tpu.memory_space<vmem>>) offsets(%dma_start3A_513 : memref<80xi32, #tpu.memory_space<vmem>>) semaphore(%arg13 : memref<!tpu.dma_semaphore, #tpu.memory_space<semaphore_mem>>)
    %get3A_517 = arith.constant 320 : index
    %get3A_518 = tpu.vector_load %arg7[%get3A_517] {strides = array<i32>} : memref<10000xi32, #tpu.memory_space<vmem>>, vector<16xi32>,
    %get3A_519 = vector.shape_cast %get3A_518 : vector<16xi32> to vector<16xi32>
    %mul3A_520 = arith.constant 12 : i32
    %mul3A_521 = vector.broadcast %mul3A_520 : i32 to vector<16xi32>
    %mul3A_522 = arith.muli %get3A_519, %mul3A_521 : vector<16xi32>
    %get3A_523 = arith.constant 320 : index
    %get3A_524 = tpu.vector_load %arg8[%get3A_523] {strides = array<i32>} : memref<10000xi32, #tpu.memory_space<vmem>>, vector<16xi32>,
    %get3A_525 = vector.shape_cast %get3A_524 : vector<16xi32> to vector<16xi32>
    %mul3A_526 = arith.constant 2 : i32
    %mul3A_527 = vector.broadcast %mul3A_526 : i32 to vector<16xi32>
    %mul3A_528 = arith.muli %get3A_525, %mul3A_527 : vector<16xi32>
    %add3A_529 = arith.addi %mul3A_522, %mul3A_528 : vector<16xi32>
    %get3A_530 = arith.constant 320 : index
    %get3A_531 = tpu.vector_load %arg9[%get3A_530] {strides = array<i32>} : memref<10000xi32, #tpu.memory_space<vmem>>, vector<16xi32>,
    %get3A_532 = vector.shape_cast %get3A_531 : vector<16xi32> to vector<16xi32>
    %add3A_533 = arith.addi %add3A_529, %get3A_532 : vector<16xi32>
    %add3A_534 = vector.broadcast %mul3A_18 : i32 to vector<16xi32>
    %add3A_535 = arith.addi %add3A_533, %add3A_534 : vector<16xi32>
    %swap3A_536 = arith.constant 320 : index
    %swap3A_537 = tpu.vector_load %arg10[%swap3A_536] {strides = array<i32>} : memref<10000xi32, #tpu.memory_space<vmem>>, vector<16xi32>,
    %swap3A_538 = vector.shape_cast %swap3A_537 : vector<16xi32> to vector<16xi32>
    %swap3A_539 = vector.shape_cast %add3A_535 : vector<16xi32> to vector<16xi32>
    tpu.vector_store %arg10[%swap3A_536], %swap3A_539 {strides = array<i32>} : memref<10000xi32, #tpu.memory_space<vmem>>, vector<16xi32>,
    %get3A_540 = arith.constant 336 : index
    %get3A_541 = tpu.vector_load %arg7[%get3A_540] {strides = array<i32>} : memref<10000xi32, #tpu.memory_space<vmem>>, vector<16xi32>,
    %get3A_542 = vector.shape_cast %get3A_541 : vector<16xi32> to vector<16xi32>
    %mul3A_543 = arith.constant 12 : i32
    %mul3A_544 = vector.broadcast %mul3A_543 : i32 to vector<16xi32>
    %mul3A_545 = arith.muli %get3A_542, %mul3A_544 : vector<16xi32>
    %get3A_546 = arith.constant 336 : index
    %get3A_547 = tpu.vector_load %arg8[%get3A_546] {strides = array<i32>} : memref<10000xi32, #tpu.memory_space<vmem>>, vector<16xi32>,
    %get3A_548 = vector.shape_cast %get3A_547 : vector<16xi32> to vector<16xi32>
    %mul3A_549 = arith.constant 2 : i32
    %mul3A_550 = vector.broadcast %mul3A_549 : i32 to vector<16xi32>
    %mul3A_551 = arith.muli %get3A_548, %mul3A_550 : vector<16xi32>
    %add3A_552 = arith.addi %mul3A_545, %mul3A_551 : vector<16xi32>
    %get3A_553 = arith.constant 336 : index
    %get3A_554 = tpu.vector_load %arg9[%get3A_553] {strides = array<i32>} : memref<10000xi32, #tpu.memory_space<vmem>>, vector<16xi32>,
    %get3A_555 = vector.shape_cast %get3A_554 : vector<16xi32> to vector<16xi32>
    %add3A_556 = arith.addi %add3A_552, %get3A_555 : vector<16xi32>
    %add3A_557 = vector.broadcast %mul3A_18 : i32 to vector<16xi32>
    %add3A_558 = arith.addi %add3A_556, %add3A_557 : vector<16xi32>
    %swap3A_559 = arith.constant 336 : index
    %swap3A_560 = tpu.vector_load %arg10[%swap3A_559] {strides = array<i32>} : memref<10000xi32, #tpu.memory_space<vmem>>, vector<16xi32>,
    %swap3A_561 = vector.shape_cast %swap3A_560 : vector<16xi32> to vector<16xi32>
    %swap3A_562 = vector.shape_cast %add3A_558 : vector<16xi32> to vector<16xi32>
    tpu.vector_store %arg10[%swap3A_559], %swap3A_562 {strides = array<i32>} : memref<10000xi32, #tpu.memory_space<vmem>>, vector<16xi32>,
    %get3A_563 = arith.constant 352 : index
    %get3A_564 = tpu.vector_load %arg7[%get3A_563] {strides = array<i32>} : memref<10000xi32, #tpu.memory_space<vmem>>, vector<16xi32>,
    %get3A_565 = vector.shape_cast %get3A_564 : vector<16xi32> to vector<16xi32>
    %mul3A_566 = arith.constant 12 : i32
    %mul3A_567 = vector.broadcast %mul3A_566 : i32 to vector<16xi32>
    %mul3A_568 = arith.muli %get3A_565, %mul3A_567 : vector<16xi32>
    %get3A_569 = arith.constant 352 : index
    %get3A_570 = tpu.vector_load %arg8[%get3A_569] {strides = array<i32>} : memref<10000xi32, #tpu.memory_space<vmem>>, vector<16xi32>,
    %get3A_571 = vector.shape_cast %get3A_570 : vector<16xi32> to vector<16xi32>
    %mul3A_572 = arith.constant 2 : i32
    %mul3A_573 = vector.broadcast %mul3A_572 : i32 to vector<16xi32>
    %mul3A_574 = arith.muli %get3A_571, %mul3A_573 : vector<16xi32>
    %add3A_575 = arith.addi %mul3A_568, %mul3A_574 : vector<16xi32>
    %get3A_576 = arith.constant 352 : index
    %get3A_577 = tpu.vector_load %arg9[%get3A_576] {strides = array<i32>} : memref<10000xi32, #tpu.memory_space<vmem>>, vector<16xi32>,
    %get3A_578 = vector.shape_cast %get3A_577 : vector<16xi32> to vector<16xi32>
    %add3A_579 = arith.addi %add3A_575, %get3A_578 : vector<16xi32>
    %add3A_580 = vector.broadcast %mul3A_18 : i32 to vector<16xi32>
    %add3A_581 = arith.addi %add3A_579, %add3A_580 : vector<16xi32>
    %swap3A_582 = arith.constant 352 : index
    %swap3A_583 = tpu.vector_load %arg10[%swap3A_582] {strides = array<i32>} : memref<10000xi32, #tpu.memory_space<vmem>>, vector<16xi32>,
    %swap3A_584 = vector.shape_cast %swap3A_583 : vector<16xi32> to vector<16xi32>
    %swap3A_585 = vector.shape_cast %add3A_581 : vector<16xi32> to vector<16xi32>
    tpu.vector_store %arg10[%swap3A_582], %swap3A_585 {strides = array<i32>} : memref<10000xi32, #tpu.memory_space<vmem>>, vector<16xi32>,
    %get3A_586 = arith.constant 368 : index
    %get3A_587 = tpu.vector_load %arg7[%get3A_586] {strides = array<i32>} : memref<10000xi32, #tpu.memory_space<vmem>>, vector<16xi32>,
    %get3A_588 = vector.shape_cast %get3A_587 : vector<16xi32> to vector<16xi32>
    %mul3A_589 = arith.constant 12 : i32
    %mul3A_590 = vector.broadcast %mul3A_589 : i32 to vector<16xi32>
    %mul3A_591 = arith.muli %get3A_588, %mul3A_590 : vector<16xi32>
    %get3A_592 = arith.constant 368 : index
    %get3A_593 = tpu.vector_load %arg8[%get3A_592] {strides = array<i32>} : memref<10000xi32, #tpu.memory_space<vmem>>, vector<16xi32>,
    %get3A_594 = vector.shape_cast %get3A_593 : vector<16xi32> to vector<16xi32>
    %mul3A_595 = arith.constant 2 : i32
    %mul3A_596 = vector.broadcast %mul3A_595 : i32 to vector<16xi32>
    %mul3A_597 = arith.muli %get3A_594, %mul3A_596 : vector<16xi32>
    %add3A_598 = arith.addi %mul3A_591, %mul3A_597 : vector<16xi32>
    %get3A_599 = arith.constant 368 : index
    %get3A_600 = tpu.vector_load %arg9[%get3A_599] {strides = array<i32>} : memref<10000xi32, #tpu.memory_space<vmem>>, vector<16xi32>,
    %get3A_601 = vector.shape_cast %get3A_600 : vector<16xi32> to vector<16xi32>
    %add3A_602 = arith.addi %add3A_598, %get3A_601 : vector<16xi32>
    %add3A_603 = vector.broadcast %mul3A_18 : i32 to vector<16xi32>
    %add3A_604 = arith.addi %add3A_602, %add3A_603 : vector<16xi32>
    %swap3A_605 = arith.constant 368 : index
    %swap3A_606 = tpu.vector_load %arg10[%swap3A_605] {strides = array<i32>} : memref<10000xi32, #tpu.memory_space<vmem>>, vector<16xi32>,
    %swap3A_607 = vector.shape_cast %swap3A_606 : vector<16xi32> to vector<16xi32>
    %swap3A_608 = vector.shape_cast %add3A_604 : vector<16xi32> to vector<16xi32>
    tpu.vector_store %arg10[%swap3A_605], %swap3A_608 {strides = array<i32>} : memref<10000xi32, #tpu.memory_space<vmem>>, vector<16xi32>,
    %get3A_609 = arith.constant 384 : index
    %get3A_610 = tpu.vector_load %arg7[%get3A_609] {strides = array<i32>} : memref<10000xi32, #tpu.memory_space<vmem>>, vector<16xi32>,
    %get3A_611 = vector.shape_cast %get3A_610 : vector<16xi32> to vector<16xi32>
    %mul3A_612 = arith.constant 12 : i32
    %mul3A_613 = vector.broadcast %mul3A_612 : i32 to vector<16xi32>
    %mul3A_614 = arith.muli %get3A_611, %mul3A_613 : vector<16xi32>
    %get3A_615 = arith.constant 384 : index
    %get3A_616 = tpu.vector_load %arg8[%get3A_615] {strides = array<i32>} : memref<10000xi32, #tpu.memory_space<vmem>>, vector<16xi32>,
    %get3A_617 = vector.shape_cast %get3A_616 : vector<16xi32> to vector<16xi32>
    %mul3A_618 = arith.constant 2 : i32
    %mul3A_619 = vector.broadcast %mul3A_618 : i32 to vector<16xi32>
    %mul3A_620 = arith.muli %get3A_617, %mul3A_619 : vector<16xi32>
    %add3A_621 = arith.addi %mul3A_614, %mul3A_620 : vector<16xi32>
    %get3A_622 = arith.constant 384 : index
    %get3A_623 = tpu.vector_load %arg9[%get3A_622] {strides = array<i32>} : memref<10000xi32, #tpu.memory_space<vmem>>, vector<16xi32>,
    %get3A_624 = vector.shape_cast %get3A_623 : vector<16xi32> to vector<16xi32>
    %add3A_625 = arith.addi %add3A_621, %get3A_624 : vector<16xi32>
    %add3A_626 = vector.broadcast %mul3A_18 : i32 to vector<16xi32>
    %add3A_627 = arith.addi %add3A_625, %add3A_626 : vector<16xi32>
    %swap3A_628 = arith.constant 384 : index
    %swap3A_629 = tpu.vector_load %arg10[%swap3A_628] {strides = array<i32>} : memref<10000xi32, #tpu.memory_space<vmem>>, vector<16xi32>,
    %swap3A_630 = vector.shape_cast %swap3A_629 : vector<16xi32> to vector<16xi32>
    %swap3A_631 = vector.shape_cast %add3A_627 : vector<16xi32> to vector<16xi32>
    tpu.vector_store %arg10[%swap3A_628], %swap3A_631 {strides = array<i32>} : memref<10000xi32, #tpu.memory_space<vmem>>, vector<16xi32>,
    %dma_start3A_632 = arith.constant 4 : i32
    %dma_start3A_633 = arith.constant 0 : i32
    %dma_start3A_634 = arith.constant 0 : i32
    %dma_start3A_635 = tpu.memref_slice %arg11[%dma_start3A_632, %dma_start3A_633, %dma_start3A_634] : memref<8x80x128xf32, #tpu.memory_space<vmem>> -> memref<1x80x128xf32, #tpu.memory_space<vmem>>
    %dma_start3A_636 = tpu.memref_squeeze %dma_start3A_635 : memref<1x80x128xf32, #tpu.memory_space<vmem>> -> memref<80x128xf32, #tpu.memory_space<vmem>>
    %dma_start3A_637 = arith.constant 320 : i32
    %dma_start3A_638 = tpu.memref_slice %arg10[%dma_start3A_637] : memref<10000xi32, #tpu.memory_space<vmem>> -> memref<80xi32, #tpu.memory_space<vmem>>
    %dma_start3A_639 = arith.constant 0 : i32
    %dma_start3A_640 = arith.constant 0 : i32
    %dma_start3A_641 = tpu.memref_slice %arg12[%dma_start3A_639, %dma_start3A_640] : memref<1024x128xf32, #tpu.memory_space<vmem_shared>> -> memref<1024x128xf32, #tpu.memory_space<vmem_shared>>
    tpu.enqueue_indirect_dma source(%dma_start3A_641 : memref<1024x128xf32, #tpu.memory_space<vmem_shared>>) target(%dma_start3A_636 : memref<80x128xf32, #tpu.memory_space<vmem>>) offsets(%dma_start3A_638 : memref<80xi32, #tpu.memory_space<vmem>>) semaphore(%arg13 : memref<!tpu.dma_semaphore, #tpu.memory_space<semaphore_mem>>)
    %dma_wait3A_642 = arith.constant 0 : i32
    %dma_wait3A_643 = arith.constant 0 : i32
    %dma_wait3A_644 = arith.constant 0 : i32
    %dma_wait3A_645 = tpu.memref_slice %arg11[%dma_wait3A_642, %dma_wait3A_643, %dma_wait3A_644] : memref<8x80x128xf32, #tpu.memory_space<vmem>> -> memref<1x80x128xf32, #tpu.memory_space<vmem>>
    %dma_wait3A_646 = tpu.memref_squeeze %dma_wait3A_645 : memref<1x80x128xf32, #tpu.memory_space<vmem>> -> memref<80x128xf32, #tpu.memory_space<vmem>>
    %dma_wait3A_647 = arith.constant 0 : i32
    %dma_wait3A_648 = arith.constant 0 : i32
    %dma_wait3A_649 = tpu.memref_slice %arg6[%dma_wait3A_647, %dma_wait3A_648] : memref<320000x128xf32, #tpu.memory_space<hbm>> -> memref<80x128xf32, #tpu.memory_space<hbm>>
    %dma_wait3A_650 = arith.constant 0 : i32
    %dma_wait3A_651 = arith.constant 0 : i32
    %dma_wait3A_652 = tpu.memref_slice %arg11[%dma_wait3A_642, %dma_wait3A_650, %dma_wait3A_651] : memref<8x80x128xf32, #tpu.memory_space<vmem>> -> memref<1x80x128xf32, #tpu.memory_space<vmem>>
    %dma_wait3A_653 = tpu.memref_squeeze %dma_wait3A_652 : memref<1x80x128xf32, #tpu.memory_space<vmem>> -> memref<80x128xf32, #tpu.memory_space<vmem>>
    %dma_wait3A_654 = arith.constant 0 : i32
    %dma_wait3A_655 = arith.constant 0 : i32
    %dma_wait3A_656 = tpu.memref_slice %arg6[%dma_wait3A_654, %dma_wait3A_655] : memref<320000x128xf32, #tpu.memory_space<hbm>> -> memref<80x128xf32, #tpu.memory_space<hbm>>
    tpu.wait_dma2 semaphore(%arg13 : memref<!tpu.dma_semaphore, #tpu.memory_space<semaphore_mem>>) src(%dma_wait3A_656 : memref<80x128xf32, #tpu.memory_space<hbm>>) dst(%dma_wait3A_653 : memref<80x128xf32, #tpu.memory_space<vmem>>)
    %add3A_657 = arith.constant 0 : i32
    %add3A_658 = arith.addi %mul3A_2, %add3A_657 : i32
    %dma_start3A_659 = arith.constant 0 : i32
    %dma_start3A_660 = arith.constant 0 : i32
    %dma_start3A_661 = arith.constant 0 : i32
    %dma_start3A_662 = tpu.memref_slice %arg11[%dma_start3A_659, %dma_start3A_660, %dma_start3A_661] : memref<8x80x128xf32, #tpu.memory_space<vmem>> -> memref<1x80x128xf32, #tpu.memory_space<vmem>>
    %dma_start3A_663 = tpu.memref_squeeze %dma_start3A_662 : memref<1x80x128xf32, #tpu.memory_space<vmem>> -> memref<80x128xf32, #tpu.memory_space<vmem>>
    %dma_start3A_664 = arith.constant 0 : i32
    %dma_start3A_665 = tpu.memref_slice %arg6[%add3A_658, %dma_start3A_664] : memref<320000x128xf32, #tpu.memory_space<hbm>> -> memref<80x128xf32, #tpu.memory_space<hbm>>
    %dma_start3A_666 = arith.constant 0 : i32
    %dma_start3A_667 = tpu.memref_slice %arg6[%add3A_658, %dma_start3A_666] : memref<320000x128xf32, #tpu.memory_space<hbm>> -> memref<80x128xf32, #tpu.memory_space<hbm>>
    %dma_start3A_668 = arith.constant 0 : i32
    %dma_start3A_669 = arith.constant 0 : i32
    %dma_start3A_670 = tpu.memref_slice %arg11[%dma_start3A_659, %dma_start3A_668, %dma_start3A_669] : memref<8x80x128xf32, #tpu.memory_space<vmem>> -> memref<1x80x128xf32, #tpu.memory_space<vmem>>
    %dma_start3A_671 = tpu.memref_squeeze %dma_start3A_670 : memref<1x80x128xf32, #tpu.memory_space<vmem>> -> memref<80x128xf32, #tpu.memory_space<vmem>>
    tpu.enqueue_dma source(%dma_start3A_671 : memref<80x128xf32, #tpu.memory_space<vmem>>) target(%dma_start3A_667 : memref<80x128xf32, #tpu.memory_space<hbm>>) target_semaphore(%arg14 : memref<!tpu.dma_semaphore, #tpu.memory_space<semaphore_mem>>)
    %get3A_672 = arith.constant 400 : index
    %get3A_673 = tpu.vector_load %arg7[%get3A_672] {strides = array<i32>} : memref<10000xi32, #tpu.memory_space<vmem>>, vector<16xi32>,
    %get3A_674 = vector.shape_cast %get3A_673 : vector<16xi32> to vector<16xi32>
    %mul3A_675 = arith.constant 12 : i32
    %mul3A_676 = vector.broadcast %mul3A_675 : i32 to vector<16xi32>
    %mul3A_677 = arith.muli %get3A_674, %mul3A_676 : vector<16xi32>
    %get3A_678 = arith.constant 400 : index
    %get3A_679 = tpu.vector_load %arg8[%get3A_678] {strides = array<i32>} : memref<10000xi32, #tpu.memory_space<vmem>>, vector<16xi32>,
    %get3A_680 = vector.shape_cast %get3A_679 : vector<16xi32> to vector<16xi32>
    %mul3A_681 = arith.constant 2 : i32
    %mul3A_682 = vector.broadcast %mul3A_681 : i32 to vector<16xi32>
    %mul3A_683 = arith.muli %get3A_680, %mul3A_682 : vector<16xi32>
    %add3A_684 = arith.addi %mul3A_677, %mul3A_683 : vector<16xi32>
    %get3A_685 = arith.constant 400 : index
    %get3A_686 = tpu.vector_load %arg9[%get3A_685] {strides = array<i32>} : memref<10000xi32, #tpu.memory_space<vmem>>, vector<16xi32>,
    %get3A_687 = vector.shape_cast %get3A_686 : vector<16xi32> to vector<16xi32>
    %add3A_688 = arith.addi %add3A_684, %get3A_687 : vector<16xi32>
    %add3A_689 = vector.broadcast %mul3A_18 : i32 to vector<16xi32>
    %add3A_690 = arith.addi %add3A_688, %add3A_689 : vector<16xi32>
    %swap3A_691 = arith.constant 400 : index
    %swap3A_692 = tpu.vector_load %arg10[%swap3A_691] {strides = array<i32>} : memref<10000xi32, #tpu.memory_space<vmem>>, vector<16xi32>,
    %swap3A_693 = vector.shape_cast %swap3A_692 : vector<16xi32> to vector<16xi32>
    %swap3A_694 = vector.shape_cast %add3A_690 : vector<16xi32> to vector<16xi32>
    tpu.vector_store %arg10[%swap3A_691], %swap3A_694 {strides = array<i32>} : memref<10000xi32, #tpu.memory_space<vmem>>, vector<16xi32>,
    %get3A_695 = arith.constant 416 : index
    %get3A_696 = tpu.vector_load %arg7[%get3A_695] {strides = array<i32>} : memref<10000xi32, #tpu.memory_space<vmem>>, vector<16xi32>,
    %get3A_697 = vector.shape_cast %get3A_696 : vector<16xi32> to vector<16xi32>
    %mul3A_698 = arith.constant 12 : i32
    %mul3A_699 = vector.broadcast %mul3A_698 : i32 to vector<16xi32>
    %mul3A_700 = arith.muli %get3A_697, %mul3A_699 : vector<16xi32>
    %get3A_701 = arith.constant 416 : index
    %get3A_702 = tpu.vector_load %arg8[%get3A_701] {strides = array<i32>} : memref<10000xi32, #tpu.memory_space<vmem>>, vector<16xi32>,
    %get3A_703 = vector.shape_cast %get3A_702 : vector<16xi32> to vector<16xi32>
    %mul3A_704 = arith.constant 2 : i32
    %mul3A_705 = vector.broadcast %mul3A_704 : i32 to vector<16xi32>
    %mul3A_706 = arith.muli %get3A_703, %mul3A_705 : vector<16xi32>
    %add3A_707 = arith.addi %mul3A_700, %mul3A_706 : vector<16xi32>
    %get3A_708 = arith.constant 416 : index
    %get3A_709 = tpu.vector_load %arg9[%get3A_708] {strides = array<i32>} : memref<10000xi32, #tpu.memory_space<vmem>>, vector<16xi32>,
    %get3A_710 = vector.shape_cast %get3A_709 : vector<16xi32> to vector<16xi32>
    %add3A_711 = arith.addi %add3A_707, %get3A_710 : vector<16xi32>
    %add3A_712 = vector.broadcast %mul3A_18 : i32 to vector<16xi32>
    %add3A_713 = arith.addi %add3A_711, %add3A_712 : vector<16xi32>
    %swap3A_714 = arith.constant 416 : index
    %swap3A_715 = tpu.vector_load %arg10[%swap3A_714] {strides = array<i32>} : memref<10000xi32, #tpu.memory_space<vmem>>, vector<16xi32>,
    %swap3A_716 = vector.shape_cast %swap3A_715 : vector<16xi32> to vector<16xi32>
    %swap3A_717 = vector.shape_cast %add3A_713 : vector<16xi32> to vector<16xi32>
    tpu.vector_store %arg10[%swap3A_714], %swap3A_717 {strides = array<i32>} : memref<10000xi32, #tpu.memory_space<vmem>>, vector<16xi32>,
    %get3A_718 = arith.constant 432 : index
    %get3A_719 = tpu.vector_load %arg7[%get3A_718] {strides = array<i32>} : memref<10000xi32, #tpu.memory_space<vmem>>, vector<16xi32>,
    %get3A_720 = vector.shape_cast %get3A_719 : vector<16xi32> to vector<16xi32>
    %mul3A_721 = arith.constant 12 : i32
    %mul3A_722 = vector.broadcast %mul3A_721 : i32 to vector<16xi32>
    %mul3A_723 = arith.muli %get3A_720, %mul3A_722 : vector<16xi32>
    %get3A_724 = arith.constant 432 : index
    %get3A_725 = tpu.vector_load %arg8[%get3A_724] {strides = array<i32>} : memref<10000xi32, #tpu.memory_space<vmem>>, vector<16xi32>,
    %get3A_726 = vector.shape_cast %get3A_725 : vector<16xi32> to vector<16xi32>
    %mul3A_727 = arith.constant 2 : i32
    %mul3A_728 = vector.broadcast %mul3A_727 : i32 to vector<16xi32>
    %mul3A_729 = arith.muli %get3A_726, %mul3A_728 : vector<16xi32>
    %add3A_730 = arith.addi %mul3A_723, %mul3A_729 : vector<16xi32>
    %get3A_731 = arith.constant 432 : index
    %get3A_732 = tpu.vector_load %arg9[%get3A_731] {strides = array<i32>} : memref<10000xi32, #tpu.memory_space<vmem>>, vector<16xi32>,
    %get3A_733 = vector.shape_cast %get3A_732 : vector<16xi32> to vector<16xi32>
    %add3A_734 = arith.addi %add3A_730, %get3A_733 : vector<16xi32>
    %add3A_735 = vector.broadcast %mul3A_18 : i32 to vector<16xi32>
    %add3A_736 = arith.addi %add3A_734, %add3A_735 : vector<16xi32>
    %swap3A_737 = arith.constant 432 : index
    %swap3A_738 = tpu.vector_load %arg10[%swap3A_737] {strides = array<i32>} : memref<10000xi32, #tpu.memory_space<vmem>>, vector<16xi32>,
    %swap3A_739 = vector.shape_cast %swap3A_738 : vector<16xi32> to vector<16xi32>
    %swap3A_740 = vector.shape_cast %add3A_736 : vector<16xi32> to vector<16xi32>
    tpu.vector_store %arg10[%swap3A_737], %swap3A_740 {strides = array<i32>} : memref<10000xi32, #tpu.memory_space<vmem>>, vector<16xi32>,
    %get3A_741 = arith.constant 448 : index
    %get3A_742 = tpu.vector_load %arg7[%get3A_741] {strides = array<i32>} : memref<10000xi32, #tpu.memory_space<vmem>>, vector<16xi32>,
    %get3A_743 = vector.shape_cast %get3A_742 : vector<16xi32> to vector<16xi32>
    %mul3A_744 = arith.constant 12 : i32
    %mul3A_745 = vector.broadcast %mul3A_744 : i32 to vector<16xi32>
    %mul3A_746 = arith.muli %get3A_743, %mul3A_745 : vector<16xi32>
    %get3A_747 = arith.constant 448 : index
    %get3A_748 = tpu.vector_load %arg8[%get3A_747] {strides = array<i32>} : memref<10000xi32, #tpu.memory_space<vmem>>, vector<16xi32>,
    %get3A_749 = vector.shape_cast %get3A_748 : vector<16xi32> to vector<16xi32>
    %mul3A_750 = arith.constant 2 : i32
    %mul3A_751 = vector.broadcast %mul3A_750 : i32 to vector<16xi32>
    %mul3A_752 = arith.muli %get3A_749, %mul3A_751 : vector<16xi32>
    %add3A_753 = arith.addi %mul3A_746, %mul3A_752 : vector<16xi32>
    %get3A_754 = arith.constant 448 : index
    %get3A_755 = tpu.vector_load %arg9[%get3A_754] {strides = array<i32>} : memref<10000xi32, #tpu.memory_space<vmem>>, vector<16xi32>,
    %get3A_756 = vector.shape_cast %get3A_755 : vector<16xi32> to vector<16xi32>
    %add3A_757 = arith.addi %add3A_753, %get3A_756 : vector<16xi32>
    %add3A_758 = vector.broadcast %mul3A_18 : i32 to vector<16xi32>
    %add3A_759 = arith.addi %add3A_757, %add3A_758 : vector<16xi32>
    %swap3A_760 = arith.constant 448 : index
    %swap3A_761 = tpu.vector_load %arg10[%swap3A_760] {strides = array<i32>} : memref<10000xi32, #tpu.memory_space<vmem>>, vector<16xi32>,
    %swap3A_762 = vector.shape_cast %swap3A_761 : vector<16xi32> to vector<16xi32>
    %swap3A_763 = vector.shape_cast %add3A_759 : vector<16xi32> to vector<16xi32>
    tpu.vector_store %arg10[%swap3A_760], %swap3A_763 {strides = array<i32>} : memref<10000xi32, #tpu.memory_space<vmem>>, vector<16xi32>,
    %get3A_764 = arith.constant 464 : index
    %get3A_765 = tpu.vector_load %arg7[%get3A_764] {strides = array<i32>} : memref<10000xi32, #tpu.memory_space<vmem>>, vector<16xi32>,
    %get3A_766 = vector.shape_cast %get3A_765 : vector<16xi32> to vector<16xi32>
    %mul3A_767 = arith.constant 12 : i32
    %mul3A_768 = vector.broadcast %mul3A_767 : i32 to vector<16xi32>
    %mul3A_769 = arith.muli %get3A_766, %mul3A_768 : vector<16xi32>
    %get3A_770 = arith.constant 464 : index
    %get3A_771 = tpu.vector_load %arg8[%get3A_770] {strides = array<i32>} : memref<10000xi32, #tpu.memory_space<vmem>>, vector<16xi32>,
    %get3A_772 = vector.shape_cast %get3A_771 : vector<16xi32> to vector<16xi32>
    %mul3A_773 = arith.constant 2 : i32
    %mul3A_774 = vector.broadcast %mul3A_773 : i32 to vector<16xi32>
    %mul3A_775 = arith.muli %get3A_772, %mul3A_774 : vector<16xi32>
    %add3A_776 = arith.addi %mul3A_769, %mul3A_775 : vector<16xi32>
    %get3A_777 = arith.constant 464 : index
    %get3A_778 = tpu.vector_load %arg9[%get3A_777] {strides = array<i32>} : memref<10000xi32, #tpu.memory_space<vmem>>, vector<16xi32>,
    %get3A_779 = vector.shape_cast %get3A_778 : vector<16xi32> to vector<16xi32>
    %add3A_780 = arith.addi %add3A_776, %get3A_779 : vector<16xi32>
    %add3A_781 = vector.broadcast %mul3A_18 : i32 to vector<16xi32>
    %add3A_782 = arith.addi %add3A_780, %add3A_781 : vector<16xi32>
    %swap3A_783 = arith.constant 464 : index
    %swap3A_784 = tpu.vector_load %arg10[%swap3A_783] {strides = array<i32>} : memref<10000xi32, #tpu.memory_space<vmem>>, vector<16xi32>,
    %swap3A_785 = vector.shape_cast %swap3A_784 : vector<16xi32> to vector<16xi32>
    %swap3A_786 = vector.shape_cast %add3A_782 : vector<16xi32> to vector<16xi32>
    tpu.vector_store %arg10[%swap3A_783], %swap3A_786 {strides = array<i32>} : memref<10000xi32, #tpu.memory_space<vmem>>, vector<16xi32>,
    %dma_start3A_787 = arith.constant 5 : i32
    %dma_start3A_788 = arith.constant 0 : i32
    %dma_start3A_789 = arith.constant 0 : i32
    %dma_start3A_790 = tpu.memref_slice %arg11[%dma_start3A_787, %dma_start3A_788, %dma_start3A_789] : memref<8x80x128xf32, #tpu.memory_space<vmem>> -> memref<1x80x128xf32, #tpu.memory_space<vmem>>
    %dma_start3A_791 = tpu.memref_squeeze %dma_start3A_790 : memref<1x80x128xf32, #tpu.memory_space<vmem>> -> memref<80x128xf32, #tpu.memory_space<vmem>>
    %dma_start3A_792 = arith.constant 400 : i32
    %dma_start3A_793 = tpu.memref_slice %arg10[%dma_start3A_792] : memref<10000xi32, #tpu.memory_space<vmem>> -> memref<80xi32, #tpu.memory_space<vmem>>
    %dma_start3A_794 = arith.constant 0 : i32
    %dma_start3A_795 = arith.constant 0 : i32
    %dma_start3A_796 = tpu.memref_slice %arg12[%dma_start3A_794, %dma_start3A_795] : memref<1024x128xf32, #tpu.memory_space<vmem_shared>> -> memref<1024x128xf32, #tpu.memory_space<vmem_shared>>
    tpu.enqueue_indirect_dma source(%dma_start3A_796 : memref<1024x128xf32, #tpu.memory_space<vmem_shared>>) target(%dma_start3A_791 : memref<80x128xf32, #tpu.memory_space<vmem>>) offsets(%dma_start3A_793 : memref<80xi32, #tpu.memory_space<vmem>>) semaphore(%arg13 : memref<!tpu.dma_semaphore, #tpu.memory_space<semaphore_mem>>)
    %dma_wait3A_797 = arith.constant 1 : i32
    %dma_wait3A_798 = arith.constant 0 : i32
    %dma_wait3A_799 = arith.constant 0 : i32
    %dma_wait3A_800 = tpu.memref_slice %arg11[%dma_wait3A_797, %dma_wait3A_798, %dma_wait3A_799] : memref<8x80x128xf32, #tpu.memory_space<vmem>> -> memref<1x80x128xf32, #tpu.memory_space<vmem>>
    %dma_wait3A_801 = tpu.memref_squeeze %dma_wait3A_800 : memref<1x80x128xf32, #tpu.memory_space<vmem>> -> memref<80x128xf32, #tpu.memory_space<vmem>>
    %dma_wait3A_802 = arith.constant 0 : i32
    %dma_wait3A_803 = arith.constant 0 : i32
    %dma_wait3A_804 = tpu.memref_slice %arg6[%dma_wait3A_802, %dma_wait3A_803] : memref<320000x128xf32, #tpu.memory_space<hbm>> -> memref<80x128xf32, #tpu.memory_space<hbm>>
    %dma_wait3A_805 = arith.constant 0 : i32
    %dma_wait3A_806 = arith.constant 0 : i32
    %dma_wait3A_807 = tpu.memref_slice %arg11[%dma_wait3A_797, %dma_wait3A_805, %dma_wait3A_806] : memref<8x80x128xf32, #tpu.memory_space<vmem>> -> memref<1x80x128xf32, #tpu.memory_space<vmem>>
    %dma_wait3A_808 = tpu.memref_squeeze %dma_wait3A_807 : memref<1x80x128xf32, #tpu.memory_space<vmem>> -> memref<80x128xf32, #tpu.memory_space<vmem>>
    %dma_wait3A_809 = arith.constant 0 : i32
    %dma_wait3A_810 = arith.constant 0 : i32
    %dma_wait3A_811 = tpu.memref_slice %arg6[%dma_wait3A_809, %dma_wait3A_810] : memref<320000x128xf32, #tpu.memory_space<hbm>> -> memref<80x128xf32, #tpu.memory_space<hbm>>
    tpu.wait_dma2 semaphore(%arg13 : memref<!tpu.dma_semaphore, #tpu.memory_space<semaphore_mem>>) src(%dma_wait3A_811 : memref<80x128xf32, #tpu.memory_space<hbm>>) dst(%dma_wait3A_808 : memref<80x128xf32, #tpu.memory_space<vmem>>)
    %add3A_812 = arith.constant 80 : i32
    %add3A_813 = arith.addi %mul3A_2, %add3A_812 : i32
    %dma_start3A_814 = arith.constant 1 : i32
    %dma_start3A_815 = arith.constant 0 : i32
    %dma_start3A_816 = arith.constant 0 : i32
    %dma_start3A_817 = tpu.memref_slice %arg11[%dma_start3A_814, %dma_start3A_815, %dma_start3A_816] : memref<8x80x128xf32, #tpu.memory_space<vmem>> -> memref<1x80x128xf32, #tpu.memory_space<vmem>>
    %dma_start3A_818 = tpu.memref_squeeze %dma_start3A_817 : memref<1x80x128xf32, #tpu.memory_space<vmem>> -> memref<80x128xf32, #tpu.memory_space<vmem>>
    %dma_start3A_819 = arith.constant 0 : i32
    %dma_start3A_820 = tpu.memref_slice %arg6[%add3A_813, %dma_start3A_819] : memref<320000x128xf32, #tpu.memory_space<hbm>> -> memref<80x128xf32, #tpu.memory_space<hbm>>
    %dma_start3A_821 = arith.constant 0 : i32
    %dma_start3A_822 = tpu.memref_slice %arg6[%add3A_813, %dma_start3A_821] : memref<320000x128xf32, #tpu.memory_space<hbm>> -> memref<80x128xf32, #tpu.memory_space<hbm>>
    %dma_start3A_823 = arith.constant 0 : i32
    %dma_start3A_824 = arith.constant 0 : i32
    %dma_start3A_825 = tpu.memref_slice %arg11[%dma_start3A_814, %dma_start3A_823, %dma_start3A_824] : memref<8x80x128xf32, #tpu.memory_space<vmem>> -> memref<1x80x128xf32, #tpu.memory_space<vmem>>
    %dma_start3A_826 = tpu.memref_squeeze %dma_start3A_825 : memref<1x80x128xf32, #tpu.memory_space<vmem>> -> memref<80x128xf32, #tpu.memory_space<vmem>>
    tpu.enqueue_dma source(%dma_start3A_826 : memref<80x128xf32, #tpu.memory_space<vmem>>) target(%dma_start3A_822 : memref<80x128xf32, #tpu.memory_space<hbm>>) target_semaphore(%arg14 : memref<!tpu.dma_semaphore, #tpu.memory_space<semaphore_mem>>)
    %get3A_827 = arith.constant 480 : index
    %get3A_828 = tpu.vector_load %arg7[%get3A_827] {strides = array<i32>} : memref<10000xi32, #tpu.memory_space<vmem>>, vector<16xi32>,
    %get3A_829 = vector.shape_cast %get3A_828 : vector<16xi32> to vector<16xi32>
    %mul3A_830 = arith.constant 12 : i32
    %mul3A_831 = vector.broadcast %mul3A_830 : i32 to vector<16xi32>
    %mul3A_832 = arith.muli %get3A_829, %mul3A_831 : vector<16xi32>
    %get3A_833 = arith.constant 480 : index
    %get3A_834 = tpu.vector_load %arg8[%get3A_833] {strides = array<i32>} : memref<10000xi32, #tpu.memory_space<vmem>>, vector<16xi32>,
    %get3A_835 = vector.shape_cast %get3A_834 : vector<16xi32> to vector<16xi32>
    %mul3A_836 = arith.constant 2 : i32
    %mul3A_837 = vector.broadcast %mul3A_836 : i32 to vector<16xi32>
    %mul3A_838 = arith.muli %get3A_835, %mul3A_837 : vector<16xi32>
    %add3A_839 = arith.addi %mul3A_832, %mul3A_838 : vector<16xi32>
    %get3A_840 = arith.constant 480 : index
    %get3A_841 = tpu.vector_load %arg9[%get3A_840] {strides = array<i32>} : memref<10000xi32, #tpu.memory_space<vmem>>, vector<16xi32>,
    %get3A_842 = vector.shape_cast %get3A_841 : vector<16xi32> to vector<16xi32>
    %add3A_843 = arith.addi %add3A_839, %get3A_842 : vector<16xi32>
    %add3A_844 = vector.broadcast %mul3A_18 : i32 to vector<16xi32>
    %add3A_845 = arith.addi %add3A_843, %add3A_844 : vector<16xi32>
    %swap3A_846 = arith.constant 480 : index
    %swap3A_847 = tpu.vector_load %arg10[%swap3A_846] {strides = array<i32>} : memref<10000xi32, #tpu.memory_space<vmem>>, vector<16xi32>,
    %swap3A_848 = vector.shape_cast %swap3A_847 : vector<16xi32> to vector<16xi32>
    %swap3A_849 = vector.shape_cast %add3A_845 : vector<16xi32> to vector<16xi32>
    tpu.vector_store %arg10[%swap3A_846], %swap3A_849 {strides = array<i32>} : memref<10000xi32, #tpu.memory_space<vmem>>, vector<16xi32>,
    %get3A_850 = arith.constant 496 : index
    %get3A_851 = tpu.vector_load %arg7[%get3A_850] {strides = array<i32>} : memref<10000xi32, #tpu.memory_space<vmem>>, vector<16xi32>,
    %get3A_852 = vector.shape_cast %get3A_851 : vector<16xi32> to vector<16xi32>
    %mul3A_853 = arith.constant 12 : i32
    %mul3A_854 = vector.broadcast %mul3A_853 : i32 to vector<16xi32>
    %mul3A_855 = arith.muli %get3A_852, %mul3A_854 : vector<16xi32>
    %get3A_856 = arith.constant 496 : index
    %get3A_857 = tpu.vector_load %arg8[%get3A_856] {strides = array<i32>} : memref<10000xi32, #tpu.memory_space<vmem>>, vector<16xi32>,
    %get3A_858 = vector.shape_cast %get3A_857 : vector<16xi32> to vector<16xi32>
    %mul3A_859 = arith.constant 2 : i32
    %mul3A_860 = vector.broadcast %mul3A_859 : i32 to vector<16xi32>
    %mul3A_861 = arith.muli %get3A_858, %mul3A_860 : vector<16xi32>
    %add3A_862 = arith.addi %mul3A_855, %mul3A_861 : vector<16xi32>
    %get3A_863 = arith.constant 496 : index
    %get3A_864 = tpu.vector_load %arg9[%get3A_863] {strides = array<i32>} : memref<10000xi32, #tpu.memory_space<vmem>>, vector<16xi32>,
    %get3A_865 = vector.shape_cast %get3A_864 : vector<16xi32> to vector<16xi32>
    %add3A_866 = arith.addi %add3A_862, %get3A_865 : vector<16xi32>
    %add3A_867 = vector.broadcast %mul3A_18 : i32 to vector<16xi32>
    %add3A_868 = arith.addi %add3A_866, %add3A_867 : vector<16xi32>
    %swap3A_869 = arith.constant 496 : index
    %swap3A_870 = tpu.vector_load %arg10[%swap3A_869] {strides = array<i32>} : memref<10000xi32, #tpu.memory_space<vmem>>, vector<16xi32>,
    %swap3A_871 = vector.shape_cast %swap3A_870 : vector<16xi32> to vector<16xi32>
    %swap3A_872 = vector.shape_cast %add3A_868 : vector<16xi32> to vector<16xi32>
    tpu.vector_store %arg10[%swap3A_869], %swap3A_872 {strides = array<i32>} : memref<10000xi32, #tpu.memory_space<vmem>>, vector<16xi32>,
    %get3A_873 = arith.constant 512 : index
    %get3A_874 = tpu.vector_load %arg7[%get3A_873] {strides = array<i32>} : memref<10000xi32, #tpu.memory_space<vmem>>, vector<16xi32>,
    %get3A_875 = vector.shape_cast %get3A_874 : vector<16xi32> to vector<16xi32>
    %mul3A_876 = arith.constant 12 : i32
    %mul3A_877 = vector.broadcast %mul3A_876 : i32 to vector<16xi32>
    %mul3A_878 = arith.muli %get3A_875, %mul3A_877 : vector<16xi32>
    %get3A_879 = arith.constant 512 : index
    %get3A_880 = tpu.vector_load %arg8[%get3A_879] {strides = array<i32>} : memref<10000xi32, #tpu.memory_space<vmem>>, vector<16xi32>,
    %get3A_881 = vector.shape_cast %get3A_880 : vector<16xi32> to vector<16xi32>
    %mul3A_882 = arith.constant 2 : i32
    %mul3A_883 = vector.broadcast %mul3A_882 : i32 to vector<16xi32>
    %mul3A_884 = arith.muli %get3A_881, %mul3A_883 : vector<16xi32>
    %add3A_885 = arith.addi %mul3A_878, %mul3A_884 : vector<16xi32>
    %get3A_886 = arith.constant 512 : index
    %get3A_887 = tpu.vector_load %arg9[%get3A_886] {strides = array<i32>} : memref<10000xi32, #tpu.memory_space<vmem>>, vector<16xi32>,
    %get3A_888 = vector.shape_cast %get3A_887 : vector<16xi32> to vector<16xi32>
    %add3A_889 = arith.addi %add3A_885, %get3A_888 : vector<16xi32>
    %add3A_890 = vector.broadcast %mul3A_18 : i32 to vector<16xi32>
    %add3A_891 = arith.addi %add3A_889, %add3A_890 : vector<16xi32>
    %swap3A_892 = arith.constant 512 : index
    %swap3A_893 = tpu.vector_load %arg10[%swap3A_892] {strides = array<i32>} : memref<10000xi32, #tpu.memory_space<vmem>>, vector<16xi32>,
    %swap3A_894 = vector.shape_cast %swap3A_893 : vector<16xi32> to vector<16xi32>
    %swap3A_895 = vector.shape_cast %add3A_891 : vector<16xi32> to vector<16xi32>
    tpu.vector_store %arg10[%swap3A_892], %swap3A_895 {strides = array<i32>} : memref<10000xi32, #tpu.memory_space<vmem>>, vector<16xi32>,
    %get3A_896 = arith.constant 528 : index
    %get3A_897 = tpu.vector_load %arg7[%get3A_896] {strides = array<i32>} : memref<10000xi32, #tpu.memory_space<vmem>>, vector<16xi32>,
    %get3A_898 = vector.shape_cast %get3A_897 : vector<16xi32> to vector<16xi32>
    %mul3A_899 = arith.constant 12 : i32
    %mul3A_900 = vector.broadcast %mul3A_899 : i32 to vector<16xi32>
    %mul3A_901 = arith.muli %get3A_898, %mul3A_900 : vector<16xi32>
    %get3A_902 = arith.constant 528 : index
    %get3A_903 = tpu.vector_load %arg8[%get3A_902] {strides = array<i32>} : memref<10000xi32, #tpu.memory_space<vmem>>, vector<16xi32>,
    %get3A_904 = vector.shape_cast %get3A_903 : vector<16xi32> to vector<16xi32>
    %mul3A_905 = arith.constant 2 : i32
    %mul3A_906 = vector.broadcast %mul3A_905 : i32 to vector<16xi32>
    %mul3A_907 = arith.muli %get3A_904, %mul3A_906 : vector<16xi32>
    %add3A_908 = arith.addi %mul3A_901, %mul3A_907 : vector<16xi32>
    %get3A_909 = arith.constant 528 : index
    %get3A_910 = tpu.vector_load %arg9[%get3A_909] {strides = array<i32>} : memref<10000xi32, #tpu.memory_space<vmem>>, vector<16xi32>,
    %get3A_911 = vector.shape_cast %get3A_910 : vector<16xi32> to vector<16xi32>
    %add3A_912 = arith.addi %add3A_908, %get3A_911 : vector<16xi32>
    %add3A_913 = vector.broadcast %mul3A_18 : i32 to vector<16xi32>
    %add3A_914 = arith.addi %add3A_912, %add3A_913 : vector<16xi32>
    %swap3A_915 = arith.constant 528 : index
    %swap3A_916 = tpu.vector_load %arg10[%swap3A_915] {strides = array<i32>} : memref<10000xi32, #tpu.memory_space<vmem>>, vector<16xi32>,
    %swap3A_917 = vector.shape_cast %swap3A_916 : vector<16xi32> to vector<16xi32>
    %swap3A_918 = vector.shape_cast %add3A_914 : vector<16xi32> to vector<16xi32>
    tpu.vector_store %arg10[%swap3A_915], %swap3A_918 {strides = array<i32>} : memref<10000xi32, #tpu.memory_space<vmem>>, vector<16xi32>,
    %get3A_919 = arith.constant 544 : index
    %get3A_920 = tpu.vector_load %arg7[%get3A_919] {strides = array<i32>} : memref<10000xi32, #tpu.memory_space<vmem>>, vector<16xi32>,
    %get3A_921 = vector.shape_cast %get3A_920 : vector<16xi32> to vector<16xi32>
    %mul3A_922 = arith.constant 12 : i32
    %mul3A_923 = vector.broadcast %mul3A_922 : i32 to vector<16xi32>
    %mul3A_924 = arith.muli %get3A_921, %mul3A_923 : vector<16xi32>
    %get3A_925 = arith.constant 544 : index
    %get3A_926 = tpu.vector_load %arg8[%get3A_925] {strides = array<i32>} : memref<10000xi32, #tpu.memory_space<vmem>>, vector<16xi32>,
    %get3A_927 = vector.shape_cast %get3A_926 : vector<16xi32> to vector<16xi32>
    %mul3A_928 = arith.constant 2 : i32
    %mul3A_929 = vector.broadcast %mul3A_928 : i32 to vector<16xi32>
    %mul3A_930 = arith.muli %get3A_927, %mul3A_929 : vector<16xi32>
    %add3A_931 = arith.addi %mul3A_924, %mul3A_930 : vector<16xi32>
    %get3A_932 = arith.constant 544 : index
    %get3A_933 = tpu.vector_load %arg9[%get3A_932] {strides = array<i32>} : memref<10000xi32, #tpu.memory_space<vmem>>, vector<16xi32>,
    %get3A_934 = vector.shape_cast %get3A_933 : vector<16xi32> to vector<16xi32>
    %add3A_935 = arith.addi %add3A_931, %get3A_934 : vector<16xi32>
    %add3A_936 = vector.broadcast %mul3A_18 : i32 to vector<16xi32>
    %add3A_937 = arith.addi %add3A_935, %add3A_936 : vector<16xi32>
    %swap3A_938 = arith.constant 544 : index
    %swap3A_939 = tpu.vector_load %arg10[%swap3A_938] {strides = array<i32>} : memref<10000xi32, #tpu.memory_space<vmem>>, vector<16xi32>,
    %swap3A_940 = vector.shape_cast %swap3A_939 : vector<16xi32> to vector<16xi32>
    %swap3A_941 = vector.shape_cast %add3A_937 : vector<16xi32> to vector<16xi32>
    tpu.vector_store %arg10[%swap3A_938], %swap3A_941 {strides = array<i32>} : memref<10000xi32, #tpu.memory_space<vmem>>, vector<16xi32>,
    %dma_start3A_942 = arith.constant 6 : i32
    %dma_start3A_943 = arith.constant 0 : i32
    %dma_start3A_944 = arith.constant 0 : i32
    %dma_start3A_945 = tpu.memref_slice %arg11[%dma_start3A_942, %dma_start3A_943, %dma_start3A_944] : memref<8x80x128xf32, #tpu.memory_space<vmem>> -> memref<1x80x128xf32, #tpu.memory_space<vmem>>
    %dma_start3A_946 = tpu.memref_squeeze %dma_start3A_945 : memref<1x80x128xf32, #tpu.memory_space<vmem>> -> memref<80x128xf32, #tpu.memory_space<vmem>>
    %dma_start3A_947 = arith.constant 480 : i32
    %dma_start3A_948 = tpu.memref_slice %arg10[%dma_start3A_947] : memref<10000xi32, #tpu.memory_space<vmem>> -> memref<80xi32, #tpu.memory_space<vmem>>
    %dma_start3A_949 = arith.constant 0 : i32
    %dma_start3A_950 = arith.constant 0 : i32
    %dma_start3A_951 = tpu.memref_slice %arg12[%dma_start3A_949, %dma_start3A_950] : memref<1024x128xf32, #tpu.memory_space<vmem_shared>> -> memref<1024x128xf32, #tpu.memory_space<vmem_shared>>
    tpu.enqueue_indirect_dma source(%dma_start3A_951 : memref<1024x128xf32, #tpu.memory_space<vmem_shared>>) target(%dma_start3A_946 : memref<80x128xf32, #tpu.memory_space<vmem>>) offsets(%dma_start3A_948 : memref<80xi32, #tpu.memory_space<vmem>>) semaphore(%arg13 : memref<!tpu.dma_semaphore, #tpu.memory_space<semaphore_mem>>)
    %dma_wait3A_952 = arith.constant 2 : i32
    %dma_wait3A_953 = arith.constant 0 : i32
    %dma_wait3A_954 = arith.constant 0 : i32
    %dma_wait3A_955 = tpu.memref_slice %arg11[%dma_wait3A_952, %dma_wait3A_953, %dma_wait3A_954] : memref<8x80x128xf32, #tpu.memory_space<vmem>> -> memref<1x80x128xf32, #tpu.memory_space<vmem>>
    %dma_wait3A_956 = tpu.memref_squeeze %dma_wait3A_955 : memref<1x80x128xf32, #tpu.memory_space<vmem>> -> memref<80x128xf32, #tpu.memory_space<vmem>>
    %dma_wait3A_957 = arith.constant 0 : i32
    %dma_wait3A_958 = arith.constant 0 : i32
    %dma_wait3A_959 = tpu.memref_slice %arg6[%dma_wait3A_957, %dma_wait3A_958] : memref<320000x128xf32, #tpu.memory_space<hbm>> -> memref<80x128xf32, #tpu.memory_space<hbm>>
    %dma_wait3A_960 = arith.constant 0 : i32
    %dma_wait3A_961 = arith.constant 0 : i32
    %dma_wait3A_962 = tpu.memref_slice %arg11[%dma_wait3A_952, %dma_wait3A_960, %dma_wait3A_961] : memref<8x80x128xf32, #tpu.memory_space<vmem>> -> memref<1x80x128xf32, #tpu.memory_space<vmem>>
    %dma_wait3A_963 = tpu.memref_squeeze %dma_wait3A_962 : memref<1x80x128xf32, #tpu.memory_space<vmem>> -> memref<80x128xf32, #tpu.memory_space<vmem>>
    %dma_wait3A_964 = arith.constant 0 : i32
    %dma_wait3A_965 = arith.constant 0 : i32
    %dma_wait3A_966 = tpu.memref_slice %arg6[%dma_wait3A_964, %dma_wait3A_965] : memref<320000x128xf32, #tpu.memory_space<hbm>> -> memref<80x128xf32, #tpu.memory_space<hbm>>
    tpu.wait_dma2 semaphore(%arg13 : memref<!tpu.dma_semaphore, #tpu.memory_space<semaphore_mem>>) src(%dma_wait3A_966 : memref<80x128xf32, #tpu.memory_space<hbm>>) dst(%dma_wait3A_963 : memref<80x128xf32, #tpu.memory_space<vmem>>)
    %add3A_967 = arith.constant 160 : i32
    %add3A_968 = arith.addi %mul3A_2, %add3A_967 : i32
    %dma_start3A_969 = arith.constant 2 : i32
    %dma_start3A_970 = arith.constant 0 : i32
    %dma_start3A_971 = arith.constant 0 : i32
    %dma_start3A_972 = tpu.memref_slice %arg11[%dma_start3A_969, %dma_start3A_970, %dma_start3A_971] : memref<8x80x128xf32, #tpu.memory_space<vmem>> -> memref<1x80x128xf32, #tpu.memory_space<vmem>>
    %dma_start3A_973 = tpu.memref_squeeze %dma_start3A_972 : memref<1x80x128xf32, #tpu.memory_space<vmem>> -> memref<80x128xf32, #tpu.memory_space<vmem>>
    %dma_start3A_974 = arith.constant 0 : i32
    %dma_start3A_975 = tpu.memref_slice %arg6[%add3A_968, %dma_start3A_974] : memref<320000x128xf32, #tpu.memory_space<hbm>> -> memref<80x128xf32, #tpu.memory_space<hbm>>
    %dma_start3A_976 = arith.constant 0 : i32
    %dma_start3A_977 = tpu.memref_slice %arg6[%add3A_968, %dma_start3A_976] : memref<320000x128xf32, #tpu.memory_space<hbm>> -> memref<80x128xf32, #tpu.memory_space<hbm>>
    %dma_start3A_978 = arith.constant 0 : i32
    %dma_start3A_979 = arith.constant 0 : i32
    %dma_start3A_980 = tpu.memref_slice %arg11[%dma_start3A_969, %dma_start3A_978, %dma_start3A_979] : memref<8x80x128xf32, #tpu.memory_space<vmem>> -> memref<1x80x128xf32, #tpu.memory_space<vmem>>
    %dma_start3A_981 = tpu.memref_squeeze %dma_start3A_980 : memref<1x80x128xf32, #tpu.memory_space<vmem>> -> memref<80x128xf32, #tpu.memory_space<vmem>>
    tpu.enqueue_dma source(%dma_start3A_981 : memref<80x128xf32, #tpu.memory_space<vmem>>) target(%dma_start3A_977 : memref<80x128xf32, #tpu.memory_space<hbm>>) target_semaphore(%arg14 : memref<!tpu.dma_semaphore, #tpu.memory_space<semaphore_mem>>)
    %get3A_982 = arith.constant 560 : index
    %get3A_983 = tpu.vector_load %arg7[%get3A_982] {strides = array<i32>} : memref<10000xi32, #tpu.memory_space<vmem>>, vector<16xi32>,
    %get3A_984 = vector.shape_cast %get3A_983 : vector<16xi32> to vector<16xi32>
    %mul3A_985 = arith.constant 12 : i32
    %mul3A_986 = vector.broadcast %mul3A_985 : i32 to vector<16xi32>
    %mul3A_987 = arith.muli %get3A_984, %mul3A_986 : vector<16xi32>
    %get3A_988 = arith.constant 560 : index
    %get3A_989 = tpu.vector_load %arg8[%get3A_988] {strides = array<i32>} : memref<10000xi32, #tpu.memory_space<vmem>>, vector<16xi32>,
    %get3A_990 = vector.shape_cast %get3A_989 : vector<16xi32> to vector<16xi32>
    %mul3A_991 = arith.constant 2 : i32
    %mul3A_992 = vector.broadcast %mul3A_991 : i32 to vector<16xi32>
    %mul3A_993 = arith.muli %get3A_990, %mul3A_992 : vector<16xi32>
    %add3A_994 = arith.addi %mul3A_987, %mul3A_993 : vector<16xi32>
    %get3A_995 = arith.constant 560 : index
    %get3A_996 = tpu.vector_load %arg9[%get3A_995] {strides = array<i32>} : memref<10000xi32, #tpu.memory_space<vmem>>, vector<16xi32>,
    %get3A_997 = vector.shape_cast %get3A_996 : vector<16xi32> to vector<16xi32>
    %add3A_998 = arith.addi %add3A_994, %get3A_997 : vector<16xi32>
    %add3A_999 = vector.broadcast %mul3A_18 : i32 to vector<16xi32>
    %add3A_1000 = arith.addi %add3A_998, %add3A_999 : vector<16xi32>
    %swap3A_1001 = arith.constant 560 : index
    %swap3A_1002 = tpu.vector_load %arg10[%swap3A_1001] {strides = array<i32>} : memref<10000xi32, #tpu.memory_space<vmem>>, vector<16xi32>,
    %swap3A_1003 = vector.shape_cast %swap3A_1002 : vector<16xi32> to vector<16xi32>
    %swap3A_1004 = vector.shape_cast %add3A_1000 : vector<16xi32> to vector<16xi32>
    tpu.vector_store %arg10[%swap3A_1001], %swap3A_1004 {strides = array<i32>} : memref<10000xi32, #tpu.memory_space<vmem>>, vector<16xi32>,
    %get3A_1005 = arith.constant 576 : index
    %get3A_1006 = tpu.vector_load %arg7[%get3A_1005] {strides = array<i32>} : memref<10000xi32, #tpu.memory_space<vmem>>, vector<16xi32>,
    %get3A_1007 = vector.shape_cast %get3A_1006 : vector<16xi32> to vector<16xi32>
    %mul3A_1008 = arith.constant 12 : i32
    %mul3A_1009 = vector.broadcast %mul3A_1008 : i32 to vector<16xi32>
    %mul3A_1010 = arith.muli %get3A_1007, %mul3A_1009 : vector<16xi32>
    %get3A_1011 = arith.constant 576 : index
    %get3A_1012 = tpu.vector_load %arg8[%get3A_1011] {strides = array<i32>} : memref<10000xi32, #tpu.memory_space<vmem>>, vector<16xi32>,
    %get3A_1013 = vector.shape_cast %get3A_1012 : vector<16xi32> to vector<16xi32>
    %mul3A_1014 = arith.constant 2 : i32
    %mul3A_1015 = vector.broadcast %mul3A_1014 : i32 to vector<16xi32>
    %mul3A_1016 = arith.muli %get3A_1013, %mul3A_1015 : vector<16xi32>
    %add3A_1017 = arith.addi %mul3A_1010, %mul3A_1016 : vector<16xi32>
    %get3A_1018 = arith.constant 576 : index
    %get3A_1019 = tpu.vector_load %arg9[%get3A_1018] {strides = array<i32>} : memref<10000xi32, #tpu.memory_space<vmem>>, vector<16xi32>,
    %get3A_1020 = vector.shape_cast %get3A_1019 : vector<16xi32> to vector<16xi32>
    %add3A_1021 = arith.addi %add3A_1017, %get3A_1020 : vector<16xi32>
    %add3A_1022 = vector.broadcast %mul3A_18 : i32 to vector<16xi32>
    %add3A_1023 = arith.addi %add3A_1021, %add3A_1022 : vector<16xi32>
    %swap3A_1024 = arith.constant 576 : index
    %swap3A_1025 = tpu.vector_load %arg10[%swap3A_1024] {strides = array<i32>} : memref<10000xi32, #tpu.memory_space<vmem>>, vector<16xi32>,
    %swap3A_1026 = vector.shape_cast %swap3A_1025 : vector<16xi32> to vector<16xi32>
    %swap3A_1027 = vector.shape_cast %add3A_1023 : vector<16xi32> to vector<16xi32>
    tpu.vector_store %arg10[%swap3A_1024], %swap3A_1027 {strides = array<i32>} : memref<10000xi32, #tpu.memory_space<vmem>>, vector<16xi32>,
    %get3A_1028 = arith.constant 592 : index
    %get3A_1029 = tpu.vector_load %arg7[%get3A_1028] {strides = array<i32>} : memref<10000xi32, #tpu.memory_space<vmem>>, vector<16xi32>,
    %get3A_1030 = vector.shape_cast %get3A_1029 : vector<16xi32> to vector<16xi32>
    %mul3A_1031 = arith.constant 12 : i32
    %mul3A_1032 = vector.broadcast %mul3A_1031 : i32 to vector<16xi32>
    %mul3A_1033 = arith.muli %get3A_1030, %mul3A_1032 : vector<16xi32>
    %get3A_1034 = arith.constant 592 : index
    %get3A_1035 = tpu.vector_load %arg8[%get3A_1034] {strides = array<i32>} : memref<10000xi32, #tpu.memory_space<vmem>>, vector<16xi32>,
    %get3A_1036 = vector.shape_cast %get3A_1035 : vector<16xi32> to vector<16xi32>
    %mul3A_1037 = arith.constant 2 : i32
    %mul3A_1038 = vector.broadcast %mul3A_1037 : i32 to vector<16xi32>
    %mul3A_1039 = arith.muli %get3A_1036, %mul3A_1038 : vector<16xi32>
    %add3A_1040 = arith.addi %mul3A_1033, %mul3A_1039 : vector<16xi32>
    %get3A_1041 = arith.constant 592 : index
    %get3A_1042 = tpu.vector_load %arg9[%get3A_1041] {strides = array<i32>} : memref<10000xi32, #tpu.memory_space<vmem>>, vector<16xi32>,
    %get3A_1043 = vector.shape_cast %get3A_1042 : vector<16xi32> to vector<16xi32>
    %add3A_1044 = arith.addi %add3A_1040, %get3A_1043 : vector<16xi32>
    %add3A_1045 = vector.broadcast %mul3A_18 : i32 to vector<16xi32>
    %add3A_1046 = arith.addi %add3A_1044, %add3A_1045 : vector<16xi32>
    %swap3A_1047 = arith.constant 592 : index
    %swap3A_1048 = tpu.vector_load %arg10[%swap3A_1047] {strides = array<i32>} : memref<10000xi32, #tpu.memory_space<vmem>>, vector<16xi32>,
    %swap3A_1049 = vector.shape_cast %swap3A_1048 : vector<16xi32> to vector<16xi32>
    %swap3A_1050 = vector.shape_cast %add3A_1046 : vector<16xi32> to vector<16xi32>
    tpu.vector_store %arg10[%swap3A_1047], %swap3A_1050 {strides = array<i32>} : memref<10000xi32, #tpu.memory_space<vmem>>, vector<16xi32>,
    %get3A_1051 = arith.constant 608 : index
    %get3A_1052 = tpu.vector_load %arg7[%get3A_1051] {strides = array<i32>} : memref<10000xi32, #tpu.memory_space<vmem>>, vector<16xi32>,
    %get3A_1053 = vector.shape_cast %get3A_1052 : vector<16xi32> to vector<16xi32>
    %mul3A_1054 = arith.constant 12 : i32
    %mul3A_1055 = vector.broadcast %mul3A_1054 : i32 to vector<16xi32>
    %mul3A_1056 = arith.muli %get3A_1053, %mul3A_1055 : vector<16xi32>
    %get3A_1057 = arith.constant 608 : index
    %get3A_1058 = tpu.vector_load %arg8[%get3A_1057] {strides = array<i32>} : memref<10000xi32, #tpu.memory_space<vmem>>, vector<16xi32>,
    %get3A_1059 = vector.shape_cast %get3A_1058 : vector<16xi32> to vector<16xi32>
    %mul3A_1060 = arith.constant 2 : i32
    %mul3A_1061 = vector.broadcast %mul3A_1060 : i32 to vector<16xi32>
    %mul3A_1062 = arith.muli %get3A_1059, %mul3A_1061 : vector<16xi32>
    %add3A_1063 = arith.addi %mul3A_1056, %mul3A_1062 : vector<16xi32>
    %get3A_1064 = arith.constant 608 : index
    %get3A_1065 = tpu.vector_load %arg9[%get3A_1064] {strides = array<i32>} : memref<10000xi32, #tpu.memory_space<vmem>>, vector<16xi32>,
    %get3A_1066 = vector.shape_cast %get3A_1065 : vector<16xi32> to vector<16xi32>
    %add3A_1067 = arith.addi %add3A_1063, %get3A_1066 : vector<16xi32>
    %add3A_1068 = vector.broadcast %mul3A_18 : i32 to vector<16xi32>
    %add3A_1069 = arith.addi %add3A_1067, %add3A_1068 : vector<16xi32>
    %swap3A_1070 = arith.constant 608 : index
    %swap3A_1071 = tpu.vector_load %arg10[%swap3A_1070] {strides = array<i32>} : memref<10000xi32, #tpu.memory_space<vmem>>, vector<16xi32>,
    %swap3A_1072 = vector.shape_cast %swap3A_1071 : vector<16xi32> to vector<16xi32>
    %swap3A_1073 = vector.shape_cast %add3A_1069 : vector<16xi32> to vector<16xi32>
    tpu.vector_store %arg10[%swap3A_1070], %swap3A_1073 {strides = array<i32>} : memref<10000xi32, #tpu.memory_space<vmem>>, vector<16xi32>,
    %get3A_1074 = arith.constant 624 : index
    %get3A_1075 = tpu.vector_load %arg7[%get3A_1074] {strides = array<i32>} : memref<10000xi32, #tpu.memory_space<vmem>>, vector<16xi32>,
    %get3A_1076 = vector.shape_cast %get3A_1075 : vector<16xi32> to vector<16xi32>
    %mul3A_1077 = arith.constant 12 : i32
    %mul3A_1078 = vector.broadcast %mul3A_1077 : i32 to vector<16xi32>
    %mul3A_1079 = arith.muli %get3A_1076, %mul3A_1078 : vector<16xi32>
    %get3A_1080 = arith.constant 624 : index
    %get3A_1081 = tpu.vector_load %arg8[%get3A_1080] {strides = array<i32>} : memref<10000xi32, #tpu.memory_space<vmem>>, vector<16xi32>,
    %get3A_1082 = vector.shape_cast %get3A_1081 : vector<16xi32> to vector<16xi32>
    %mul3A_1083 = arith.constant 2 : i32
    %mul3A_1084 = vector.broadcast %mul3A_1083 : i32 to vector<16xi32>
    %mul3A_1085 = arith.muli %get3A_1082, %mul3A_1084 : vector<16xi32>
    %add3A_1086 = arith.addi %mul3A_1079, %mul3A_1085 : vector<16xi32>
    %get3A_1087 = arith.constant 624 : index
    %get3A_1088 = tpu.vector_load %arg9[%get3A_1087] {strides = array<i32>} : memref<10000xi32, #tpu.memory_space<vmem>>, vector<16xi32>,
    %get3A_1089 = vector.shape_cast %get3A_1088 : vector<16xi32> to vector<16xi32>
    %add3A_1090 = arith.addi %add3A_1086, %get3A_1089 : vector<16xi32>
    %add3A_1091 = vector.broadcast %mul3A_18 : i32 to vector<16xi32>
    %add3A_1092 = arith.addi %add3A_1090, %add3A_1091 : vector<16xi32>
    %swap3A_1093 = arith.constant 624 : index
    %swap3A_1094 = tpu.vector_load %arg10[%swap3A_1093] {strides = array<i32>} : memref<10000xi32, #tpu.memory_space<vmem>>, vector<16xi32>,
    %swap3A_1095 = vector.shape_cast %swap3A_1094 : vector<16xi32> to vector<16xi32>
    %swap3A_1096 = vector.shape_cast %add3A_1092 : vector<16xi32> to vector<16xi32>
    tpu.vector_store %arg10[%swap3A_1093], %swap3A_1096 {strides = array<i32>} : memref<10000xi32, #tpu.memory_space<vmem>>, vector<16xi32>,
    %dma_start3A_1097 = arith.constant 7 : i32
    %dma_start3A_1098 = arith.constant 0 : i32
    %dma_start3A_1099 = arith.constant 0 : i32
    %dma_start3A_1100 = tpu.memref_slice %arg11[%dma_start3A_1097, %dma_start3A_1098, %dma_start3A_1099] : memref<8x80x128xf32, #tpu.memory_space<vmem>> -> memref<1x80x128xf32, #tpu.memory_space<vmem>>
    %dma_start3A_1101 = tpu.memref_squeeze %dma_start3A_1100 : memref<1x80x128xf32, #tpu.memory_space<vmem>> -> memref<80x128xf32, #tpu.memory_space<vmem>>
    %dma_start3A_1102 = arith.constant 560 : i32
    %dma_start3A_1103 = tpu.memref_slice %arg10[%dma_start3A_1102] : memref<10000xi32, #tpu.memory_space<vmem>> -> memref<80xi32, #tpu.memory_space<vmem>>
    %dma_start3A_1104 = arith.constant 0 : i32
    %dma_start3A_1105 = arith.constant 0 : i32
    %dma_start3A_1106 = tpu.memref_slice %arg12[%dma_start3A_1104, %dma_start3A_1105] : memref<1024x128xf32, #tpu.memory_space<vmem_shared>> -> memref<1024x128xf32, #tpu.memory_space<vmem_shared>>
    tpu.enqueue_indirect_dma source(%dma_start3A_1106 : memref<1024x128xf32, #tpu.memory_space<vmem_shared>>) target(%dma_start3A_1101 : memref<80x128xf32, #tpu.memory_space<vmem>>) offsets(%dma_start3A_1103 : memref<80xi32, #tpu.memory_space<vmem>>) semaphore(%arg13 : memref<!tpu.dma_semaphore, #tpu.memory_space<semaphore_mem>>)
    %dma_wait3A_1107 = arith.constant 3 : i32
    %dma_wait3A_1108 = arith.constant 0 : i32
    %dma_wait3A_1109 = arith.constant 0 : i32
    %dma_wait3A_1110 = tpu.memref_slice %arg11[%dma_wait3A_1107, %dma_wait3A_1108, %dma_wait3A_1109] : memref<8x80x128xf32, #tpu.memory_space<vmem>> -> memref<1x80x128xf32, #tpu.memory_space<vmem>>
    %dma_wait3A_1111 = tpu.memref_squeeze %dma_wait3A_1110 : memref<1x80x128xf32, #tpu.memory_space<vmem>> -> memref<80x128xf32, #tpu.memory_space<vmem>>
    %dma_wait3A_1112 = arith.constant 0 : i32
    %dma_wait3A_1113 = arith.constant 0 : i32
    %dma_wait3A_1114 = tpu.memref_slice %arg6[%dma_wait3A_1112, %dma_wait3A_1113] : memref<320000x128xf32, #tpu.memory_space<hbm>> -> memref<80x128xf32, #tpu.memory_space<hbm>>
    %dma_wait3A_1115 = arith.constant 0 : i32
    %dma_wait3A_1116 = arith.constant 0 : i32
    %dma_wait3A_1117 = tpu.memref_slice %arg11[%dma_wait3A_1107, %dma_wait3A_1115, %dma_wait3A_1116] : memref<8x80x128xf32, #tpu.memory_space<vmem>> -> memref<1x80x128xf32, #tpu.memory_space<vmem>>
    %dma_wait3A_1118 = tpu.memref_squeeze %dma_wait3A_1117 : memref<1x80x128xf32, #tpu.memory_space<vmem>> -> memref<80x128xf32, #tpu.memory_space<vmem>>
    %dma_wait3A_1119 = arith.constant 0 : i32
    %dma_wait3A_1120 = arith.constant 0 : i32
    %dma_wait3A_1121 = tpu.memref_slice %arg6[%dma_wait3A_1119, %dma_wait3A_1120] : memref<320000x128xf32, #tpu.memory_space<hbm>> -> memref<80x128xf32, #tpu.memory_space<hbm>>
    tpu.wait_dma2 semaphore(%arg13 : memref<!tpu.dma_semaphore, #tpu.memory_space<semaphore_mem>>) src(%dma_wait3A_1121 : memref<80x128xf32, #tpu.memory_space<hbm>>) dst(%dma_wait3A_1118 : memref<80x128xf32, #tpu.memory_space<vmem>>)
    %add3A_1122 = arith.constant 240 : i32
    %add3A_1123 = arith.addi %mul3A_2, %add3A_1122 : i32
    %dma_start3A_1124 = arith.constant 3 : i32
    %dma_start3A_1125 = arith.constant 0 : i32
    %dma_start3A_1126 = arith.constant 0 : i32
    %dma_start3A_1127 = tpu.memref_slice %arg11[%dma_start3A_1124, %dma_start3A_1125, %dma_start3A_1126] : memref<8x80x128xf32, #tpu.memory_space<vmem>> -> memref<1x80x128xf32, #tpu.memory_space<vmem>>
    %dma_start3A_1128 = tpu.memref_squeeze %dma_start3A_1127 : memref<1x80x128xf32, #tpu.memory_space<vmem>> -> memref<80x128xf32, #tpu.memory_space<vmem>>
    %dma_start3A_1129 = arith.constant 0 : i32
    %dma_start3A_1130 = tpu.memref_slice %arg6[%add3A_1123, %dma_start3A_1129] : memref<320000x128xf32, #tpu.memory_space<hbm>> -> memref<80x128xf32, #tpu.memory_space<hbm>>
    %dma_start3A_1131 = arith.constant 0 : i32
    %dma_start3A_1132 = tpu.memref_slice %arg6[%add3A_1123, %dma_start3A_1131] : memref<320000x128xf32, #tpu.memory_space<hbm>> -> memref<80x128xf32, #tpu.memory_space<hbm>>
    %dma_start3A_1133 = arith.constant 0 : i32
    %dma_start3A_1134 = arith.constant 0 : i32
    %dma_start3A_1135 = tpu.memref_slice %arg11[%dma_start3A_1124, %dma_start3A_1133, %dma_start3A_1134] : memref<8x80x128xf32, #tpu.memory_space<vmem>> -> memref<1x80x128xf32, #tpu.memory_space<vmem>>
    %dma_start3A_1136 = tpu.memref_squeeze %dma_start3A_1135 : memref<1x80x128xf32, #tpu.memory_space<vmem>> -> memref<80x128xf32, #tpu.memory_space<vmem>>
    tpu.enqueue_dma source(%dma_start3A_1136 : memref<80x128xf32, #tpu.memory_space<vmem>>) target(%dma_start3A_1132 : memref<80x128xf32, #tpu.memory_space<hbm>>) target_semaphore(%arg14 : memref<!tpu.dma_semaphore, #tpu.memory_space<semaphore_mem>>)
    %dma_wait3A_1137 = arith.constant 0 : i32
    %dma_wait3A_1138 = arith.constant 0 : i32
    %dma_wait3A_1139 = arith.constant 0 : i32
    %dma_wait3A_1140 = tpu.memref_slice %arg11[%dma_wait3A_1137, %dma_wait3A_1138, %dma_wait3A_1139] : memref<8x80x128xf32, #tpu.memory_space<vmem>> -> memref<1x80x128xf32, #tpu.memory_space<vmem>>
    %dma_wait3A_1141 = tpu.memref_squeeze %dma_wait3A_1140 : memref<1x80x128xf32, #tpu.memory_space<vmem>> -> memref<80x128xf32, #tpu.memory_space<vmem>>
    %dma_wait3A_1142 = arith.constant 0 : i32
    %dma_wait3A_1143 = arith.constant 0 : i32
    %dma_wait3A_1144 = tpu.memref_slice %arg6[%dma_wait3A_1142, %dma_wait3A_1143] : memref<320000x128xf32, #tpu.memory_space<hbm>> -> memref<80x128xf32, #tpu.memory_space<hbm>>
    %dma_wait3A_1145 = arith.constant 0 : i32
    %dma_wait3A_1146 = arith.constant 0 : i32
    %dma_wait3A_1147 = tpu.memref_slice %arg6[%dma_wait3A_1145, %dma_wait3A_1146] : memref<320000x128xf32, #tpu.memory_space<hbm>> -> memref<80x128xf32, #tpu.memory_space<hbm>>
    %dma_wait3A_1148 = arith.constant 0 : i32
    %dma_wait3A_1149 = arith.constant 0 : i32
    %dma_wait3A_1150 = tpu.memref_slice %arg11[%dma_wait3A_1137, %dma_wait3A_1148, %dma_wait3A_1149] : memref<8x80x128xf32, #tpu.memory_space<vmem>> -> memref<1x80x128xf32, #tpu.memory_space<vmem>>
    %dma_wait3A_1151 = tpu.memref_squeeze %dma_wait3A_1150 : memref<1x80x128xf32, #tpu.memory_space<vmem>> -> memref<80x128xf32, #tpu.memory_space<vmem>>
    tpu.wait_dma2 semaphore(%arg14 : memref<!tpu.dma_semaphore, #tpu.memory_space<semaphore_mem>>) src(%dma_wait3A_1151 : memref<80x128xf32, #tpu.memory_space<vmem>>) dst(%dma_wait3A_1147 : memref<80x128xf32, #tpu.memory_space<hbm>>)
    %get3A_1152 = arith.constant 640 : index
    %get3A_1153 = tpu.vector_load %arg7[%get3A_1152] {strides = array<i32>} : memref<10000xi32, #tpu.memory_space<vmem>>, vector<16xi32>,
    %get3A_1154 = vector.shape_cast %get3A_1153 : vector<16xi32> to vector<16xi32>
    %mul3A_1155 = arith.constant 12 : i32
    %mul3A_1156 = vector.broadcast %mul3A_1155 : i32 to vector<16xi32>
    %mul3A_1157 = arith.muli %get3A_1154, %mul3A_1156 : vector<16xi32>
    %get3A_1158 = arith.constant 640 : index
    %get3A_1159 = tpu.vector_load %arg8[%get3A_1158] {strides = array<i32>} : memref<10000xi32, #tpu.memory_space<vmem>>, vector<16xi32>,
    %get3A_1160 = vector.shape_cast %get3A_1159 : vector<16xi32> to vector<16xi32>
    %mul3A_1161 = arith.constant 2 : i32
    %mul3A_1162 = vector.broadcast %mul3A_1161 : i32 to vector<16xi32>
    %mul3A_1163 = arith.muli %get3A_1160, %mul3A_1162 : vector<16xi32>
    %add3A_1164 = arith.addi %mul3A_1157, %mul3A_1163 : vector<16xi32>
    %get3A_1165 = arith.constant 640 : index
    %get3A_1166 = tpu.vector_load %arg9[%get3A_1165] {strides = array<i32>} : memref<10000xi32, #tpu.memory_space<vmem>>, vector<16xi32>,
    %get3A_1167 = vector.shape_cast %get3A_1166 : vector<16xi32> to vector<16xi32>
    %add3A_1168 = arith.addi %add3A_1164, %get3A_1167 : vector<16xi32>
    %add3A_1169 = vector.broadcast %mul3A_18 : i32 to vector<16xi32>
    %add3A_1170 = arith.addi %add3A_1168, %add3A_1169 : vector<16xi32>
    %swap3A_1171 = arith.constant 640 : index
    %swap3A_1172 = tpu.vector_load %arg10[%swap3A_1171] {strides = array<i32>} : memref<10000xi32, #tpu.memory_space<vmem>>, vector<16xi32>,
    %swap3A_1173 = vector.shape_cast %swap3A_1172 : vector<16xi32> to vector<16xi32>
    %swap3A_1174 = vector.shape_cast %add3A_1170 : vector<16xi32> to vector<16xi32>
    tpu.vector_store %arg10[%swap3A_1171], %swap3A_1174 {strides = array<i32>} : memref<10000xi32, #tpu.memory_space<vmem>>, vector<16xi32>,
    %get3A_1175 = arith.constant 656 : index
    %get3A_1176 = tpu.vector_load %arg7[%get3A_1175] {strides = array<i32>} : memref<10000xi32, #tpu.memory_space<vmem>>, vector<16xi32>,
    %get3A_1177 = vector.shape_cast %get3A_1176 : vector<16xi32> to vector<16xi32>
    %mul3A_1178 = arith.constant 12 : i32
    %mul3A_1179 = vector.broadcast %mul3A_1178 : i32 to vector<16xi32>
    %mul3A_1180 = arith.muli %get3A_1177, %mul3A_1179 : vector<16xi32>
    %get3A_1181 = arith.constant 656 : index
    %get3A_1182 = tpu.vector_load %arg8[%get3A_1181] {strides = array<i32>} : memref<10000xi32, #tpu.memory_space<vmem>>, vector<16xi32>,
    %get3A_1183 = vector.shape_cast %get3A_1182 : vector<16xi32> to vector<16xi32>
    %mul3A_1184 = arith.constant 2 : i32
    %mul3A_1185 = vector.broadcast %mul3A_1184 : i32 to vector<16xi32>
    %mul3A_1186 = arith.muli %get3A_1183, %mul3A_1185 : vector<16xi32>
    %add3A_1187 = arith.addi %mul3A_1180, %mul3A_1186 : vector<16xi32>
    %get3A_1188 = arith.constant 656 : index
    %get3A_1189 = tpu.vector_load %arg9[%get3A_1188] {strides = array<i32>} : memref<10000xi32, #tpu.memory_space<vmem>>, vector<16xi32>,
    %get3A_1190 = vector.shape_cast %get3A_1189 : vector<16xi32> to vector<16xi32>
    %add3A_1191 = arith.addi %add3A_1187, %get3A_1190 : vector<16xi32>
    %add3A_1192 = vector.broadcast %mul3A_18 : i32 to vector<16xi32>
    %add3A_1193 = arith.addi %add3A_1191, %add3A_1192 : vector<16xi32>
    %swap3A_1194 = arith.constant 656 : index
    %swap3A_1195 = tpu.vector_load %arg10[%swap3A_1194] {strides = array<i32>} : memref<10000xi32, #tpu.memory_space<vmem>>, vector<16xi32>,
    %swap3A_1196 = vector.shape_cast %swap3A_1195 : vector<16xi32> to vector<16xi32>
    %swap3A_1197 = vector.shape_cast %add3A_1193 : vector<16xi32> to vector<16xi32>
    tpu.vector_store %arg10[%swap3A_1194], %swap3A_1197 {strides = array<i32>} : memref<10000xi32, #tpu.memory_space<vmem>>, vector<16xi32>,
    %get3A_1198 = arith.constant 672 : index
    %get3A_1199 = tpu.vector_load %arg7[%get3A_1198] {strides = array<i32>} : memref<10000xi32, #tpu.memory_space<vmem>>, vector<16xi32>,
    %get3A_1200 = vector.shape_cast %get3A_1199 : vector<16xi32> to vector<16xi32>
    %mul3A_1201 = arith.constant 12 : i32
    %mul3A_1202 = vector.broadcast %mul3A_1201 : i32 to vector<16xi32>
    %mul3A_1203 = arith.muli %get3A_1200, %mul3A_1202 : vector<16xi32>
    %get3A_1204 = arith.constant 672 : index
    %get3A_1205 = tpu.vector_load %arg8[%get3A_1204] {strides = array<i32>} : memref<10000xi32, #tpu.memory_space<vmem>>, vector<16xi32>,
    %get3A_1206 = vector.shape_cast %get3A_1205 : vector<16xi32> to vector<16xi32>
    %mul3A_1207 = arith.constant 2 : i32
    %mul3A_1208 = vector.broadcast %mul3A_1207 : i32 to vector<16xi32>
    %mul3A_1209 = arith.muli %get3A_1206, %mul3A_1208 : vector<16xi32>
    %add3A_1210 = arith.addi %mul3A_1203, %mul3A_1209 : vector<16xi32>
    %get3A_1211 = arith.constant 672 : index
    %get3A_1212 = tpu.vector_load %arg9[%get3A_1211] {strides = array<i32>} : memref<10000xi32, #tpu.memory_space<vmem>>, vector<16xi32>,
    %get3A_1213 = vector.shape_cast %get3A_1212 : vector<16xi32> to vector<16xi32>
    %add3A_1214 = arith.addi %add3A_1210, %get3A_1213 : vector<16xi32>
    %add3A_1215 = vector.broadcast %mul3A_18 : i32 to vector<16xi32>
    %add3A_1216 = arith.addi %add3A_1214, %add3A_1215 : vector<16xi32>
    %swap3A_1217 = arith.constant 672 : index
    %swap3A_1218 = tpu.vector_load %arg10[%swap3A_1217] {strides = array<i32>} : memref<10000xi32, #tpu.memory_space<vmem>>, vector<16xi32>,
    %swap3A_1219 = vector.shape_cast %swap3A_1218 : vector<16xi32> to vector<16xi32>
    %swap3A_1220 = vector.shape_cast %add3A_1216 : vector<16xi32> to vector<16xi32>
    tpu.vector_store %arg10[%swap3A_1217], %swap3A_1220 {strides = array<i32>} : memref<10000xi32, #tpu.memory_space<vmem>>, vector<16xi32>,
    %get3A_1221 = arith.constant 688 : index
    %get3A_1222 = tpu.vector_load %arg7[%get3A_1221] {strides = array<i32>} : memref<10000xi32, #tpu.memory_space<vmem>>, vector<16xi32>,
    %get3A_1223 = vector.shape_cast %get3A_1222 : vector<16xi32> to vector<16xi32>
    %mul3A_1224 = arith.constant 12 : i32
    %mul3A_1225 = vector.broadcast %mul3A_1224 : i32 to vector<16xi32>
    %mul3A_1226 = arith.muli %get3A_1223, %mul3A_1225 : vector<16xi32>
    %get3A_1227 = arith.constant 688 : index
    %get3A_1228 = tpu.vector_load %arg8[%get3A_1227] {strides = array<i32>} : memref<10000xi32, #tpu.memory_space<vmem>>, vector<16xi32>,
    %get3A_1229 = vector.shape_cast %get3A_1228 : vector<16xi32> to vector<16xi32>
    %mul3A_1230 = arith.constant 2 : i32
    %mul3A_1231 = vector.broadcast %mul3A_1230 : i32 to vector<16xi32>
    %mul3A_1232 = arith.muli %get3A_1229, %mul3A_1231 : vector<16xi32>
    %add3A_1233 = arith.addi %mul3A_1226, %mul3A_1232 : vector<16xi32>
    %get3A_1234 = arith.constant 688 : index
    %get3A_1235 = tpu.vector_load %arg9[%get3A_1234] {strides = array<i32>} : memref<10000xi32, #tpu.memory_space<vmem>>, vector<16xi32>,
    %get3A_1236 = vector.shape_cast %get3A_1235 : vector<16xi32> to vector<16xi32>
    %add3A_1237 = arith.addi %add3A_1233, %get3A_1236 : vector<16xi32>
    %add3A_1238 = vector.broadcast %mul3A_18 : i32 to vector<16xi32>
    %add3A_1239 = arith.addi %add3A_1237, %add3A_1238 : vector<16xi32>
    %swap3A_1240 = arith.constant 688 : index
    %swap3A_1241 = tpu.vector_load %arg10[%swap3A_1240] {strides = array<i32>} : memref<10000xi32, #tpu.memory_space<vmem>>, vector<16xi32>,
    %swap3A_1242 = vector.shape_cast %swap3A_1241 : vector<16xi32> to vector<16xi32>
    %swap3A_1243 = vector.shape_cast %add3A_1239 : vector<16xi32> to vector<16xi32>
    tpu.vector_store %arg10[%swap3A_1240], %swap3A_1243 {strides = array<i32>} : memref<10000xi32, #tpu.memory_space<vmem>>, vector<16xi32>,
    %get3A_1244 = arith.constant 704 : index
    %get3A_1245 = tpu.vector_load %arg7[%get3A_1244] {strides = array<i32>} : memref<10000xi32, #tpu.memory_space<vmem>>, vector<16xi32>,
    %get3A_1246 = vector.shape_cast %get3A_1245 : vector<16xi32> to vector<16xi32>
    %mul3A_1247 = arith.constant 12 : i32
    %mul3A_1248 = vector.broadcast %mul3A_1247 : i32 to vector<16xi32>
    %mul3A_1249 = arith.muli %get3A_1246, %mul3A_1248 : vector<16xi32>
    %get3A_1250 = arith.constant 704 : index
    %get3A_1251 = tpu.vector_load %arg8[%get3A_1250] {strides = array<i32>} : memref<10000xi32, #tpu.memory_space<vmem>>, vector<16xi32>,
    %get3A_1252 = vector.shape_cast %get3A_1251 : vector<16xi32> to vector<16xi32>
    %mul3A_1253 = arith.constant 2 : i32
    %mul3A_1254 = vector.broadcast %mul3A_1253 : i32 to vector<16xi32>
    %mul3A_1255 = arith.muli %get3A_1252, %mul3A_1254 : vector<16xi32>
    %add3A_1256 = arith.addi %mul3A_1249, %mul3A_1255 : vector<16xi32>
    %get3A_1257 = arith.constant 704 : index
    %get3A_1258 = tpu.vector_load %arg9[%get3A_1257] {strides = array<i32>} : memref<10000xi32, #tpu.memory_space<vmem>>, vector<16xi32>,
    %get3A_1259 = vector.shape_cast %get3A_1258 : vector<16xi32> to vector<16xi32>
    %add3A_1260 = arith.addi %add3A_1256, %get3A_1259 : vector<16xi32>
    %add3A_1261 = vector.broadcast %mul3A_18 : i32 to vector<16xi32>
    %add3A_1262 = arith.addi %add3A_1260, %add3A_1261 : vector<16xi32>
    %swap3A_1263 = arith.constant 704 : index
    %swap3A_1264 = tpu.vector_load %arg10[%swap3A_1263] {strides = array<i32>} : memref<10000xi32, #tpu.memory_space<vmem>>, vector<16xi32>,
    %swap3A_1265 = vector.shape_cast %swap3A_1264 : vector<16xi32> to vector<16xi32>
    %swap3A_1266 = vector.shape_cast %add3A_1262 : vector<16xi32> to vector<16xi32>
    tpu.vector_store %arg10[%swap3A_1263], %swap3A_1266 {strides = array<i32>} : memref<10000xi32, #tpu.memory_space<vmem>>, vector<16xi32>,
    %dma_start3A_1267 = arith.constant 0 : i32
    %dma_start3A_1268 = arith.constant 0 : i32
    %dma_start3A_1269 = arith.constant 0 : i32
    %dma_start3A_1270 = tpu.memref_slice %arg11[%dma_start3A_1267, %dma_start3A_1268, %dma_start3A_1269] : memref<8x80x128xf32, #tpu.memory_space<vmem>> -> memref<1x80x128xf32, #tpu.memory_space<vmem>>
    %dma_start3A_1271 = tpu.memref_squeeze %dma_start3A_1270 : memref<1x80x128xf32, #tpu.memory_space<vmem>> -> memref<80x128xf32, #tpu.memory_space<vmem>>
    %dma_start3A_1272 = arith.constant 640 : i32
    %dma_start3A_1273 = tpu.memref_slice %arg10[%dma_start3A_1272] : memref<10000xi32, #tpu.memory_space<vmem>> -> memref<80xi32, #tpu.memory_space<vmem>>
    %dma_start3A_1274 = arith.constant 0 : i32
    %dma_start3A_1275 = arith.constant 0 : i32
    %dma_start3A_1276 = tpu.memref_slice %arg12[%dma_start3A_1274, %dma_start3A_1275] : memref<1024x128xf32, #tpu.memory_space<vmem_shared>> -> memref<1024x128xf32, #tpu.memory_space<vmem_shared>>
    tpu.enqueue_indirect_dma source(%dma_start3A_1276 : memref<1024x128xf32, #tpu.memory_space<vmem_shared>>) target(%dma_start3A_1271 : memref<80x128xf32, #tpu.memory_space<vmem>>) offsets(%dma_start3A_1273 : memref<80xi32, #tpu.memory_space<vmem>>) semaphore(%arg13 : memref<!tpu.dma_semaphore, #tpu.memory_space<semaphore_mem>>)
    %dma_wait3A_1277 = arith.constant 4 : i32
    %dma_wait3A_1278 = arith.constant 0 : i32
    %dma_wait3A_1279 = arith.constant 0 : i32
    %dma_wait3A_1280 = tpu.memref_slice %arg11[%dma_wait3A_1277, %dma_wait3A_1278, %dma_wait3A_1279] : memref<8x80x128xf32, #tpu.memory_space<vmem>> -> memref<1x80x128xf32, #tpu.memory_space<vmem>>
    %dma_wait3A_1281 = tpu.memref_squeeze %dma_wait3A_1280 : memref<1x80x128xf32, #tpu.memory_space<vmem>> -> memref<80x128xf32, #tpu.memory_space<vmem>>
    %dma_wait3A_1282 = arith.constant 0 : i32
    %dma_wait3A_1283 = arith.constant 0 : i32
    %dma_wait3A_1284 = tpu.memref_slice %arg6[%dma_wait3A_1282, %dma_wait3A_1283] : memref<320000x128xf32, #tpu.memory_space<hbm>> -> memref<80x128xf32, #tpu.memory_space<hbm>>
    %dma_wait3A_1285 = arith.constant 0 : i32
    %dma_wait3A_1286 = arith.constant 0 : i32
    %dma_wait3A_1287 = tpu.memref_slice %arg11[%dma_wait3A_1277, %dma_wait3A_1285, %dma_wait3A_1286] : memref<8x80x128xf32, #tpu.memory_space<vmem>> -> memref<1x80x128xf32, #tpu.memory_space<vmem>>
    %dma_wait3A_1288 = tpu.memref_squeeze %dma_wait3A_1287 : memref<1x80x128xf32, #tpu.memory_space<vmem>> -> memref<80x128xf32, #tpu.memory_space<vmem>>
    %dma_wait3A_1289 = arith.constant 0 : i32
    %dma_wait3A_1290 = arith.constant 0 : i32
    %dma_wait3A_1291 = tpu.memref_slice %arg6[%dma_wait3A_1289, %dma_wait3A_1290] : memref<320000x128xf32, #tpu.memory_space<hbm>> -> memref<80x128xf32, #tpu.memory_space<hbm>>
    tpu.wait_dma2 semaphore(%arg13 : memref<!tpu.dma_semaphore, #tpu.memory_space<semaphore_mem>>) src(%dma_wait3A_1291 : memref<80x128xf32, #tpu.memory_space<hbm>>) dst(%dma_wait3A_1288 : memref<80x128xf32, #tpu.memory_space<vmem>>)
    %add3A_1292 = arith.constant 320 : i32
    %add3A_1293 = arith.addi %mul3A_2, %add3A_1292 : i32
    %dma_start3A_1294 = arith.constant 4 : i32
    %dma_start3A_1295 = arith.constant 0 : i32
    %dma_start3A_1296 = arith.constant 0 : i32
    %dma_start3A_1297 = tpu.memref_slice %arg11[%dma_start3A_1294, %dma_start3A_1295, %dma_start3A_1296] : memref<8x80x128xf32, #tpu.memory_space<vmem>> -> memref<1x80x128xf32, #tpu.memory_space<vmem>>
    %dma_start3A_1298 = tpu.memref_squeeze %dma_start3A_1297 : memref<1x80x128xf32, #tpu.memory_space<vmem>> -> memref<80x128xf32, #tpu.memory_space<vmem>>
    %dma_start3A_1299 = arith.constant 0 : i32
    %dma_start3A_1300 = tpu.memref_slice %arg6[%add3A_1293, %dma_start3A_1299] : memref<320000x128xf32, #tpu.memory_space<hbm>> -> memref<80x128xf32, #tpu.memory_space<hbm>>
    %dma_start3A_1301 = arith.constant 0 : i32
    %dma_start3A_1302 = tpu.memref_slice %arg6[%add3A_1293, %dma_start3A_1301] : memref<320000x128xf32, #tpu.memory_space<hbm>> -> memref<80x128xf32, #tpu.memory_space<hbm>>
    %dma_start3A_1303 = arith.constant 0 : i32
    %dma_start3A_1304 = arith.constant 0 : i32
    %dma_start3A_1305 = tpu.memref_slice %arg11[%dma_start3A_1294, %dma_start3A_1303, %dma_start3A_1304] : memref<8x80x128xf32, #tpu.memory_space<vmem>> -> memref<1x80x128xf32, #tpu.memory_space<vmem>>
    %dma_start3A_1306 = tpu.memref_squeeze %dma_start3A_1305 : memref<1x80x128xf32, #tpu.memory_space<vmem>> -> memref<80x128xf32, #tpu.memory_space<vmem>>
    tpu.enqueue_dma source(%dma_start3A_1306 : memref<80x128xf32, #tpu.memory_space<vmem>>) target(%dma_start3A_1302 : memref<80x128xf32, #tpu.memory_space<hbm>>) target_semaphore(%arg14 : memref<!tpu.dma_semaphore, #tpu.memory_space<semaphore_mem>>)
    %dma_wait3A_1307 = arith.constant 1 : i32
    %dma_wait3A_1308 = arith.constant 0 : i32
    %dma_wait3A_1309 = arith.constant 0 : i32
    %dma_wait3A_1310 = tpu.memref_slice %arg11[%dma_wait3A_1307, %dma_wait3A_1308, %dma_wait3A_1309] : memref<8x80x128xf32, #tpu.memory_space<vmem>> -> memref<1x80x128xf32, #tpu.memory_space<vmem>>
    %dma_wait3A_1311 = tpu.memref_squeeze %dma_wait3A_1310 : memref<1x80x128xf32, #tpu.memory_space<vmem>> -> memref<80x128xf32, #tpu.memory_space<vmem>>
    %dma_wait3A_1312 = arith.constant 0 : i32
    %dma_wait3A_1313 = arith.constant 0 : i32
    %dma_wait3A_1314 = tpu.memref_slice %arg6[%dma_wait3A_1312, %dma_wait3A_1313] : memref<320000x128xf32, #tpu.memory_space<hbm>> -> memref<80x128xf32, #tpu.memory_space<hbm>>
    %dma_wait3A_1315 = arith.constant 0 : i32
    %dma_wait3A_1316 = arith.constant 0 : i32
    %dma_wait3A_1317 = tpu.memref_slice %arg6[%dma_wait3A_1315, %dma_wait3A_1316] : memref<320000x128xf32, #tpu.memory_space<hbm>> -> memref<80x128xf32, #tpu.memory_space<hbm>>
    %dma_wait3A_1318 = arith.constant 0 : i32
    %dma_wait3A_1319 = arith.constant 0 : i32
    %dma_wait3A_1320 = tpu.memref_slice %arg11[%dma_wait3A_1307, %dma_wait3A_1318, %dma_wait3A_1319] : memref<8x80x128xf32, #tpu.memory_space<vmem>> -> memref<1x80x128xf32, #tpu.memory_space<vmem>>
    %dma_wait3A_1321 = tpu.memref_squeeze %dma_wait3A_1320 : memref<1x80x128xf32, #tpu.memory_space<vmem>> -> memref<80x128xf32, #tpu.memory_space<vmem>>
    tpu.wait_dma2 semaphore(%arg14 : memref<!tpu.dma_semaphore, #tpu.memory_space<semaphore_mem>>) src(%dma_wait3A_1321 : memref<80x128xf32, #tpu.memory_space<vmem>>) dst(%dma_wait3A_1317 : memref<80x128xf32, #tpu.memory_space<hbm>>)
    %get3A_1322 = arith.constant 720 : index
    %get3A_1323 = tpu.vector_load %arg7[%get3A_1322] {strides = array<i32>} : memref<10000xi32, #tpu.memory_space<vmem>>, vector<16xi32>,
    %get3A_1324 = vector.shape_cast %get3A_1323 : vector<16xi32> to vector<16xi32>
    %mul3A_1325 = arith.constant 12 : i32
    %mul3A_1326 = vector.broadcast %mul3A_1325 : i32 to vector<16xi32>
    %mul3A_1327 = arith.muli %get3A_1324, %mul3A_1326 : vector<16xi32>
    %get3A_1328 = arith.constant 720 : index
    %get3A_1329 = tpu.vector_load %arg8[%get3A_1328] {strides = array<i32>} : memref<10000xi32, #tpu.memory_space<vmem>>, vector<16xi32>,
    %get3A_1330 = vector.shape_cast %get3A_1329 : vector<16xi32> to vector<16xi32>
    %mul3A_1331 = arith.constant 2 : i32
    %mul3A_1332 = vector.broadcast %mul3A_1331 : i32 to vector<16xi32>
    %mul3A_1333 = arith.muli %get3A_1330, %mul3A_1332 : vector<16xi32>
    %add3A_1334 = arith.addi %mul3A_1327, %mul3A_1333 : vector<16xi32>
    %get3A_1335 = arith.constant 720 : index
    %get3A_1336 = tpu.vector_load %arg9[%get3A_1335] {strides = array<i32>} : memref<10000xi32, #tpu.memory_space<vmem>>, vector<16xi32>,
    %get3A_1337 = vector.shape_cast %get3A_1336 : vector<16xi32> to vector<16xi32>
    %add3A_1338 = arith.addi %add3A_1334, %get3A_1337 : vector<16xi32>
    %add3A_1339 = vector.broadcast %mul3A_18 : i32 to vector<16xi32>
    %add3A_1340 = arith.addi %add3A_1338, %add3A_1339 : vector<16xi32>
    %swap3A_1341 = arith.constant 720 : index
    %swap3A_1342 = tpu.vector_load %arg10[%swap3A_1341] {strides = array<i32>} : memref<10000xi32, #tpu.memory_space<vmem>>, vector<16xi32>,
    %swap3A_1343 = vector.shape_cast %swap3A_1342 : vector<16xi32> to vector<16xi32>
    %swap3A_1344 = vector.shape_cast %add3A_1340 : vector<16xi32> to vector<16xi32>
    tpu.vector_store %arg10[%swap3A_1341], %swap3A_1344 {strides = array<i32>} : memref<10000xi32, #tpu.memory_space<vmem>>, vector<16xi32>,
    %get3A_1345 = arith.constant 736 : index
    %get3A_1346 = tpu.vector_load %arg7[%get3A_1345] {strides = array<i32>} : memref<10000xi32, #tpu.memory_space<vmem>>, vector<16xi32>,
    %get3A_1347 = vector.shape_cast %get3A_1346 : vector<16xi32> to vector<16xi32>
    %mul3A_1348 = arith.constant 12 : i32
    %mul3A_1349 = vector.broadcast %mul3A_1348 : i32 to vector<16xi32>
    %mul3A_1350 = arith.muli %get3A_1347, %mul3A_1349 : vector<16xi32>
    %get3A_1351 = arith.constant 736 : index
    %get3A_1352 = tpu.vector_load %arg8[%get3A_1351] {strides = array<i32>} : memref<10000xi32, #tpu.memory_space<vmem>>, vector<16xi32>,
    %get3A_1353 = vector.shape_cast %get3A_1352 : vector<16xi32> to vector<16xi32>
    %mul3A_1354 = arith.constant 2 : i32
    %mul3A_1355 = vector.broadcast %mul3A_1354 : i32 to vector<16xi32>
    %mul3A_1356 = arith.muli %get3A_1353, %mul3A_1355 : vector<16xi32>
    %add3A_1357 = arith.addi %mul3A_1350, %mul3A_1356 : vector<16xi32>
    %get3A_1358 = arith.constant 736 : index
    %get3A_1359 = tpu.vector_load %arg9[%get3A_1358] {strides = array<i32>} : memref<10000xi32, #tpu.memory_space<vmem>>, vector<16xi32>,
    %get3A_1360 = vector.shape_cast %get3A_1359 : vector<16xi32> to vector<16xi32>
    %add3A_1361 = arith.addi %add3A_1357, %get3A_1360 : vector<16xi32>
    %add3A_1362 = vector.broadcast %mul3A_18 : i32 to vector<16xi32>
    %add3A_1363 = arith.addi %add3A_1361, %add3A_1362 : vector<16xi32>
    %swap3A_1364 = arith.constant 736 : index
    %swap3A_1365 = tpu.vector_load %arg10[%swap3A_1364] {strides = array<i32>} : memref<10000xi32, #tpu.memory_space<vmem>>, vector<16xi32>,
    %swap3A_1366 = vector.shape_cast %swap3A_1365 : vector<16xi32> to vector<16xi32>
    %swap3A_1367 = vector.shape_cast %add3A_1363 : vector<16xi32> to vector<16xi32>
    tpu.vector_store %arg10[%swap3A_1364], %swap3A_1367 {strides = array<i32>} : memref<10000xi32, #tpu.memory_space<vmem>>, vector<16xi32>,
    %get3A_1368 = arith.constant 752 : index
    %get3A_1369 = tpu.vector_load %arg7[%get3A_1368] {strides = array<i32>} : memref<10000xi32, #tpu.memory_space<vmem>>, vector<16xi32>,
    %get3A_1370 = vector.shape_cast %get3A_1369 : vector<16xi32> to vector<16xi32>
    %mul3A_1371 = arith.constant 12 : i32
    %mul3A_1372 = vector.broadcast %mul3A_1371 : i32 to vector<16xi32>
    %mul3A_1373 = arith.muli %get3A_1370, %mul3A_1372 : vector<16xi32>
    %get3A_1374 = arith.constant 752 : index
    %get3A_1375 = tpu.vector_load %arg8[%get3A_1374] {strides = array<i32>} : memref<10000xi32, #tpu.memory_space<vmem>>, vector<16xi32>,
    %get3A_1376 = vector.shape_cast %get3A_1375 : vector<16xi32> to vector<16xi32>
    %mul3A_1377 = arith.constant 2 : i32
    %mul3A_1378 = vector.broadcast %mul3A_1377 : i32 to vector<16xi32>
    %mul3A_1379 = arith.muli %get3A_1376, %mul3A_1378 : vector<16xi32>
    %add3A_1380 = arith.addi %mul3A_1373, %mul3A_1379 : vector<16xi32>
    %get3A_1381 = arith.constant 752 : index
    %get3A_1382 = tpu.vector_load %arg9[%get3A_1381] {strides = array<i32>} : memref<10000xi32, #tpu.memory_space<vmem>>, vector<16xi32>,
    %get3A_1383 = vector.shape_cast %get3A_1382 : vector<16xi32> to vector<16xi32>
    %add3A_1384 = arith.addi %add3A_1380, %get3A_1383 : vector<16xi32>
    %add3A_1385 = vector.broadcast %mul3A_18 : i32 to vector<16xi32>
    %add3A_1386 = arith.addi %add3A_1384, %add3A_1385 : vector<16xi32>
    %swap3A_1387 = arith.constant 752 : index
    %swap3A_1388 = tpu.vector_load %arg10[%swap3A_1387] {strides = array<i32>} : memref<10000xi32, #tpu.memory_space<vmem>>, vector<16xi32>,
    %swap3A_1389 = vector.shape_cast %swap3A_1388 : vector<16xi32> to vector<16xi32>
    %swap3A_1390 = vector.shape_cast %add3A_1386 : vector<16xi32> to vector<16xi32>
    tpu.vector_store %arg10[%swap3A_1387], %swap3A_1390 {strides = array<i32>} : memref<10000xi32, #tpu.memory_space<vmem>>, vector<16xi32>,
    %get3A_1391 = arith.constant 768 : index
    %get3A_1392 = tpu.vector_load %arg7[%get3A_1391] {strides = array<i32>} : memref<10000xi32, #tpu.memory_space<vmem>>, vector<16xi32>,
    %get3A_1393 = vector.shape_cast %get3A_1392 : vector<16xi32> to vector<16xi32>
    %mul3A_1394 = arith.constant 12 : i32
    %mul3A_1395 = vector.broadcast %mul3A_1394 : i32 to vector<16xi32>
    %mul3A_1396 = arith.muli %get3A_1393, %mul3A_1395 : vector<16xi32>
    %get3A_1397 = arith.constant 768 : index
    %get3A_1398 = tpu.vector_load %arg8[%get3A_1397] {strides = array<i32>} : memref<10000xi32, #tpu.memory_space<vmem>>, vector<16xi32>,
    %get3A_1399 = vector.shape_cast %get3A_1398 : vector<16xi32> to vector<16xi32>
    %mul3A_1400 = arith.constant 2 : i32
    %mul3A_1401 = vector.broadcast %mul3A_1400 : i32 to vector<16xi32>
    %mul3A_1402 = arith.muli %get3A_1399, %mul3A_1401 : vector<16xi32>
    %add3A_1403 = arith.addi %mul3A_1396, %mul3A_1402 : vector<16xi32>
    %get3A_1404 = arith.constant 768 : index
    %get3A_1405 = tpu.vector_load %arg9[%get3A_1404] {strides = array<i32>} : memref<10000xi32, #tpu.memory_space<vmem>>, vector<16xi32>,
    %get3A_1406 = vector.shape_cast %get3A_1405 : vector<16xi32> to vector<16xi32>
    %add3A_1407 = arith.addi %add3A_1403, %get3A_1406 : vector<16xi32>
    %add3A_1408 = vector.broadcast %mul3A_18 : i32 to vector<16xi32>
    %add3A_1409 = arith.addi %add3A_1407, %add3A_1408 : vector<16xi32>
    %swap3A_1410 = arith.constant 768 : index
    %swap3A_1411 = tpu.vector_load %arg10[%swap3A_1410] {strides = array<i32>} : memref<10000xi32, #tpu.memory_space<vmem>>, vector<16xi32>,
    %swap3A_1412 = vector.shape_cast %swap3A_1411 : vector<16xi32> to vector<16xi32>
    %swap3A_1413 = vector.shape_cast %add3A_1409 : vector<16xi32> to vector<16xi32>
    tpu.vector_store %arg10[%swap3A_1410], %swap3A_1413 {strides = array<i32>} : memref<10000xi32, #tpu.memory_space<vmem>>, vector<16xi32>,
    %get3A_1414 = arith.constant 784 : index
    %get3A_1415 = tpu.vector_load %arg7[%get3A_1414] {strides = array<i32>} : memref<10000xi32, #tpu.memory_space<vmem>>, vector<16xi32>,
    %get3A_1416 = vector.shape_cast %get3A_1415 : vector<16xi32> to vector<16xi32>
    %mul3A_1417 = arith.constant 12 : i32
    %mul3A_1418 = vector.broadcast %mul3A_1417 : i32 to vector<16xi32>
    %mul3A_1419 = arith.muli %get3A_1416, %mul3A_1418 : vector<16xi32>
    %get3A_1420 = arith.constant 784 : index
    %get3A_1421 = tpu.vector_load %arg8[%get3A_1420] {strides = array<i32>} : memref<10000xi32, #tpu.memory_space<vmem>>, vector<16xi32>,
    %get3A_1422 = vector.shape_cast %get3A_1421 : vector<16xi32> to vector<16xi32>
    %mul3A_1423 = arith.constant 2 : i32
    %mul3A_1424 = vector.broadcast %mul3A_1423 : i32 to vector<16xi32>
    %mul3A_1425 = arith.muli %get3A_1422, %mul3A_1424 : vector<16xi32>
    %add3A_1426 = arith.addi %mul3A_1419, %mul3A_1425 : vector<16xi32>
    %get3A_1427 = arith.constant 784 : index
    %get3A_1428 = tpu.vector_load %arg9[%get3A_1427] {strides = array<i32>} : memref<10000xi32, #tpu.memory_space<vmem>>, vector<16xi32>,
    %get3A_1429 = vector.shape_cast %get3A_1428 : vector<16xi32> to vector<16xi32>
    %add3A_1430 = arith.addi %add3A_1426, %get3A_1429 : vector<16xi32>
    %add3A_1431 = vector.broadcast %mul3A_18 : i32 to vector<16xi32>
    %add3A_1432 = arith.addi %add3A_1430, %add3A_1431 : vector<16xi32>
    %swap3A_1433 = arith.constant 784 : index
    %swap3A_1434 = tpu.vector_load %arg10[%swap3A_1433] {strides = array<i32>} : memref<10000xi32, #tpu.memory_space<vmem>>, vector<16xi32>,
    %swap3A_1435 = vector.shape_cast %swap3A_1434 : vector<16xi32> to vector<16xi32>
    %swap3A_1436 = vector.shape_cast %add3A_1432 : vector<16xi32> to vector<16xi32>
    tpu.vector_store %arg10[%swap3A_1433], %swap3A_1436 {strides = array<i32>} : memref<10000xi32, #tpu.memory_space<vmem>>, vector<16xi32>,
    %dma_start3A_1437 = arith.constant 1 : i32
    %dma_start3A_1438 = arith.constant 0 : i32
    %dma_start3A_1439 = arith.constant 0 : i32
    %dma_start3A_1440 = tpu.memref_slice %arg11[%dma_start3A_1437, %dma_start3A_1438, %dma_start3A_1439] : memref<8x80x128xf32, #tpu.memory_space<vmem>> -> memref<1x80x128xf32, #tpu.memory_space<vmem>>
    %dma_start3A_1441 = tpu.memref_squeeze %dma_start3A_1440 : memref<1x80x128xf32, #tpu.memory_space<vmem>> -> memref<80x128xf32, #tpu.memory_space<vmem>>
    %dma_start3A_1442 = arith.constant 720 : i32
    %dma_start3A_1443 = tpu.memref_slice %arg10[%dma_start3A_1442] : memref<10000xi32, #tpu.memory_space<vmem>> -> memref<80xi32, #tpu.memory_space<vmem>>
    %dma_start3A_1444 = arith.constant 0 : i32
    %dma_start3A_1445 = arith.constant 0 : i32
    %dma_start3A_1446 = tpu.memref_slice %arg12[%dma_start3A_1444, %dma_start3A_1445] : memref<1024x128xf32, #tpu.memory_space<vmem_shared>> -> memref<1024x128xf32, #tpu.memory_space<vmem_shared>>
    tpu.enqueue_indirect_dma source(%dma_start3A_1446 : memref<1024x128xf32, #tpu.memory_space<vmem_shared>>) target(%dma_start3A_1441 : memref<80x128xf32, #tpu.memory_space<vmem>>) offsets(%dma_start3A_1443 : memref<80xi32, #tpu.memory_space<vmem>>) semaphore(%arg13 : memref<!tpu.dma_semaphore, #tpu.memory_space<semaphore_mem>>)
    %dma_wait3A_1447 = arith.constant 5 : i32
    %dma_wait3A_1448 = arith.constant 0 : i32
    %dma_wait3A_1449 = arith.constant 0 : i32
    %dma_wait3A_1450 = tpu.memref_slice %arg11[%dma_wait3A_1447, %dma_wait3A_1448, %dma_wait3A_1449] : memref<8x80x128xf32, #tpu.memory_space<vmem>> -> memref<1x80x128xf32, #tpu.memory_space<vmem>>
    %dma_wait3A_1451 = tpu.memref_squeeze %dma_wait3A_1450 : memref<1x80x128xf32, #tpu.memory_space<vmem>> -> memref<80x128xf32, #tpu.memory_space<vmem>>
    %dma_wait3A_1452 = arith.constant 0 : i32
    %dma_wait3A_1453 = arith.constant 0 : i32
    %dma_wait3A_1454 = tpu.memref_slice %arg6[%dma_wait3A_1452, %dma_wait3A_1453] : memref<320000x128xf32, #tpu.memory_space<hbm>> -> memref<80x128xf32, #tpu.memory_space<hbm>>
    %dma_wait3A_1455 = arith.constant 0 : i32
    %dma_wait3A_1456 = arith.constant 0 : i32
    %dma_wait3A_1457 = tpu.memref_slice %arg11[%dma_wait3A_1447, %dma_wait3A_1455, %dma_wait3A_1456] : memref<8x80x128xf32, #tpu.memory_space<vmem>> -> memref<1x80x128xf32, #tpu.memory_space<vmem>>
    %dma_wait3A_1458 = tpu.memref_squeeze %dma_wait3A_1457 : memref<1x80x128xf32, #tpu.memory_space<vmem>> -> memref<80x128xf32, #tpu.memory_space<vmem>>
    %dma_wait3A_1459 = arith.constant 0 : i32
    %dma_wait3A_1460 = arith.constant 0 : i32
    %dma_wait3A_1461 = tpu.memref_slice %arg6[%dma_wait3A_1459, %dma_wait3A_1460] : memref<320000x128xf32, #tpu.memory_space<hbm>> -> memref<80x128xf32, #tpu.memory_space<hbm>>
    tpu.wait_dma2 semaphore(%arg13 : memref<!tpu.dma_semaphore, #tpu.memory_space<semaphore_mem>>) src(%dma_wait3A_1461 : memref<80x128xf32, #tpu.memory_space<hbm>>) dst(%dma_wait3A_1458 : memref<80x128xf32, #tpu.memory_space<vmem>>)
    %add3A_1462 = arith.constant 400 : i32
    %add3A_1463 = arith.addi %mul3A_2, %add3A_1462 : i32
    %dma_start3A_1464 = arith.constant 5 : i32
    %dma_start3A_1465 = arith.constant 0 : i32
    %dma_start3A_1466 = arith.constant 0 : i32
    %dma_start3A_1467 = tpu.memref_slice %arg11[%dma_start3A_1464, %dma_start3A_1465, %dma_start3A_1466] : memref<8x80x128xf32, #tpu.memory_space<vmem>> -> memref<1x80x128xf32, #tpu.memory_space<vmem>>
    %dma_start3A_1468 = tpu.memref_squeeze %dma_start3A_1467 : memref<1x80x128xf32, #tpu.memory_space<vmem>> -> memref<80x128xf32, #tpu.memory_space<vmem>>
    %dma_start3A_1469 = arith.constant 0 : i32
    %dma_start3A_1470 = tpu.memref_slice %arg6[%add3A_1463, %dma_start3A_1469] : memref<320000x128xf32, #tpu.memory_space<hbm>> -> memref<80x128xf32, #tpu.memory_space<hbm>>
    %dma_start3A_1471 = arith.constant 0 : i32
    %dma_start3A_1472 = tpu.memref_slice %arg6[%add3A_1463, %dma_start3A_1471] : memref<320000x128xf32, #tpu.memory_space<hbm>> -> memref<80x128xf32, #tpu.memory_space<hbm>>
    %dma_start3A_1473 = arith.constant 0 : i32
    %dma_start3A_1474 = arith.constant 0 : i32
    %dma_start3A_1475 = tpu.memref_slice %arg11[%dma_start3A_1464, %dma_start3A_1473, %dma_start3A_1474] : memref<8x80x128xf32, #tpu.memory_space<vmem>> -> memref<1x80x128xf32, #tpu.memory_space<vmem>>
    %dma_start3A_1476 = tpu.memref_squeeze %dma_start3A_1475 : memref<1x80x128xf32, #tpu.memory_space<vmem>> -> memref<80x128xf32, #tpu.memory_space<vmem>>
    tpu.enqueue_dma source(%dma_start3A_1476 : memref<80x128xf32, #tpu.memory_space<vmem>>) target(%dma_start3A_1472 : memref<80x128xf32, #tpu.memory_space<hbm>>) target_semaphore(%arg14 : memref<!tpu.dma_semaphore, #tpu.memory_space<semaphore_mem>>)
    %dma_wait3A_1477 = arith.constant 2 : i32
    %dma_wait3A_1478 = arith.constant 0 : i32
    %dma_wait3A_1479 = arith.constant 0 : i32
    %dma_wait3A_1480 = tpu.memref_slice %arg11[%dma_wait3A_1477, %dma_wait3A_1478, %dma_wait3A_1479] : memref<8x80x128xf32, #tpu.memory_space<vmem>> -> memref<1x80x128xf32, #tpu.memory_space<vmem>>
    %dma_wait3A_1481 = tpu.memref_squeeze %dma_wait3A_1480 : memref<1x80x128xf32, #tpu.memory_space<vmem>> -> memref<80x128xf32, #tpu.memory_space<vmem>>
    %dma_wait3A_1482 = arith.constant 0 : i32
    %dma_wait3A_1483 = arith.constant 0 : i32
    %dma_wait3A_1484 = tpu.memref_slice %arg6[%dma_wait3A_1482, %dma_wait3A_1483] : memref<320000x128xf32, #tpu.memory_space<hbm>> -> memref<80x128xf32, #tpu.memory_space<hbm>>
    %dma_wait3A_1485 = arith.constant 0 : i32
    %dma_wait3A_1486 = arith.constant 0 : i32
    %dma_wait3A_1487 = tpu.memref_slice %arg6[%dma_wait3A_1485, %dma_wait3A_1486] : memref<320000x128xf32, #tpu.memory_space<hbm>> -> memref<80x128xf32, #tpu.memory_space<hbm>>
    %dma_wait3A_1488 = arith.constant 0 : i32
    %dma_wait3A_1489 = arith.constant 0 : i32
    %dma_wait3A_1490 = tpu.memref_slice %arg11[%dma_wait3A_1477, %dma_wait3A_1488, %dma_wait3A_1489] : memref<8x80x128xf32, #tpu.memory_space<vmem>> -> memref<1x80x128xf32, #tpu.memory_space<vmem>>
    %dma_wait3A_1491 = tpu.memref_squeeze %dma_wait3A_1490 : memref<1x80x128xf32, #tpu.memory_space<vmem>> -> memref<80x128xf32, #tpu.memory_space<vmem>>
    tpu.wait_dma2 semaphore(%arg14 : memref<!tpu.dma_semaphore, #tpu.memory_space<semaphore_mem>>) src(%dma_wait3A_1491 : memref<80x128xf32, #tpu.memory_space<vmem>>) dst(%dma_wait3A_1487 : memref<80x128xf32, #tpu.memory_space<hbm>>)
    %get3A_1492 = arith.constant 800 : index
    %get3A_1493 = tpu.vector_load %arg7[%get3A_1492] {strides = array<i32>} : memref<10000xi32, #tpu.memory_space<vmem>>, vector<16xi32>,
    %get3A_1494 = vector.shape_cast %get3A_1493 : vector<16xi32> to vector<16xi32>
    %mul3A_1495 = arith.constant 12 : i32
    %mul3A_1496 = vector.broadcast %mul3A_1495 : i32 to vector<16xi32>
    %mul3A_1497 = arith.muli %get3A_1494, %mul3A_1496 : vector<16xi32>
    %get3A_1498 = arith.constant 800 : index
    %get3A_1499 = tpu.vector_load %arg8[%get3A_1498] {strides = array<i32>} : memref<10000xi32, #tpu.memory_space<vmem>>, vector<16xi32>,
    %get3A_1500 = vector.shape_cast %get3A_1499 : vector<16xi32> to vector<16xi32>
    %mul3A_1501 = arith.constant 2 : i32
    %mul3A_1502 = vector.broadcast %mul3A_1501 : i32 to vector<16xi32>
    %mul3A_1503 = arith.muli %get3A_1500, %mul3A_1502 : vector<16xi32>
    %add3A_1504 = arith.addi %mul3A_1497, %mul3A_1503 : vector<16xi32>
    %get3A_1505 = arith.constant 800 : index
    %get3A_1506 = tpu.vector_load %arg9[%get3A_1505] {strides = array<i32>} : memref<10000xi32, #tpu.memory_space<vmem>>, vector<16xi32>,
    %get3A_1507 = vector.shape_cast %get3A_1506 : vector<16xi32> to vector<16xi32>
    %add3A_1508 = arith.addi %add3A_1504, %get3A_1507 : vector<16xi32>
    %add3A_1509 = vector.broadcast %mul3A_18 : i32 to vector<16xi32>
    %add3A_1510 = arith.addi %add3A_1508, %add3A_1509 : vector<16xi32>
    %swap3A_1511 = arith.constant 800 : index
    %swap3A_1512 = tpu.vector_load %arg10[%swap3A_1511] {strides = array<i32>} : memref<10000xi32, #tpu.memory_space<vmem>>, vector<16xi32>,
    %swap3A_1513 = vector.shape_cast %swap3A_1512 : vector<16xi32> to vector<16xi32>
    %swap3A_1514 = vector.shape_cast %add3A_1510 : vector<16xi32> to vector<16xi32>
    tpu.vector_store %arg10[%swap3A_1511], %swap3A_1514 {strides = array<i32>} : memref<10000xi32, #tpu.memory_space<vmem>>, vector<16xi32>,
    %get3A_1515 = arith.constant 816 : index
    %get3A_1516 = tpu.vector_load %arg7[%get3A_1515] {strides = array<i32>} : memref<10000xi32, #tpu.memory_space<vmem>>, vector<16xi32>,
    %get3A_1517 = vector.shape_cast %get3A_1516 : vector<16xi32> to vector<16xi32>
    %mul3A_1518 = arith.constant 12 : i32
    %mul3A_1519 = vector.broadcast %mul3A_1518 : i32 to vector<16xi32>
    %mul3A_1520 = arith.muli %get3A_1517, %mul3A_1519 : vector<16xi32>
    %get3A_1521 = arith.constant 816 : index
    %get3A_1522 = tpu.vector_load %arg8[%get3A_1521] {strides = array<i32>} : memref<10000xi32, #tpu.memory_space<vmem>>, vector<16xi32>,
    %get3A_1523 = vector.shape_cast %get3A_1522 : vector<16xi32> to vector<16xi32>
    %mul3A_1524 = arith.constant 2 : i32
    %mul3A_1525 = vector.broadcast %mul3A_1524 : i32 to vector<16xi32>
    %mul3A_1526 = arith.muli %get3A_1523, %mul3A_1525 : vector<16xi32>
    %add3A_1527 = arith.addi %mul3A_1520, %mul3A_1526 : vector<16xi32>
    %get3A_1528 = arith.constant 816 : index
    %get3A_1529 = tpu.vector_load %arg9[%get3A_1528] {strides = array<i32>} : memref<10000xi32, #tpu.memory_space<vmem>>, vector<16xi32>,
    %get3A_1530 = vector.shape_cast %get3A_1529 : vector<16xi32> to vector<16xi32>
    %add3A_1531 = arith.addi %add3A_1527, %get3A_1530 : vector<16xi32>
    %add3A_1532 = vector.broadcast %mul3A_18 : i32 to vector<16xi32>
    %add3A_1533 = arith.addi %add3A_1531, %add3A_1532 : vector<16xi32>
    %swap3A_1534 = arith.constant 816 : index
    %swap3A_1535 = tpu.vector_load %arg10[%swap3A_1534] {strides = array<i32>} : memref<10000xi32, #tpu.memory_space<vmem>>, vector<16xi32>,
    %swap3A_1536 = vector.shape_cast %swap3A_1535 : vector<16xi32> to vector<16xi32>
    %swap3A_1537 = vector.shape_cast %add3A_1533 : vector<16xi32> to vector<16xi32>
    tpu.vector_store %arg10[%swap3A_1534], %swap3A_1537 {strides = array<i32>} : memref<10000xi32, #tpu.memory_space<vmem>>, vector<16xi32>,
    %get3A_1538 = arith.constant 832 : index
    %get3A_1539 = tpu.vector_load %arg7[%get3A_1538] {strides = array<i32>} : memref<10000xi32, #tpu.memory_space<vmem>>, vector<16xi32>,
    %get3A_1540 = vector.shape_cast %get3A_1539 : vector<16xi32> to vector<16xi32>
    %mul3A_1541 = arith.constant 12 : i32
    %mul3A_1542 = vector.broadcast %mul3A_1541 : i32 to vector<16xi32>
    %mul3A_1543 = arith.muli %get3A_1540, %mul3A_1542 : vector<16xi32>
    %get3A_1544 = arith.constant 832 : index
    %get3A_1545 = tpu.vector_load %arg8[%get3A_1544] {strides = array<i32>} : memref<10000xi32, #tpu.memory_space<vmem>>, vector<16xi32>,
    %get3A_1546 = vector.shape_cast %get3A_1545 : vector<16xi32> to vector<16xi32>
    %mul3A_1547 = arith.constant 2 : i32
    %mul3A_1548 = vector.broadcast %mul3A_1547 : i32 to vector<16xi32>
    %mul3A_1549 = arith.muli %get3A_1546, %mul3A_1548 : vector<16xi32>
    %add3A_1550 = arith.addi %mul3A_1543, %mul3A_1549 : vector<16xi32>
    %get3A_1551 = arith.constant 832 : index
    %get3A_1552 = tpu.vector_load %arg9[%get3A_1551] {strides = array<i32>} : memref<10000xi32, #tpu.memory_space<vmem>>, vector<16xi32>,
    %get3A_1553 = vector.shape_cast %get3A_1552 : vector<16xi32> to vector<16xi32>
    %add3A_1554 = arith.addi %add3A_1550, %get3A_1553 : vector<16xi32>
    %add3A_1555 = vector.broadcast %mul3A_18 : i32 to vector<16xi32>
    %add3A_1556 = arith.addi %add3A_1554, %add3A_1555 : vector<16xi32>
    %swap3A_1557 = arith.constant 832 : index
    %swap3A_1558 = tpu.vector_load %arg10[%swap3A_1557] {strides = array<i32>} : memref<10000xi32, #tpu.memory_space<vmem>>, vector<16xi32>,
    %swap3A_1559 = vector.shape_cast %swap3A_1558 : vector<16xi32> to vector<16xi32>
    %swap3A_1560 = vector.shape_cast %add3A_1556 : vector<16xi32> to vector<16xi32>
    tpu.vector_store %arg10[%swap3A_1557], %swap3A_1560 {strides = array<i32>} : memref<10000xi32, #tpu.memory_space<vmem>>, vector<16xi32>,
    %get3A_1561 = arith.constant 848 : index
    %get3A_1562 = tpu.vector_load %arg7[%get3A_1561] {strides = array<i32>} : memref<10000xi32, #tpu.memory_space<vmem>>, vector<16xi32>,
    %get3A_1563 = vector.shape_cast %get3A_1562 : vector<16xi32> to vector<16xi32>
    %mul3A_1564 = arith.constant 12 : i32
    %mul3A_1565 = vector.broadcast %mul3A_1564 : i32 to vector<16xi32>
    %mul3A_1566 = arith.muli %get3A_1563, %mul3A_1565 : vector<16xi32>
    %get3A_1567 = arith.constant 848 : index
    %get3A_1568 = tpu.vector_load %arg8[%get3A_1567] {strides = array<i32>} : memref<10000xi32, #tpu.memory_space<vmem>>, vector<16xi32>,
    %get3A_1569 = vector.shape_cast %get3A_1568 : vector<16xi32> to vector<16xi32>
    %mul3A_1570 = arith.constant 2 : i32
    %mul3A_1571 = vector.broadcast %mul3A_1570 : i32 to vector<16xi32>
    %mul3A_1572 = arith.muli %get3A_1569, %mul3A_1571 : vector<16xi32>
    %add3A_1573 = arith.addi %mul3A_1566, %mul3A_1572 : vector<16xi32>
    %get3A_1574 = arith.constant 848 : index
    %get3A_1575 = tpu.vector_load %arg9[%get3A_1574] {strides = array<i32>} : memref<10000xi32, #tpu.memory_space<vmem>>, vector<16xi32>,
    %get3A_1576 = vector.shape_cast %get3A_1575 : vector<16xi32> to vector<16xi32>
    %add3A_1577 = arith.addi %add3A_1573, %get3A_1576 : vector<16xi32>
    %add3A_1578 = vector.broadcast %mul3A_18 : i32 to vector<16xi32>
    %add3A_1579 = arith.addi %add3A_1577, %add3A_1578 : vector<16xi32>
    %swap3A_1580 = arith.constant 848 : index
    %swap3A_1581 = tpu.vector_load %arg10[%swap3A_1580] {strides = array<i32>} : memref<10000xi32, #tpu.memory_space<vmem>>, vector<16xi32>,
    %swap3A_1582 = vector.shape_cast %swap3A_1581 : vector<16xi32> to vector<16xi32>
    %swap3A_1583 = vector.shape_cast %add3A_1579 : vector<16xi32> to vector<16xi32>
    tpu.vector_store %arg10[%swap3A_1580], %swap3A_1583 {strides = array<i32>} : memref<10000xi32, #tpu.memory_space<vmem>>, vector<16xi32>,
    %get3A_1584 = arith.constant 864 : index
    %get3A_1585 = tpu.vector_load %arg7[%get3A_1584] {strides = array<i32>} : memref<10000xi32, #tpu.memory_space<vmem>>, vector<16xi32>,
    %get3A_1586 = vector.shape_cast %get3A_1585 : vector<16xi32> to vector<16xi32>
    %mul3A_1587 = arith.constant 12 : i32
    %mul3A_1588 = vector.broadcast %mul3A_1587 : i32 to vector<16xi32>
    %mul3A_1589 = arith.muli %get3A_1586, %mul3A_1588 : vector<16xi32>
    %get3A_1590 = arith.constant 864 : index
    %get3A_1591 = tpu.vector_load %arg8[%get3A_1590] {strides = array<i32>} : memref<10000xi32, #tpu.memory_space<vmem>>, vector<16xi32>,
    %get3A_1592 = vector.shape_cast %get3A_1591 : vector<16xi32> to vector<16xi32>
    %mul3A_1593 = arith.constant 2 : i32
    %mul3A_1594 = vector.broadcast %mul3A_1593 : i32 to vector<16xi32>
    %mul3A_1595 = arith.muli %get3A_1592, %mul3A_1594 : vector<16xi32>
    %add3A_1596 = arith.addi %mul3A_1589, %mul3A_1595 : vector<16xi32>
    %get3A_1597 = arith.constant 864 : index
    %get3A_1598 = tpu.vector_load %arg9[%get3A_1597] {strides = array<i32>} : memref<10000xi32, #tpu.memory_space<vmem>>, vector<16xi32>,
    %get3A_1599 = vector.shape_cast %get3A_1598 : vector<16xi32> to vector<16xi32>
    %add3A_1600 = arith.addi %add3A_1596, %get3A_1599 : vector<16xi32>
    %add3A_1601 = vector.broadcast %mul3A_18 : i32 to vector<16xi32>
    %add3A_1602 = arith.addi %add3A_1600, %add3A_1601 : vector<16xi32>
    %swap3A_1603 = arith.constant 864 : index
    %swap3A_1604 = tpu.vector_load %arg10[%swap3A_1603] {strides = array<i32>} : memref<10000xi32, #tpu.memory_space<vmem>>, vector<16xi32>,
    %swap3A_1605 = vector.shape_cast %swap3A_1604 : vector<16xi32> to vector<16xi32>
    %swap3A_1606 = vector.shape_cast %add3A_1602 : vector<16xi32> to vector<16xi32>
    tpu.vector_store %arg10[%swap3A_1603], %swap3A_1606 {strides = array<i32>} : memref<10000xi32, #tpu.memory_space<vmem>>, vector<16xi32>,
    %dma_start3A_1607 = arith.constant 2 : i32
    %dma_start3A_1608 = arith.constant 0 : i32
    %dma_start3A_1609 = arith.constant 0 : i32
    %dma_start3A_1610 = tpu.memref_slice %arg11[%dma_start3A_1607, %dma_start3A_1608, %dma_start3A_1609] : memref<8x80x128xf32, #tpu.memory_space<vmem>> -> memref<1x80x128xf32, #tpu.memory_space<vmem>>
    %dma_start3A_1611 = tpu.memref_squeeze %dma_start3A_1610 : memref<1x80x128xf32, #tpu.memory_space<vmem>> -> memref<80x128xf32, #tpu.memory_space<vmem>>
    %dma_start3A_1612 = arith.constant 800 : i32
    %dma_start3A_1613 = tpu.memref_slice %arg10[%dma_start3A_1612] : memref<10000xi32, #tpu.memory_space<vmem>> -> memref<80xi32, #tpu.memory_space<vmem>>
    %dma_start3A_1614 = arith.constant 0 : i32
    %dma_start3A_1615 = arith.constant 0 : i32
    %dma_start3A_1616 = tpu.memref_slice %arg12[%dma_start3A_1614, %dma_start3A_1615] : memref<1024x128xf32, #tpu.memory_space<vmem_shared>> -> memref<1024x128xf32, #tpu.memory_space<vmem_shared>>
    tpu.enqueue_indirect_dma source(%dma_start3A_1616 : memref<1024x128xf32, #tpu.memory_space<vmem_shared>>) target(%dma_start3A_1611 : memref<80x128xf32, #tpu.memory_space<vmem>>) offsets(%dma_start3A_1613 : memref<80xi32, #tpu.memory_space<vmem>>) semaphore(%arg13 : memref<!tpu.dma_semaphore, #tpu.memory_space<semaphore_mem>>)
    %dma_wait3A_1617 = arith.constant 6 : i32
    %dma_wait3A_1618 = arith.constant 0 : i32
    %dma_wait3A_1619 = arith.constant 0 : i32
    %dma_wait3A_1620 = tpu.memref_slice %arg11[%dma_wait3A_1617, %dma_wait3A_1618, %dma_wait3A_1619] : memref<8x80x128xf32, #tpu.memory_space<vmem>> -> memref<1x80x128xf32, #tpu.memory_space<vmem>>
    %dma_wait3A_1621 = tpu.memref_squeeze %dma_wait3A_1620 : memref<1x80x128xf32, #tpu.memory_space<vmem>> -> memref<80x128xf32, #tpu.memory_space<vmem>>
    %dma_wait3A_1622 = arith.constant 0 : i32
    %dma_wait3A_1623 = arith.constant 0 : i32
    %dma_wait3A_1624 = tpu.memref_slice %arg6[%dma_wait3A_1622, %dma_wait3A_1623] : memref<320000x128xf32, #tpu.memory_space<hbm>> -> memref<80x128xf32, #tpu.memory_space<hbm>>
    %dma_wait3A_1625 = arith.constant 0 : i32
    %dma_wait3A_1626 = arith.constant 0 : i32
    %dma_wait3A_1627 = tpu.memref_slice %arg11[%dma_wait3A_1617, %dma_wait3A_1625, %dma_wait3A_1626] : memref<8x80x128xf32, #tpu.memory_space<vmem>> -> memref<1x80x128xf32, #tpu.memory_space<vmem>>
    %dma_wait3A_1628 = tpu.memref_squeeze %dma_wait3A_1627 : memref<1x80x128xf32, #tpu.memory_space<vmem>> -> memref<80x128xf32, #tpu.memory_space<vmem>>
    %dma_wait3A_1629 = arith.constant 0 : i32
    %dma_wait3A_1630 = arith.constant 0 : i32
    %dma_wait3A_1631 = tpu.memref_slice %arg6[%dma_wait3A_1629, %dma_wait3A_1630] : memref<320000x128xf32, #tpu.memory_space<hbm>> -> memref<80x128xf32, #tpu.memory_space<hbm>>
    tpu.wait_dma2 semaphore(%arg13 : memref<!tpu.dma_semaphore, #tpu.memory_space<semaphore_mem>>) src(%dma_wait3A_1631 : memref<80x128xf32, #tpu.memory_space<hbm>>) dst(%dma_wait3A_1628 : memref<80x128xf32, #tpu.memory_space<vmem>>)
    %add3A_1632 = arith.constant 480 : i32
    %add3A_1633 = arith.addi %mul3A_2, %add3A_1632 : i32
    %dma_start3A_1634 = arith.constant 6 : i32
    %dma_start3A_1635 = arith.constant 0 : i32
    %dma_start3A_1636 = arith.constant 0 : i32
    %dma_start3A_1637 = tpu.memref_slice %arg11[%dma_start3A_1634, %dma_start3A_1635, %dma_start3A_1636] : memref<8x80x128xf32, #tpu.memory_space<vmem>> -> memref<1x80x128xf32, #tpu.memory_space<vmem>>
    %dma_start3A_1638 = tpu.memref_squeeze %dma_start3A_1637 : memref<1x80x128xf32, #tpu.memory_space<vmem>> -> memref<80x128xf32, #tpu.memory_space<vmem>>
    %dma_start3A_1639 = arith.constant 0 : i32
    %dma_start3A_1640 = tpu.memref_slice %arg6[%add3A_1633, %dma_start3A_1639] : memref<320000x128xf32, #tpu.memory_space<hbm>> -> memref<80x128xf32, #tpu.memory_space<hbm>>
    %dma_start3A_1641 = arith.constant 0 : i32
    %dma_start3A_1642 = tpu.memref_slice %arg6[%add3A_1633, %dma_start3A_1641] : memref<320000x128xf32, #tpu.memory_space<hbm>> -> memref<80x128xf32, #tpu.memory_space<hbm>>
    %dma_start3A_1643 = arith.constant 0 : i32
    %dma_start3A_1644 = arith.constant 0 : i32
    %dma_start3A_1645 = tpu.memref_slice %arg11[%dma_start3A_1634, %dma_start3A_1643, %dma_start3A_1644] : memref<8x80x128xf32, #tpu.memory_space<vmem>> -> memref<1x80x128xf32, #tpu.memory_space<vmem>>
    %dma_start3A_1646 = tpu.memref_squeeze %dma_start3A_1645 : memref<1x80x128xf32, #tpu.memory_space<vmem>> -> memref<80x128xf32, #tpu.memory_space<vmem>>
    tpu.enqueue_dma source(%dma_start3A_1646 : memref<80x128xf32, #tpu.memory_space<vmem>>) target(%dma_start3A_1642 : memref<80x128xf32, #tpu.memory_space<hbm>>) target_semaphore(%arg14 : memref<!tpu.dma_semaphore, #tpu.memory_space<semaphore_mem>>)
    %dma_wait3A_1647 = arith.constant 3 : i32
    %dma_wait3A_1648 = arith.constant 0 : i32
    %dma_wait3A_1649 = arith.constant 0 : i32
    %dma_wait3A_1650 = tpu.memref_slice %arg11[%dma_wait3A_1647, %dma_wait3A_1648, %dma_wait3A_1649] : memref<8x80x128xf32, #tpu.memory_space<vmem>> -> memref<1x80x128xf32, #tpu.memory_space<vmem>>
    %dma_wait3A_1651 = tpu.memref_squeeze %dma_wait3A_1650 : memref<1x80x128xf32, #tpu.memory_space<vmem>> -> memref<80x128xf32, #tpu.memory_space<vmem>>
    %dma_wait3A_1652 = arith.constant 0 : i32
    %dma_wait3A_1653 = arith.constant 0 : i32
    %dma_wait3A_1654 = tpu.memref_slice %arg6[%dma_wait3A_1652, %dma_wait3A_1653] : memref<320000x128xf32, #tpu.memory_space<hbm>> -> memref<80x128xf32, #tpu.memory_space<hbm>>
    %dma_wait3A_1655 = arith.constant 0 : i32
    %dma_wait3A_1656 = arith.constant 0 : i32
    %dma_wait3A_1657 = tpu.memref_slice %arg6[%dma_wait3A_1655, %dma_wait3A_1656] : memref<320000x128xf32, #tpu.memory_space<hbm>> -> memref<80x128xf32, #tpu.memory_space<hbm>>
    %dma_wait3A_1658 = arith.constant 0 : i32
    %dma_wait3A_1659 = arith.constant 0 : i32
    %dma_wait3A_1660 = tpu.memref_slice %arg11[%dma_wait3A_1647, %dma_wait3A_1658, %dma_wait3A_1659] : memref<8x80x128xf32, #tpu.memory_space<vmem>> -> memref<1x80x128xf32, #tpu.memory_space<vmem>>
    %dma_wait3A_1661 = tpu.memref_squeeze %dma_wait3A_1660 : memref<1x80x128xf32, #tpu.memory_space<vmem>> -> memref<80x128xf32, #tpu.memory_space<vmem>>
    tpu.wait_dma2 semaphore(%arg14 : memref<!tpu.dma_semaphore, #tpu.memory_space<semaphore_mem>>) src(%dma_wait3A_1661 : memref<80x128xf32, #tpu.memory_space<vmem>>) dst(%dma_wait3A_1657 : memref<80x128xf32, #tpu.memory_space<hbm>>)
    %get3A_1662 = arith.constant 880 : index
    %get3A_1663 = tpu.vector_load %arg7[%get3A_1662] {strides = array<i32>} : memref<10000xi32, #tpu.memory_space<vmem>>, vector<16xi32>,
    %get3A_1664 = vector.shape_cast %get3A_1663 : vector<16xi32> to vector<16xi32>
    %mul3A_1665 = arith.constant 12 : i32
    %mul3A_1666 = vector.broadcast %mul3A_1665 : i32 to vector<16xi32>
    %mul3A_1667 = arith.muli %get3A_1664, %mul3A_1666 : vector<16xi32>
    %get3A_1668 = arith.constant 880 : index
    %get3A_1669 = tpu.vector_load %arg8[%get3A_1668] {strides = array<i32>} : memref<10000xi32, #tpu.memory_space<vmem>>, vector<16xi32>,
    %get3A_1670 = vector.shape_cast %get3A_1669 : vector<16xi32> to vector<16xi32>
    %mul3A_1671 = arith.constant 2 : i32
    %mul3A_1672 = vector.broadcast %mul3A_1671 : i32 to vector<16xi32>
    %mul3A_1673 = arith.muli %get3A_1670, %mul3A_1672 : vector<16xi32>
    %add3A_1674 = arith.addi %mul3A_1667, %mul3A_1673 : vector<16xi32>
    %get3A_1675 = arith.constant 880 : index
    %get3A_1676 = tpu.vector_load %arg9[%get3A_1675] {strides = array<i32>} : memref<10000xi32, #tpu.memory_space<vmem>>, vector<16xi32>,
    %get3A_1677 = vector.shape_cast %get3A_1676 : vector<16xi32> to vector<16xi32>
    %add3A_1678 = arith.addi %add3A_1674, %get3A_1677 : vector<16xi32>
    %add3A_1679 = vector.broadcast %mul3A_18 : i32 to vector<16xi32>
    %add3A_1680 = arith.addi %add3A_1678, %add3A_1679 : vector<16xi32>
    %swap3A_1681 = arith.constant 880 : index
    %swap3A_1682 = tpu.vector_load %arg10[%swap3A_1681] {strides = array<i32>} : memref<10000xi32, #tpu.memory_space<vmem>>, vector<16xi32>,
    %swap3A_1683 = vector.shape_cast %swap3A_1682 : vector<16xi32> to vector<16xi32>
    %swap3A_1684 = vector.shape_cast %add3A_1680 : vector<16xi32> to vector<16xi32>
    tpu.vector_store %arg10[%swap3A_1681], %swap3A_1684 {strides = array<i32>} : memref<10000xi32, #tpu.memory_space<vmem>>, vector<16xi32>,
    %get3A_1685 = arith.constant 896 : index
    %get3A_1686 = tpu.vector_load %arg7[%get3A_1685] {strides = array<i32>} : memref<10000xi32, #tpu.memory_space<vmem>>, vector<16xi32>,
    %get3A_1687 = vector.shape_cast %get3A_1686 : vector<16xi32> to vector<16xi32>
    %mul3A_1688 = arith.constant 12 : i32
    %mul3A_1689 = vector.broadcast %mul3A_1688 : i32 to vector<16xi32>
    %mul3A_1690 = arith.muli %get3A_1687, %mul3A_1689 : vector<16xi32>
    %get3A_1691 = arith.constant 896 : index
    %get3A_1692 = tpu.vector_load %arg8[%get3A_1691] {strides = array<i32>} : memref<10000xi32, #tpu.memory_space<vmem>>, vector<16xi32>,
    %get3A_1693 = vector.shape_cast %get3A_1692 : vector<16xi32> to vector<16xi32>
    %mul3A_1694 = arith.constant 2 : i32
    %mul3A_1695 = vector.broadcast %mul3A_1694 : i32 to vector<16xi32>
    %mul3A_1696 = arith.muli %get3A_1693, %mul3A_1695 : vector<16xi32>
    %add3A_1697 = arith.addi %mul3A_1690, %mul3A_1696 : vector<16xi32>
    %get3A_1698 = arith.constant 896 : index
    %get3A_1699 = tpu.vector_load %arg9[%get3A_1698] {strides = array<i32>} : memref<10000xi32, #tpu.memory_space<vmem>>, vector<16xi32>,
    %get3A_1700 = vector.shape_cast %get3A_1699 : vector<16xi32> to vector<16xi32>
    %add3A_1701 = arith.addi %add3A_1697, %get3A_1700 : vector<16xi32>
    %add3A_1702 = vector.broadcast %mul3A_18 : i32 to vector<16xi32>
    %add3A_1703 = arith.addi %add3A_1701, %add3A_1702 : vector<16xi32>
    %swap3A_1704 = arith.constant 896 : index
    %swap3A_1705 = tpu.vector_load %arg10[%swap3A_1704] {strides = array<i32>} : memref<10000xi32, #tpu.memory_space<vmem>>, vector<16xi32>,
    %swap3A_1706 = vector.shape_cast %swap3A_1705 : vector<16xi32> to vector<16xi32>
    %swap3A_1707 = vector.shape_cast %add3A_1703 : vector<16xi32> to vector<16xi32>
    tpu.vector_store %arg10[%swap3A_1704], %swap3A_1707 {strides = array<i32>} : memref<10000xi32, #tpu.memory_space<vmem>>, vector<16xi32>,
    %get3A_1708 = arith.constant 912 : index
    %get3A_1709 = tpu.vector_load %arg7[%get3A_1708] {strides = array<i32>} : memref<10000xi32, #tpu.memory_space<vmem>>, vector<16xi32>,
    %get3A_1710 = vector.shape_cast %get3A_1709 : vector<16xi32> to vector<16xi32>
    %mul3A_1711 = arith.constant 12 : i32
    %mul3A_1712 = vector.broadcast %mul3A_1711 : i32 to vector<16xi32>
    %mul3A_1713 = arith.muli %get3A_1710, %mul3A_1712 : vector<16xi32>
    %get3A_1714 = arith.constant 912 : index
    %get3A_1715 = tpu.vector_load %arg8[%get3A_1714] {strides = array<i32>} : memref<10000xi32, #tpu.memory_space<vmem>>, vector<16xi32>,
    %get3A_1716 = vector.shape_cast %get3A_1715 : vector<16xi32> to vector<16xi32>
    %mul3A_1717 = arith.constant 2 : i32
    %mul3A_1718 = vector.broadcast %mul3A_1717 : i32 to vector<16xi32>
    %mul3A_1719 = arith.muli %get3A_1716, %mul3A_1718 : vector<16xi32>
    %add3A_1720 = arith.addi %mul3A_1713, %mul3A_1719 : vector<16xi32>
    %get3A_1721 = arith.constant 912 : index
    %get3A_1722 = tpu.vector_load %arg9[%get3A_1721] {strides = array<i32>} : memref<10000xi32, #tpu.memory_space<vmem>>, vector<16xi32>,
    %get3A_1723 = vector.shape_cast %get3A_1722 : vector<16xi32> to vector<16xi32>
    %add3A_1724 = arith.addi %add3A_1720, %get3A_1723 : vector<16xi32>
    %add3A_1725 = vector.broadcast %mul3A_18 : i32 to vector<16xi32>
    %add3A_1726 = arith.addi %add3A_1724, %add3A_1725 : vector<16xi32>
    %swap3A_1727 = arith.constant 912 : index
    %swap3A_1728 = tpu.vector_load %arg10[%swap3A_1727] {strides = array<i32>} : memref<10000xi32, #tpu.memory_space<vmem>>, vector<16xi32>,
    %swap3A_1729 = vector.shape_cast %swap3A_1728 : vector<16xi32> to vector<16xi32>
    %swap3A_1730 = vector.shape_cast %add3A_1726 : vector<16xi32> to vector<16xi32>
    tpu.vector_store %arg10[%swap3A_1727], %swap3A_1730 {strides = array<i32>} : memref<10000xi32, #tpu.memory_space<vmem>>, vector<16xi32>,
    %get3A_1731 = arith.constant 928 : index
    %get3A_1732 = tpu.vector_load %arg7[%get3A_1731] {strides = array<i32>} : memref<10000xi32, #tpu.memory_space<vmem>>, vector<16xi32>,
    %get3A_1733 = vector.shape_cast %get3A_1732 : vector<16xi32> to vector<16xi32>
    %mul3A_1734 = arith.constant 12 : i32
    %mul3A_1735 = vector.broadcast %mul3A_1734 : i32 to vector<16xi32>
    %mul3A_1736 = arith.muli %get3A_1733, %mul3A_1735 : vector<16xi32>
    %get3A_1737 = arith.constant 928 : index
    %get3A_1738 = tpu.vector_load %arg8[%get3A_1737] {strides = array<i32>} : memref<10000xi32, #tpu.memory_space<vmem>>, vector<16xi32>,
    %get3A_1739 = vector.shape_cast %get3A_1738 : vector<16xi32> to vector<16xi32>
    %mul3A_1740 = arith.constant 2 : i32
    %mul3A_1741 = vector.broadcast %mul3A_1740 : i32 to vector<16xi32>
    %mul3A_1742 = arith.muli %get3A_1739, %mul3A_1741 : vector<16xi32>
    %add3A_1743 = arith.addi %mul3A_1736, %mul3A_1742 : vector<16xi32>
    %get3A_1744 = arith.constant 928 : index
    %get3A_1745 = tpu.vector_load %arg9[%get3A_1744] {strides = array<i32>} : memref<10000xi32, #tpu.memory_space<vmem>>, vector<16xi32>,
    %get3A_1746 = vector.shape_cast %get3A_1745 : vector<16xi32> to vector<16xi32>
    %add3A_1747 = arith.addi %add3A_1743, %get3A_1746 : vector<16xi32>
    %add3A_1748 = vector.broadcast %mul3A_18 : i32 to vector<16xi32>
    %add3A_1749 = arith.addi %add3A_1747, %add3A_1748 : vector<16xi32>
    %swap3A_1750 = arith.constant 928 : index
    %swap3A_1751 = tpu.vector_load %arg10[%swap3A_1750] {strides = array<i32>} : memref<10000xi32, #tpu.memory_space<vmem>>, vector<16xi32>,
    %swap3A_1752 = vector.shape_cast %swap3A_1751 : vector<16xi32> to vector<16xi32>
    %swap3A_1753 = vector.shape_cast %add3A_1749 : vector<16xi32> to vector<16xi32>
    tpu.vector_store %arg10[%swap3A_1750], %swap3A_1753 {strides = array<i32>} : memref<10000xi32, #tpu.memory_space<vmem>>, vector<16xi32>,
    %get3A_1754 = arith.constant 944 : index
    %get3A_1755 = tpu.vector_load %arg7[%get3A_1754] {strides = array<i32>} : memref<10000xi32, #tpu.memory_space<vmem>>, vector<16xi32>,
    %get3A_1756 = vector.shape_cast %get3A_1755 : vector<16xi32> to vector<16xi32>
    %mul3A_1757 = arith.constant 12 : i32
    %mul3A_1758 = vector.broadcast %mul3A_1757 : i32 to vector<16xi32>
    %mul3A_1759 = arith.muli %get3A_1756, %mul3A_1758 : vector<16xi32>
    %get3A_1760 = arith.constant 944 : index
    %get3A_1761 = tpu.vector_load %arg8[%get3A_1760] {strides = array<i32>} : memref<10000xi32, #tpu.memory_space<vmem>>, vector<16xi32>,
    %get3A_1762 = vector.shape_cast %get3A_1761 : vector<16xi32> to vector<16xi32>
    %mul3A_1763 = arith.constant 2 : i32
    %mul3A_1764 = vector.broadcast %mul3A_1763 : i32 to vector<16xi32>
    %mul3A_1765 = arith.muli %get3A_1762, %mul3A_1764 : vector<16xi32>
    %add3A_1766 = arith.addi %mul3A_1759, %mul3A_1765 : vector<16xi32>
    %get3A_1767 = arith.constant 944 : index
    %get3A_1768 = tpu.vector_load %arg9[%get3A_1767] {strides = array<i32>} : memref<10000xi32, #tpu.memory_space<vmem>>, vector<16xi32>,
    %get3A_1769 = vector.shape_cast %get3A_1768 : vector<16xi32> to vector<16xi32>
    %add3A_1770 = arith.addi %add3A_1766, %get3A_1769 : vector<16xi32>
    %add3A_1771 = vector.broadcast %mul3A_18 : i32 to vector<16xi32>
    %add3A_1772 = arith.addi %add3A_1770, %add3A_1771 : vector<16xi32>
    %swap3A_1773 = arith.constant 944 : index
    %swap3A_1774 = tpu.vector_load %arg10[%swap3A_1773] {strides = array<i32>} : memref<10000xi32, #tpu.memory_space<vmem>>, vector<16xi32>,
    %swap3A_1775 = vector.shape_cast %swap3A_1774 : vector<16xi32> to vector<16xi32>
    %swap3A_1776 = vector.shape_cast %add3A_1772 : vector<16xi32> to vector<16xi32>
    tpu.vector_store %arg10[%swap3A_1773], %swap3A_1776 {strides = array<i32>} : memref<10000xi32, #tpu.memory_space<vmem>>, vector<16xi32>,
    %dma_start3A_1777 = arith.constant 3 : i32
    %dma_start3A_1778 = arith.constant 0 : i32
    %dma_start3A_1779 = arith.constant 0 : i32
    %dma_start3A_1780 = tpu.memref_slice %arg11[%dma_start3A_1777, %dma_start3A_1778, %dma_start3A_1779] : memref<8x80x128xf32, #tpu.memory_space<vmem>> -> memref<1x80x128xf32, #tpu.memory_space<vmem>>
    %dma_start3A_1781 = tpu.memref_squeeze %dma_start3A_1780 : memref<1x80x128xf32, #tpu.memory_space<vmem>> -> memref<80x128xf32, #tpu.memory_space<vmem>>
    %dma_start3A_1782 = arith.constant 880 : i32
    %dma_start3A_1783 = tpu.memref_slice %arg10[%dma_start3A_1782] : memref<10000xi32, #tpu.memory_space<vmem>> -> memref<80xi32, #tpu.memory_space<vmem>>
    %dma_start3A_1784 = arith.constant 0 : i32
    %dma_start3A_1785 = arith.constant 0 : i32
    %dma_start3A_1786 = tpu.memref_slice %arg12[%dma_start3A_1784, %dma_start3A_1785] : memref<1024x128xf32, #tpu.memory_space<vmem_shared>> -> memref<1024x128xf32, #tpu.memory_space<vmem_shared>>
    tpu.enqueue_indirect_dma source(%dma_start3A_1786 : memref<1024x128xf32, #tpu.memory_space<vmem_shared>>) target(%dma_start3A_1781 : memref<80x128xf32, #tpu.memory_space<vmem>>) offsets(%dma_start3A_1783 : memref<80xi32, #tpu.memory_space<vmem>>) semaphore(%arg13 : memref<!tpu.dma_semaphore, #tpu.memory_space<semaphore_mem>>)
    %dma_wait3A_1787 = arith.constant 7 : i32
    %dma_wait3A_1788 = arith.constant 0 : i32
    %dma_wait3A_1789 = arith.constant 0 : i32
    %dma_wait3A_1790 = tpu.memref_slice %arg11[%dma_wait3A_1787, %dma_wait3A_1788, %dma_wait3A_1789] : memref<8x80x128xf32, #tpu.memory_space<vmem>> -> memref<1x80x128xf32, #tpu.memory_space<vmem>>
    %dma_wait3A_1791 = tpu.memref_squeeze %dma_wait3A_1790 : memref<1x80x128xf32, #tpu.memory_space<vmem>> -> memref<80x128xf32, #tpu.memory_space<vmem>>
    %dma_wait3A_1792 = arith.constant 0 : i32
    %dma_wait3A_1793 = arith.constant 0 : i32
    %dma_wait3A_1794 = tpu.memref_slice %arg6[%dma_wait3A_1792, %dma_wait3A_1793] : memref<320000x128xf32, #tpu.memory_space<hbm>> -> memref<80x128xf32, #tpu.memory_space<hbm>>
    %dma_wait3A_1795 = arith.constant 0 : i32
    %dma_wait3A_1796 = arith.constant 0 : i32
    %dma_wait3A_1797 = tpu.memref_slice %arg11[%dma_wait3A_1787, %dma_wait3A_1795, %dma_wait3A_1796] : memref<8x80x128xf32, #tpu.memory_space<vmem>> -> memref<1x80x128xf32, #tpu.memory_space<vmem>>
    %dma_wait3A_1798 = tpu.memref_squeeze %dma_wait3A_1797 : memref<1x80x128xf32, #tpu.memory_space<vmem>> -> memref<80x128xf32, #tpu.memory_space<vmem>>
    %dma_wait3A_1799 = arith.constant 0 : i32
    %dma_wait3A_1800 = arith.constant 0 : i32
    %dma_wait3A_1801 = tpu.memref_slice %arg6[%dma_wait3A_1799, %dma_wait3A_1800] : memref<320000x128xf32, #tpu.memory_space<hbm>> -> memref<80x128xf32, #tpu.memory_space<hbm>>
    tpu.wait_dma2 semaphore(%arg13 : memref<!tpu.dma_semaphore, #tpu.memory_space<semaphore_mem>>) src(%dma_wait3A_1801 : memref<80x128xf32, #tpu.memory_space<hbm>>) dst(%dma_wait3A_1798 : memref<80x128xf32, #tpu.memory_space<vmem>>)
    %add3A_1802 = arith.constant 560 : i32
    %add3A_1803 = arith.addi %mul3A_2, %add3A_1802 : i32
    %dma_start3A_1804 = arith.constant 7 : i32
    %dma_start3A_1805 = arith.constant 0 : i32
    %dma_start3A_1806 = arith.constant 0 : i32
    %dma_start3A_1807 = tpu.memref_slice %arg11[%dma_start3A_1804, %dma_start3A_1805, %dma_start3A_1806] : memref<8x80x128xf32, #tpu.memory_space<vmem>> -> memref<1x80x128xf32, #tpu.memory_space<vmem>>
    %dma_start3A_1808 = tpu.memref_squeeze %dma_start3A_1807 : memref<1x80x128xf32, #tpu.memory_space<vmem>> -> memref<80x128xf32, #tpu.memory_space<vmem>>
    %dma_start3A_1809 = arith.constant 0 : i32
    %dma_start3A_1810 = tpu.memref_slice %arg6[%add3A_1803, %dma_start3A_1809] : memref<320000x128xf32, #tpu.memory_space<hbm>> -> memref<80x128xf32, #tpu.memory_space<hbm>>
    %dma_start3A_1811 = arith.constant 0 : i32
    %dma_start3A_1812 = tpu.memref_slice %arg6[%add3A_1803, %dma_start3A_1811] : memref<320000x128xf32, #tpu.memory_space<hbm>> -> memref<80x128xf32, #tpu.memory_space<hbm>>
    %dma_start3A_1813 = arith.constant 0 : i32
    %dma_start3A_1814 = arith.constant 0 : i32
    %dma_start3A_1815 = tpu.memref_slice %arg11[%dma_start3A_1804, %dma_start3A_1813, %dma_start3A_1814] : memref<8x80x128xf32, #tpu.memory_space<vmem>> -> memref<1x80x128xf32, #tpu.memory_space<vmem>>
    %dma_start3A_1816 = tpu.memref_squeeze %dma_start3A_1815 : memref<1x80x128xf32, #tpu.memory_space<vmem>> -> memref<80x128xf32, #tpu.memory_space<vmem>>
    tpu.enqueue_dma source(%dma_start3A_1816 : memref<80x128xf32, #tpu.memory_space<vmem>>) target(%dma_start3A_1812 : memref<80x128xf32, #tpu.memory_space<hbm>>) target_semaphore(%arg14 : memref<!tpu.dma_semaphore, #tpu.memory_space<semaphore_mem>>)
    %scan3A = arith.constant 0 : i32
    %scan3A_1817 = arith.constant 1 : i32
    %scan3A_1818 = arith.constant 14 : i32
    %scan3A_1819 = arith.addi %scan3A_1817, %scan3A_1818 : i32
    %scan3A_1820 = arith.constant 1 : i32
    scf.for %scan3A_2232 = %scan3A_1817 to %scan3A_1819 step %scan3A_1820  : i32 {
      %mul3A_2233 = arith.constant 8 : i32
      %mul3A_2234 = arith.muli %scan3A_2232, %mul3A_2233 : i32
      %add3A_2235 = arith.constant 0 : i32
      %add3A_2236 = arith.addi %mul3A_2234, %add3A_2235 : i32
      %dma_wait3A_2237 = arith.constant 4 : i32
      %dma_wait3A_2238 = arith.constant 0 : i32
      %dma_wait3A_2239 = arith.constant 0 : i32
      %dma_wait3A_2240 = tpu.memref_slice %arg11[%dma_wait3A_2237, %dma_wait3A_2238, %dma_wait3A_2239] : memref<8x80x128xf32, #tpu.memory_space<vmem>> -> memref<1x80x128xf32, #tpu.memory_space<vmem>>
      %dma_wait3A_2241 = tpu.memref_squeeze %dma_wait3A_2240 : memref<1x80x128xf32, #tpu.memory_space<vmem>> -> memref<80x128xf32, #tpu.memory_space<vmem>>
      %dma_wait3A_2242 = arith.constant 0 : i32
      %dma_wait3A_2243 = arith.constant 0 : i32
      %dma_wait3A_2244 = tpu.memref_slice %arg6[%dma_wait3A_2242, %dma_wait3A_2243] : memref<320000x128xf32, #tpu.memory_space<hbm>> -> memref<80x128xf32, #tpu.memory_space<hbm>>
      %dma_wait3A_2245 = arith.constant 0 : i32
      %dma_wait3A_2246 = arith.constant 0 : i32
      %dma_wait3A_2247 = tpu.memref_slice %arg6[%dma_wait3A_2245, %dma_wait3A_2246] : memref<320000x128xf32, #tpu.memory_space<hbm>> -> memref<80x128xf32, #tpu.memory_space<hbm>>
      %dma_wait3A_2248 = arith.constant 0 : i32
      %dma_wait3A_2249 = arith.constant 0 : i32
      %dma_wait3A_2250 = tpu.memref_slice %arg11[%dma_wait3A_2237, %dma_wait3A_2248, %dma_wait3A_2249] : memref<8x80x128xf32, #tpu.memory_space<vmem>> -> memref<1x80x128xf32, #tpu.memory_space<vmem>>
      %dma_wait3A_2251 = tpu.memref_squeeze %dma_wait3A_2250 : memref<1x80x128xf32, #tpu.memory_space<vmem>> -> memref<80x128xf32, #tpu.memory_space<vmem>>
      tpu.wait_dma2 semaphore(%arg14 : memref<!tpu.dma_semaphore, #tpu.memory_space<semaphore_mem>>) src(%dma_wait3A_2251 : memref<80x128xf32, #tpu.memory_space<vmem>>) dst(%dma_wait3A_2247 : memref<80x128xf32, #tpu.memory_space<hbm>>)
      %add3A_2252 = arith.constant 4 : i32
      %add3A_2253 = arith.addi %add3A_2236, %add3A_2252 : i32
      %mul3A_2254 = arith.constant 80 : i32
      %mul3A_2255 = arith.muli %add3A_2253, %mul3A_2254 : i32
      %add3A_2256 = arith.constant 0 : i32
      %add3A_2257 = arith.addi %mul3A_2255, %add3A_2256 : i32
      %get3A_2258 = arith.index_cast %add3A_2257 : i32 to index
      %get3A_2259 = tpu.vector_load %arg7[%get3A_2258] {strides = array<i32>} : memref<10000xi32, #tpu.memory_space<vmem>>, vector<16xi32>,
      %get3A_2260 = vector.shape_cast %get3A_2259 : vector<16xi32> to vector<16xi32>
      %mul3A_2261 = arith.constant 12 : i32
      %mul3A_2262 = vector.broadcast %mul3A_2261 : i32 to vector<16xi32>
      %mul3A_2263 = arith.muli %get3A_2260, %mul3A_2262 : vector<16xi32>
      %get3A_2264 = arith.index_cast %add3A_2257 : i32 to index
      %get3A_2265 = tpu.vector_load %arg8[%get3A_2264] {strides = array<i32>} : memref<10000xi32, #tpu.memory_space<vmem>>, vector<16xi32>,
      %get3A_2266 = vector.shape_cast %get3A_2265 : vector<16xi32> to vector<16xi32>
      %mul3A_2267 = arith.constant 2 : i32
      %mul3A_2268 = vector.broadcast %mul3A_2267 : i32 to vector<16xi32>
      %mul3A_2269 = arith.muli %get3A_2266, %mul3A_2268 : vector<16xi32>
      %add3A_2270 = arith.addi %mul3A_2263, %mul3A_2269 : vector<16xi32>
      %get3A_2271 = arith.index_cast %add3A_2257 : i32 to index
      %get3A_2272 = tpu.vector_load %arg9[%get3A_2271] {strides = array<i32>} : memref<10000xi32, #tpu.memory_space<vmem>>, vector<16xi32>,
      %get3A_2273 = vector.shape_cast %get3A_2272 : vector<16xi32> to vector<16xi32>
      %add3A_2274 = arith.addi %add3A_2270, %get3A_2273 : vector<16xi32>
      %add3A_2275 = vector.broadcast %mul3A_18 : i32 to vector<16xi32>
      %add3A_2276 = arith.addi %add3A_2274, %add3A_2275 : vector<16xi32>
      %swap3A_2277 = arith.index_cast %add3A_2257 : i32 to index
      %swap3A_2278 = tpu.vector_load %arg10[%swap3A_2277] {strides = array<i32>} : memref<10000xi32, #tpu.memory_space<vmem>>, vector<16xi32>,
      %swap3A_2279 = vector.shape_cast %swap3A_2278 : vector<16xi32> to vector<16xi32>
      %swap3A_2280 = vector.shape_cast %add3A_2276 : vector<16xi32> to vector<16xi32>
      tpu.vector_store %arg10[%swap3A_2277], %swap3A_2280 {strides = array<i32>} : memref<10000xi32, #tpu.memory_space<vmem>>, vector<16xi32>,
      %mul3A_2281 = arith.constant 80 : i32
      %mul3A_2282 = arith.muli %add3A_2253, %mul3A_2281 : i32
      %add3A_2283 = arith.constant 16 : i32
      %add3A_2284 = arith.addi %mul3A_2282, %add3A_2283 : i32
      %get3A_2285 = arith.index_cast %add3A_2284 : i32 to index
      %get3A_2286 = tpu.vector_load %arg7[%get3A_2285] {strides = array<i32>} : memref<10000xi32, #tpu.memory_space<vmem>>, vector<16xi32>,
      %get3A_2287 = vector.shape_cast %get3A_2286 : vector<16xi32> to vector<16xi32>
      %mul3A_2288 = arith.constant 12 : i32
      %mul3A_2289 = vector.broadcast %mul3A_2288 : i32 to vector<16xi32>
      %mul3A_2290 = arith.muli %get3A_2287, %mul3A_2289 : vector<16xi32>
      %get3A_2291 = arith.index_cast %add3A_2284 : i32 to index
      %get3A_2292 = tpu.vector_load %arg8[%get3A_2291] {strides = array<i32>} : memref<10000xi32, #tpu.memory_space<vmem>>, vector<16xi32>,
      %get3A_2293 = vector.shape_cast %get3A_2292 : vector<16xi32> to vector<16xi32>
      %mul3A_2294 = arith.constant 2 : i32
      %mul3A_2295 = vector.broadcast %mul3A_2294 : i32 to vector<16xi32>
      %mul3A_2296 = arith.muli %get3A_2293, %mul3A_2295 : vector<16xi32>
      %add3A_2297 = arith.addi %mul3A_2290, %mul3A_2296 : vector<16xi32>
      %get3A_2298 = arith.index_cast %add3A_2284 : i32 to index
      %get3A_2299 = tpu.vector_load %arg9[%get3A_2298] {strides = array<i32>} : memref<10000xi32, #tpu.memory_space<vmem>>, vector<16xi32>,
      %get3A_2300 = vector.shape_cast %get3A_2299 : vector<16xi32> to vector<16xi32>
      %add3A_2301 = arith.addi %add3A_2297, %get3A_2300 : vector<16xi32>
      %add3A_2302 = vector.broadcast %mul3A_18 : i32 to vector<16xi32>
      %add3A_2303 = arith.addi %add3A_2301, %add3A_2302 : vector<16xi32>
      %swap3A_2304 = arith.index_cast %add3A_2284 : i32 to index
      %swap3A_2305 = tpu.vector_load %arg10[%swap3A_2304] {strides = array<i32>} : memref<10000xi32, #tpu.memory_space<vmem>>, vector<16xi32>,
      %swap3A_2306 = vector.shape_cast %swap3A_2305 : vector<16xi32> to vector<16xi32>
      %swap3A_2307 = vector.shape_cast %add3A_2303 : vector<16xi32> to vector<16xi32>
      tpu.vector_store %arg10[%swap3A_2304], %swap3A_2307 {strides = array<i32>} : memref<10000xi32, #tpu.memory_space<vmem>>, vector<16xi32>,
      %mul3A_2308 = arith.constant 80 : i32
      %mul3A_2309 = arith.muli %add3A_2253, %mul3A_2308 : i32
      %add3A_2310 = arith.constant 32 : i32
      %add3A_2311 = arith.addi %mul3A_2309, %add3A_2310 : i32
      %get3A_2312 = arith.index_cast %add3A_2311 : i32 to index
      %get3A_2313 = tpu.vector_load %arg7[%get3A_2312] {strides = array<i32>} : memref<10000xi32, #tpu.memory_space<vmem>>, vector<16xi32>,
      %get3A_2314 = vector.shape_cast %get3A_2313 : vector<16xi32> to vector<16xi32>
      %mul3A_2315 = arith.constant 12 : i32
      %mul3A_2316 = vector.broadcast %mul3A_2315 : i32 to vector<16xi32>
      %mul3A_2317 = arith.muli %get3A_2314, %mul3A_2316 : vector<16xi32>
      %get3A_2318 = arith.index_cast %add3A_2311 : i32 to index
      %get3A_2319 = tpu.vector_load %arg8[%get3A_2318] {strides = array<i32>} : memref<10000xi32, #tpu.memory_space<vmem>>, vector<16xi32>,
      %get3A_2320 = vector.shape_cast %get3A_2319 : vector<16xi32> to vector<16xi32>
      %mul3A_2321 = arith.constant 2 : i32
      %mul3A_2322 = vector.broadcast %mul3A_2321 : i32 to vector<16xi32>
      %mul3A_2323 = arith.muli %get3A_2320, %mul3A_2322 : vector<16xi32>
      %add3A_2324 = arith.addi %mul3A_2317, %mul3A_2323 : vector<16xi32>
      %get3A_2325 = arith.index_cast %add3A_2311 : i32 to index
      %get3A_2326 = tpu.vector_load %arg9[%get3A_2325] {strides = array<i32>} : memref<10000xi32, #tpu.memory_space<vmem>>, vector<16xi32>,
      %get3A_2327 = vector.shape_cast %get3A_2326 : vector<16xi32> to vector<16xi32>
      %add3A_2328 = arith.addi %add3A_2324, %get3A_2327 : vector<16xi32>
      %add3A_2329 = vector.broadcast %mul3A_18 : i32 to vector<16xi32>
      %add3A_2330 = arith.addi %add3A_2328, %add3A_2329 : vector<16xi32>
      %swap3A_2331 = arith.index_cast %add3A_2311 : i32 to index
      %swap3A_2332 = tpu.vector_load %arg10[%swap3A_2331] {strides = array<i32>} : memref<10000xi32, #tpu.memory_space<vmem>>, vector<16xi32>,
      %swap3A_2333 = vector.shape_cast %swap3A_2332 : vector<16xi32> to vector<16xi32>
      %swap3A_2334 = vector.shape_cast %add3A_2330 : vector<16xi32> to vector<16xi32>
      tpu.vector_store %arg10[%swap3A_2331], %swap3A_2334 {strides = array<i32>} : memref<10000xi32, #tpu.memory_space<vmem>>, vector<16xi32>,
      %mul3A_2335 = arith.constant 80 : i32
      %mul3A_2336 = arith.muli %add3A_2253, %mul3A_2335 : i32
      %add3A_2337 = arith.constant 48 : i32
      %add3A_2338 = arith.addi %mul3A_2336, %add3A_2337 : i32
      %get3A_2339 = arith.index_cast %add3A_2338 : i32 to index
      %get3A_2340 = tpu.vector_load %arg7[%get3A_2339] {strides = array<i32>} : memref<10000xi32, #tpu.memory_space<vmem>>, vector<16xi32>,
      %get3A_2341 = vector.shape_cast %get3A_2340 : vector<16xi32> to vector<16xi32>
      %mul3A_2342 = arith.constant 12 : i32
      %mul3A_2343 = vector.broadcast %mul3A_2342 : i32 to vector<16xi32>
      %mul3A_2344 = arith.muli %get3A_2341, %mul3A_2343 : vector<16xi32>
      %get3A_2345 = arith.index_cast %add3A_2338 : i32 to index
      %get3A_2346 = tpu.vector_load %arg8[%get3A_2345] {strides = array<i32>} : memref<10000xi32, #tpu.memory_space<vmem>>, vector<16xi32>,
      %get3A_2347 = vector.shape_cast %get3A_2346 : vector<16xi32> to vector<16xi32>
      %mul3A_2348 = arith.constant 2 : i32
      %mul3A_2349 = vector.broadcast %mul3A_2348 : i32 to vector<16xi32>
      %mul3A_2350 = arith.muli %get3A_2347, %mul3A_2349 : vector<16xi32>
      %add3A_2351 = arith.addi %mul3A_2344, %mul3A_2350 : vector<16xi32>
      %get3A_2352 = arith.index_cast %add3A_2338 : i32 to index
      %get3A_2353 = tpu.vector_load %arg9[%get3A_2352] {strides = array<i32>} : memref<10000xi32, #tpu.memory_space<vmem>>, vector<16xi32>,
      %get3A_2354 = vector.shape_cast %get3A_2353 : vector<16xi32> to vector<16xi32>
      %add3A_2355 = arith.addi %add3A_2351, %get3A_2354 : vector<16xi32>
      %add3A_2356 = vector.broadcast %mul3A_18 : i32 to vector<16xi32>
      %add3A_2357 = arith.addi %add3A_2355, %add3A_2356 : vector<16xi32>
      %swap3A_2358 = arith.index_cast %add3A_2338 : i32 to index
      %swap3A_2359 = tpu.vector_load %arg10[%swap3A_2358] {strides = array<i32>} : memref<10000xi32, #tpu.memory_space<vmem>>, vector<16xi32>,
      %swap3A_2360 = vector.shape_cast %swap3A_2359 : vector<16xi32> to vector<16xi32>
      %swap3A_2361 = vector.shape_cast %add3A_2357 : vector<16xi32> to vector<16xi32>
      tpu.vector_store %arg10[%swap3A_2358], %swap3A_2361 {strides = array<i32>} : memref<10000xi32, #tpu.memory_space<vmem>>, vector<16xi32>,
      %mul3A_2362 = arith.constant 80 : i32
      %mul3A_2363 = arith.muli %add3A_2253, %mul3A_2362 : i32
      %add3A_2364 = arith.constant 64 : i32
      %add3A_2365 = arith.addi %mul3A_2363, %add3A_2364 : i32
      %get3A_2366 = arith.index_cast %add3A_2365 : i32 to index
      %get3A_2367 = tpu.vector_load %arg7[%get3A_2366] {strides = array<i32>} : memref<10000xi32, #tpu.memory_space<vmem>>, vector<16xi32>,
      %get3A_2368 = vector.shape_cast %get3A_2367 : vector<16xi32> to vector<16xi32>
      %mul3A_2369 = arith.constant 12 : i32
      %mul3A_2370 = vector.broadcast %mul3A_2369 : i32 to vector<16xi32>
      %mul3A_2371 = arith.muli %get3A_2368, %mul3A_2370 : vector<16xi32>
      %get3A_2372 = arith.index_cast %add3A_2365 : i32 to index
      %get3A_2373 = tpu.vector_load %arg8[%get3A_2372] {strides = array<i32>} : memref<10000xi32, #tpu.memory_space<vmem>>, vector<16xi32>,
      %get3A_2374 = vector.shape_cast %get3A_2373 : vector<16xi32> to vector<16xi32>
      %mul3A_2375 = arith.constant 2 : i32
      %mul3A_2376 = vector.broadcast %mul3A_2375 : i32 to vector<16xi32>
      %mul3A_2377 = arith.muli %get3A_2374, %mul3A_2376 : vector<16xi32>
      %add3A_2378 = arith.addi %mul3A_2371, %mul3A_2377 : vector<16xi32>
      %get3A_2379 = arith.index_cast %add3A_2365 : i32 to index
      %get3A_2380 = tpu.vector_load %arg9[%get3A_2379] {strides = array<i32>} : memref<10000xi32, #tpu.memory_space<vmem>>, vector<16xi32>,
      %get3A_2381 = vector.shape_cast %get3A_2380 : vector<16xi32> to vector<16xi32>
      %add3A_2382 = arith.addi %add3A_2378, %get3A_2381 : vector<16xi32>
      %add3A_2383 = vector.broadcast %mul3A_18 : i32 to vector<16xi32>
      %add3A_2384 = arith.addi %add3A_2382, %add3A_2383 : vector<16xi32>
      %swap3A_2385 = arith.index_cast %add3A_2365 : i32 to index
      %swap3A_2386 = tpu.vector_load %arg10[%swap3A_2385] {strides = array<i32>} : memref<10000xi32, #tpu.memory_space<vmem>>, vector<16xi32>,
      %swap3A_2387 = vector.shape_cast %swap3A_2386 : vector<16xi32> to vector<16xi32>
      %swap3A_2388 = vector.shape_cast %add3A_2384 : vector<16xi32> to vector<16xi32>
      tpu.vector_store %arg10[%swap3A_2385], %swap3A_2388 {strides = array<i32>} : memref<10000xi32, #tpu.memory_space<vmem>>, vector<16xi32>,
      %mul3A_2389 = arith.constant 80 : i32
      %mul3A_2390 = arith.muli %add3A_2253, %mul3A_2389 : i32
      %dma_start3A_2391 = arith.constant 4 : i32
      %dma_start3A_2392 = arith.constant 0 : i32
      %dma_start3A_2393 = arith.constant 0 : i32
      %dma_start3A_2394 = tpu.memref_slice %arg11[%dma_start3A_2391, %dma_start3A_2392, %dma_start3A_2393] : memref<8x80x128xf32, #tpu.memory_space<vmem>> -> memref<1x80x128xf32, #tpu.memory_space<vmem>>
      %dma_start3A_2395 = tpu.memref_squeeze %dma_start3A_2394 : memref<1x80x128xf32, #tpu.memory_space<vmem>> -> memref<80x128xf32, #tpu.memory_space<vmem>>
      %dma_start3A_2396 = tpu.memref_slice %arg10[%mul3A_2390] : memref<10000xi32, #tpu.memory_space<vmem>> -> memref<80xi32, #tpu.memory_space<vmem>>
      %dma_start3A_2397 = arith.constant 0 : i32
      %dma_start3A_2398 = arith.constant 0 : i32
      %dma_start3A_2399 = tpu.memref_slice %arg12[%dma_start3A_2397, %dma_start3A_2398] : memref<1024x128xf32, #tpu.memory_space<vmem_shared>> -> memref<1024x128xf32, #tpu.memory_space<vmem_shared>>
      tpu.enqueue_indirect_dma source(%dma_start3A_2399 : memref<1024x128xf32, #tpu.memory_space<vmem_shared>>) target(%dma_start3A_2395 : memref<80x128xf32, #tpu.memory_space<vmem>>) offsets(%dma_start3A_2396 : memref<80xi32, #tpu.memory_space<vmem>>) semaphore(%arg13 : memref<!tpu.dma_semaphore, #tpu.memory_space<semaphore_mem>>)
      %dma_wait3A_2400 = arith.constant 0 : i32
      %dma_wait3A_2401 = arith.constant 0 : i32
      %dma_wait3A_2402 = arith.constant 0 : i32
      %dma_wait3A_2403 = tpu.memref_slice %arg11[%dma_wait3A_2400, %dma_wait3A_2401, %dma_wait3A_2402] : memref<8x80x128xf32, #tpu.memory_space<vmem>> -> memref<1x80x128xf32, #tpu.memory_space<vmem>>
      %dma_wait3A_2404 = tpu.memref_squeeze %dma_wait3A_2403 : memref<1x80x128xf32, #tpu.memory_space<vmem>> -> memref<80x128xf32, #tpu.memory_space<vmem>>
      %dma_wait3A_2405 = arith.constant 0 : i32
      %dma_wait3A_2406 = arith.constant 0 : i32
      %dma_wait3A_2407 = tpu.memref_slice %arg6[%dma_wait3A_2405, %dma_wait3A_2406] : memref<320000x128xf32, #tpu.memory_space<hbm>> -> memref<80x128xf32, #tpu.memory_space<hbm>>
      %dma_wait3A_2408 = arith.constant 0 : i32
      %dma_wait3A_2409 = arith.constant 0 : i32
      %dma_wait3A_2410 = tpu.memref_slice %arg11[%dma_wait3A_2400, %dma_wait3A_2408, %dma_wait3A_2409] : memref<8x80x128xf32, #tpu.memory_space<vmem>> -> memref<1x80x128xf32, #tpu.memory_space<vmem>>
      %dma_wait3A_2411 = tpu.memref_squeeze %dma_wait3A_2410 : memref<1x80x128xf32, #tpu.memory_space<vmem>> -> memref<80x128xf32, #tpu.memory_space<vmem>>
      %dma_wait3A_2412 = arith.constant 0 : i32
      %dma_wait3A_2413 = arith.constant 0 : i32
      %dma_wait3A_2414 = tpu.memref_slice %arg6[%dma_wait3A_2412, %dma_wait3A_2413] : memref<320000x128xf32, #tpu.memory_space<hbm>> -> memref<80x128xf32, #tpu.memory_space<hbm>>
      tpu.wait_dma2 semaphore(%arg13 : memref<!tpu.dma_semaphore, #tpu.memory_space<semaphore_mem>>) src(%dma_wait3A_2414 : memref<80x128xf32, #tpu.memory_space<hbm>>) dst(%dma_wait3A_2411 : memref<80x128xf32, #tpu.memory_space<vmem>>)
      %mul3A_2415 = arith.constant 80 : i32
      %mul3A_2416 = arith.muli %add3A_2236, %mul3A_2415 : i32
      %add3A_2417 = arith.addi %mul3A_2, %mul3A_2416 : i32
      %dma_start3A_2418 = arith.constant 0 : i32
      %dma_start3A_2419 = arith.constant 0 : i32
      %dma_start3A_2420 = arith.constant 0 : i32
      %dma_start3A_2421 = tpu.memref_slice %arg11[%dma_start3A_2418, %dma_start3A_2419, %dma_start3A_2420] : memref<8x80x128xf32, #tpu.memory_space<vmem>> -> memref<1x80x128xf32, #tpu.memory_space<vmem>>
      %dma_start3A_2422 = tpu.memref_squeeze %dma_start3A_2421 : memref<1x80x128xf32, #tpu.memory_space<vmem>> -> memref<80x128xf32, #tpu.memory_space<vmem>>
      %dma_start3A_2423 = arith.constant 0 : i32
      %dma_start3A_2424 = tpu.memref_slice %arg6[%add3A_2417, %dma_start3A_2423] : memref<320000x128xf32, #tpu.memory_space<hbm>> -> memref<80x128xf32, #tpu.memory_space<hbm>>
      %dma_start3A_2425 = arith.constant 0 : i32
      %dma_start3A_2426 = tpu.memref_slice %arg6[%add3A_2417, %dma_start3A_2425] : memref<320000x128xf32, #tpu.memory_space<hbm>> -> memref<80x128xf32, #tpu.memory_space<hbm>>
      %dma_start3A_2427 = arith.constant 0 : i32
      %dma_start3A_2428 = arith.constant 0 : i32
      %dma_start3A_2429 = tpu.memref_slice %arg11[%dma_start3A_2418, %dma_start3A_2427, %dma_start3A_2428] : memref<8x80x128xf32, #tpu.memory_space<vmem>> -> memref<1x80x128xf32, #tpu.memory_space<vmem>>
      %dma_start3A_2430 = tpu.memref_squeeze %dma_start3A_2429 : memref<1x80x128xf32, #tpu.memory_space<vmem>> -> memref<80x128xf32, #tpu.memory_space<vmem>>
      tpu.enqueue_dma source(%dma_start3A_2430 : memref<80x128xf32, #tpu.memory_space<vmem>>) target(%dma_start3A_2426 : memref<80x128xf32, #tpu.memory_space<hbm>>) target_semaphore(%arg14 : memref<!tpu.dma_semaphore, #tpu.memory_space<semaphore_mem>>)
      %mul3A_2431 = arith.constant 8 : i32
      %mul3A_2432 = arith.muli %scan3A_2232, %mul3A_2431 : i32
      %add3A_2433 = arith.constant 1 : i32
      %add3A_2434 = arith.addi %mul3A_2432, %add3A_2433 : i32
      %dma_wait3A_2435 = arith.constant 5 : i32
      %dma_wait3A_2436 = arith.constant 0 : i32
      %dma_wait3A_2437 = arith.constant 0 : i32
      %dma_wait3A_2438 = tpu.memref_slice %arg11[%dma_wait3A_2435, %dma_wait3A_2436, %dma_wait3A_2437] : memref<8x80x128xf32, #tpu.memory_space<vmem>> -> memref<1x80x128xf32, #tpu.memory_space<vmem>>
      %dma_wait3A_2439 = tpu.memref_squeeze %dma_wait3A_2438 : memref<1x80x128xf32, #tpu.memory_space<vmem>> -> memref<80x128xf32, #tpu.memory_space<vmem>>
      %dma_wait3A_2440 = arith.constant 0 : i32
      %dma_wait3A_2441 = arith.constant 0 : i32
      %dma_wait3A_2442 = tpu.memref_slice %arg6[%dma_wait3A_2440, %dma_wait3A_2441] : memref<320000x128xf32, #tpu.memory_space<hbm>> -> memref<80x128xf32, #tpu.memory_space<hbm>>
      %dma_wait3A_2443 = arith.constant 0 : i32
      %dma_wait3A_2444 = arith.constant 0 : i32
      %dma_wait3A_2445 = tpu.memref_slice %arg6[%dma_wait3A_2443, %dma_wait3A_2444] : memref<320000x128xf32, #tpu.memory_space<hbm>> -> memref<80x128xf32, #tpu.memory_space<hbm>>
      %dma_wait3A_2446 = arith.constant 0 : i32
      %dma_wait3A_2447 = arith.constant 0 : i32
      %dma_wait3A_2448 = tpu.memref_slice %arg11[%dma_wait3A_2435, %dma_wait3A_2446, %dma_wait3A_2447] : memref<8x80x128xf32, #tpu.memory_space<vmem>> -> memref<1x80x128xf32, #tpu.memory_space<vmem>>
      %dma_wait3A_2449 = tpu.memref_squeeze %dma_wait3A_2448 : memref<1x80x128xf32, #tpu.memory_space<vmem>> -> memref<80x128xf32, #tpu.memory_space<vmem>>
      tpu.wait_dma2 semaphore(%arg14 : memref<!tpu.dma_semaphore, #tpu.memory_space<semaphore_mem>>) src(%dma_wait3A_2449 : memref<80x128xf32, #tpu.memory_space<vmem>>) dst(%dma_wait3A_2445 : memref<80x128xf32, #tpu.memory_space<hbm>>)
      %add3A_2450 = arith.constant 4 : i32
      %add3A_2451 = arith.addi %add3A_2434, %add3A_2450 : i32
      %mul3A_2452 = arith.constant 80 : i32
      %mul3A_2453 = arith.muli %add3A_2451, %mul3A_2452 : i32
      %add3A_2454 = arith.constant 0 : i32
      %add3A_2455 = arith.addi %mul3A_2453, %add3A_2454 : i32
      %get3A_2456 = arith.index_cast %add3A_2455 : i32 to index
      %get3A_2457 = tpu.vector_load %arg7[%get3A_2456] {strides = array<i32>} : memref<10000xi32, #tpu.memory_space<vmem>>, vector<16xi32>,
      %get3A_2458 = vector.shape_cast %get3A_2457 : vector<16xi32> to vector<16xi32>
      %mul3A_2459 = arith.constant 12 : i32
      %mul3A_2460 = vector.broadcast %mul3A_2459 : i32 to vector<16xi32>
      %mul3A_2461 = arith.muli %get3A_2458, %mul3A_2460 : vector<16xi32>
      %get3A_2462 = arith.index_cast %add3A_2455 : i32 to index
      %get3A_2463 = tpu.vector_load %arg8[%get3A_2462] {strides = array<i32>} : memref<10000xi32, #tpu.memory_space<vmem>>, vector<16xi32>,
      %get3A_2464 = vector.shape_cast %get3A_2463 : vector<16xi32> to vector<16xi32>
      %mul3A_2465 = arith.constant 2 : i32
      %mul3A_2466 = vector.broadcast %mul3A_2465 : i32 to vector<16xi32>
      %mul3A_2467 = arith.muli %get3A_2464, %mul3A_2466 : vector<16xi32>
      %add3A_2468 = arith.addi %mul3A_2461, %mul3A_2467 : vector<16xi32>
      %get3A_2469 = arith.index_cast %add3A_2455 : i32 to index
      %get3A_2470 = tpu.vector_load %arg9[%get3A_2469] {strides = array<i32>} : memref<10000xi32, #tpu.memory_space<vmem>>, vector<16xi32>,
      %get3A_2471 = vector.shape_cast %get3A_2470 : vector<16xi32> to vector<16xi32>
      %add3A_2472 = arith.addi %add3A_2468, %get3A_2471 : vector<16xi32>
      %add3A_2473 = vector.broadcast %mul3A_18 : i32 to vector<16xi32>
      %add3A_2474 = arith.addi %add3A_2472, %add3A_2473 : vector<16xi32>
      %swap3A_2475 = arith.index_cast %add3A_2455 : i32 to index
      %swap3A_2476 = tpu.vector_load %arg10[%swap3A_2475] {strides = array<i32>} : memref<10000xi32, #tpu.memory_space<vmem>>, vector<16xi32>,
      %swap3A_2477 = vector.shape_cast %swap3A_2476 : vector<16xi32> to vector<16xi32>
      %swap3A_2478 = vector.shape_cast %add3A_2474 : vector<16xi32> to vector<16xi32>
      tpu.vector_store %arg10[%swap3A_2475], %swap3A_2478 {strides = array<i32>} : memref<10000xi32, #tpu.memory_space<vmem>>, vector<16xi32>,
      %mul3A_2479 = arith.constant 80 : i32
      %mul3A_2480 = arith.muli %add3A_2451, %mul3A_2479 : i32
      %add3A_2481 = arith.constant 16 : i32
      %add3A_2482 = arith.addi %mul3A_2480, %add3A_2481 : i32
      %get3A_2483 = arith.index_cast %add3A_2482 : i32 to index
      %get3A_2484 = tpu.vector_load %arg7[%get3A_2483] {strides = array<i32>} : memref<10000xi32, #tpu.memory_space<vmem>>, vector<16xi32>,
      %get3A_2485 = vector.shape_cast %get3A_2484 : vector<16xi32> to vector<16xi32>
      %mul3A_2486 = arith.constant 12 : i32
      %mul3A_2487 = vector.broadcast %mul3A_2486 : i32 to vector<16xi32>
      %mul3A_2488 = arith.muli %get3A_2485, %mul3A_2487 : vector<16xi32>
      %get3A_2489 = arith.index_cast %add3A_2482 : i32 to index
      %get3A_2490 = tpu.vector_load %arg8[%get3A_2489] {strides = array<i32>} : memref<10000xi32, #tpu.memory_space<vmem>>, vector<16xi32>,
      %get3A_2491 = vector.shape_cast %get3A_2490 : vector<16xi32> to vector<16xi32>
      %mul3A_2492 = arith.constant 2 : i32
      %mul3A_2493 = vector.broadcast %mul3A_2492 : i32 to vector<16xi32>
      %mul3A_2494 = arith.muli %get3A_2491, %mul3A_2493 : vector<16xi32>
      %add3A_2495 = arith.addi %mul3A_2488, %mul3A_2494 : vector<16xi32>
      %get3A_2496 = arith.index_cast %add3A_2482 : i32 to index
      %get3A_2497 = tpu.vector_load %arg9[%get3A_2496] {strides = array<i32>} : memref<10000xi32, #tpu.memory_space<vmem>>, vector<16xi32>,
      %get3A_2498 = vector.shape_cast %get3A_2497 : vector<16xi32> to vector<16xi32>
      %add3A_2499 = arith.addi %add3A_2495, %get3A_2498 : vector<16xi32>
      %add3A_2500 = vector.broadcast %mul3A_18 : i32 to vector<16xi32>
      %add3A_2501 = arith.addi %add3A_2499, %add3A_2500 : vector<16xi32>
      %swap3A_2502 = arith.index_cast %add3A_2482 : i32 to index
      %swap3A_2503 = tpu.vector_load %arg10[%swap3A_2502] {strides = array<i32>} : memref<10000xi32, #tpu.memory_space<vmem>>, vector<16xi32>,
      %swap3A_2504 = vector.shape_cast %swap3A_2503 : vector<16xi32> to vector<16xi32>
      %swap3A_2505 = vector.shape_cast %add3A_2501 : vector<16xi32> to vector<16xi32>
      tpu.vector_store %arg10[%swap3A_2502], %swap3A_2505 {strides = array<i32>} : memref<10000xi32, #tpu.memory_space<vmem>>, vector<16xi32>,
      %mul3A_2506 = arith.constant 80 : i32
      %mul3A_2507 = arith.muli %add3A_2451, %mul3A_2506 : i32
      %add3A_2508 = arith.constant 32 : i32
      %add3A_2509 = arith.addi %mul3A_2507, %add3A_2508 : i32
      %get3A_2510 = arith.index_cast %add3A_2509 : i32 to index
      %get3A_2511 = tpu.vector_load %arg7[%get3A_2510] {strides = array<i32>} : memref<10000xi32, #tpu.memory_space<vmem>>, vector<16xi32>,
      %get3A_2512 = vector.shape_cast %get3A_2511 : vector<16xi32> to vector<16xi32>
      %mul3A_2513 = arith.constant 12 : i32
      %mul3A_2514 = vector.broadcast %mul3A_2513 : i32 to vector<16xi32>
      %mul3A_2515 = arith.muli %get3A_2512, %mul3A_2514 : vector<16xi32>
      %get3A_2516 = arith.index_cast %add3A_2509 : i32 to index
      %get3A_2517 = tpu.vector_load %arg8[%get3A_2516] {strides = array<i32>} : memref<10000xi32, #tpu.memory_space<vmem>>, vector<16xi32>,
      %get3A_2518 = vector.shape_cast %get3A_2517 : vector<16xi32> to vector<16xi32>
      %mul3A_2519 = arith.constant 2 : i32
      %mul3A_2520 = vector.broadcast %mul3A_2519 : i32 to vector<16xi32>
      %mul3A_2521 = arith.muli %get3A_2518, %mul3A_2520 : vector<16xi32>
      %add3A_2522 = arith.addi %mul3A_2515, %mul3A_2521 : vector<16xi32>
      %get3A_2523 = arith.index_cast %add3A_2509 : i32 to index
      %get3A_2524 = tpu.vector_load %arg9[%get3A_2523] {strides = array<i32>} : memref<10000xi32, #tpu.memory_space<vmem>>, vector<16xi32>,
      %get3A_2525 = vector.shape_cast %get3A_2524 : vector<16xi32> to vector<16xi32>
      %add3A_2526 = arith.addi %add3A_2522, %get3A_2525 : vector<16xi32>
      %add3A_2527 = vector.broadcast %mul3A_18 : i32 to vector<16xi32>
      %add3A_2528 = arith.addi %add3A_2526, %add3A_2527 : vector<16xi32>
      %swap3A_2529 = arith.index_cast %add3A_2509 : i32 to index
      %swap3A_2530 = tpu.vector_load %arg10[%swap3A_2529] {strides = array<i32>} : memref<10000xi32, #tpu.memory_space<vmem>>, vector<16xi32>,
      %swap3A_2531 = vector.shape_cast %swap3A_2530 : vector<16xi32> to vector<16xi32>
      %swap3A_2532 = vector.shape_cast %add3A_2528 : vector<16xi32> to vector<16xi32>
      tpu.vector_store %arg10[%swap3A_2529], %swap3A_2532 {strides = array<i32>} : memref<10000xi32, #tpu.memory_space<vmem>>, vector<16xi32>,
      %mul3A_2533 = arith.constant 80 : i32
      %mul3A_2534 = arith.muli %add3A_2451, %mul3A_2533 : i32
      %add3A_2535 = arith.constant 48 : i32
      %add3A_2536 = arith.addi %mul3A_2534, %add3A_2535 : i32
      %get3A_2537 = arith.index_cast %add3A_2536 : i32 to index
      %get3A_2538 = tpu.vector_load %arg7[%get3A_2537] {strides = array<i32>} : memref<10000xi32, #tpu.memory_space<vmem>>, vector<16xi32>,
      %get3A_2539 = vector.shape_cast %get3A_2538 : vector<16xi32> to vector<16xi32>
      %mul3A_2540 = arith.constant 12 : i32
      %mul3A_2541 = vector.broadcast %mul3A_2540 : i32 to vector<16xi32>
      %mul3A_2542 = arith.muli %get3A_2539, %mul3A_2541 : vector<16xi32>
      %get3A_2543 = arith.index_cast %add3A_2536 : i32 to index
      %get3A_2544 = tpu.vector_load %arg8[%get3A_2543] {strides = array<i32>} : memref<10000xi32, #tpu.memory_space<vmem>>, vector<16xi32>,
      %get3A_2545 = vector.shape_cast %get3A_2544 : vector<16xi32> to vector<16xi32>
      %mul3A_2546 = arith.constant 2 : i32
      %mul3A_2547 = vector.broadcast %mul3A_2546 : i32 to vector<16xi32>
      %mul3A_2548 = arith.muli %get3A_2545, %mul3A_2547 : vector<16xi32>
      %add3A_2549 = arith.addi %mul3A_2542, %mul3A_2548 : vector<16xi32>
      %get3A_2550 = arith.index_cast %add3A_2536 : i32 to index
      %get3A_2551 = tpu.vector_load %arg9[%get3A_2550] {strides = array<i32>} : memref<10000xi32, #tpu.memory_space<vmem>>, vector<16xi32>,
      %get3A_2552 = vector.shape_cast %get3A_2551 : vector<16xi32> to vector<16xi32>
      %add3A_2553 = arith.addi %add3A_2549, %get3A_2552 : vector<16xi32>
      %add3A_2554 = vector.broadcast %mul3A_18 : i32 to vector<16xi32>
      %add3A_2555 = arith.addi %add3A_2553, %add3A_2554 : vector<16xi32>
      %swap3A_2556 = arith.index_cast %add3A_2536 : i32 to index
      %swap3A_2557 = tpu.vector_load %arg10[%swap3A_2556] {strides = array<i32>} : memref<10000xi32, #tpu.memory_space<vmem>>, vector<16xi32>,
      %swap3A_2558 = vector.shape_cast %swap3A_2557 : vector<16xi32> to vector<16xi32>
      %swap3A_2559 = vector.shape_cast %add3A_2555 : vector<16xi32> to vector<16xi32>
      tpu.vector_store %arg10[%swap3A_2556], %swap3A_2559 {strides = array<i32>} : memref<10000xi32, #tpu.memory_space<vmem>>, vector<16xi32>,
      %mul3A_2560 = arith.constant 80 : i32
      %mul3A_2561 = arith.muli %add3A_2451, %mul3A_2560 : i32
      %add3A_2562 = arith.constant 64 : i32
      %add3A_2563 = arith.addi %mul3A_2561, %add3A_2562 : i32
      %get3A_2564 = arith.index_cast %add3A_2563 : i32 to index
      %get3A_2565 = tpu.vector_load %arg7[%get3A_2564] {strides = array<i32>} : memref<10000xi32, #tpu.memory_space<vmem>>, vector<16xi32>,
      %get3A_2566 = vector.shape_cast %get3A_2565 : vector<16xi32> to vector<16xi32>
      %mul3A_2567 = arith.constant 12 : i32
      %mul3A_2568 = vector.broadcast %mul3A_2567 : i32 to vector<16xi32>
      %mul3A_2569 = arith.muli %get3A_2566, %mul3A_2568 : vector<16xi32>
      %get3A_2570 = arith.index_cast %add3A_2563 : i32 to index
      %get3A_2571 = tpu.vector_load %arg8[%get3A_2570] {strides = array<i32>} : memref<10000xi32, #tpu.memory_space<vmem>>, vector<16xi32>,
      %get3A_2572 = vector.shape_cast %get3A_2571 : vector<16xi32> to vector<16xi32>
      %mul3A_2573 = arith.constant 2 : i32
      %mul3A_2574 = vector.broadcast %mul3A_2573 : i32 to vector<16xi32>
      %mul3A_2575 = arith.muli %get3A_2572, %mul3A_2574 : vector<16xi32>
      %add3A_2576 = arith.addi %mul3A_2569, %mul3A_2575 : vector<16xi32>
      %get3A_2577 = arith.index_cast %add3A_2563 : i32 to index
      %get3A_2578 = tpu.vector_load %arg9[%get3A_2577] {strides = array<i32>} : memref<10000xi32, #tpu.memory_space<vmem>>, vector<16xi32>,
      %get3A_2579 = vector.shape_cast %get3A_2578 : vector<16xi32> to vector<16xi32>
      %add3A_2580 = arith.addi %add3A_2576, %get3A_2579 : vector<16xi32>
      %add3A_2581 = vector.broadcast %mul3A_18 : i32 to vector<16xi32>
      %add3A_2582 = arith.addi %add3A_2580, %add3A_2581 : vector<16xi32>
      %swap3A_2583 = arith.index_cast %add3A_2563 : i32 to index
      %swap3A_2584 = tpu.vector_load %arg10[%swap3A_2583] {strides = array<i32>} : memref<10000xi32, #tpu.memory_space<vmem>>, vector<16xi32>,
      %swap3A_2585 = vector.shape_cast %swap3A_2584 : vector<16xi32> to vector<16xi32>
      %swap3A_2586 = vector.shape_cast %add3A_2582 : vector<16xi32> to vector<16xi32>
      tpu.vector_store %arg10[%swap3A_2583], %swap3A_2586 {strides = array<i32>} : memref<10000xi32, #tpu.memory_space<vmem>>, vector<16xi32>,
      %mul3A_2587 = arith.constant 80 : i32
      %mul3A_2588 = arith.muli %add3A_2451, %mul3A_2587 : i32
      %dma_start3A_2589 = arith.constant 5 : i32
      %dma_start3A_2590 = arith.constant 0 : i32
      %dma_start3A_2591 = arith.constant 0 : i32
      %dma_start3A_2592 = tpu.memref_slice %arg11[%dma_start3A_2589, %dma_start3A_2590, %dma_start3A_2591] : memref<8x80x128xf32, #tpu.memory_space<vmem>> -> memref<1x80x128xf32, #tpu.memory_space<vmem>>
      %dma_start3A_2593 = tpu.memref_squeeze %dma_start3A_2592 : memref<1x80x128xf32, #tpu.memory_space<vmem>> -> memref<80x128xf32, #tpu.memory_space<vmem>>
      %dma_start3A_2594 = tpu.memref_slice %arg10[%mul3A_2588] : memref<10000xi32, #tpu.memory_space<vmem>> -> memref<80xi32, #tpu.memory_space<vmem>>
      %dma_start3A_2595 = arith.constant 0 : i32
      %dma_start3A_2596 = arith.constant 0 : i32
      %dma_start3A_2597 = tpu.memref_slice %arg12[%dma_start3A_2595, %dma_start3A_2596] : memref<1024x128xf32, #tpu.memory_space<vmem_shared>> -> memref<1024x128xf32, #tpu.memory_space<vmem_shared>>
      tpu.enqueue_indirect_dma source(%dma_start3A_2597 : memref<1024x128xf32, #tpu.memory_space<vmem_shared>>) target(%dma_start3A_2593 : memref<80x128xf32, #tpu.memory_space<vmem>>) offsets(%dma_start3A_2594 : memref<80xi32, #tpu.memory_space<vmem>>) semaphore(%arg13 : memref<!tpu.dma_semaphore, #tpu.memory_space<semaphore_mem>>)
      %dma_wait3A_2598 = arith.constant 1 : i32
      %dma_wait3A_2599 = arith.constant 0 : i32
      %dma_wait3A_2600 = arith.constant 0 : i32
      %dma_wait3A_2601 = tpu.memref_slice %arg11[%dma_wait3A_2598, %dma_wait3A_2599, %dma_wait3A_2600] : memref<8x80x128xf32, #tpu.memory_space<vmem>> -> memref<1x80x128xf32, #tpu.memory_space<vmem>>
      %dma_wait3A_2602 = tpu.memref_squeeze %dma_wait3A_2601 : memref<1x80x128xf32, #tpu.memory_space<vmem>> -> memref<80x128xf32, #tpu.memory_space<vmem>>
      %dma_wait3A_2603 = arith.constant 0 : i32
      %dma_wait3A_2604 = arith.constant 0 : i32
      %dma_wait3A_2605 = tpu.memref_slice %arg6[%dma_wait3A_2603, %dma_wait3A_2604] : memref<320000x128xf32, #tpu.memory_space<hbm>> -> memref<80x128xf32, #tpu.memory_space<hbm>>
      %dma_wait3A_2606 = arith.constant 0 : i32
      %dma_wait3A_2607 = arith.constant 0 : i32
      %dma_wait3A_2608 = tpu.memref_slice %arg11[%dma_wait3A_2598, %dma_wait3A_2606, %dma_wait3A_2607] : memref<8x80x128xf32, #tpu.memory_space<vmem>> -> memref<1x80x128xf32, #tpu.memory_space<vmem>>
      %dma_wait3A_2609 = tpu.memref_squeeze %dma_wait3A_2608 : memref<1x80x128xf32, #tpu.memory_space<vmem>> -> memref<80x128xf32, #tpu.memory_space<vmem>>
      %dma_wait3A_2610 = arith.constant 0 : i32
      %dma_wait3A_2611 = arith.constant 0 : i32
      %dma_wait3A_2612 = tpu.memref_slice %arg6[%dma_wait3A_2610, %dma_wait3A_2611] : memref<320000x128xf32, #tpu.memory_space<hbm>> -> memref<80x128xf32, #tpu.memory_space<hbm>>
      tpu.wait_dma2 semaphore(%arg13 : memref<!tpu.dma_semaphore, #tpu.memory_space<semaphore_mem>>) src(%dma_wait3A_2612 : memref<80x128xf32, #tpu.memory_space<hbm>>) dst(%dma_wait3A_2609 : memref<80x128xf32, #tpu.memory_space<vmem>>)
      %mul3A_2613 = arith.constant 80 : i32
      %mul3A_2614 = arith.muli %add3A_2434, %mul3A_2613 : i32
      %add3A_2615 = arith.addi %mul3A_2, %mul3A_2614 : i32
      %dma_start3A_2616 = arith.constant 1 : i32
      %dma_start3A_2617 = arith.constant 0 : i32
      %dma_start3A_2618 = arith.constant 0 : i32
      %dma_start3A_2619 = tpu.memref_slice %arg11[%dma_start3A_2616, %dma_start3A_2617, %dma_start3A_2618] : memref<8x80x128xf32, #tpu.memory_space<vmem>> -> memref<1x80x128xf32, #tpu.memory_space<vmem>>
      %dma_start3A_2620 = tpu.memref_squeeze %dma_start3A_2619 : memref<1x80x128xf32, #tpu.memory_space<vmem>> -> memref<80x128xf32, #tpu.memory_space<vmem>>
      %dma_start3A_2621 = arith.constant 0 : i32
      %dma_start3A_2622 = tpu.memref_slice %arg6[%add3A_2615, %dma_start3A_2621] : memref<320000x128xf32, #tpu.memory_space<hbm>> -> memref<80x128xf32, #tpu.memory_space<hbm>>
      %dma_start3A_2623 = arith.constant 0 : i32
      %dma_start3A_2624 = tpu.memref_slice %arg6[%add3A_2615, %dma_start3A_2623] : memref<320000x128xf32, #tpu.memory_space<hbm>> -> memref<80x128xf32, #tpu.memory_space<hbm>>
      %dma_start3A_2625 = arith.constant 0 : i32
      %dma_start3A_2626 = arith.constant 0 : i32
      %dma_start3A_2627 = tpu.memref_slice %arg11[%dma_start3A_2616, %dma_start3A_2625, %dma_start3A_2626] : memref<8x80x128xf32, #tpu.memory_space<vmem>> -> memref<1x80x128xf32, #tpu.memory_space<vmem>>
      %dma_start3A_2628 = tpu.memref_squeeze %dma_start3A_2627 : memref<1x80x128xf32, #tpu.memory_space<vmem>> -> memref<80x128xf32, #tpu.memory_space<vmem>>
      tpu.enqueue_dma source(%dma_start3A_2628 : memref<80x128xf32, #tpu.memory_space<vmem>>) target(%dma_start3A_2624 : memref<80x128xf32, #tpu.memory_space<hbm>>) target_semaphore(%arg14 : memref<!tpu.dma_semaphore, #tpu.memory_space<semaphore_mem>>)
      %mul3A_2629 = arith.constant 8 : i32
      %mul3A_2630 = arith.muli %scan3A_2232, %mul3A_2629 : i32
      %add3A_2631 = arith.constant 2 : i32
      %add3A_2632 = arith.addi %mul3A_2630, %add3A_2631 : i32
      %dma_wait3A_2633 = arith.constant 6 : i32
      %dma_wait3A_2634 = arith.constant 0 : i32
      %dma_wait3A_2635 = arith.constant 0 : i32
      %dma_wait3A_2636 = tpu.memref_slice %arg11[%dma_wait3A_2633, %dma_wait3A_2634, %dma_wait3A_2635] : memref<8x80x128xf32, #tpu.memory_space<vmem>> -> memref<1x80x128xf32, #tpu.memory_space<vmem>>
      %dma_wait3A_2637 = tpu.memref_squeeze %dma_wait3A_2636 : memref<1x80x128xf32, #tpu.memory_space<vmem>> -> memref<80x128xf32, #tpu.memory_space<vmem>>
      %dma_wait3A_2638 = arith.constant 0 : i32
      %dma_wait3A_2639 = arith.constant 0 : i32
      %dma_wait3A_2640 = tpu.memref_slice %arg6[%dma_wait3A_2638, %dma_wait3A_2639] : memref<320000x128xf32, #tpu.memory_space<hbm>> -> memref<80x128xf32, #tpu.memory_space<hbm>>
      %dma_wait3A_2641 = arith.constant 0 : i32
      %dma_wait3A_2642 = arith.constant 0 : i32
      %dma_wait3A_2643 = tpu.memref_slice %arg6[%dma_wait3A_2641, %dma_wait3A_2642] : memref<320000x128xf32, #tpu.memory_space<hbm>> -> memref<80x128xf32, #tpu.memory_space<hbm>>
      %dma_wait3A_2644 = arith.constant 0 : i32
      %dma_wait3A_2645 = arith.constant 0 : i32
      %dma_wait3A_2646 = tpu.memref_slice %arg11[%dma_wait3A_2633, %dma_wait3A_2644, %dma_wait3A_2645] : memref<8x80x128xf32, #tpu.memory_space<vmem>> -> memref<1x80x128xf32, #tpu.memory_space<vmem>>
      %dma_wait3A_2647 = tpu.memref_squeeze %dma_wait3A_2646 : memref<1x80x128xf32, #tpu.memory_space<vmem>> -> memref<80x128xf32, #tpu.memory_space<vmem>>
      tpu.wait_dma2 semaphore(%arg14 : memref<!tpu.dma_semaphore, #tpu.memory_space<semaphore_mem>>) src(%dma_wait3A_2647 : memref<80x128xf32, #tpu.memory_space<vmem>>) dst(%dma_wait3A_2643 : memref<80x128xf32, #tpu.memory_space<hbm>>)
      %add3A_2648 = arith.constant 4 : i32
      %add3A_2649 = arith.addi %add3A_2632, %add3A_2648 : i32
      %mul3A_2650 = arith.constant 80 : i32
      %mul3A_2651 = arith.muli %add3A_2649, %mul3A_2650 : i32
      %add3A_2652 = arith.constant 0 : i32
      %add3A_2653 = arith.addi %mul3A_2651, %add3A_2652 : i32
      %get3A_2654 = arith.index_cast %add3A_2653 : i32 to index
      %get3A_2655 = tpu.vector_load %arg7[%get3A_2654] {strides = array<i32>} : memref<10000xi32, #tpu.memory_space<vmem>>, vector<16xi32>,
      %get3A_2656 = vector.shape_cast %get3A_2655 : vector<16xi32> to vector<16xi32>
      %mul3A_2657 = arith.constant 12 : i32
      %mul3A_2658 = vector.broadcast %mul3A_2657 : i32 to vector<16xi32>
      %mul3A_2659 = arith.muli %get3A_2656, %mul3A_2658 : vector<16xi32>
      %get3A_2660 = arith.index_cast %add3A_2653 : i32 to index
      %get3A_2661 = tpu.vector_load %arg8[%get3A_2660] {strides = array<i32>} : memref<10000xi32, #tpu.memory_space<vmem>>, vector<16xi32>,
      %get3A_2662 = vector.shape_cast %get3A_2661 : vector<16xi32> to vector<16xi32>
      %mul3A_2663 = arith.constant 2 : i32
      %mul3A_2664 = vector.broadcast %mul3A_2663 : i32 to vector<16xi32>
      %mul3A_2665 = arith.muli %get3A_2662, %mul3A_2664 : vector<16xi32>
      %add3A_2666 = arith.addi %mul3A_2659, %mul3A_2665 : vector<16xi32>
      %get3A_2667 = arith.index_cast %add3A_2653 : i32 to index
      %get3A_2668 = tpu.vector_load %arg9[%get3A_2667] {strides = array<i32>} : memref<10000xi32, #tpu.memory_space<vmem>>, vector<16xi32>,
      %get3A_2669 = vector.shape_cast %get3A_2668 : vector<16xi32> to vector<16xi32>
      %add3A_2670 = arith.addi %add3A_2666, %get3A_2669 : vector<16xi32>
      %add3A_2671 = vector.broadcast %mul3A_18 : i32 to vector<16xi32>
      %add3A_2672 = arith.addi %add3A_2670, %add3A_2671 : vector<16xi32>
      %swap3A_2673 = arith.index_cast %add3A_2653 : i32 to index
      %swap3A_2674 = tpu.vector_load %arg10[%swap3A_2673] {strides = array<i32>} : memref<10000xi32, #tpu.memory_space<vmem>>, vector<16xi32>,
      %swap3A_2675 = vector.shape_cast %swap3A_2674 : vector<16xi32> to vector<16xi32>
      %swap3A_2676 = vector.shape_cast %add3A_2672 : vector<16xi32> to vector<16xi32>
      tpu.vector_store %arg10[%swap3A_2673], %swap3A_2676 {strides = array<i32>} : memref<10000xi32, #tpu.memory_space<vmem>>, vector<16xi32>,
      %mul3A_2677 = arith.constant 80 : i32
      %mul3A_2678 = arith.muli %add3A_2649, %mul3A_2677 : i32
      %add3A_2679 = arith.constant 16 : i32
      %add3A_2680 = arith.addi %mul3A_2678, %add3A_2679 : i32
      %get3A_2681 = arith.index_cast %add3A_2680 : i32 to index
      %get3A_2682 = tpu.vector_load %arg7[%get3A_2681] {strides = array<i32>} : memref<10000xi32, #tpu.memory_space<vmem>>, vector<16xi32>,
      %get3A_2683 = vector.shape_cast %get3A_2682 : vector<16xi32> to vector<16xi32>
      %mul3A_2684 = arith.constant 12 : i32
      %mul3A_2685 = vector.broadcast %mul3A_2684 : i32 to vector<16xi32>
      %mul3A_2686 = arith.muli %get3A_2683, %mul3A_2685 : vector<16xi32>
      %get3A_2687 = arith.index_cast %add3A_2680 : i32 to index
      %get3A_2688 = tpu.vector_load %arg8[%get3A_2687] {strides = array<i32>} : memref<10000xi32, #tpu.memory_space<vmem>>, vector<16xi32>,
      %get3A_2689 = vector.shape_cast %get3A_2688 : vector<16xi32> to vector<16xi32>
      %mul3A_2690 = arith.constant 2 : i32
      %mul3A_2691 = vector.broadcast %mul3A_2690 : i32 to vector<16xi32>
      %mul3A_2692 = arith.muli %get3A_2689, %mul3A_2691 : vector<16xi32>
      %add3A_2693 = arith.addi %mul3A_2686, %mul3A_2692 : vector<16xi32>
      %get3A_2694 = arith.index_cast %add3A_2680 : i32 to index
      %get3A_2695 = tpu.vector_load %arg9[%get3A_2694] {strides = array<i32>} : memref<10000xi32, #tpu.memory_space<vmem>>, vector<16xi32>,
      %get3A_2696 = vector.shape_cast %get3A_2695 : vector<16xi32> to vector<16xi32>
      %add3A_2697 = arith.addi %add3A_2693, %get3A_2696 : vector<16xi32>
      %add3A_2698 = vector.broadcast %mul3A_18 : i32 to vector<16xi32>
      %add3A_2699 = arith.addi %add3A_2697, %add3A_2698 : vector<16xi32>
      %swap3A_2700 = arith.index_cast %add3A_2680 : i32 to index
      %swap3A_2701 = tpu.vector_load %arg10[%swap3A_2700] {strides = array<i32>} : memref<10000xi32, #tpu.memory_space<vmem>>, vector<16xi32>,
      %swap3A_2702 = vector.shape_cast %swap3A_2701 : vector<16xi32> to vector<16xi32>
      %swap3A_2703 = vector.shape_cast %add3A_2699 : vector<16xi32> to vector<16xi32>
      tpu.vector_store %arg10[%swap3A_2700], %swap3A_2703 {strides = array<i32>} : memref<10000xi32, #tpu.memory_space<vmem>>, vector<16xi32>,
      %mul3A_2704 = arith.constant 80 : i32
      %mul3A_2705 = arith.muli %add3A_2649, %mul3A_2704 : i32
      %add3A_2706 = arith.constant 32 : i32
      %add3A_2707 = arith.addi %mul3A_2705, %add3A_2706 : i32
      %get3A_2708 = arith.index_cast %add3A_2707 : i32 to index
      %get3A_2709 = tpu.vector_load %arg7[%get3A_2708] {strides = array<i32>} : memref<10000xi32, #tpu.memory_space<vmem>>, vector<16xi32>,
      %get3A_2710 = vector.shape_cast %get3A_2709 : vector<16xi32> to vector<16xi32>
      %mul3A_2711 = arith.constant 12 : i32
      %mul3A_2712 = vector.broadcast %mul3A_2711 : i32 to vector<16xi32>
      %mul3A_2713 = arith.muli %get3A_2710, %mul3A_2712 : vector<16xi32>
      %get3A_2714 = arith.index_cast %add3A_2707 : i32 to index
      %get3A_2715 = tpu.vector_load %arg8[%get3A_2714] {strides = array<i32>} : memref<10000xi32, #tpu.memory_space<vmem>>, vector<16xi32>,
      %get3A_2716 = vector.shape_cast %get3A_2715 : vector<16xi32> to vector<16xi32>
      %mul3A_2717 = arith.constant 2 : i32
      %mul3A_2718 = vector.broadcast %mul3A_2717 : i32 to vector<16xi32>
      %mul3A_2719 = arith.muli %get3A_2716, %mul3A_2718 : vector<16xi32>
      %add3A_2720 = arith.addi %mul3A_2713, %mul3A_2719 : vector<16xi32>
      %get3A_2721 = arith.index_cast %add3A_2707 : i32 to index
      %get3A_2722 = tpu.vector_load %arg9[%get3A_2721] {strides = array<i32>} : memref<10000xi32, #tpu.memory_space<vmem>>, vector<16xi32>,
      %get3A_2723 = vector.shape_cast %get3A_2722 : vector<16xi32> to vector<16xi32>
      %add3A_2724 = arith.addi %add3A_2720, %get3A_2723 : vector<16xi32>
      %add3A_2725 = vector.broadcast %mul3A_18 : i32 to vector<16xi32>
      %add3A_2726 = arith.addi %add3A_2724, %add3A_2725 : vector<16xi32>
      %swap3A_2727 = arith.index_cast %add3A_2707 : i32 to index
      %swap3A_2728 = tpu.vector_load %arg10[%swap3A_2727] {strides = array<i32>} : memref<10000xi32, #tpu.memory_space<vmem>>, vector<16xi32>,
      %swap3A_2729 = vector.shape_cast %swap3A_2728 : vector<16xi32> to vector<16xi32>
      %swap3A_2730 = vector.shape_cast %add3A_2726 : vector<16xi32> to vector<16xi32>
      tpu.vector_store %arg10[%swap3A_2727], %swap3A_2730 {strides = array<i32>} : memref<10000xi32, #tpu.memory_space<vmem>>, vector<16xi32>,
      %mul3A_2731 = arith.constant 80 : i32
      %mul3A_2732 = arith.muli %add3A_2649, %mul3A_2731 : i32
      %add3A_2733 = arith.constant 48 : i32
      %add3A_2734 = arith.addi %mul3A_2732, %add3A_2733 : i32
      %get3A_2735 = arith.index_cast %add3A_2734 : i32 to index
      %get3A_2736 = tpu.vector_load %arg7[%get3A_2735] {strides = array<i32>} : memref<10000xi32, #tpu.memory_space<vmem>>, vector<16xi32>,
      %get3A_2737 = vector.shape_cast %get3A_2736 : vector<16xi32> to vector<16xi32>
      %mul3A_2738 = arith.constant 12 : i32
      %mul3A_2739 = vector.broadcast %mul3A_2738 : i32 to vector<16xi32>
      %mul3A_2740 = arith.muli %get3A_2737, %mul3A_2739 : vector<16xi32>
      %get3A_2741 = arith.index_cast %add3A_2734 : i32 to index
      %get3A_2742 = tpu.vector_load %arg8[%get3A_2741] {strides = array<i32>} : memref<10000xi32, #tpu.memory_space<vmem>>, vector<16xi32>,
      %get3A_2743 = vector.shape_cast %get3A_2742 : vector<16xi32> to vector<16xi32>
      %mul3A_2744 = arith.constant 2 : i32
      %mul3A_2745 = vector.broadcast %mul3A_2744 : i32 to vector<16xi32>
      %mul3A_2746 = arith.muli %get3A_2743, %mul3A_2745 : vector<16xi32>
      %add3A_2747 = arith.addi %mul3A_2740, %mul3A_2746 : vector<16xi32>
      %get3A_2748 = arith.index_cast %add3A_2734 : i32 to index
      %get3A_2749 = tpu.vector_load %arg9[%get3A_2748] {strides = array<i32>} : memref<10000xi32, #tpu.memory_space<vmem>>, vector<16xi32>,
      %get3A_2750 = vector.shape_cast %get3A_2749 : vector<16xi32> to vector<16xi32>
      %add3A_2751 = arith.addi %add3A_2747, %get3A_2750 : vector<16xi32>
      %add3A_2752 = vector.broadcast %mul3A_18 : i32 to vector<16xi32>
      %add3A_2753 = arith.addi %add3A_2751, %add3A_2752 : vector<16xi32>
      %swap3A_2754 = arith.index_cast %add3A_2734 : i32 to index
      %swap3A_2755 = tpu.vector_load %arg10[%swap3A_2754] {strides = array<i32>} : memref<10000xi32, #tpu.memory_space<vmem>>, vector<16xi32>,
      %swap3A_2756 = vector.shape_cast %swap3A_2755 : vector<16xi32> to vector<16xi32>
      %swap3A_2757 = vector.shape_cast %add3A_2753 : vector<16xi32> to vector<16xi32>
      tpu.vector_store %arg10[%swap3A_2754], %swap3A_2757 {strides = array<i32>} : memref<10000xi32, #tpu.memory_space<vmem>>, vector<16xi32>,
      %mul3A_2758 = arith.constant 80 : i32
      %mul3A_2759 = arith.muli %add3A_2649, %mul3A_2758 : i32
      %add3A_2760 = arith.constant 64 : i32
      %add3A_2761 = arith.addi %mul3A_2759, %add3A_2760 : i32
      %get3A_2762 = arith.index_cast %add3A_2761 : i32 to index
      %get3A_2763 = tpu.vector_load %arg7[%get3A_2762] {strides = array<i32>} : memref<10000xi32, #tpu.memory_space<vmem>>, vector<16xi32>,
      %get3A_2764 = vector.shape_cast %get3A_2763 : vector<16xi32> to vector<16xi32>
      %mul3A_2765 = arith.constant 12 : i32
      %mul3A_2766 = vector.broadcast %mul3A_2765 : i32 to vector<16xi32>
      %mul3A_2767 = arith.muli %get3A_2764, %mul3A_2766 : vector<16xi32>
      %get3A_2768 = arith.index_cast %add3A_2761 : i32 to index
      %get3A_2769 = tpu.vector_load %arg8[%get3A_2768] {strides = array<i32>} : memref<10000xi32, #tpu.memory_space<vmem>>, vector<16xi32>,
      %get3A_2770 = vector.shape_cast %get3A_2769 : vector<16xi32> to vector<16xi32>
      %mul3A_2771 = arith.constant 2 : i32
      %mul3A_2772 = vector.broadcast %mul3A_2771 : i32 to vector<16xi32>
      %mul3A_2773 = arith.muli %get3A_2770, %mul3A_2772 : vector<16xi32>
      %add3A_2774 = arith.addi %mul3A_2767, %mul3A_2773 : vector<16xi32>
      %get3A_2775 = arith.index_cast %add3A_2761 : i32 to index
      %get3A_2776 = tpu.vector_load %arg9[%get3A_2775] {strides = array<i32>} : memref<10000xi32, #tpu.memory_space<vmem>>, vector<16xi32>,
      %get3A_2777 = vector.shape_cast %get3A_2776 : vector<16xi32> to vector<16xi32>
      %add3A_2778 = arith.addi %add3A_2774, %get3A_2777 : vector<16xi32>
      %add3A_2779 = vector.broadcast %mul3A_18 : i32 to vector<16xi32>
      %add3A_2780 = arith.addi %add3A_2778, %add3A_2779 : vector<16xi32>
      %swap3A_2781 = arith.index_cast %add3A_2761 : i32 to index
      %swap3A_2782 = tpu.vector_load %arg10[%swap3A_2781] {strides = array<i32>} : memref<10000xi32, #tpu.memory_space<vmem>>, vector<16xi32>,
      %swap3A_2783 = vector.shape_cast %swap3A_2782 : vector<16xi32> to vector<16xi32>
      %swap3A_2784 = vector.shape_cast %add3A_2780 : vector<16xi32> to vector<16xi32>
      tpu.vector_store %arg10[%swap3A_2781], %swap3A_2784 {strides = array<i32>} : memref<10000xi32, #tpu.memory_space<vmem>>, vector<16xi32>,
      %mul3A_2785 = arith.constant 80 : i32
      %mul3A_2786 = arith.muli %add3A_2649, %mul3A_2785 : i32
      %dma_start3A_2787 = arith.constant 6 : i32
      %dma_start3A_2788 = arith.constant 0 : i32
      %dma_start3A_2789 = arith.constant 0 : i32
      %dma_start3A_2790 = tpu.memref_slice %arg11[%dma_start3A_2787, %dma_start3A_2788, %dma_start3A_2789] : memref<8x80x128xf32, #tpu.memory_space<vmem>> -> memref<1x80x128xf32, #tpu.memory_space<vmem>>
      %dma_start3A_2791 = tpu.memref_squeeze %dma_start3A_2790 : memref<1x80x128xf32, #tpu.memory_space<vmem>> -> memref<80x128xf32, #tpu.memory_space<vmem>>
      %dma_start3A_2792 = tpu.memref_slice %arg10[%mul3A_2786] : memref<10000xi32, #tpu.memory_space<vmem>> -> memref<80xi32, #tpu.memory_space<vmem>>
      %dma_start3A_2793 = arith.constant 0 : i32
      %dma_start3A_2794 = arith.constant 0 : i32
      %dma_start3A_2795 = tpu.memref_slice %arg12[%dma_start3A_2793, %dma_start3A_2794] : memref<1024x128xf32, #tpu.memory_space<vmem_shared>> -> memref<1024x128xf32, #tpu.memory_space<vmem_shared>>
      tpu.enqueue_indirect_dma source(%dma_start3A_2795 : memref<1024x128xf32, #tpu.memory_space<vmem_shared>>) target(%dma_start3A_2791 : memref<80x128xf32, #tpu.memory_space<vmem>>) offsets(%dma_start3A_2792 : memref<80xi32, #tpu.memory_space<vmem>>) semaphore(%arg13 : memref<!tpu.dma_semaphore, #tpu.memory_space<semaphore_mem>>)
      %dma_wait3A_2796 = arith.constant 2 : i32
      %dma_wait3A_2797 = arith.constant 0 : i32
      %dma_wait3A_2798 = arith.constant 0 : i32
      %dma_wait3A_2799 = tpu.memref_slice %arg11[%dma_wait3A_2796, %dma_wait3A_2797, %dma_wait3A_2798] : memref<8x80x128xf32, #tpu.memory_space<vmem>> -> memref<1x80x128xf32, #tpu.memory_space<vmem>>
      %dma_wait3A_2800 = tpu.memref_squeeze %dma_wait3A_2799 : memref<1x80x128xf32, #tpu.memory_space<vmem>> -> memref<80x128xf32, #tpu.memory_space<vmem>>
      %dma_wait3A_2801 = arith.constant 0 : i32
      %dma_wait3A_2802 = arith.constant 0 : i32
      %dma_wait3A_2803 = tpu.memref_slice %arg6[%dma_wait3A_2801, %dma_wait3A_2802] : memref<320000x128xf32, #tpu.memory_space<hbm>> -> memref<80x128xf32, #tpu.memory_space<hbm>>
      %dma_wait3A_2804 = arith.constant 0 : i32
      %dma_wait3A_2805 = arith.constant 0 : i32
      %dma_wait3A_2806 = tpu.memref_slice %arg11[%dma_wait3A_2796, %dma_wait3A_2804, %dma_wait3A_2805] : memref<8x80x128xf32, #tpu.memory_space<vmem>> -> memref<1x80x128xf32, #tpu.memory_space<vmem>>
      %dma_wait3A_2807 = tpu.memref_squeeze %dma_wait3A_2806 : memref<1x80x128xf32, #tpu.memory_space<vmem>> -> memref<80x128xf32, #tpu.memory_space<vmem>>
      %dma_wait3A_2808 = arith.constant 0 : i32
      %dma_wait3A_2809 = arith.constant 0 : i32
      %dma_wait3A_2810 = tpu.memref_slice %arg6[%dma_wait3A_2808, %dma_wait3A_2809] : memref<320000x128xf32, #tpu.memory_space<hbm>> -> memref<80x128xf32, #tpu.memory_space<hbm>>
      tpu.wait_dma2 semaphore(%arg13 : memref<!tpu.dma_semaphore, #tpu.memory_space<semaphore_mem>>) src(%dma_wait3A_2810 : memref<80x128xf32, #tpu.memory_space<hbm>>) dst(%dma_wait3A_2807 : memref<80x128xf32, #tpu.memory_space<vmem>>)
      %mul3A_2811 = arith.constant 80 : i32
      %mul3A_2812 = arith.muli %add3A_2632, %mul3A_2811 : i32
      %add3A_2813 = arith.addi %mul3A_2, %mul3A_2812 : i32
      %dma_start3A_2814 = arith.constant 2 : i32
      %dma_start3A_2815 = arith.constant 0 : i32
      %dma_start3A_2816 = arith.constant 0 : i32
      %dma_start3A_2817 = tpu.memref_slice %arg11[%dma_start3A_2814, %dma_start3A_2815, %dma_start3A_2816] : memref<8x80x128xf32, #tpu.memory_space<vmem>> -> memref<1x80x128xf32, #tpu.memory_space<vmem>>
      %dma_start3A_2818 = tpu.memref_squeeze %dma_start3A_2817 : memref<1x80x128xf32, #tpu.memory_space<vmem>> -> memref<80x128xf32, #tpu.memory_space<vmem>>
      %dma_start3A_2819 = arith.constant 0 : i32
      %dma_start3A_2820 = tpu.memref_slice %arg6[%add3A_2813, %dma_start3A_2819] : memref<320000x128xf32, #tpu.memory_space<hbm>> -> memref<80x128xf32, #tpu.memory_space<hbm>>
      %dma_start3A_2821 = arith.constant 0 : i32
      %dma_start3A_2822 = tpu.memref_slice %arg6[%add3A_2813, %dma_start3A_2821] : memref<320000x128xf32, #tpu.memory_space<hbm>> -> memref<80x128xf32, #tpu.memory_space<hbm>>
      %dma_start3A_2823 = arith.constant 0 : i32
      %dma_start3A_2824 = arith.constant 0 : i32
      %dma_start3A_2825 = tpu.memref_slice %arg11[%dma_start3A_2814, %dma_start3A_2823, %dma_start3A_2824] : memref<8x80x128xf32, #tpu.memory_space<vmem>> -> memref<1x80x128xf32, #tpu.memory_space<vmem>>
      %dma_start3A_2826 = tpu.memref_squeeze %dma_start3A_2825 : memref<1x80x128xf32, #tpu.memory_space<vmem>> -> memref<80x128xf32, #tpu.memory_space<vmem>>
      tpu.enqueue_dma source(%dma_start3A_2826 : memref<80x128xf32, #tpu.memory_space<vmem>>) target(%dma_start3A_2822 : memref<80x128xf32, #tpu.memory_space<hbm>>) target_semaphore(%arg14 : memref<!tpu.dma_semaphore, #tpu.memory_space<semaphore_mem>>)
      %mul3A_2827 = arith.constant 8 : i32
      %mul3A_2828 = arith.muli %scan3A_2232, %mul3A_2827 : i32
      %add3A_2829 = arith.constant 3 : i32
      %add3A_2830 = arith.addi %mul3A_2828, %add3A_2829 : i32
      %dma_wait3A_2831 = arith.constant 7 : i32
      %dma_wait3A_2832 = arith.constant 0 : i32
      %dma_wait3A_2833 = arith.constant 0 : i32
      %dma_wait3A_2834 = tpu.memref_slice %arg11[%dma_wait3A_2831, %dma_wait3A_2832, %dma_wait3A_2833] : memref<8x80x128xf32, #tpu.memory_space<vmem>> -> memref<1x80x128xf32, #tpu.memory_space<vmem>>
      %dma_wait3A_2835 = tpu.memref_squeeze %dma_wait3A_2834 : memref<1x80x128xf32, #tpu.memory_space<vmem>> -> memref<80x128xf32, #tpu.memory_space<vmem>>
      %dma_wait3A_2836 = arith.constant 0 : i32
      %dma_wait3A_2837 = arith.constant 0 : i32
      %dma_wait3A_2838 = tpu.memref_slice %arg6[%dma_wait3A_2836, %dma_wait3A_2837] : memref<320000x128xf32, #tpu.memory_space<hbm>> -> memref<80x128xf32, #tpu.memory_space<hbm>>
      %dma_wait3A_2839 = arith.constant 0 : i32
      %dma_wait3A_2840 = arith.constant 0 : i32
      %dma_wait3A_2841 = tpu.memref_slice %arg6[%dma_wait3A_2839, %dma_wait3A_2840] : memref<320000x128xf32, #tpu.memory_space<hbm>> -> memref<80x128xf32, #tpu.memory_space<hbm>>
      %dma_wait3A_2842 = arith.constant 0 : i32
      %dma_wait3A_2843 = arith.constant 0 : i32
      %dma_wait3A_2844 = tpu.memref_slice %arg11[%dma_wait3A_2831, %dma_wait3A_2842, %dma_wait3A_2843] : memref<8x80x128xf32, #tpu.memory_space<vmem>> -> memref<1x80x128xf32, #tpu.memory_space<vmem>>
      %dma_wait3A_2845 = tpu.memref_squeeze %dma_wait3A_2844 : memref<1x80x128xf32, #tpu.memory_space<vmem>> -> memref<80x128xf32, #tpu.memory_space<vmem>>
      tpu.wait_dma2 semaphore(%arg14 : memref<!tpu.dma_semaphore, #tpu.memory_space<semaphore_mem>>) src(%dma_wait3A_2845 : memref<80x128xf32, #tpu.memory_space<vmem>>) dst(%dma_wait3A_2841 : memref<80x128xf32, #tpu.memory_space<hbm>>)
      %add3A_2846 = arith.constant 4 : i32
      %add3A_2847 = arith.addi %add3A_2830, %add3A_2846 : i32
      %mul3A_2848 = arith.constant 80 : i32
      %mul3A_2849 = arith.muli %add3A_2847, %mul3A_2848 : i32
      %add3A_2850 = arith.constant 0 : i32
      %add3A_2851 = arith.addi %mul3A_2849, %add3A_2850 : i32
      %get3A_2852 = arith.index_cast %add3A_2851 : i32 to index
      %get3A_2853 = tpu.vector_load %arg7[%get3A_2852] {strides = array<i32>} : memref<10000xi32, #tpu.memory_space<vmem>>, vector<16xi32>,
      %get3A_2854 = vector.shape_cast %get3A_2853 : vector<16xi32> to vector<16xi32>
      %mul3A_2855 = arith.constant 12 : i32
      %mul3A_2856 = vector.broadcast %mul3A_2855 : i32 to vector<16xi32>
      %mul3A_2857 = arith.muli %get3A_2854, %mul3A_2856 : vector<16xi32>
      %get3A_2858 = arith.index_cast %add3A_2851 : i32 to index
      %get3A_2859 = tpu.vector_load %arg8[%get3A_2858] {strides = array<i32>} : memref<10000xi32, #tpu.memory_space<vmem>>, vector<16xi32>,
      %get3A_2860 = vector.shape_cast %get3A_2859 : vector<16xi32> to vector<16xi32>
      %mul3A_2861 = arith.constant 2 : i32
      %mul3A_2862 = vector.broadcast %mul3A_2861 : i32 to vector<16xi32>
      %mul3A_2863 = arith.muli %get3A_2860, %mul3A_2862 : vector<16xi32>
      %add3A_2864 = arith.addi %mul3A_2857, %mul3A_2863 : vector<16xi32>
      %get3A_2865 = arith.index_cast %add3A_2851 : i32 to index
      %get3A_2866 = tpu.vector_load %arg9[%get3A_2865] {strides = array<i32>} : memref<10000xi32, #tpu.memory_space<vmem>>, vector<16xi32>,
      %get3A_2867 = vector.shape_cast %get3A_2866 : vector<16xi32> to vector<16xi32>
      %add3A_2868 = arith.addi %add3A_2864, %get3A_2867 : vector<16xi32>
      %add3A_2869 = vector.broadcast %mul3A_18 : i32 to vector<16xi32>
      %add3A_2870 = arith.addi %add3A_2868, %add3A_2869 : vector<16xi32>
      %swap3A_2871 = arith.index_cast %add3A_2851 : i32 to index
      %swap3A_2872 = tpu.vector_load %arg10[%swap3A_2871] {strides = array<i32>} : memref<10000xi32, #tpu.memory_space<vmem>>, vector<16xi32>,
      %swap3A_2873 = vector.shape_cast %swap3A_2872 : vector<16xi32> to vector<16xi32>
      %swap3A_2874 = vector.shape_cast %add3A_2870 : vector<16xi32> to vector<16xi32>
      tpu.vector_store %arg10[%swap3A_2871], %swap3A_2874 {strides = array<i32>} : memref<10000xi32, #tpu.memory_space<vmem>>, vector<16xi32>,
      %mul3A_2875 = arith.constant 80 : i32
      %mul3A_2876 = arith.muli %add3A_2847, %mul3A_2875 : i32
      %add3A_2877 = arith.constant 16 : i32
      %add3A_2878 = arith.addi %mul3A_2876, %add3A_2877 : i32
      %get3A_2879 = arith.index_cast %add3A_2878 : i32 to index
      %get3A_2880 = tpu.vector_load %arg7[%get3A_2879] {strides = array<i32>} : memref<10000xi32, #tpu.memory_space<vmem>>, vector<16xi32>,
      %get3A_2881 = vector.shape_cast %get3A_2880 : vector<16xi32> to vector<16xi32>
      %mul3A_2882 = arith.constant 12 : i32
      %mul3A_2883 = vector.broadcast %mul3A_2882 : i32 to vector<16xi32>
      %mul3A_2884 = arith.muli %get3A_2881, %mul3A_2883 : vector<16xi32>
      %get3A_2885 = arith.index_cast %add3A_2878 : i32 to index
      %get3A_2886 = tpu.vector_load %arg8[%get3A_2885] {strides = array<i32>} : memref<10000xi32, #tpu.memory_space<vmem>>, vector<16xi32>,
      %get3A_2887 = vector.shape_cast %get3A_2886 : vector<16xi32> to vector<16xi32>
      %mul3A_2888 = arith.constant 2 : i32
      %mul3A_2889 = vector.broadcast %mul3A_2888 : i32 to vector<16xi32>
      %mul3A_2890 = arith.muli %get3A_2887, %mul3A_2889 : vector<16xi32>
      %add3A_2891 = arith.addi %mul3A_2884, %mul3A_2890 : vector<16xi32>
      %get3A_2892 = arith.index_cast %add3A_2878 : i32 to index
      %get3A_2893 = tpu.vector_load %arg9[%get3A_2892] {strides = array<i32>} : memref<10000xi32, #tpu.memory_space<vmem>>, vector<16xi32>,
      %get3A_2894 = vector.shape_cast %get3A_2893 : vector<16xi32> to vector<16xi32>
      %add3A_2895 = arith.addi %add3A_2891, %get3A_2894 : vector<16xi32>
      %add3A_2896 = vector.broadcast %mul3A_18 : i32 to vector<16xi32>
      %add3A_2897 = arith.addi %add3A_2895, %add3A_2896 : vector<16xi32>
      %swap3A_2898 = arith.index_cast %add3A_2878 : i32 to index
      %swap3A_2899 = tpu.vector_load %arg10[%swap3A_2898] {strides = array<i32>} : memref<10000xi32, #tpu.memory_space<vmem>>, vector<16xi32>,
      %swap3A_2900 = vector.shape_cast %swap3A_2899 : vector<16xi32> to vector<16xi32>
      %swap3A_2901 = vector.shape_cast %add3A_2897 : vector<16xi32> to vector<16xi32>
      tpu.vector_store %arg10[%swap3A_2898], %swap3A_2901 {strides = array<i32>} : memref<10000xi32, #tpu.memory_space<vmem>>, vector<16xi32>,
      %mul3A_2902 = arith.constant 80 : i32
      %mul3A_2903 = arith.muli %add3A_2847, %mul3A_2902 : i32
      %add3A_2904 = arith.constant 32 : i32
      %add3A_2905 = arith.addi %mul3A_2903, %add3A_2904 : i32
      %get3A_2906 = arith.index_cast %add3A_2905 : i32 to index
      %get3A_2907 = tpu.vector_load %arg7[%get3A_2906] {strides = array<i32>} : memref<10000xi32, #tpu.memory_space<vmem>>, vector<16xi32>,
      %get3A_2908 = vector.shape_cast %get3A_2907 : vector<16xi32> to vector<16xi32>
      %mul3A_2909 = arith.constant 12 : i32
      %mul3A_2910 = vector.broadcast %mul3A_2909 : i32 to vector<16xi32>
      %mul3A_2911 = arith.muli %get3A_2908, %mul3A_2910 : vector<16xi32>
      %get3A_2912 = arith.index_cast %add3A_2905 : i32 to index
      %get3A_2913 = tpu.vector_load %arg8[%get3A_2912] {strides = array<i32>} : memref<10000xi32, #tpu.memory_space<vmem>>, vector<16xi32>,
      %get3A_2914 = vector.shape_cast %get3A_2913 : vector<16xi32> to vector<16xi32>
      %mul3A_2915 = arith.constant 2 : i32
      %mul3A_2916 = vector.broadcast %mul3A_2915 : i32 to vector<16xi32>
      %mul3A_2917 = arith.muli %get3A_2914, %mul3A_2916 : vector<16xi32>
      %add3A_2918 = arith.addi %mul3A_2911, %mul3A_2917 : vector<16xi32>
      %get3A_2919 = arith.index_cast %add3A_2905 : i32 to index
      %get3A_2920 = tpu.vector_load %arg9[%get3A_2919] {strides = array<i32>} : memref<10000xi32, #tpu.memory_space<vmem>>, vector<16xi32>,
      %get3A_2921 = vector.shape_cast %get3A_2920 : vector<16xi32> to vector<16xi32>
      %add3A_2922 = arith.addi %add3A_2918, %get3A_2921 : vector<16xi32>
      %add3A_2923 = vector.broadcast %mul3A_18 : i32 to vector<16xi32>
      %add3A_2924 = arith.addi %add3A_2922, %add3A_2923 : vector<16xi32>
      %swap3A_2925 = arith.index_cast %add3A_2905 : i32 to index
      %swap3A_2926 = tpu.vector_load %arg10[%swap3A_2925] {strides = array<i32>} : memref<10000xi32, #tpu.memory_space<vmem>>, vector<16xi32>,
      %swap3A_2927 = vector.shape_cast %swap3A_2926 : vector<16xi32> to vector<16xi32>
      %swap3A_2928 = vector.shape_cast %add3A_2924 : vector<16xi32> to vector<16xi32>
      tpu.vector_store %arg10[%swap3A_2925], %swap3A_2928 {strides = array<i32>} : memref<10000xi32, #tpu.memory_space<vmem>>, vector<16xi32>,
      %mul3A_2929 = arith.constant 80 : i32
      %mul3A_2930 = arith.muli %add3A_2847, %mul3A_2929 : i32
      %add3A_2931 = arith.constant 48 : i32
      %add3A_2932 = arith.addi %mul3A_2930, %add3A_2931 : i32
      %get3A_2933 = arith.index_cast %add3A_2932 : i32 to index
      %get3A_2934 = tpu.vector_load %arg7[%get3A_2933] {strides = array<i32>} : memref<10000xi32, #tpu.memory_space<vmem>>, vector<16xi32>,
      %get3A_2935 = vector.shape_cast %get3A_2934 : vector<16xi32> to vector<16xi32>
      %mul3A_2936 = arith.constant 12 : i32
      %mul3A_2937 = vector.broadcast %mul3A_2936 : i32 to vector<16xi32>
      %mul3A_2938 = arith.muli %get3A_2935, %mul3A_2937 : vector<16xi32>
      %get3A_2939 = arith.index_cast %add3A_2932 : i32 to index
      %get3A_2940 = tpu.vector_load %arg8[%get3A_2939] {strides = array<i32>} : memref<10000xi32, #tpu.memory_space<vmem>>, vector<16xi32>,
      %get3A_2941 = vector.shape_cast %get3A_2940 : vector<16xi32> to vector<16xi32>
      %mul3A_2942 = arith.constant 2 : i32
      %mul3A_2943 = vector.broadcast %mul3A_2942 : i32 to vector<16xi32>
      %mul3A_2944 = arith.muli %get3A_2941, %mul3A_2943 : vector<16xi32>
      %add3A_2945 = arith.addi %mul3A_2938, %mul3A_2944 : vector<16xi32>
      %get3A_2946 = arith.index_cast %add3A_2932 : i32 to index
      %get3A_2947 = tpu.vector_load %arg9[%get3A_2946] {strides = array<i32>} : memref<10000xi32, #tpu.memory_space<vmem>>, vector<16xi32>,
      %get3A_2948 = vector.shape_cast %get3A_2947 : vector<16xi32> to vector<16xi32>
      %add3A_2949 = arith.addi %add3A_2945, %get3A_2948 : vector<16xi32>
      %add3A_2950 = vector.broadcast %mul3A_18 : i32 to vector<16xi32>
      %add3A_2951 = arith.addi %add3A_2949, %add3A_2950 : vector<16xi32>
      %swap3A_2952 = arith.index_cast %add3A_2932 : i32 to index
      %swap3A_2953 = tpu.vector_load %arg10[%swap3A_2952] {strides = array<i32>} : memref<10000xi32, #tpu.memory_space<vmem>>, vector<16xi32>,
      %swap3A_2954 = vector.shape_cast %swap3A_2953 : vector<16xi32> to vector<16xi32>
      %swap3A_2955 = vector.shape_cast %add3A_2951 : vector<16xi32> to vector<16xi32>
      tpu.vector_store %arg10[%swap3A_2952], %swap3A_2955 {strides = array<i32>} : memref<10000xi32, #tpu.memory_space<vmem>>, vector<16xi32>,
      %mul3A_2956 = arith.constant 80 : i32
      %mul3A_2957 = arith.muli %add3A_2847, %mul3A_2956 : i32
      %add3A_2958 = arith.constant 64 : i32
      %add3A_2959 = arith.addi %mul3A_2957, %add3A_2958 : i32
      %get3A_2960 = arith.index_cast %add3A_2959 : i32 to index
      %get3A_2961 = tpu.vector_load %arg7[%get3A_2960] {strides = array<i32>} : memref<10000xi32, #tpu.memory_space<vmem>>, vector<16xi32>,
      %get3A_2962 = vector.shape_cast %get3A_2961 : vector<16xi32> to vector<16xi32>
      %mul3A_2963 = arith.constant 12 : i32
      %mul3A_2964 = vector.broadcast %mul3A_2963 : i32 to vector<16xi32>
      %mul3A_2965 = arith.muli %get3A_2962, %mul3A_2964 : vector<16xi32>
      %get3A_2966 = arith.index_cast %add3A_2959 : i32 to index
      %get3A_2967 = tpu.vector_load %arg8[%get3A_2966] {strides = array<i32>} : memref<10000xi32, #tpu.memory_space<vmem>>, vector<16xi32>,
      %get3A_2968 = vector.shape_cast %get3A_2967 : vector<16xi32> to vector<16xi32>
      %mul3A_2969 = arith.constant 2 : i32
      %mul3A_2970 = vector.broadcast %mul3A_2969 : i32 to vector<16xi32>
      %mul3A_2971 = arith.muli %get3A_2968, %mul3A_2970 : vector<16xi32>
      %add3A_2972 = arith.addi %mul3A_2965, %mul3A_2971 : vector<16xi32>
      %get3A_2973 = arith.index_cast %add3A_2959 : i32 to index
      %get3A_2974 = tpu.vector_load %arg9[%get3A_2973] {strides = array<i32>} : memref<10000xi32, #tpu.memory_space<vmem>>, vector<16xi32>,
      %get3A_2975 = vector.shape_cast %get3A_2974 : vector<16xi32> to vector<16xi32>
      %add3A_2976 = arith.addi %add3A_2972, %get3A_2975 : vector<16xi32>
      %add3A_2977 = vector.broadcast %mul3A_18 : i32 to vector<16xi32>
      %add3A_2978 = arith.addi %add3A_2976, %add3A_2977 : vector<16xi32>
      %swap3A_2979 = arith.index_cast %add3A_2959 : i32 to index
      %swap3A_2980 = tpu.vector_load %arg10[%swap3A_2979] {strides = array<i32>} : memref<10000xi32, #tpu.memory_space<vmem>>, vector<16xi32>,
      %swap3A_2981 = vector.shape_cast %swap3A_2980 : vector<16xi32> to vector<16xi32>
      %swap3A_2982 = vector.shape_cast %add3A_2978 : vector<16xi32> to vector<16xi32>
      tpu.vector_store %arg10[%swap3A_2979], %swap3A_2982 {strides = array<i32>} : memref<10000xi32, #tpu.memory_space<vmem>>, vector<16xi32>,
      %mul3A_2983 = arith.constant 80 : i32
      %mul3A_2984 = arith.muli %add3A_2847, %mul3A_2983 : i32
      %dma_start3A_2985 = arith.constant 7 : i32
      %dma_start3A_2986 = arith.constant 0 : i32
      %dma_start3A_2987 = arith.constant 0 : i32
      %dma_start3A_2988 = tpu.memref_slice %arg11[%dma_start3A_2985, %dma_start3A_2986, %dma_start3A_2987] : memref<8x80x128xf32, #tpu.memory_space<vmem>> -> memref<1x80x128xf32, #tpu.memory_space<vmem>>
      %dma_start3A_2989 = tpu.memref_squeeze %dma_start3A_2988 : memref<1x80x128xf32, #tpu.memory_space<vmem>> -> memref<80x128xf32, #tpu.memory_space<vmem>>
      %dma_start3A_2990 = tpu.memref_slice %arg10[%mul3A_2984] : memref<10000xi32, #tpu.memory_space<vmem>> -> memref<80xi32, #tpu.memory_space<vmem>>
      %dma_start3A_2991 = arith.constant 0 : i32
      %dma_start3A_2992 = arith.constant 0 : i32
      %dma_start3A_2993 = tpu.memref_slice %arg12[%dma_start3A_2991, %dma_start3A_2992] : memref<1024x128xf32, #tpu.memory_space<vmem_shared>> -> memref<1024x128xf32, #tpu.memory_space<vmem_shared>>
      tpu.enqueue_indirect_dma source(%dma_start3A_2993 : memref<1024x128xf32, #tpu.memory_space<vmem_shared>>) target(%dma_start3A_2989 : memref<80x128xf32, #tpu.memory_space<vmem>>) offsets(%dma_start3A_2990 : memref<80xi32, #tpu.memory_space<vmem>>) semaphore(%arg13 : memref<!tpu.dma_semaphore, #tpu.memory_space<semaphore_mem>>)
      %dma_wait3A_2994 = arith.constant 3 : i32
      %dma_wait3A_2995 = arith.constant 0 : i32
      %dma_wait3A_2996 = arith.constant 0 : i32
      %dma_wait3A_2997 = tpu.memref_slice %arg11[%dma_wait3A_2994, %dma_wait3A_2995, %dma_wait3A_2996] : memref<8x80x128xf32, #tpu.memory_space<vmem>> -> memref<1x80x128xf32, #tpu.memory_space<vmem>>
      %dma_wait3A_2998 = tpu.memref_squeeze %dma_wait3A_2997 : memref<1x80x128xf32, #tpu.memory_space<vmem>> -> memref<80x128xf32, #tpu.memory_space<vmem>>
      %dma_wait3A_2999 = arith.constant 0 : i32
      %dma_wait3A_3000 = arith.constant 0 : i32
      %dma_wait3A_3001 = tpu.memref_slice %arg6[%dma_wait3A_2999, %dma_wait3A_3000] : memref<320000x128xf32, #tpu.memory_space<hbm>> -> memref<80x128xf32, #tpu.memory_space<hbm>>
      %dma_wait3A_3002 = arith.constant 0 : i32
      %dma_wait3A_3003 = arith.constant 0 : i32
      %dma_wait3A_3004 = tpu.memref_slice %arg11[%dma_wait3A_2994, %dma_wait3A_3002, %dma_wait3A_3003] : memref<8x80x128xf32, #tpu.memory_space<vmem>> -> memref<1x80x128xf32, #tpu.memory_space<vmem>>
      %dma_wait3A_3005 = tpu.memref_squeeze %dma_wait3A_3004 : memref<1x80x128xf32, #tpu.memory_space<vmem>> -> memref<80x128xf32, #tpu.memory_space<vmem>>
      %dma_wait3A_3006 = arith.constant 0 : i32
      %dma_wait3A_3007 = arith.constant 0 : i32
      %dma_wait3A_3008 = tpu.memref_slice %arg6[%dma_wait3A_3006, %dma_wait3A_3007] : memref<320000x128xf32, #tpu.memory_space<hbm>> -> memref<80x128xf32, #tpu.memory_space<hbm>>
      tpu.wait_dma2 semaphore(%arg13 : memref<!tpu.dma_semaphore, #tpu.memory_space<semaphore_mem>>) src(%dma_wait3A_3008 : memref<80x128xf32, #tpu.memory_space<hbm>>) dst(%dma_wait3A_3005 : memref<80x128xf32, #tpu.memory_space<vmem>>)
      %mul3A_3009 = arith.constant 80 : i32
      %mul3A_3010 = arith.muli %add3A_2830, %mul3A_3009 : i32
      %add3A_3011 = arith.addi %mul3A_2, %mul3A_3010 : i32
      %dma_start3A_3012 = arith.constant 3 : i32
      %dma_start3A_3013 = arith.constant 0 : i32
      %dma_start3A_3014 = arith.constant 0 : i32
      %dma_start3A_3015 = tpu.memref_slice %arg11[%dma_start3A_3012, %dma_start3A_3013, %dma_start3A_3014] : memref<8x80x128xf32, #tpu.memory_space<vmem>> -> memref<1x80x128xf32, #tpu.memory_space<vmem>>
      %dma_start3A_3016 = tpu.memref_squeeze %dma_start3A_3015 : memref<1x80x128xf32, #tpu.memory_space<vmem>> -> memref<80x128xf32, #tpu.memory_space<vmem>>
      %dma_start3A_3017 = arith.constant 0 : i32
      %dma_start3A_3018 = tpu.memref_slice %arg6[%add3A_3011, %dma_start3A_3017] : memref<320000x128xf32, #tpu.memory_space<hbm>> -> memref<80x128xf32, #tpu.memory_space<hbm>>
      %dma_start3A_3019 = arith.constant 0 : i32
      %dma_start3A_3020 = tpu.memref_slice %arg6[%add3A_3011, %dma_start3A_3019] : memref<320000x128xf32, #tpu.memory_space<hbm>> -> memref<80x128xf32, #tpu.memory_space<hbm>>
      %dma_start3A_3021 = arith.constant 0 : i32
      %dma_start3A_3022 = arith.constant 0 : i32
      %dma_start3A_3023 = tpu.memref_slice %arg11[%dma_start3A_3012, %dma_start3A_3021, %dma_start3A_3022] : memref<8x80x128xf32, #tpu.memory_space<vmem>> -> memref<1x80x128xf32, #tpu.memory_space<vmem>>
      %dma_start3A_3024 = tpu.memref_squeeze %dma_start3A_3023 : memref<1x80x128xf32, #tpu.memory_space<vmem>> -> memref<80x128xf32, #tpu.memory_space<vmem>>
      tpu.enqueue_dma source(%dma_start3A_3024 : memref<80x128xf32, #tpu.memory_space<vmem>>) target(%dma_start3A_3020 : memref<80x128xf32, #tpu.memory_space<hbm>>) target_semaphore(%arg14 : memref<!tpu.dma_semaphore, #tpu.memory_space<semaphore_mem>>)
      %mul3A_3025 = arith.constant 8 : i32
      %mul3A_3026 = arith.muli %scan3A_2232, %mul3A_3025 : i32
      %add3A_3027 = arith.constant 4 : i32
      %add3A_3028 = arith.addi %mul3A_3026, %add3A_3027 : i32
      %dma_wait3A_3029 = arith.constant 0 : i32
      %dma_wait3A_3030 = arith.constant 0 : i32
      %dma_wait3A_3031 = arith.constant 0 : i32
      %dma_wait3A_3032 = tpu.memref_slice %arg11[%dma_wait3A_3029, %dma_wait3A_3030, %dma_wait3A_3031] : memref<8x80x128xf32, #tpu.memory_space<vmem>> -> memref<1x80x128xf32, #tpu.memory_space<vmem>>
      %dma_wait3A_3033 = tpu.memref_squeeze %dma_wait3A_3032 : memref<1x80x128xf32, #tpu.memory_space<vmem>> -> memref<80x128xf32, #tpu.memory_space<vmem>>
      %dma_wait3A_3034 = arith.constant 0 : i32
      %dma_wait3A_3035 = arith.constant 0 : i32
      %dma_wait3A_3036 = tpu.memref_slice %arg6[%dma_wait3A_3034, %dma_wait3A_3035] : memref<320000x128xf32, #tpu.memory_space<hbm>> -> memref<80x128xf32, #tpu.memory_space<hbm>>
      %dma_wait3A_3037 = arith.constant 0 : i32
      %dma_wait3A_3038 = arith.constant 0 : i32
      %dma_wait3A_3039 = tpu.memref_slice %arg6[%dma_wait3A_3037, %dma_wait3A_3038] : memref<320000x128xf32, #tpu.memory_space<hbm>> -> memref<80x128xf32, #tpu.memory_space<hbm>>
      %dma_wait3A_3040 = arith.constant 0 : i32
      %dma_wait3A_3041 = arith.constant 0 : i32
      %dma_wait3A_3042 = tpu.memref_slice %arg11[%dma_wait3A_3029, %dma_wait3A_3040, %dma_wait3A_3041] : memref<8x80x128xf32, #tpu.memory_space<vmem>> -> memref<1x80x128xf32, #tpu.memory_space<vmem>>
      %dma_wait3A_3043 = tpu.memref_squeeze %dma_wait3A_3042 : memref<1x80x128xf32, #tpu.memory_space<vmem>> -> memref<80x128xf32, #tpu.memory_space<vmem>>
      tpu.wait_dma2 semaphore(%arg14 : memref<!tpu.dma_semaphore, #tpu.memory_space<semaphore_mem>>) src(%dma_wait3A_3043 : memref<80x128xf32, #tpu.memory_space<vmem>>) dst(%dma_wait3A_3039 : memref<80x128xf32, #tpu.memory_space<hbm>>)
      %add3A_3044 = arith.constant 4 : i32
      %add3A_3045 = arith.addi %add3A_3028, %add3A_3044 : i32
      %mul3A_3046 = arith.constant 80 : i32
      %mul3A_3047 = arith.muli %add3A_3045, %mul3A_3046 : i32
      %add3A_3048 = arith.constant 0 : i32
      %add3A_3049 = arith.addi %mul3A_3047, %add3A_3048 : i32
      %get3A_3050 = arith.index_cast %add3A_3049 : i32 to index
      %get3A_3051 = tpu.vector_load %arg7[%get3A_3050] {strides = array<i32>} : memref<10000xi32, #tpu.memory_space<vmem>>, vector<16xi32>,
      %get3A_3052 = vector.shape_cast %get3A_3051 : vector<16xi32> to vector<16xi32>
      %mul3A_3053 = arith.constant 12 : i32
      %mul3A_3054 = vector.broadcast %mul3A_3053 : i32 to vector<16xi32>
      %mul3A_3055 = arith.muli %get3A_3052, %mul3A_3054 : vector<16xi32>
      %get3A_3056 = arith.index_cast %add3A_3049 : i32 to index
      %get3A_3057 = tpu.vector_load %arg8[%get3A_3056] {strides = array<i32>} : memref<10000xi32, #tpu.memory_space<vmem>>, vector<16xi32>,
      %get3A_3058 = vector.shape_cast %get3A_3057 : vector<16xi32> to vector<16xi32>
      %mul3A_3059 = arith.constant 2 : i32
      %mul3A_3060 = vector.broadcast %mul3A_3059 : i32 to vector<16xi32>
      %mul3A_3061 = arith.muli %get3A_3058, %mul3A_3060 : vector<16xi32>
      %add3A_3062 = arith.addi %mul3A_3055, %mul3A_3061 : vector<16xi32>
      %get3A_3063 = arith.index_cast %add3A_3049 : i32 to index
      %get3A_3064 = tpu.vector_load %arg9[%get3A_3063] {strides = array<i32>} : memref<10000xi32, #tpu.memory_space<vmem>>, vector<16xi32>,
      %get3A_3065 = vector.shape_cast %get3A_3064 : vector<16xi32> to vector<16xi32>
      %add3A_3066 = arith.addi %add3A_3062, %get3A_3065 : vector<16xi32>
      %add3A_3067 = vector.broadcast %mul3A_18 : i32 to vector<16xi32>
      %add3A_3068 = arith.addi %add3A_3066, %add3A_3067 : vector<16xi32>
      %swap3A_3069 = arith.index_cast %add3A_3049 : i32 to index
      %swap3A_3070 = tpu.vector_load %arg10[%swap3A_3069] {strides = array<i32>} : memref<10000xi32, #tpu.memory_space<vmem>>, vector<16xi32>,
      %swap3A_3071 = vector.shape_cast %swap3A_3070 : vector<16xi32> to vector<16xi32>
      %swap3A_3072 = vector.shape_cast %add3A_3068 : vector<16xi32> to vector<16xi32>
      tpu.vector_store %arg10[%swap3A_3069], %swap3A_3072 {strides = array<i32>} : memref<10000xi32, #tpu.memory_space<vmem>>, vector<16xi32>,
      %mul3A_3073 = arith.constant 80 : i32
      %mul3A_3074 = arith.muli %add3A_3045, %mul3A_3073 : i32
      %add3A_3075 = arith.constant 16 : i32
      %add3A_3076 = arith.addi %mul3A_3074, %add3A_3075 : i32
      %get3A_3077 = arith.index_cast %add3A_3076 : i32 to index
      %get3A_3078 = tpu.vector_load %arg7[%get3A_3077] {strides = array<i32>} : memref<10000xi32, #tpu.memory_space<vmem>>, vector<16xi32>,
      %get3A_3079 = vector.shape_cast %get3A_3078 : vector<16xi32> to vector<16xi32>
      %mul3A_3080 = arith.constant 12 : i32
      %mul3A_3081 = vector.broadcast %mul3A_3080 : i32 to vector<16xi32>
      %mul3A_3082 = arith.muli %get3A_3079, %mul3A_3081 : vector<16xi32>
      %get3A_3083 = arith.index_cast %add3A_3076 : i32 to index
      %get3A_3084 = tpu.vector_load %arg8[%get3A_3083] {strides = array<i32>} : memref<10000xi32, #tpu.memory_space<vmem>>, vector<16xi32>,
      %get3A_3085 = vector.shape_cast %get3A_3084 : vector<16xi32> to vector<16xi32>
      %mul3A_3086 = arith.constant 2 : i32
      %mul3A_3087 = vector.broadcast %mul3A_3086 : i32 to vector<16xi32>
      %mul3A_3088 = arith.muli %get3A_3085, %mul3A_3087 : vector<16xi32>
      %add3A_3089 = arith.addi %mul3A_3082, %mul3A_3088 : vector<16xi32>
      %get3A_3090 = arith.index_cast %add3A_3076 : i32 to index
      %get3A_3091 = tpu.vector_load %arg9[%get3A_3090] {strides = array<i32>} : memref<10000xi32, #tpu.memory_space<vmem>>, vector<16xi32>,
      %get3A_3092 = vector.shape_cast %get3A_3091 : vector<16xi32> to vector<16xi32>
      %add3A_3093 = arith.addi %add3A_3089, %get3A_3092 : vector<16xi32>
      %add3A_3094 = vector.broadcast %mul3A_18 : i32 to vector<16xi32>
      %add3A_3095 = arith.addi %add3A_3093, %add3A_3094 : vector<16xi32>
      %swap3A_3096 = arith.index_cast %add3A_3076 : i32 to index
      %swap3A_3097 = tpu.vector_load %arg10[%swap3A_3096] {strides = array<i32>} : memref<10000xi32, #tpu.memory_space<vmem>>, vector<16xi32>,
      %swap3A_3098 = vector.shape_cast %swap3A_3097 : vector<16xi32> to vector<16xi32>
      %swap3A_3099 = vector.shape_cast %add3A_3095 : vector<16xi32> to vector<16xi32>
      tpu.vector_store %arg10[%swap3A_3096], %swap3A_3099 {strides = array<i32>} : memref<10000xi32, #tpu.memory_space<vmem>>, vector<16xi32>,
      %mul3A_3100 = arith.constant 80 : i32
      %mul3A_3101 = arith.muli %add3A_3045, %mul3A_3100 : i32
      %add3A_3102 = arith.constant 32 : i32
      %add3A_3103 = arith.addi %mul3A_3101, %add3A_3102 : i32
      %get3A_3104 = arith.index_cast %add3A_3103 : i32 to index
      %get3A_3105 = tpu.vector_load %arg7[%get3A_3104] {strides = array<i32>} : memref<10000xi32, #tpu.memory_space<vmem>>, vector<16xi32>,
      %get3A_3106 = vector.shape_cast %get3A_3105 : vector<16xi32> to vector<16xi32>
      %mul3A_3107 = arith.constant 12 : i32
      %mul3A_3108 = vector.broadcast %mul3A_3107 : i32 to vector<16xi32>
      %mul3A_3109 = arith.muli %get3A_3106, %mul3A_3108 : vector<16xi32>
      %get3A_3110 = arith.index_cast %add3A_3103 : i32 to index
      %get3A_3111 = tpu.vector_load %arg8[%get3A_3110] {strides = array<i32>} : memref<10000xi32, #tpu.memory_space<vmem>>, vector<16xi32>,
      %get3A_3112 = vector.shape_cast %get3A_3111 : vector<16xi32> to vector<16xi32>
      %mul3A_3113 = arith.constant 2 : i32
      %mul3A_3114 = vector.broadcast %mul3A_3113 : i32 to vector<16xi32>
      %mul3A_3115 = arith.muli %get3A_3112, %mul3A_3114 : vector<16xi32>
      %add3A_3116 = arith.addi %mul3A_3109, %mul3A_3115 : vector<16xi32>
      %get3A_3117 = arith.index_cast %add3A_3103 : i32 to index
      %get3A_3118 = tpu.vector_load %arg9[%get3A_3117] {strides = array<i32>} : memref<10000xi32, #tpu.memory_space<vmem>>, vector<16xi32>,
      %get3A_3119 = vector.shape_cast %get3A_3118 : vector<16xi32> to vector<16xi32>
      %add3A_3120 = arith.addi %add3A_3116, %get3A_3119 : vector<16xi32>
      %add3A_3121 = vector.broadcast %mul3A_18 : i32 to vector<16xi32>
      %add3A_3122 = arith.addi %add3A_3120, %add3A_3121 : vector<16xi32>
      %swap3A_3123 = arith.index_cast %add3A_3103 : i32 to index
      %swap3A_3124 = tpu.vector_load %arg10[%swap3A_3123] {strides = array<i32>} : memref<10000xi32, #tpu.memory_space<vmem>>, vector<16xi32>,
      %swap3A_3125 = vector.shape_cast %swap3A_3124 : vector<16xi32> to vector<16xi32>
      %swap3A_3126 = vector.shape_cast %add3A_3122 : vector<16xi32> to vector<16xi32>
      tpu.vector_store %arg10[%swap3A_3123], %swap3A_3126 {strides = array<i32>} : memref<10000xi32, #tpu.memory_space<vmem>>, vector<16xi32>,
      %mul3A_3127 = arith.constant 80 : i32
      %mul3A_3128 = arith.muli %add3A_3045, %mul3A_3127 : i32
      %add3A_3129 = arith.constant 48 : i32
      %add3A_3130 = arith.addi %mul3A_3128, %add3A_3129 : i32
      %get3A_3131 = arith.index_cast %add3A_3130 : i32 to index
      %get3A_3132 = tpu.vector_load %arg7[%get3A_3131] {strides = array<i32>} : memref<10000xi32, #tpu.memory_space<vmem>>, vector<16xi32>,
      %get3A_3133 = vector.shape_cast %get3A_3132 : vector<16xi32> to vector<16xi32>
      %mul3A_3134 = arith.constant 12 : i32
      %mul3A_3135 = vector.broadcast %mul3A_3134 : i32 to vector<16xi32>
      %mul3A_3136 = arith.muli %get3A_3133, %mul3A_3135 : vector<16xi32>
      %get3A_3137 = arith.index_cast %add3A_3130 : i32 to index
      %get3A_3138 = tpu.vector_load %arg8[%get3A_3137] {strides = array<i32>} : memref<10000xi32, #tpu.memory_space<vmem>>, vector<16xi32>,
      %get3A_3139 = vector.shape_cast %get3A_3138 : vector<16xi32> to vector<16xi32>
      %mul3A_3140 = arith.constant 2 : i32
      %mul3A_3141 = vector.broadcast %mul3A_3140 : i32 to vector<16xi32>
      %mul3A_3142 = arith.muli %get3A_3139, %mul3A_3141 : vector<16xi32>
      %add3A_3143 = arith.addi %mul3A_3136, %mul3A_3142 : vector<16xi32>
      %get3A_3144 = arith.index_cast %add3A_3130 : i32 to index
      %get3A_3145 = tpu.vector_load %arg9[%get3A_3144] {strides = array<i32>} : memref<10000xi32, #tpu.memory_space<vmem>>, vector<16xi32>,
      %get3A_3146 = vector.shape_cast %get3A_3145 : vector<16xi32> to vector<16xi32>
      %add3A_3147 = arith.addi %add3A_3143, %get3A_3146 : vector<16xi32>
      %add3A_3148 = vector.broadcast %mul3A_18 : i32 to vector<16xi32>
      %add3A_3149 = arith.addi %add3A_3147, %add3A_3148 : vector<16xi32>
      %swap3A_3150 = arith.index_cast %add3A_3130 : i32 to index
      %swap3A_3151 = tpu.vector_load %arg10[%swap3A_3150] {strides = array<i32>} : memref<10000xi32, #tpu.memory_space<vmem>>, vector<16xi32>,
      %swap3A_3152 = vector.shape_cast %swap3A_3151 : vector<16xi32> to vector<16xi32>
      %swap3A_3153 = vector.shape_cast %add3A_3149 : vector<16xi32> to vector<16xi32>
      tpu.vector_store %arg10[%swap3A_3150], %swap3A_3153 {strides = array<i32>} : memref<10000xi32, #tpu.memory_space<vmem>>, vector<16xi32>,
      %mul3A_3154 = arith.constant 80 : i32
      %mul3A_3155 = arith.muli %add3A_3045, %mul3A_3154 : i32
      %add3A_3156 = arith.constant 64 : i32
      %add3A_3157 = arith.addi %mul3A_3155, %add3A_3156 : i32
      %get3A_3158 = arith.index_cast %add3A_3157 : i32 to index
      %get3A_3159 = tpu.vector_load %arg7[%get3A_3158] {strides = array<i32>} : memref<10000xi32, #tpu.memory_space<vmem>>, vector<16xi32>,
      %get3A_3160 = vector.shape_cast %get3A_3159 : vector<16xi32> to vector<16xi32>
      %mul3A_3161 = arith.constant 12 : i32
      %mul3A_3162 = vector.broadcast %mul3A_3161 : i32 to vector<16xi32>
      %mul3A_3163 = arith.muli %get3A_3160, %mul3A_3162 : vector<16xi32>
      %get3A_3164 = arith.index_cast %add3A_3157 : i32 to index
      %get3A_3165 = tpu.vector_load %arg8[%get3A_3164] {strides = array<i32>} : memref<10000xi32, #tpu.memory_space<vmem>>, vector<16xi32>,
      %get3A_3166 = vector.shape_cast %get3A_3165 : vector<16xi32> to vector<16xi32>
      %mul3A_3167 = arith.constant 2 : i32
      %mul3A_3168 = vector.broadcast %mul3A_3167 : i32 to vector<16xi32>
      %mul3A_3169 = arith.muli %get3A_3166, %mul3A_3168 : vector<16xi32>
      %add3A_3170 = arith.addi %mul3A_3163, %mul3A_3169 : vector<16xi32>
      %get3A_3171 = arith.index_cast %add3A_3157 : i32 to index
      %get3A_3172 = tpu.vector_load %arg9[%get3A_3171] {strides = array<i32>} : memref<10000xi32, #tpu.memory_space<vmem>>, vector<16xi32>,
      %get3A_3173 = vector.shape_cast %get3A_3172 : vector<16xi32> to vector<16xi32>
      %add3A_3174 = arith.addi %add3A_3170, %get3A_3173 : vector<16xi32>
      %add3A_3175 = vector.broadcast %mul3A_18 : i32 to vector<16xi32>
      %add3A_3176 = arith.addi %add3A_3174, %add3A_3175 : vector<16xi32>
      %swap3A_3177 = arith.index_cast %add3A_3157 : i32 to index
      %swap3A_3178 = tpu.vector_load %arg10[%swap3A_3177] {strides = array<i32>} : memref<10000xi32, #tpu.memory_space<vmem>>, vector<16xi32>,
      %swap3A_3179 = vector.shape_cast %swap3A_3178 : vector<16xi32> to vector<16xi32>
      %swap3A_3180 = vector.shape_cast %add3A_3176 : vector<16xi32> to vector<16xi32>
      tpu.vector_store %arg10[%swap3A_3177], %swap3A_3180 {strides = array<i32>} : memref<10000xi32, #tpu.memory_space<vmem>>, vector<16xi32>,
      %mul3A_3181 = arith.constant 80 : i32
      %mul3A_3182 = arith.muli %add3A_3045, %mul3A_3181 : i32
      %dma_start3A_3183 = arith.constant 0 : i32
      %dma_start3A_3184 = arith.constant 0 : i32
      %dma_start3A_3185 = arith.constant 0 : i32
      %dma_start3A_3186 = tpu.memref_slice %arg11[%dma_start3A_3183, %dma_start3A_3184, %dma_start3A_3185] : memref<8x80x128xf32, #tpu.memory_space<vmem>> -> memref<1x80x128xf32, #tpu.memory_space<vmem>>
      %dma_start3A_3187 = tpu.memref_squeeze %dma_start3A_3186 : memref<1x80x128xf32, #tpu.memory_space<vmem>> -> memref<80x128xf32, #tpu.memory_space<vmem>>
      %dma_start3A_3188 = tpu.memref_slice %arg10[%mul3A_3182] : memref<10000xi32, #tpu.memory_space<vmem>> -> memref<80xi32, #tpu.memory_space<vmem>>
      %dma_start3A_3189 = arith.constant 0 : i32
      %dma_start3A_3190 = arith.constant 0 : i32
      %dma_start3A_3191 = tpu.memref_slice %arg12[%dma_start3A_3189, %dma_start3A_3190] : memref<1024x128xf32, #tpu.memory_space<vmem_shared>> -> memref<1024x128xf32, #tpu.memory_space<vmem_shared>>
      tpu.enqueue_indirect_dma source(%dma_start3A_3191 : memref<1024x128xf32, #tpu.memory_space<vmem_shared>>) target(%dma_start3A_3187 : memref<80x128xf32, #tpu.memory_space<vmem>>) offsets(%dma_start3A_3188 : memref<80xi32, #tpu.memory_space<vmem>>) semaphore(%arg13 : memref<!tpu.dma_semaphore, #tpu.memory_space<semaphore_mem>>)
      %dma_wait3A_3192 = arith.constant 4 : i32
      %dma_wait3A_3193 = arith.constant 0 : i32
      %dma_wait3A_3194 = arith.constant 0 : i32
      %dma_wait3A_3195 = tpu.memref_slice %arg11[%dma_wait3A_3192, %dma_wait3A_3193, %dma_wait3A_3194] : memref<8x80x128xf32, #tpu.memory_space<vmem>> -> memref<1x80x128xf32, #tpu.memory_space<vmem>>
      %dma_wait3A_3196 = tpu.memref_squeeze %dma_wait3A_3195 : memref<1x80x128xf32, #tpu.memory_space<vmem>> -> memref<80x128xf32, #tpu.memory_space<vmem>>
      %dma_wait3A_3197 = arith.constant 0 : i32
      %dma_wait3A_3198 = arith.constant 0 : i32
      %dma_wait3A_3199 = tpu.memref_slice %arg6[%dma_wait3A_3197, %dma_wait3A_3198] : memref<320000x128xf32, #tpu.memory_space<hbm>> -> memref<80x128xf32, #tpu.memory_space<hbm>>
      %dma_wait3A_3200 = arith.constant 0 : i32
      %dma_wait3A_3201 = arith.constant 0 : i32
      %dma_wait3A_3202 = tpu.memref_slice %arg11[%dma_wait3A_3192, %dma_wait3A_3200, %dma_wait3A_3201] : memref<8x80x128xf32, #tpu.memory_space<vmem>> -> memref<1x80x128xf32, #tpu.memory_space<vmem>>
      %dma_wait3A_3203 = tpu.memref_squeeze %dma_wait3A_3202 : memref<1x80x128xf32, #tpu.memory_space<vmem>> -> memref<80x128xf32, #tpu.memory_space<vmem>>
      %dma_wait3A_3204 = arith.constant 0 : i32
      %dma_wait3A_3205 = arith.constant 0 : i32
      %dma_wait3A_3206 = tpu.memref_slice %arg6[%dma_wait3A_3204, %dma_wait3A_3205] : memref<320000x128xf32, #tpu.memory_space<hbm>> -> memref<80x128xf32, #tpu.memory_space<hbm>>
      tpu.wait_dma2 semaphore(%arg13 : memref<!tpu.dma_semaphore, #tpu.memory_space<semaphore_mem>>) src(%dma_wait3A_3206 : memref<80x128xf32, #tpu.memory_space<hbm>>) dst(%dma_wait3A_3203 : memref<80x128xf32, #tpu.memory_space<vmem>>)
      %mul3A_3207 = arith.constant 80 : i32
      %mul3A_3208 = arith.muli %add3A_3028, %mul3A_3207 : i32
      %add3A_3209 = arith.addi %mul3A_2, %mul3A_3208 : i32
      %dma_start3A_3210 = arith.constant 4 : i32
      %dma_start3A_3211 = arith.constant 0 : i32
      %dma_start3A_3212 = arith.constant 0 : i32
      %dma_start3A_3213 = tpu.memref_slice %arg11[%dma_start3A_3210, %dma_start3A_3211, %dma_start3A_3212] : memref<8x80x128xf32, #tpu.memory_space<vmem>> -> memref<1x80x128xf32, #tpu.memory_space<vmem>>
      %dma_start3A_3214 = tpu.memref_squeeze %dma_start3A_3213 : memref<1x80x128xf32, #tpu.memory_space<vmem>> -> memref<80x128xf32, #tpu.memory_space<vmem>>
      %dma_start3A_3215 = arith.constant 0 : i32
      %dma_start3A_3216 = tpu.memref_slice %arg6[%add3A_3209, %dma_start3A_3215] : memref<320000x128xf32, #tpu.memory_space<hbm>> -> memref<80x128xf32, #tpu.memory_space<hbm>>
      %dma_start3A_3217 = arith.constant 0 : i32
      %dma_start3A_3218 = tpu.memref_slice %arg6[%add3A_3209, %dma_start3A_3217] : memref<320000x128xf32, #tpu.memory_space<hbm>> -> memref<80x128xf32, #tpu.memory_space<hbm>>
      %dma_start3A_3219 = arith.constant 0 : i32
      %dma_start3A_3220 = arith.constant 0 : i32
      %dma_start3A_3221 = tpu.memref_slice %arg11[%dma_start3A_3210, %dma_start3A_3219, %dma_start3A_3220] : memref<8x80x128xf32, #tpu.memory_space<vmem>> -> memref<1x80x128xf32, #tpu.memory_space<vmem>>
      %dma_start3A_3222 = tpu.memref_squeeze %dma_start3A_3221 : memref<1x80x128xf32, #tpu.memory_space<vmem>> -> memref<80x128xf32, #tpu.memory_space<vmem>>
      tpu.enqueue_dma source(%dma_start3A_3222 : memref<80x128xf32, #tpu.memory_space<vmem>>) target(%dma_start3A_3218 : memref<80x128xf32, #tpu.memory_space<hbm>>) target_semaphore(%arg14 : memref<!tpu.dma_semaphore, #tpu.memory_space<semaphore_mem>>)
      %mul3A_3223 = arith.constant 8 : i32
      %mul3A_3224 = arith.muli %scan3A_2232, %mul3A_3223 : i32
      %add3A_3225 = arith.constant 5 : i32
      %add3A_3226 = arith.addi %mul3A_3224, %add3A_3225 : i32
      %dma_wait3A_3227 = arith.constant 1 : i32
      %dma_wait3A_3228 = arith.constant 0 : i32
      %dma_wait3A_3229 = arith.constant 0 : i32
      %dma_wait3A_3230 = tpu.memref_slice %arg11[%dma_wait3A_3227, %dma_wait3A_3228, %dma_wait3A_3229] : memref<8x80x128xf32, #tpu.memory_space<vmem>> -> memref<1x80x128xf32, #tpu.memory_space<vmem>>
      %dma_wait3A_3231 = tpu.memref_squeeze %dma_wait3A_3230 : memref<1x80x128xf32, #tpu.memory_space<vmem>> -> memref<80x128xf32, #tpu.memory_space<vmem>>
      %dma_wait3A_3232 = arith.constant 0 : i32
      %dma_wait3A_3233 = arith.constant 0 : i32
      %dma_wait3A_3234 = tpu.memref_slice %arg6[%dma_wait3A_3232, %dma_wait3A_3233] : memref<320000x128xf32, #tpu.memory_space<hbm>> -> memref<80x128xf32, #tpu.memory_space<hbm>>
      %dma_wait3A_3235 = arith.constant 0 : i32
      %dma_wait3A_3236 = arith.constant 0 : i32
      %dma_wait3A_3237 = tpu.memref_slice %arg6[%dma_wait3A_3235, %dma_wait3A_3236] : memref<320000x128xf32, #tpu.memory_space<hbm>> -> memref<80x128xf32, #tpu.memory_space<hbm>>
      %dma_wait3A_3238 = arith.constant 0 : i32
      %dma_wait3A_3239 = arith.constant 0 : i32
      %dma_wait3A_3240 = tpu.memref_slice %arg11[%dma_wait3A_3227, %dma_wait3A_3238, %dma_wait3A_3239] : memref<8x80x128xf32, #tpu.memory_space<vmem>> -> memref<1x80x128xf32, #tpu.memory_space<vmem>>
      %dma_wait3A_3241 = tpu.memref_squeeze %dma_wait3A_3240 : memref<1x80x128xf32, #tpu.memory_space<vmem>> -> memref<80x128xf32, #tpu.memory_space<vmem>>
      tpu.wait_dma2 semaphore(%arg14 : memref<!tpu.dma_semaphore, #tpu.memory_space<semaphore_mem>>) src(%dma_wait3A_3241 : memref<80x128xf32, #tpu.memory_space<vmem>>) dst(%dma_wait3A_3237 : memref<80x128xf32, #tpu.memory_space<hbm>>)
      %add3A_3242 = arith.constant 4 : i32
      %add3A_3243 = arith.addi %add3A_3226, %add3A_3242 : i32
      %mul3A_3244 = arith.constant 80 : i32
      %mul3A_3245 = arith.muli %add3A_3243, %mul3A_3244 : i32
      %add3A_3246 = arith.constant 0 : i32
      %add3A_3247 = arith.addi %mul3A_3245, %add3A_3246 : i32
      %get3A_3248 = arith.index_cast %add3A_3247 : i32 to index
      %get3A_3249 = tpu.vector_load %arg7[%get3A_3248] {strides = array<i32>} : memref<10000xi32, #tpu.memory_space<vmem>>, vector<16xi32>,
      %get3A_3250 = vector.shape_cast %get3A_3249 : vector<16xi32> to vector<16xi32>
      %mul3A_3251 = arith.constant 12 : i32
      %mul3A_3252 = vector.broadcast %mul3A_3251 : i32 to vector<16xi32>
      %mul3A_3253 = arith.muli %get3A_3250, %mul3A_3252 : vector<16xi32>
      %get3A_3254 = arith.index_cast %add3A_3247 : i32 to index
      %get3A_3255 = tpu.vector_load %arg8[%get3A_3254] {strides = array<i32>} : memref<10000xi32, #tpu.memory_space<vmem>>, vector<16xi32>,
      %get3A_3256 = vector.shape_cast %get3A_3255 : vector<16xi32> to vector<16xi32>
      %mul3A_3257 = arith.constant 2 : i32
      %mul3A_3258 = vector.broadcast %mul3A_3257 : i32 to vector<16xi32>
      %mul3A_3259 = arith.muli %get3A_3256, %mul3A_3258 : vector<16xi32>
      %add3A_3260 = arith.addi %mul3A_3253, %mul3A_3259 : vector<16xi32>
      %get3A_3261 = arith.index_cast %add3A_3247 : i32 to index
      %get3A_3262 = tpu.vector_load %arg9[%get3A_3261] {strides = array<i32>} : memref<10000xi32, #tpu.memory_space<vmem>>, vector<16xi32>,
      %get3A_3263 = vector.shape_cast %get3A_3262 : vector<16xi32> to vector<16xi32>
      %add3A_3264 = arith.addi %add3A_3260, %get3A_3263 : vector<16xi32>
      %add3A_3265 = vector.broadcast %mul3A_18 : i32 to vector<16xi32>
      %add3A_3266 = arith.addi %add3A_3264, %add3A_3265 : vector<16xi32>
      %swap3A_3267 = arith.index_cast %add3A_3247 : i32 to index
      %swap3A_3268 = tpu.vector_load %arg10[%swap3A_3267] {strides = array<i32>} : memref<10000xi32, #tpu.memory_space<vmem>>, vector<16xi32>,
      %swap3A_3269 = vector.shape_cast %swap3A_3268 : vector<16xi32> to vector<16xi32>
      %swap3A_3270 = vector.shape_cast %add3A_3266 : vector<16xi32> to vector<16xi32>
      tpu.vector_store %arg10[%swap3A_3267], %swap3A_3270 {strides = array<i32>} : memref<10000xi32, #tpu.memory_space<vmem>>, vector<16xi32>,
      %mul3A_3271 = arith.constant 80 : i32
      %mul3A_3272 = arith.muli %add3A_3243, %mul3A_3271 : i32
      %add3A_3273 = arith.constant 16 : i32
      %add3A_3274 = arith.addi %mul3A_3272, %add3A_3273 : i32
      %get3A_3275 = arith.index_cast %add3A_3274 : i32 to index
      %get3A_3276 = tpu.vector_load %arg7[%get3A_3275] {strides = array<i32>} : memref<10000xi32, #tpu.memory_space<vmem>>, vector<16xi32>,
      %get3A_3277 = vector.shape_cast %get3A_3276 : vector<16xi32> to vector<16xi32>
      %mul3A_3278 = arith.constant 12 : i32
      %mul3A_3279 = vector.broadcast %mul3A_3278 : i32 to vector<16xi32>
      %mul3A_3280 = arith.muli %get3A_3277, %mul3A_3279 : vector<16xi32>
      %get3A_3281 = arith.index_cast %add3A_3274 : i32 to index
      %get3A_3282 = tpu.vector_load %arg8[%get3A_3281] {strides = array<i32>} : memref<10000xi32, #tpu.memory_space<vmem>>, vector<16xi32>,
      %get3A_3283 = vector.shape_cast %get3A_3282 : vector<16xi32> to vector<16xi32>
      %mul3A_3284 = arith.constant 2 : i32
      %mul3A_3285 = vector.broadcast %mul3A_3284 : i32 to vector<16xi32>
      %mul3A_3286 = arith.muli %get3A_3283, %mul3A_3285 : vector<16xi32>
      %add3A_3287 = arith.addi %mul3A_3280, %mul3A_3286 : vector<16xi32>
      %get3A_3288 = arith.index_cast %add3A_3274 : i32 to index
      %get3A_3289 = tpu.vector_load %arg9[%get3A_3288] {strides = array<i32>} : memref<10000xi32, #tpu.memory_space<vmem>>, vector<16xi32>,
      %get3A_3290 = vector.shape_cast %get3A_3289 : vector<16xi32> to vector<16xi32>
      %add3A_3291 = arith.addi %add3A_3287, %get3A_3290 : vector<16xi32>
      %add3A_3292 = vector.broadcast %mul3A_18 : i32 to vector<16xi32>
      %add3A_3293 = arith.addi %add3A_3291, %add3A_3292 : vector<16xi32>
      %swap3A_3294 = arith.index_cast %add3A_3274 : i32 to index
      %swap3A_3295 = tpu.vector_load %arg10[%swap3A_3294] {strides = array<i32>} : memref<10000xi32, #tpu.memory_space<vmem>>, vector<16xi32>,
      %swap3A_3296 = vector.shape_cast %swap3A_3295 : vector<16xi32> to vector<16xi32>
      %swap3A_3297 = vector.shape_cast %add3A_3293 : vector<16xi32> to vector<16xi32>
      tpu.vector_store %arg10[%swap3A_3294], %swap3A_3297 {strides = array<i32>} : memref<10000xi32, #tpu.memory_space<vmem>>, vector<16xi32>,
      %mul3A_3298 = arith.constant 80 : i32
      %mul3A_3299 = arith.muli %add3A_3243, %mul3A_3298 : i32
      %add3A_3300 = arith.constant 32 : i32
      %add3A_3301 = arith.addi %mul3A_3299, %add3A_3300 : i32
      %get3A_3302 = arith.index_cast %add3A_3301 : i32 to index
      %get3A_3303 = tpu.vector_load %arg7[%get3A_3302] {strides = array<i32>} : memref<10000xi32, #tpu.memory_space<vmem>>, vector<16xi32>,
      %get3A_3304 = vector.shape_cast %get3A_3303 : vector<16xi32> to vector<16xi32>
      %mul3A_3305 = arith.constant 12 : i32
      %mul3A_3306 = vector.broadcast %mul3A_3305 : i32 to vector<16xi32>
      %mul3A_3307 = arith.muli %get3A_3304, %mul3A_3306 : vector<16xi32>
      %get3A_3308 = arith.index_cast %add3A_3301 : i32 to index
      %get3A_3309 = tpu.vector_load %arg8[%get3A_3308] {strides = array<i32>} : memref<10000xi32, #tpu.memory_space<vmem>>, vector<16xi32>,
      %get3A_3310 = vector.shape_cast %get3A_3309 : vector<16xi32> to vector<16xi32>
      %mul3A_3311 = arith.constant 2 : i32
      %mul3A_3312 = vector.broadcast %mul3A_3311 : i32 to vector<16xi32>
      %mul3A_3313 = arith.muli %get3A_3310, %mul3A_3312 : vector<16xi32>
      %add3A_3314 = arith.addi %mul3A_3307, %mul3A_3313 : vector<16xi32>
      %get3A_3315 = arith.index_cast %add3A_3301 : i32 to index
      %get3A_3316 = tpu.vector_load %arg9[%get3A_3315] {strides = array<i32>} : memref<10000xi32, #tpu.memory_space<vmem>>, vector<16xi32>,
      %get3A_3317 = vector.shape_cast %get3A_3316 : vector<16xi32> to vector<16xi32>
      %add3A_3318 = arith.addi %add3A_3314, %get3A_3317 : vector<16xi32>
      %add3A_3319 = vector.broadcast %mul3A_18 : i32 to vector<16xi32>
      %add3A_3320 = arith.addi %add3A_3318, %add3A_3319 : vector<16xi32>
      %swap3A_3321 = arith.index_cast %add3A_3301 : i32 to index
      %swap3A_3322 = tpu.vector_load %arg10[%swap3A_3321] {strides = array<i32>} : memref<10000xi32, #tpu.memory_space<vmem>>, vector<16xi32>,
      %swap3A_3323 = vector.shape_cast %swap3A_3322 : vector<16xi32> to vector<16xi32>
      %swap3A_3324 = vector.shape_cast %add3A_3320 : vector<16xi32> to vector<16xi32>
      tpu.vector_store %arg10[%swap3A_3321], %swap3A_3324 {strides = array<i32>} : memref<10000xi32, #tpu.memory_space<vmem>>, vector<16xi32>,
      %mul3A_3325 = arith.constant 80 : i32
      %mul3A_3326 = arith.muli %add3A_3243, %mul3A_3325 : i32
      %add3A_3327 = arith.constant 48 : i32
      %add3A_3328 = arith.addi %mul3A_3326, %add3A_3327 : i32
      %get3A_3329 = arith.index_cast %add3A_3328 : i32 to index
      %get3A_3330 = tpu.vector_load %arg7[%get3A_3329] {strides = array<i32>} : memref<10000xi32, #tpu.memory_space<vmem>>, vector<16xi32>,
      %get3A_3331 = vector.shape_cast %get3A_3330 : vector<16xi32> to vector<16xi32>
      %mul3A_3332 = arith.constant 12 : i32
      %mul3A_3333 = vector.broadcast %mul3A_3332 : i32 to vector<16xi32>
      %mul3A_3334 = arith.muli %get3A_3331, %mul3A_3333 : vector<16xi32>
      %get3A_3335 = arith.index_cast %add3A_3328 : i32 to index
      %get3A_3336 = tpu.vector_load %arg8[%get3A_3335] {strides = array<i32>} : memref<10000xi32, #tpu.memory_space<vmem>>, vector<16xi32>,
      %get3A_3337 = vector.shape_cast %get3A_3336 : vector<16xi32> to vector<16xi32>
      %mul3A_3338 = arith.constant 2 : i32
      %mul3A_3339 = vector.broadcast %mul3A_3338 : i32 to vector<16xi32>
      %mul3A_3340 = arith.muli %get3A_3337, %mul3A_3339 : vector<16xi32>
      %add3A_3341 = arith.addi %mul3A_3334, %mul3A_3340 : vector<16xi32>
      %get3A_3342 = arith.index_cast %add3A_3328 : i32 to index
      %get3A_3343 = tpu.vector_load %arg9[%get3A_3342] {strides = array<i32>} : memref<10000xi32, #tpu.memory_space<vmem>>, vector<16xi32>,
      %get3A_3344 = vector.shape_cast %get3A_3343 : vector<16xi32> to vector<16xi32>
      %add3A_3345 = arith.addi %add3A_3341, %get3A_3344 : vector<16xi32>
      %add3A_3346 = vector.broadcast %mul3A_18 : i32 to vector<16xi32>
      %add3A_3347 = arith.addi %add3A_3345, %add3A_3346 : vector<16xi32>
      %swap3A_3348 = arith.index_cast %add3A_3328 : i32 to index
      %swap3A_3349 = tpu.vector_load %arg10[%swap3A_3348] {strides = array<i32>} : memref<10000xi32, #tpu.memory_space<vmem>>, vector<16xi32>,
      %swap3A_3350 = vector.shape_cast %swap3A_3349 : vector<16xi32> to vector<16xi32>
      %swap3A_3351 = vector.shape_cast %add3A_3347 : vector<16xi32> to vector<16xi32>
      tpu.vector_store %arg10[%swap3A_3348], %swap3A_3351 {strides = array<i32>} : memref<10000xi32, #tpu.memory_space<vmem>>, vector<16xi32>,
      %mul3A_3352 = arith.constant 80 : i32
      %mul3A_3353 = arith.muli %add3A_3243, %mul3A_3352 : i32
      %add3A_3354 = arith.constant 64 : i32
      %add3A_3355 = arith.addi %mul3A_3353, %add3A_3354 : i32
      %get3A_3356 = arith.index_cast %add3A_3355 : i32 to index
      %get3A_3357 = tpu.vector_load %arg7[%get3A_3356] {strides = array<i32>} : memref<10000xi32, #tpu.memory_space<vmem>>, vector<16xi32>,
      %get3A_3358 = vector.shape_cast %get3A_3357 : vector<16xi32> to vector<16xi32>
      %mul3A_3359 = arith.constant 12 : i32
      %mul3A_3360 = vector.broadcast %mul3A_3359 : i32 to vector<16xi32>
      %mul3A_3361 = arith.muli %get3A_3358, %mul3A_3360 : vector<16xi32>
      %get3A_3362 = arith.index_cast %add3A_3355 : i32 to index
      %get3A_3363 = tpu.vector_load %arg8[%get3A_3362] {strides = array<i32>} : memref<10000xi32, #tpu.memory_space<vmem>>, vector<16xi32>,
      %get3A_3364 = vector.shape_cast %get3A_3363 : vector<16xi32> to vector<16xi32>
      %mul3A_3365 = arith.constant 2 : i32
      %mul3A_3366 = vector.broadcast %mul3A_3365 : i32 to vector<16xi32>
      %mul3A_3367 = arith.muli %get3A_3364, %mul3A_3366 : vector<16xi32>
      %add3A_3368 = arith.addi %mul3A_3361, %mul3A_3367 : vector<16xi32>
      %get3A_3369 = arith.index_cast %add3A_3355 : i32 to index
      %get3A_3370 = tpu.vector_load %arg9[%get3A_3369] {strides = array<i32>} : memref<10000xi32, #tpu.memory_space<vmem>>, vector<16xi32>,
      %get3A_3371 = vector.shape_cast %get3A_3370 : vector<16xi32> to vector<16xi32>
      %add3A_3372 = arith.addi %add3A_3368, %get3A_3371 : vector<16xi32>
      %add3A_3373 = vector.broadcast %mul3A_18 : i32 to vector<16xi32>
      %add3A_3374 = arith.addi %add3A_3372, %add3A_3373 : vector<16xi32>
      %swap3A_3375 = arith.index_cast %add3A_3355 : i32 to index
      %swap3A_3376 = tpu.vector_load %arg10[%swap3A_3375] {strides = array<i32>} : memref<10000xi32, #tpu.memory_space<vmem>>, vector<16xi32>,
      %swap3A_3377 = vector.shape_cast %swap3A_3376 : vector<16xi32> to vector<16xi32>
      %swap3A_3378 = vector.shape_cast %add3A_3374 : vector<16xi32> to vector<16xi32>
      tpu.vector_store %arg10[%swap3A_3375], %swap3A_3378 {strides = array<i32>} : memref<10000xi32, #tpu.memory_space<vmem>>, vector<16xi32>,
      %mul3A_3379 = arith.constant 80 : i32
      %mul3A_3380 = arith.muli %add3A_3243, %mul3A_3379 : i32
      %dma_start3A_3381 = arith.constant 1 : i32
      %dma_start3A_3382 = arith.constant 0 : i32
      %dma_start3A_3383 = arith.constant 0 : i32
      %dma_start3A_3384 = tpu.memref_slice %arg11[%dma_start3A_3381, %dma_start3A_3382, %dma_start3A_3383] : memref<8x80x128xf32, #tpu.memory_space<vmem>> -> memref<1x80x128xf32, #tpu.memory_space<vmem>>
      %dma_start3A_3385 = tpu.memref_squeeze %dma_start3A_3384 : memref<1x80x128xf32, #tpu.memory_space<vmem>> -> memref<80x128xf32, #tpu.memory_space<vmem>>
      %dma_start3A_3386 = tpu.memref_slice %arg10[%mul3A_3380] : memref<10000xi32, #tpu.memory_space<vmem>> -> memref<80xi32, #tpu.memory_space<vmem>>
      %dma_start3A_3387 = arith.constant 0 : i32
      %dma_start3A_3388 = arith.constant 0 : i32
      %dma_start3A_3389 = tpu.memref_slice %arg12[%dma_start3A_3387, %dma_start3A_3388] : memref<1024x128xf32, #tpu.memory_space<vmem_shared>> -> memref<1024x128xf32, #tpu.memory_space<vmem_shared>>
      tpu.enqueue_indirect_dma source(%dma_start3A_3389 : memref<1024x128xf32, #tpu.memory_space<vmem_shared>>) target(%dma_start3A_3385 : memref<80x128xf32, #tpu.memory_space<vmem>>) offsets(%dma_start3A_3386 : memref<80xi32, #tpu.memory_space<vmem>>) semaphore(%arg13 : memref<!tpu.dma_semaphore, #tpu.memory_space<semaphore_mem>>)
      %dma_wait3A_3390 = arith.constant 5 : i32
      %dma_wait3A_3391 = arith.constant 0 : i32
      %dma_wait3A_3392 = arith.constant 0 : i32
      %dma_wait3A_3393 = tpu.memref_slice %arg11[%dma_wait3A_3390, %dma_wait3A_3391, %dma_wait3A_3392] : memref<8x80x128xf32, #tpu.memory_space<vmem>> -> memref<1x80x128xf32, #tpu.memory_space<vmem>>
      %dma_wait3A_3394 = tpu.memref_squeeze %dma_wait3A_3393 : memref<1x80x128xf32, #tpu.memory_space<vmem>> -> memref<80x128xf32, #tpu.memory_space<vmem>>
      %dma_wait3A_3395 = arith.constant 0 : i32
      %dma_wait3A_3396 = arith.constant 0 : i32
      %dma_wait3A_3397 = tpu.memref_slice %arg6[%dma_wait3A_3395, %dma_wait3A_3396] : memref<320000x128xf32, #tpu.memory_space<hbm>> -> memref<80x128xf32, #tpu.memory_space<hbm>>
      %dma_wait3A_3398 = arith.constant 0 : i32
      %dma_wait3A_3399 = arith.constant 0 : i32
      %dma_wait3A_3400 = tpu.memref_slice %arg11[%dma_wait3A_3390, %dma_wait3A_3398, %dma_wait3A_3399] : memref<8x80x128xf32, #tpu.memory_space<vmem>> -> memref<1x80x128xf32, #tpu.memory_space<vmem>>
      %dma_wait3A_3401 = tpu.memref_squeeze %dma_wait3A_3400 : memref<1x80x128xf32, #tpu.memory_space<vmem>> -> memref<80x128xf32, #tpu.memory_space<vmem>>
      %dma_wait3A_3402 = arith.constant 0 : i32
      %dma_wait3A_3403 = arith.constant 0 : i32
      %dma_wait3A_3404 = tpu.memref_slice %arg6[%dma_wait3A_3402, %dma_wait3A_3403] : memref<320000x128xf32, #tpu.memory_space<hbm>> -> memref<80x128xf32, #tpu.memory_space<hbm>>
      tpu.wait_dma2 semaphore(%arg13 : memref<!tpu.dma_semaphore, #tpu.memory_space<semaphore_mem>>) src(%dma_wait3A_3404 : memref<80x128xf32, #tpu.memory_space<hbm>>) dst(%dma_wait3A_3401 : memref<80x128xf32, #tpu.memory_space<vmem>>)
      %mul3A_3405 = arith.constant 80 : i32
      %mul3A_3406 = arith.muli %add3A_3226, %mul3A_3405 : i32
      %add3A_3407 = arith.addi %mul3A_2, %mul3A_3406 : i32
      %dma_start3A_3408 = arith.constant 5 : i32
      %dma_start3A_3409 = arith.constant 0 : i32
      %dma_start3A_3410 = arith.constant 0 : i32
      %dma_start3A_3411 = tpu.memref_slice %arg11[%dma_start3A_3408, %dma_start3A_3409, %dma_start3A_3410] : memref<8x80x128xf32, #tpu.memory_space<vmem>> -> memref<1x80x128xf32, #tpu.memory_space<vmem>>
      %dma_start3A_3412 = tpu.memref_squeeze %dma_start3A_3411 : memref<1x80x128xf32, #tpu.memory_space<vmem>> -> memref<80x128xf32, #tpu.memory_space<vmem>>
      %dma_start3A_3413 = arith.constant 0 : i32
      %dma_start3A_3414 = tpu.memref_slice %arg6[%add3A_3407, %dma_start3A_3413] : memref<320000x128xf32, #tpu.memory_space<hbm>> -> memref<80x128xf32, #tpu.memory_space<hbm>>
      %dma_start3A_3415 = arith.constant 0 : i32
      %dma_start3A_3416 = tpu.memref_slice %arg6[%add3A_3407, %dma_start3A_3415] : memref<320000x128xf32, #tpu.memory_space<hbm>> -> memref<80x128xf32, #tpu.memory_space<hbm>>
      %dma_start3A_3417 = arith.constant 0 : i32
      %dma_start3A_3418 = arith.constant 0 : i32
      %dma_start3A_3419 = tpu.memref_slice %arg11[%dma_start3A_3408, %dma_start3A_3417, %dma_start3A_3418] : memref<8x80x128xf32, #tpu.memory_space<vmem>> -> memref<1x80x128xf32, #tpu.memory_space<vmem>>
      %dma_start3A_3420 = tpu.memref_squeeze %dma_start3A_3419 : memref<1x80x128xf32, #tpu.memory_space<vmem>> -> memref<80x128xf32, #tpu.memory_space<vmem>>
      tpu.enqueue_dma source(%dma_start3A_3420 : memref<80x128xf32, #tpu.memory_space<vmem>>) target(%dma_start3A_3416 : memref<80x128xf32, #tpu.memory_space<hbm>>) target_semaphore(%arg14 : memref<!tpu.dma_semaphore, #tpu.memory_space<semaphore_mem>>)
      %mul3A_3421 = arith.constant 8 : i32
      %mul3A_3422 = arith.muli %scan3A_2232, %mul3A_3421 : i32
      %add3A_3423 = arith.constant 6 : i32
      %add3A_3424 = arith.addi %mul3A_3422, %add3A_3423 : i32
      %dma_wait3A_3425 = arith.constant 2 : i32
      %dma_wait3A_3426 = arith.constant 0 : i32
      %dma_wait3A_3427 = arith.constant 0 : i32
      %dma_wait3A_3428 = tpu.memref_slice %arg11[%dma_wait3A_3425, %dma_wait3A_3426, %dma_wait3A_3427] : memref<8x80x128xf32, #tpu.memory_space<vmem>> -> memref<1x80x128xf32, #tpu.memory_space<vmem>>
      %dma_wait3A_3429 = tpu.memref_squeeze %dma_wait3A_3428 : memref<1x80x128xf32, #tpu.memory_space<vmem>> -> memref<80x128xf32, #tpu.memory_space<vmem>>
      %dma_wait3A_3430 = arith.constant 0 : i32
      %dma_wait3A_3431 = arith.constant 0 : i32
      %dma_wait3A_3432 = tpu.memref_slice %arg6[%dma_wait3A_3430, %dma_wait3A_3431] : memref<320000x128xf32, #tpu.memory_space<hbm>> -> memref<80x128xf32, #tpu.memory_space<hbm>>
      %dma_wait3A_3433 = arith.constant 0 : i32
      %dma_wait3A_3434 = arith.constant 0 : i32
      %dma_wait3A_3435 = tpu.memref_slice %arg6[%dma_wait3A_3433, %dma_wait3A_3434] : memref<320000x128xf32, #tpu.memory_space<hbm>> -> memref<80x128xf32, #tpu.memory_space<hbm>>
      %dma_wait3A_3436 = arith.constant 0 : i32
      %dma_wait3A_3437 = arith.constant 0 : i32
      %dma_wait3A_3438 = tpu.memref_slice %arg11[%dma_wait3A_3425, %dma_wait3A_3436, %dma_wait3A_3437] : memref<8x80x128xf32, #tpu.memory_space<vmem>> -> memref<1x80x128xf32, #tpu.memory_space<vmem>>
      %dma_wait3A_3439 = tpu.memref_squeeze %dma_wait3A_3438 : memref<1x80x128xf32, #tpu.memory_space<vmem>> -> memref<80x128xf32, #tpu.memory_space<vmem>>
      tpu.wait_dma2 semaphore(%arg14 : memref<!tpu.dma_semaphore, #tpu.memory_space<semaphore_mem>>) src(%dma_wait3A_3439 : memref<80x128xf32, #tpu.memory_space<vmem>>) dst(%dma_wait3A_3435 : memref<80x128xf32, #tpu.memory_space<hbm>>)
      %add3A_3440 = arith.constant 4 : i32
      %add3A_3441 = arith.addi %add3A_3424, %add3A_3440 : i32
      %mul3A_3442 = arith.constant 80 : i32
      %mul3A_3443 = arith.muli %add3A_3441, %mul3A_3442 : i32
      %add3A_3444 = arith.constant 0 : i32
      %add3A_3445 = arith.addi %mul3A_3443, %add3A_3444 : i32
      %get3A_3446 = arith.index_cast %add3A_3445 : i32 to index
      %get3A_3447 = tpu.vector_load %arg7[%get3A_3446] {strides = array<i32>} : memref<10000xi32, #tpu.memory_space<vmem>>, vector<16xi32>,
      %get3A_3448 = vector.shape_cast %get3A_3447 : vector<16xi32> to vector<16xi32>
      %mul3A_3449 = arith.constant 12 : i32
      %mul3A_3450 = vector.broadcast %mul3A_3449 : i32 to vector<16xi32>
      %mul3A_3451 = arith.muli %get3A_3448, %mul3A_3450 : vector<16xi32>
      %get3A_3452 = arith.index_cast %add3A_3445 : i32 to index
      %get3A_3453 = tpu.vector_load %arg8[%get3A_3452] {strides = array<i32>} : memref<10000xi32, #tpu.memory_space<vmem>>, vector<16xi32>,
      %get3A_3454 = vector.shape_cast %get3A_3453 : vector<16xi32> to vector<16xi32>
      %mul3A_3455 = arith.constant 2 : i32
      %mul3A_3456 = vector.broadcast %mul3A_3455 : i32 to vector<16xi32>
      %mul3A_3457 = arith.muli %get3A_3454, %mul3A_3456 : vector<16xi32>
      %add3A_3458 = arith.addi %mul3A_3451, %mul3A_3457 : vector<16xi32>
      %get3A_3459 = arith.index_cast %add3A_3445 : i32 to index
      %get3A_3460 = tpu.vector_load %arg9[%get3A_3459] {strides = array<i32>} : memref<10000xi32, #tpu.memory_space<vmem>>, vector<16xi32>,
      %get3A_3461 = vector.shape_cast %get3A_3460 : vector<16xi32> to vector<16xi32>
      %add3A_3462 = arith.addi %add3A_3458, %get3A_3461 : vector<16xi32>
      %add3A_3463 = vector.broadcast %mul3A_18 : i32 to vector<16xi32>
      %add3A_3464 = arith.addi %add3A_3462, %add3A_3463 : vector<16xi32>
      %swap3A_3465 = arith.index_cast %add3A_3445 : i32 to index
      %swap3A_3466 = tpu.vector_load %arg10[%swap3A_3465] {strides = array<i32>} : memref<10000xi32, #tpu.memory_space<vmem>>, vector<16xi32>,
      %swap3A_3467 = vector.shape_cast %swap3A_3466 : vector<16xi32> to vector<16xi32>
      %swap3A_3468 = vector.shape_cast %add3A_3464 : vector<16xi32> to vector<16xi32>
      tpu.vector_store %arg10[%swap3A_3465], %swap3A_3468 {strides = array<i32>} : memref<10000xi32, #tpu.memory_space<vmem>>, vector<16xi32>,
      %mul3A_3469 = arith.constant 80 : i32
      %mul3A_3470 = arith.muli %add3A_3441, %mul3A_3469 : i32
      %add3A_3471 = arith.constant 16 : i32
      %add3A_3472 = arith.addi %mul3A_3470, %add3A_3471 : i32
      %get3A_3473 = arith.index_cast %add3A_3472 : i32 to index
      %get3A_3474 = tpu.vector_load %arg7[%get3A_3473] {strides = array<i32>} : memref<10000xi32, #tpu.memory_space<vmem>>, vector<16xi32>,
      %get3A_3475 = vector.shape_cast %get3A_3474 : vector<16xi32> to vector<16xi32>
      %mul3A_3476 = arith.constant 12 : i32
      %mul3A_3477 = vector.broadcast %mul3A_3476 : i32 to vector<16xi32>
      %mul3A_3478 = arith.muli %get3A_3475, %mul3A_3477 : vector<16xi32>
      %get3A_3479 = arith.index_cast %add3A_3472 : i32 to index
      %get3A_3480 = tpu.vector_load %arg8[%get3A_3479] {strides = array<i32>} : memref<10000xi32, #tpu.memory_space<vmem>>, vector<16xi32>,
      %get3A_3481 = vector.shape_cast %get3A_3480 : vector<16xi32> to vector<16xi32>
      %mul3A_3482 = arith.constant 2 : i32
      %mul3A_3483 = vector.broadcast %mul3A_3482 : i32 to vector<16xi32>
      %mul3A_3484 = arith.muli %get3A_3481, %mul3A_3483 : vector<16xi32>
      %add3A_3485 = arith.addi %mul3A_3478, %mul3A_3484 : vector<16xi32>
      %get3A_3486 = arith.index_cast %add3A_3472 : i32 to index
      %get3A_3487 = tpu.vector_load %arg9[%get3A_3486] {strides = array<i32>} : memref<10000xi32, #tpu.memory_space<vmem>>, vector<16xi32>,
      %get3A_3488 = vector.shape_cast %get3A_3487 : vector<16xi32> to vector<16xi32>
      %add3A_3489 = arith.addi %add3A_3485, %get3A_3488 : vector<16xi32>
      %add3A_3490 = vector.broadcast %mul3A_18 : i32 to vector<16xi32>
      %add3A_3491 = arith.addi %add3A_3489, %add3A_3490 : vector<16xi32>
      %swap3A_3492 = arith.index_cast %add3A_3472 : i32 to index
      %swap3A_3493 = tpu.vector_load %arg10[%swap3A_3492] {strides = array<i32>} : memref<10000xi32, #tpu.memory_space<vmem>>, vector<16xi32>,
      %swap3A_3494 = vector.shape_cast %swap3A_3493 : vector<16xi32> to vector<16xi32>
      %swap3A_3495 = vector.shape_cast %add3A_3491 : vector<16xi32> to vector<16xi32>
      tpu.vector_store %arg10[%swap3A_3492], %swap3A_3495 {strides = array<i32>} : memref<10000xi32, #tpu.memory_space<vmem>>, vector<16xi32>,
      %mul3A_3496 = arith.constant 80 : i32
      %mul3A_3497 = arith.muli %add3A_3441, %mul3A_3496 : i32
      %add3A_3498 = arith.constant 32 : i32
      %add3A_3499 = arith.addi %mul3A_3497, %add3A_3498 : i32
      %get3A_3500 = arith.index_cast %add3A_3499 : i32 to index
      %get3A_3501 = tpu.vector_load %arg7[%get3A_3500] {strides = array<i32>} : memref<10000xi32, #tpu.memory_space<vmem>>, vector<16xi32>,
      %get3A_3502 = vector.shape_cast %get3A_3501 : vector<16xi32> to vector<16xi32>
      %mul3A_3503 = arith.constant 12 : i32
      %mul3A_3504 = vector.broadcast %mul3A_3503 : i32 to vector<16xi32>
      %mul3A_3505 = arith.muli %get3A_3502, %mul3A_3504 : vector<16xi32>
      %get3A_3506 = arith.index_cast %add3A_3499 : i32 to index
      %get3A_3507 = tpu.vector_load %arg8[%get3A_3506] {strides = array<i32>} : memref<10000xi32, #tpu.memory_space<vmem>>, vector<16xi32>,
      %get3A_3508 = vector.shape_cast %get3A_3507 : vector<16xi32> to vector<16xi32>
      %mul3A_3509 = arith.constant 2 : i32
      %mul3A_3510 = vector.broadcast %mul3A_3509 : i32 to vector<16xi32>
      %mul3A_3511 = arith.muli %get3A_3508, %mul3A_3510 : vector<16xi32>
      %add3A_3512 = arith.addi %mul3A_3505, %mul3A_3511 : vector<16xi32>
      %get3A_3513 = arith.index_cast %add3A_3499 : i32 to index
      %get3A_3514 = tpu.vector_load %arg9[%get3A_3513] {strides = array<i32>} : memref<10000xi32, #tpu.memory_space<vmem>>, vector<16xi32>,
      %get3A_3515 = vector.shape_cast %get3A_3514 : vector<16xi32> to vector<16xi32>
      %add3A_3516 = arith.addi %add3A_3512, %get3A_3515 : vector<16xi32>
      %add3A_3517 = vector.broadcast %mul3A_18 : i32 to vector<16xi32>
      %add3A_3518 = arith.addi %add3A_3516, %add3A_3517 : vector<16xi32>
      %swap3A_3519 = arith.index_cast %add3A_3499 : i32 to index
      %swap3A_3520 = tpu.vector_load %arg10[%swap3A_3519] {strides = array<i32>} : memref<10000xi32, #tpu.memory_space<vmem>>, vector<16xi32>,
      %swap3A_3521 = vector.shape_cast %swap3A_3520 : vector<16xi32> to vector<16xi32>
      %swap3A_3522 = vector.shape_cast %add3A_3518 : vector<16xi32> to vector<16xi32>
      tpu.vector_store %arg10[%swap3A_3519], %swap3A_3522 {strides = array<i32>} : memref<10000xi32, #tpu.memory_space<vmem>>, vector<16xi32>,
      %mul3A_3523 = arith.constant 80 : i32
      %mul3A_3524 = arith.muli %add3A_3441, %mul3A_3523 : i32
      %add3A_3525 = arith.constant 48 : i32
      %add3A_3526 = arith.addi %mul3A_3524, %add3A_3525 : i32
      %get3A_3527 = arith.index_cast %add3A_3526 : i32 to index
      %get3A_3528 = tpu.vector_load %arg7[%get3A_3527] {strides = array<i32>} : memref<10000xi32, #tpu.memory_space<vmem>>, vector<16xi32>,
      %get3A_3529 = vector.shape_cast %get3A_3528 : vector<16xi32> to vector<16xi32>
      %mul3A_3530 = arith.constant 12 : i32
      %mul3A_3531 = vector.broadcast %mul3A_3530 : i32 to vector<16xi32>
      %mul3A_3532 = arith.muli %get3A_3529, %mul3A_3531 : vector<16xi32>
      %get3A_3533 = arith.index_cast %add3A_3526 : i32 to index
      %get3A_3534 = tpu.vector_load %arg8[%get3A_3533] {strides = array<i32>} : memref<10000xi32, #tpu.memory_space<vmem>>, vector<16xi32>,
      %get3A_3535 = vector.shape_cast %get3A_3534 : vector<16xi32> to vector<16xi32>
      %mul3A_3536 = arith.constant 2 : i32
      %mul3A_3537 = vector.broadcast %mul3A_3536 : i32 to vector<16xi32>
      %mul3A_3538 = arith.muli %get3A_3535, %mul3A_3537 : vector<16xi32>
      %add3A_3539 = arith.addi %mul3A_3532, %mul3A_3538 : vector<16xi32>
      %get3A_3540 = arith.index_cast %add3A_3526 : i32 to index
      %get3A_3541 = tpu.vector_load %arg9[%get3A_3540] {strides = array<i32>} : memref<10000xi32, #tpu.memory_space<vmem>>, vector<16xi32>,
      %get3A_3542 = vector.shape_cast %get3A_3541 : vector<16xi32> to vector<16xi32>
      %add3A_3543 = arith.addi %add3A_3539, %get3A_3542 : vector<16xi32>
      %add3A_3544 = vector.broadcast %mul3A_18 : i32 to vector<16xi32>
      %add3A_3545 = arith.addi %add3A_3543, %add3A_3544 : vector<16xi32>
      %swap3A_3546 = arith.index_cast %add3A_3526 : i32 to index
      %swap3A_3547 = tpu.vector_load %arg10[%swap3A_3546] {strides = array<i32>} : memref<10000xi32, #tpu.memory_space<vmem>>, vector<16xi32>,
      %swap3A_3548 = vector.shape_cast %swap3A_3547 : vector<16xi32> to vector<16xi32>
      %swap3A_3549 = vector.shape_cast %add3A_3545 : vector<16xi32> to vector<16xi32>
      tpu.vector_store %arg10[%swap3A_3546], %swap3A_3549 {strides = array<i32>} : memref<10000xi32, #tpu.memory_space<vmem>>, vector<16xi32>,
      %mul3A_3550 = arith.constant 80 : i32
      %mul3A_3551 = arith.muli %add3A_3441, %mul3A_3550 : i32
      %add3A_3552 = arith.constant 64 : i32
      %add3A_3553 = arith.addi %mul3A_3551, %add3A_3552 : i32
      %get3A_3554 = arith.index_cast %add3A_3553 : i32 to index
      %get3A_3555 = tpu.vector_load %arg7[%get3A_3554] {strides = array<i32>} : memref<10000xi32, #tpu.memory_space<vmem>>, vector<16xi32>,
      %get3A_3556 = vector.shape_cast %get3A_3555 : vector<16xi32> to vector<16xi32>
      %mul3A_3557 = arith.constant 12 : i32
      %mul3A_3558 = vector.broadcast %mul3A_3557 : i32 to vector<16xi32>
      %mul3A_3559 = arith.muli %get3A_3556, %mul3A_3558 : vector<16xi32>
      %get3A_3560 = arith.index_cast %add3A_3553 : i32 to index
      %get3A_3561 = tpu.vector_load %arg8[%get3A_3560] {strides = array<i32>} : memref<10000xi32, #tpu.memory_space<vmem>>, vector<16xi32>,
      %get3A_3562 = vector.shape_cast %get3A_3561 : vector<16xi32> to vector<16xi32>
      %mul3A_3563 = arith.constant 2 : i32
      %mul3A_3564 = vector.broadcast %mul3A_3563 : i32 to vector<16xi32>
      %mul3A_3565 = arith.muli %get3A_3562, %mul3A_3564 : vector<16xi32>
      %add3A_3566 = arith.addi %mul3A_3559, %mul3A_3565 : vector<16xi32>
      %get3A_3567 = arith.index_cast %add3A_3553 : i32 to index
      %get3A_3568 = tpu.vector_load %arg9[%get3A_3567] {strides = array<i32>} : memref<10000xi32, #tpu.memory_space<vmem>>, vector<16xi32>,
      %get3A_3569 = vector.shape_cast %get3A_3568 : vector<16xi32> to vector<16xi32>
      %add3A_3570 = arith.addi %add3A_3566, %get3A_3569 : vector<16xi32>
      %add3A_3571 = vector.broadcast %mul3A_18 : i32 to vector<16xi32>
      %add3A_3572 = arith.addi %add3A_3570, %add3A_3571 : vector<16xi32>
      %swap3A_3573 = arith.index_cast %add3A_3553 : i32 to index
      %swap3A_3574 = tpu.vector_load %arg10[%swap3A_3573] {strides = array<i32>} : memref<10000xi32, #tpu.memory_space<vmem>>, vector<16xi32>,
      %swap3A_3575 = vector.shape_cast %swap3A_3574 : vector<16xi32> to vector<16xi32>
      %swap3A_3576 = vector.shape_cast %add3A_3572 : vector<16xi32> to vector<16xi32>
      tpu.vector_store %arg10[%swap3A_3573], %swap3A_3576 {strides = array<i32>} : memref<10000xi32, #tpu.memory_space<vmem>>, vector<16xi32>,
      %mul3A_3577 = arith.constant 80 : i32
      %mul3A_3578 = arith.muli %add3A_3441, %mul3A_3577 : i32
      %dma_start3A_3579 = arith.constant 2 : i32
      %dma_start3A_3580 = arith.constant 0 : i32
      %dma_start3A_3581 = arith.constant 0 : i32
      %dma_start3A_3582 = tpu.memref_slice %arg11[%dma_start3A_3579, %dma_start3A_3580, %dma_start3A_3581] : memref<8x80x128xf32, #tpu.memory_space<vmem>> -> memref<1x80x128xf32, #tpu.memory_space<vmem>>
      %dma_start3A_3583 = tpu.memref_squeeze %dma_start3A_3582 : memref<1x80x128xf32, #tpu.memory_space<vmem>> -> memref<80x128xf32, #tpu.memory_space<vmem>>
      %dma_start3A_3584 = tpu.memref_slice %arg10[%mul3A_3578] : memref<10000xi32, #tpu.memory_space<vmem>> -> memref<80xi32, #tpu.memory_space<vmem>>
      %dma_start3A_3585 = arith.constant 0 : i32
      %dma_start3A_3586 = arith.constant 0 : i32
      %dma_start3A_3587 = tpu.memref_slice %arg12[%dma_start3A_3585, %dma_start3A_3586] : memref<1024x128xf32, #tpu.memory_space<vmem_shared>> -> memref<1024x128xf32, #tpu.memory_space<vmem_shared>>
      tpu.enqueue_indirect_dma source(%dma_start3A_3587 : memref<1024x128xf32, #tpu.memory_space<vmem_shared>>) target(%dma_start3A_3583 : memref<80x128xf32, #tpu.memory_space<vmem>>) offsets(%dma_start3A_3584 : memref<80xi32, #tpu.memory_space<vmem>>) semaphore(%arg13 : memref<!tpu.dma_semaphore, #tpu.memory_space<semaphore_mem>>)
      %dma_wait3A_3588 = arith.constant 6 : i32
      %dma_wait3A_3589 = arith.constant 0 : i32
      %dma_wait3A_3590 = arith.constant 0 : i32
      %dma_wait3A_3591 = tpu.memref_slice %arg11[%dma_wait3A_3588, %dma_wait3A_3589, %dma_wait3A_3590] : memref<8x80x128xf32, #tpu.memory_space<vmem>> -> memref<1x80x128xf32, #tpu.memory_space<vmem>>
      %dma_wait3A_3592 = tpu.memref_squeeze %dma_wait3A_3591 : memref<1x80x128xf32, #tpu.memory_space<vmem>> -> memref<80x128xf32, #tpu.memory_space<vmem>>
      %dma_wait3A_3593 = arith.constant 0 : i32
      %dma_wait3A_3594 = arith.constant 0 : i32
      %dma_wait3A_3595 = tpu.memref_slice %arg6[%dma_wait3A_3593, %dma_wait3A_3594] : memref<320000x128xf32, #tpu.memory_space<hbm>> -> memref<80x128xf32, #tpu.memory_space<hbm>>
      %dma_wait3A_3596 = arith.constant 0 : i32
      %dma_wait3A_3597 = arith.constant 0 : i32
      %dma_wait3A_3598 = tpu.memref_slice %arg11[%dma_wait3A_3588, %dma_wait3A_3596, %dma_wait3A_3597] : memref<8x80x128xf32, #tpu.memory_space<vmem>> -> memref<1x80x128xf32, #tpu.memory_space<vmem>>
      %dma_wait3A_3599 = tpu.memref_squeeze %dma_wait3A_3598 : memref<1x80x128xf32, #tpu.memory_space<vmem>> -> memref<80x128xf32, #tpu.memory_space<vmem>>
      %dma_wait3A_3600 = arith.constant 0 : i32
      %dma_wait3A_3601 = arith.constant 0 : i32
      %dma_wait3A_3602 = tpu.memref_slice %arg6[%dma_wait3A_3600, %dma_wait3A_3601] : memref<320000x128xf32, #tpu.memory_space<hbm>> -> memref<80x128xf32, #tpu.memory_space<hbm>>
      tpu.wait_dma2 semaphore(%arg13 : memref<!tpu.dma_semaphore, #tpu.memory_space<semaphore_mem>>) src(%dma_wait3A_3602 : memref<80x128xf32, #tpu.memory_space<hbm>>) dst(%dma_wait3A_3599 : memref<80x128xf32, #tpu.memory_space<vmem>>)
      %mul3A_3603 = arith.constant 80 : i32
      %mul3A_3604 = arith.muli %add3A_3424, %mul3A_3603 : i32
      %add3A_3605 = arith.addi %mul3A_2, %mul3A_3604 : i32
      %dma_start3A_3606 = arith.constant 6 : i32
      %dma_start3A_3607 = arith.constant 0 : i32
      %dma_start3A_3608 = arith.constant 0 : i32
      %dma_start3A_3609 = tpu.memref_slice %arg11[%dma_start3A_3606, %dma_start3A_3607, %dma_start3A_3608] : memref<8x80x128xf32, #tpu.memory_space<vmem>> -> memref<1x80x128xf32, #tpu.memory_space<vmem>>
      %dma_start3A_3610 = tpu.memref_squeeze %dma_start3A_3609 : memref<1x80x128xf32, #tpu.memory_space<vmem>> -> memref<80x128xf32, #tpu.memory_space<vmem>>
      %dma_start3A_3611 = arith.constant 0 : i32
      %dma_start3A_3612 = tpu.memref_slice %arg6[%add3A_3605, %dma_start3A_3611] : memref<320000x128xf32, #tpu.memory_space<hbm>> -> memref<80x128xf32, #tpu.memory_space<hbm>>
      %dma_start3A_3613 = arith.constant 0 : i32
      %dma_start3A_3614 = tpu.memref_slice %arg6[%add3A_3605, %dma_start3A_3613] : memref<320000x128xf32, #tpu.memory_space<hbm>> -> memref<80x128xf32, #tpu.memory_space<hbm>>
      %dma_start3A_3615 = arith.constant 0 : i32
      %dma_start3A_3616 = arith.constant 0 : i32
      %dma_start3A_3617 = tpu.memref_slice %arg11[%dma_start3A_3606, %dma_start3A_3615, %dma_start3A_3616] : memref<8x80x128xf32, #tpu.memory_space<vmem>> -> memref<1x80x128xf32, #tpu.memory_space<vmem>>
      %dma_start3A_3618 = tpu.memref_squeeze %dma_start3A_3617 : memref<1x80x128xf32, #tpu.memory_space<vmem>> -> memref<80x128xf32, #tpu.memory_space<vmem>>
      tpu.enqueue_dma source(%dma_start3A_3618 : memref<80x128xf32, #tpu.memory_space<vmem>>) target(%dma_start3A_3614 : memref<80x128xf32, #tpu.memory_space<hbm>>) target_semaphore(%arg14 : memref<!tpu.dma_semaphore, #tpu.memory_space<semaphore_mem>>)
      %mul3A_3619 = arith.constant 8 : i32
      %mul3A_3620 = arith.muli %scan3A_2232, %mul3A_3619 : i32
      %add3A_3621 = arith.constant 7 : i32
      %add3A_3622 = arith.addi %mul3A_3620, %add3A_3621 : i32
      %dma_wait3A_3623 = arith.constant 3 : i32
      %dma_wait3A_3624 = arith.constant 0 : i32
      %dma_wait3A_3625 = arith.constant 0 : i32
      %dma_wait3A_3626 = tpu.memref_slice %arg11[%dma_wait3A_3623, %dma_wait3A_3624, %dma_wait3A_3625] : memref<8x80x128xf32, #tpu.memory_space<vmem>> -> memref<1x80x128xf32, #tpu.memory_space<vmem>>
      %dma_wait3A_3627 = tpu.memref_squeeze %dma_wait3A_3626 : memref<1x80x128xf32, #tpu.memory_space<vmem>> -> memref<80x128xf32, #tpu.memory_space<vmem>>
      %dma_wait3A_3628 = arith.constant 0 : i32
      %dma_wait3A_3629 = arith.constant 0 : i32
      %dma_wait3A_3630 = tpu.memref_slice %arg6[%dma_wait3A_3628, %dma_wait3A_3629] : memref<320000x128xf32, #tpu.memory_space<hbm>> -> memref<80x128xf32, #tpu.memory_space<hbm>>
      %dma_wait3A_3631 = arith.constant 0 : i32
      %dma_wait3A_3632 = arith.constant 0 : i32
      %dma_wait3A_3633 = tpu.memref_slice %arg6[%dma_wait3A_3631, %dma_wait3A_3632] : memref<320000x128xf32, #tpu.memory_space<hbm>> -> memref<80x128xf32, #tpu.memory_space<hbm>>
      %dma_wait3A_3634 = arith.constant 0 : i32
      %dma_wait3A_3635 = arith.constant 0 : i32
      %dma_wait3A_3636 = tpu.memref_slice %arg11[%dma_wait3A_3623, %dma_wait3A_3634, %dma_wait3A_3635] : memref<8x80x128xf32, #tpu.memory_space<vmem>> -> memref<1x80x128xf32, #tpu.memory_space<vmem>>
      %dma_wait3A_3637 = tpu.memref_squeeze %dma_wait3A_3636 : memref<1x80x128xf32, #tpu.memory_space<vmem>> -> memref<80x128xf32, #tpu.memory_space<vmem>>
      tpu.wait_dma2 semaphore(%arg14 : memref<!tpu.dma_semaphore, #tpu.memory_space<semaphore_mem>>) src(%dma_wait3A_3637 : memref<80x128xf32, #tpu.memory_space<vmem>>) dst(%dma_wait3A_3633 : memref<80x128xf32, #tpu.memory_space<hbm>>)
      %add3A_3638 = arith.constant 4 : i32
      %add3A_3639 = arith.addi %add3A_3622, %add3A_3638 : i32
      %mul3A_3640 = arith.constant 80 : i32
      %mul3A_3641 = arith.muli %add3A_3639, %mul3A_3640 : i32
      %add3A_3642 = arith.constant 0 : i32
      %add3A_3643 = arith.addi %mul3A_3641, %add3A_3642 : i32
      %get3A_3644 = arith.index_cast %add3A_3643 : i32 to index
      %get3A_3645 = tpu.vector_load %arg7[%get3A_3644] {strides = array<i32>} : memref<10000xi32, #tpu.memory_space<vmem>>, vector<16xi32>,
      %get3A_3646 = vector.shape_cast %get3A_3645 : vector<16xi32> to vector<16xi32>
      %mul3A_3647 = arith.constant 12 : i32
      %mul3A_3648 = vector.broadcast %mul3A_3647 : i32 to vector<16xi32>
      %mul3A_3649 = arith.muli %get3A_3646, %mul3A_3648 : vector<16xi32>
      %get3A_3650 = arith.index_cast %add3A_3643 : i32 to index
      %get3A_3651 = tpu.vector_load %arg8[%get3A_3650] {strides = array<i32>} : memref<10000xi32, #tpu.memory_space<vmem>>, vector<16xi32>,
      %get3A_3652 = vector.shape_cast %get3A_3651 : vector<16xi32> to vector<16xi32>
      %mul3A_3653 = arith.constant 2 : i32
      %mul3A_3654 = vector.broadcast %mul3A_3653 : i32 to vector<16xi32>
      %mul3A_3655 = arith.muli %get3A_3652, %mul3A_3654 : vector<16xi32>
      %add3A_3656 = arith.addi %mul3A_3649, %mul3A_3655 : vector<16xi32>
      %get3A_3657 = arith.index_cast %add3A_3643 : i32 to index
      %get3A_3658 = tpu.vector_load %arg9[%get3A_3657] {strides = array<i32>} : memref<10000xi32, #tpu.memory_space<vmem>>, vector<16xi32>,
      %get3A_3659 = vector.shape_cast %get3A_3658 : vector<16xi32> to vector<16xi32>
      %add3A_3660 = arith.addi %add3A_3656, %get3A_3659 : vector<16xi32>
      %add3A_3661 = vector.broadcast %mul3A_18 : i32 to vector<16xi32>
      %add3A_3662 = arith.addi %add3A_3660, %add3A_3661 : vector<16xi32>
      %swap3A_3663 = arith.index_cast %add3A_3643 : i32 to index
      %swap3A_3664 = tpu.vector_load %arg10[%swap3A_3663] {strides = array<i32>} : memref<10000xi32, #tpu.memory_space<vmem>>, vector<16xi32>,
      %swap3A_3665 = vector.shape_cast %swap3A_3664 : vector<16xi32> to vector<16xi32>
      %swap3A_3666 = vector.shape_cast %add3A_3662 : vector<16xi32> to vector<16xi32>
      tpu.vector_store %arg10[%swap3A_3663], %swap3A_3666 {strides = array<i32>} : memref<10000xi32, #tpu.memory_space<vmem>>, vector<16xi32>,
      %mul3A_3667 = arith.constant 80 : i32
      %mul3A_3668 = arith.muli %add3A_3639, %mul3A_3667 : i32
      %add3A_3669 = arith.constant 16 : i32
      %add3A_3670 = arith.addi %mul3A_3668, %add3A_3669 : i32
      %get3A_3671 = arith.index_cast %add3A_3670 : i32 to index
      %get3A_3672 = tpu.vector_load %arg7[%get3A_3671] {strides = array<i32>} : memref<10000xi32, #tpu.memory_space<vmem>>, vector<16xi32>,
      %get3A_3673 = vector.shape_cast %get3A_3672 : vector<16xi32> to vector<16xi32>
      %mul3A_3674 = arith.constant 12 : i32
      %mul3A_3675 = vector.broadcast %mul3A_3674 : i32 to vector<16xi32>
      %mul3A_3676 = arith.muli %get3A_3673, %mul3A_3675 : vector<16xi32>
      %get3A_3677 = arith.index_cast %add3A_3670 : i32 to index
      %get3A_3678 = tpu.vector_load %arg8[%get3A_3677] {strides = array<i32>} : memref<10000xi32, #tpu.memory_space<vmem>>, vector<16xi32>,
      %get3A_3679 = vector.shape_cast %get3A_3678 : vector<16xi32> to vector<16xi32>
      %mul3A_3680 = arith.constant 2 : i32
      %mul3A_3681 = vector.broadcast %mul3A_3680 : i32 to vector<16xi32>
      %mul3A_3682 = arith.muli %get3A_3679, %mul3A_3681 : vector<16xi32>
      %add3A_3683 = arith.addi %mul3A_3676, %mul3A_3682 : vector<16xi32>
      %get3A_3684 = arith.index_cast %add3A_3670 : i32 to index
      %get3A_3685 = tpu.vector_load %arg9[%get3A_3684] {strides = array<i32>} : memref<10000xi32, #tpu.memory_space<vmem>>, vector<16xi32>,
      %get3A_3686 = vector.shape_cast %get3A_3685 : vector<16xi32> to vector<16xi32>
      %add3A_3687 = arith.addi %add3A_3683, %get3A_3686 : vector<16xi32>
      %add3A_3688 = vector.broadcast %mul3A_18 : i32 to vector<16xi32>
      %add3A_3689 = arith.addi %add3A_3687, %add3A_3688 : vector<16xi32>
      %swap3A_3690 = arith.index_cast %add3A_3670 : i32 to index
      %swap3A_3691 = tpu.vector_load %arg10[%swap3A_3690] {strides = array<i32>} : memref<10000xi32, #tpu.memory_space<vmem>>, vector<16xi32>,
      %swap3A_3692 = vector.shape_cast %swap3A_3691 : vector<16xi32> to vector<16xi32>
      %swap3A_3693 = vector.shape_cast %add3A_3689 : vector<16xi32> to vector<16xi32>
      tpu.vector_store %arg10[%swap3A_3690], %swap3A_3693 {strides = array<i32>} : memref<10000xi32, #tpu.memory_space<vmem>>, vector<16xi32>,
      %mul3A_3694 = arith.constant 80 : i32
      %mul3A_3695 = arith.muli %add3A_3639, %mul3A_3694 : i32
      %add3A_3696 = arith.constant 32 : i32
      %add3A_3697 = arith.addi %mul3A_3695, %add3A_3696 : i32
      %get3A_3698 = arith.index_cast %add3A_3697 : i32 to index
      %get3A_3699 = tpu.vector_load %arg7[%get3A_3698] {strides = array<i32>} : memref<10000xi32, #tpu.memory_space<vmem>>, vector<16xi32>,
      %get3A_3700 = vector.shape_cast %get3A_3699 : vector<16xi32> to vector<16xi32>
      %mul3A_3701 = arith.constant 12 : i32
      %mul3A_3702 = vector.broadcast %mul3A_3701 : i32 to vector<16xi32>
      %mul3A_3703 = arith.muli %get3A_3700, %mul3A_3702 : vector<16xi32>
      %get3A_3704 = arith.index_cast %add3A_3697 : i32 to index
      %get3A_3705 = tpu.vector_load %arg8[%get3A_3704] {strides = array<i32>} : memref<10000xi32, #tpu.memory_space<vmem>>, vector<16xi32>,
      %get3A_3706 = vector.shape_cast %get3A_3705 : vector<16xi32> to vector<16xi32>
      %mul3A_3707 = arith.constant 2 : i32
      %mul3A_3708 = vector.broadcast %mul3A_3707 : i32 to vector<16xi32>
      %mul3A_3709 = arith.muli %get3A_3706, %mul3A_3708 : vector<16xi32>
      %add3A_3710 = arith.addi %mul3A_3703, %mul3A_3709 : vector<16xi32>
      %get3A_3711 = arith.index_cast %add3A_3697 : i32 to index
      %get3A_3712 = tpu.vector_load %arg9[%get3A_3711] {strides = array<i32>} : memref<10000xi32, #tpu.memory_space<vmem>>, vector<16xi32>,
      %get3A_3713 = vector.shape_cast %get3A_3712 : vector<16xi32> to vector<16xi32>
      %add3A_3714 = arith.addi %add3A_3710, %get3A_3713 : vector<16xi32>
      %add3A_3715 = vector.broadcast %mul3A_18 : i32 to vector<16xi32>
      %add3A_3716 = arith.addi %add3A_3714, %add3A_3715 : vector<16xi32>
      %swap3A_3717 = arith.index_cast %add3A_3697 : i32 to index
      %swap3A_3718 = tpu.vector_load %arg10[%swap3A_3717] {strides = array<i32>} : memref<10000xi32, #tpu.memory_space<vmem>>, vector<16xi32>,
      %swap3A_3719 = vector.shape_cast %swap3A_3718 : vector<16xi32> to vector<16xi32>
      %swap3A_3720 = vector.shape_cast %add3A_3716 : vector<16xi32> to vector<16xi32>
      tpu.vector_store %arg10[%swap3A_3717], %swap3A_3720 {strides = array<i32>} : memref<10000xi32, #tpu.memory_space<vmem>>, vector<16xi32>,
      %mul3A_3721 = arith.constant 80 : i32
      %mul3A_3722 = arith.muli %add3A_3639, %mul3A_3721 : i32
      %add3A_3723 = arith.constant 48 : i32
      %add3A_3724 = arith.addi %mul3A_3722, %add3A_3723 : i32
      %get3A_3725 = arith.index_cast %add3A_3724 : i32 to index
      %get3A_3726 = tpu.vector_load %arg7[%get3A_3725] {strides = array<i32>} : memref<10000xi32, #tpu.memory_space<vmem>>, vector<16xi32>,
      %get3A_3727 = vector.shape_cast %get3A_3726 : vector<16xi32> to vector<16xi32>
      %mul3A_3728 = arith.constant 12 : i32
      %mul3A_3729 = vector.broadcast %mul3A_3728 : i32 to vector<16xi32>
      %mul3A_3730 = arith.muli %get3A_3727, %mul3A_3729 : vector<16xi32>
      %get3A_3731 = arith.index_cast %add3A_3724 : i32 to index
      %get3A_3732 = tpu.vector_load %arg8[%get3A_3731] {strides = array<i32>} : memref<10000xi32, #tpu.memory_space<vmem>>, vector<16xi32>,
      %get3A_3733 = vector.shape_cast %get3A_3732 : vector<16xi32> to vector<16xi32>
      %mul3A_3734 = arith.constant 2 : i32
      %mul3A_3735 = vector.broadcast %mul3A_3734 : i32 to vector<16xi32>
      %mul3A_3736 = arith.muli %get3A_3733, %mul3A_3735 : vector<16xi32>
      %add3A_3737 = arith.addi %mul3A_3730, %mul3A_3736 : vector<16xi32>
      %get3A_3738 = arith.index_cast %add3A_3724 : i32 to index
      %get3A_3739 = tpu.vector_load %arg9[%get3A_3738] {strides = array<i32>} : memref<10000xi32, #tpu.memory_space<vmem>>, vector<16xi32>,
      %get3A_3740 = vector.shape_cast %get3A_3739 : vector<16xi32> to vector<16xi32>
      %add3A_3741 = arith.addi %add3A_3737, %get3A_3740 : vector<16xi32>
      %add3A_3742 = vector.broadcast %mul3A_18 : i32 to vector<16xi32>
      %add3A_3743 = arith.addi %add3A_3741, %add3A_3742 : vector<16xi32>
      %swap3A_3744 = arith.index_cast %add3A_3724 : i32 to index
      %swap3A_3745 = tpu.vector_load %arg10[%swap3A_3744] {strides = array<i32>} : memref<10000xi32, #tpu.memory_space<vmem>>, vector<16xi32>,
      %swap3A_3746 = vector.shape_cast %swap3A_3745 : vector<16xi32> to vector<16xi32>
      %swap3A_3747 = vector.shape_cast %add3A_3743 : vector<16xi32> to vector<16xi32>
      tpu.vector_store %arg10[%swap3A_3744], %swap3A_3747 {strides = array<i32>} : memref<10000xi32, #tpu.memory_space<vmem>>, vector<16xi32>,
      %mul3A_3748 = arith.constant 80 : i32
      %mul3A_3749 = arith.muli %add3A_3639, %mul3A_3748 : i32
      %add3A_3750 = arith.constant 64 : i32
      %add3A_3751 = arith.addi %mul3A_3749, %add3A_3750 : i32
      %get3A_3752 = arith.index_cast %add3A_3751 : i32 to index
      %get3A_3753 = tpu.vector_load %arg7[%get3A_3752] {strides = array<i32>} : memref<10000xi32, #tpu.memory_space<vmem>>, vector<16xi32>,
      %get3A_3754 = vector.shape_cast %get3A_3753 : vector<16xi32> to vector<16xi32>
      %mul3A_3755 = arith.constant 12 : i32
      %mul3A_3756 = vector.broadcast %mul3A_3755 : i32 to vector<16xi32>
      %mul3A_3757 = arith.muli %get3A_3754, %mul3A_3756 : vector<16xi32>
      %get3A_3758 = arith.index_cast %add3A_3751 : i32 to index
      %get3A_3759 = tpu.vector_load %arg8[%get3A_3758] {strides = array<i32>} : memref<10000xi32, #tpu.memory_space<vmem>>, vector<16xi32>,
      %get3A_3760 = vector.shape_cast %get3A_3759 : vector<16xi32> to vector<16xi32>
      %mul3A_3761 = arith.constant 2 : i32
      %mul3A_3762 = vector.broadcast %mul3A_3761 : i32 to vector<16xi32>
      %mul3A_3763 = arith.muli %get3A_3760, %mul3A_3762 : vector<16xi32>
      %add3A_3764 = arith.addi %mul3A_3757, %mul3A_3763 : vector<16xi32>
      %get3A_3765 = arith.index_cast %add3A_3751 : i32 to index
      %get3A_3766 = tpu.vector_load %arg9[%get3A_3765] {strides = array<i32>} : memref<10000xi32, #tpu.memory_space<vmem>>, vector<16xi32>,
      %get3A_3767 = vector.shape_cast %get3A_3766 : vector<16xi32> to vector<16xi32>
      %add3A_3768 = arith.addi %add3A_3764, %get3A_3767 : vector<16xi32>
      %add3A_3769 = vector.broadcast %mul3A_18 : i32 to vector<16xi32>
      %add3A_3770 = arith.addi %add3A_3768, %add3A_3769 : vector<16xi32>
      %swap3A_3771 = arith.index_cast %add3A_3751 : i32 to index
      %swap3A_3772 = tpu.vector_load %arg10[%swap3A_3771] {strides = array<i32>} : memref<10000xi32, #tpu.memory_space<vmem>>, vector<16xi32>,
      %swap3A_3773 = vector.shape_cast %swap3A_3772 : vector<16xi32> to vector<16xi32>
      %swap3A_3774 = vector.shape_cast %add3A_3770 : vector<16xi32> to vector<16xi32>
      tpu.vector_store %arg10[%swap3A_3771], %swap3A_3774 {strides = array<i32>} : memref<10000xi32, #tpu.memory_space<vmem>>, vector<16xi32>,
      %mul3A_3775 = arith.constant 80 : i32
      %mul3A_3776 = arith.muli %add3A_3639, %mul3A_3775 : i32
      %dma_start3A_3777 = arith.constant 3 : i32
      %dma_start3A_3778 = arith.constant 0 : i32
      %dma_start3A_3779 = arith.constant 0 : i32
      %dma_start3A_3780 = tpu.memref_slice %arg11[%dma_start3A_3777, %dma_start3A_3778, %dma_start3A_3779] : memref<8x80x128xf32, #tpu.memory_space<vmem>> -> memref<1x80x128xf32, #tpu.memory_space<vmem>>
      %dma_start3A_3781 = tpu.memref_squeeze %dma_start3A_3780 : memref<1x80x128xf32, #tpu.memory_space<vmem>> -> memref<80x128xf32, #tpu.memory_space<vmem>>
      %dma_start3A_3782 = tpu.memref_slice %arg10[%mul3A_3776] : memref<10000xi32, #tpu.memory_space<vmem>> -> memref<80xi32, #tpu.memory_space<vmem>>
      %dma_start3A_3783 = arith.constant 0 : i32
      %dma_start3A_3784 = arith.constant 0 : i32
      %dma_start3A_3785 = tpu.memref_slice %arg12[%dma_start3A_3783, %dma_start3A_3784] : memref<1024x128xf32, #tpu.memory_space<vmem_shared>> -> memref<1024x128xf32, #tpu.memory_space<vmem_shared>>
      tpu.enqueue_indirect_dma source(%dma_start3A_3785 : memref<1024x128xf32, #tpu.memory_space<vmem_shared>>) target(%dma_start3A_3781 : memref<80x128xf32, #tpu.memory_space<vmem>>) offsets(%dma_start3A_3782 : memref<80xi32, #tpu.memory_space<vmem>>) semaphore(%arg13 : memref<!tpu.dma_semaphore, #tpu.memory_space<semaphore_mem>>)
      %dma_wait3A_3786 = arith.constant 7 : i32
      %dma_wait3A_3787 = arith.constant 0 : i32
      %dma_wait3A_3788 = arith.constant 0 : i32
      %dma_wait3A_3789 = tpu.memref_slice %arg11[%dma_wait3A_3786, %dma_wait3A_3787, %dma_wait3A_3788] : memref<8x80x128xf32, #tpu.memory_space<vmem>> -> memref<1x80x128xf32, #tpu.memory_space<vmem>>
      %dma_wait3A_3790 = tpu.memref_squeeze %dma_wait3A_3789 : memref<1x80x128xf32, #tpu.memory_space<vmem>> -> memref<80x128xf32, #tpu.memory_space<vmem>>
      %dma_wait3A_3791 = arith.constant 0 : i32
      %dma_wait3A_3792 = arith.constant 0 : i32
      %dma_wait3A_3793 = tpu.memref_slice %arg6[%dma_wait3A_3791, %dma_wait3A_3792] : memref<320000x128xf32, #tpu.memory_space<hbm>> -> memref<80x128xf32, #tpu.memory_space<hbm>>
      %dma_wait3A_3794 = arith.constant 0 : i32
      %dma_wait3A_3795 = arith.constant 0 : i32
      %dma_wait3A_3796 = tpu.memref_slice %arg11[%dma_wait3A_3786, %dma_wait3A_3794, %dma_wait3A_3795] : memref<8x80x128xf32, #tpu.memory_space<vmem>> -> memref<1x80x128xf32, #tpu.memory_space<vmem>>
      %dma_wait3A_3797 = tpu.memref_squeeze %dma_wait3A_3796 : memref<1x80x128xf32, #tpu.memory_space<vmem>> -> memref<80x128xf32, #tpu.memory_space<vmem>>
      %dma_wait3A_3798 = arith.constant 0 : i32
      %dma_wait3A_3799 = arith.constant 0 : i32
      %dma_wait3A_3800 = tpu.memref_slice %arg6[%dma_wait3A_3798, %dma_wait3A_3799] : memref<320000x128xf32, #tpu.memory_space<hbm>> -> memref<80x128xf32, #tpu.memory_space<hbm>>
      tpu.wait_dma2 semaphore(%arg13 : memref<!tpu.dma_semaphore, #tpu.memory_space<semaphore_mem>>) src(%dma_wait3A_3800 : memref<80x128xf32, #tpu.memory_space<hbm>>) dst(%dma_wait3A_3797 : memref<80x128xf32, #tpu.memory_space<vmem>>)
      %mul3A_3801 = arith.constant 80 : i32
      %mul3A_3802 = arith.muli %add3A_3622, %mul3A_3801 : i32
      %add3A_3803 = arith.addi %mul3A_2, %mul3A_3802 : i32
      %dma_start3A_3804 = arith.constant 7 : i32
      %dma_start3A_3805 = arith.constant 0 : i32
      %dma_start3A_3806 = arith.constant 0 : i32
      %dma_start3A_3807 = tpu.memref_slice %arg11[%dma_start3A_3804, %dma_start3A_3805, %dma_start3A_3806] : memref<8x80x128xf32, #tpu.memory_space<vmem>> -> memref<1x80x128xf32, #tpu.memory_space<vmem>>
      %dma_start3A_3808 = tpu.memref_squeeze %dma_start3A_3807 : memref<1x80x128xf32, #tpu.memory_space<vmem>> -> memref<80x128xf32, #tpu.memory_space<vmem>>
      %dma_start3A_3809 = arith.constant 0 : i32
      %dma_start3A_3810 = tpu.memref_slice %arg6[%add3A_3803, %dma_start3A_3809] : memref<320000x128xf32, #tpu.memory_space<hbm>> -> memref<80x128xf32, #tpu.memory_space<hbm>>
      %dma_start3A_3811 = arith.constant 0 : i32
      %dma_start3A_3812 = tpu.memref_slice %arg6[%add3A_3803, %dma_start3A_3811] : memref<320000x128xf32, #tpu.memory_space<hbm>> -> memref<80x128xf32, #tpu.memory_space<hbm>>
      %dma_start3A_3813 = arith.constant 0 : i32
      %dma_start3A_3814 = arith.constant 0 : i32
      %dma_start3A_3815 = tpu.memref_slice %arg11[%dma_start3A_3804, %dma_start3A_3813, %dma_start3A_3814] : memref<8x80x128xf32, #tpu.memory_space<vmem>> -> memref<1x80x128xf32, #tpu.memory_space<vmem>>
      %dma_start3A_3816 = tpu.memref_squeeze %dma_start3A_3815 : memref<1x80x128xf32, #tpu.memory_space<vmem>> -> memref<80x128xf32, #tpu.memory_space<vmem>>
      tpu.enqueue_dma source(%dma_start3A_3816 : memref<80x128xf32, #tpu.memory_space<vmem>>) target(%dma_start3A_3812 : memref<80x128xf32, #tpu.memory_space<hbm>>) target_semaphore(%arg14 : memref<!tpu.dma_semaphore, #tpu.memory_space<semaphore_mem>>)
    }
    %scan3A_1821 = arith.constant 14 : i32
    %dma_wait3A_1822 = arith.constant 4 : i32
    %dma_wait3A_1823 = arith.constant 0 : i32
    %dma_wait3A_1824 = arith.constant 0 : i32
    %dma_wait3A_1825 = tpu.memref_slice %arg11[%dma_wait3A_1822, %dma_wait3A_1823, %dma_wait3A_1824] : memref<8x80x128xf32, #tpu.memory_space<vmem>> -> memref<1x80x128xf32, #tpu.memory_space<vmem>>
    %dma_wait3A_1826 = tpu.memref_squeeze %dma_wait3A_1825 : memref<1x80x128xf32, #tpu.memory_space<vmem>> -> memref<80x128xf32, #tpu.memory_space<vmem>>
    %dma_wait3A_1827 = arith.constant 0 : i32
    %dma_wait3A_1828 = arith.constant 0 : i32
    %dma_wait3A_1829 = tpu.memref_slice %arg6[%dma_wait3A_1827, %dma_wait3A_1828] : memref<320000x128xf32, #tpu.memory_space<hbm>> -> memref<80x128xf32, #tpu.memory_space<hbm>>
    %dma_wait3A_1830 = arith.constant 0 : i32
    %dma_wait3A_1831 = arith.constant 0 : i32
    %dma_wait3A_1832 = tpu.memref_slice %arg6[%dma_wait3A_1830, %dma_wait3A_1831] : memref<320000x128xf32, #tpu.memory_space<hbm>> -> memref<80x128xf32, #tpu.memory_space<hbm>>
    %dma_wait3A_1833 = arith.constant 0 : i32
    %dma_wait3A_1834 = arith.constant 0 : i32
    %dma_wait3A_1835 = tpu.memref_slice %arg11[%dma_wait3A_1822, %dma_wait3A_1833, %dma_wait3A_1834] : memref<8x80x128xf32, #tpu.memory_space<vmem>> -> memref<1x80x128xf32, #tpu.memory_space<vmem>>
    %dma_wait3A_1836 = tpu.memref_squeeze %dma_wait3A_1835 : memref<1x80x128xf32, #tpu.memory_space<vmem>> -> memref<80x128xf32, #tpu.memory_space<vmem>>
    tpu.wait_dma2 semaphore(%arg14 : memref<!tpu.dma_semaphore, #tpu.memory_space<semaphore_mem>>) src(%dma_wait3A_1836 : memref<80x128xf32, #tpu.memory_space<vmem>>) dst(%dma_wait3A_1832 : memref<80x128xf32, #tpu.memory_space<hbm>>)
    %get3A_1837 = arith.constant 9920 : index
    %get3A_1838 = tpu.vector_load %arg7[%get3A_1837] {strides = array<i32>} : memref<10000xi32, #tpu.memory_space<vmem>>, vector<16xi32>,
    %get3A_1839 = vector.shape_cast %get3A_1838 : vector<16xi32> to vector<16xi32>
    %mul3A_1840 = arith.constant 12 : i32
    %mul3A_1841 = vector.broadcast %mul3A_1840 : i32 to vector<16xi32>
    %mul3A_1842 = arith.muli %get3A_1839, %mul3A_1841 : vector<16xi32>
    %get3A_1843 = arith.constant 9920 : index
    %get3A_1844 = tpu.vector_load %arg8[%get3A_1843] {strides = array<i32>} : memref<10000xi32, #tpu.memory_space<vmem>>, vector<16xi32>,
    %get3A_1845 = vector.shape_cast %get3A_1844 : vector<16xi32> to vector<16xi32>
    %mul3A_1846 = arith.constant 2 : i32
    %mul3A_1847 = vector.broadcast %mul3A_1846 : i32 to vector<16xi32>
    %mul3A_1848 = arith.muli %get3A_1845, %mul3A_1847 : vector<16xi32>
    %add3A_1849 = arith.addi %mul3A_1842, %mul3A_1848 : vector<16xi32>
    %get3A_1850 = arith.constant 9920 : index
    %get3A_1851 = tpu.vector_load %arg9[%get3A_1850] {strides = array<i32>} : memref<10000xi32, #tpu.memory_space<vmem>>, vector<16xi32>,
    %get3A_1852 = vector.shape_cast %get3A_1851 : vector<16xi32> to vector<16xi32>
    %add3A_1853 = arith.addi %add3A_1849, %get3A_1852 : vector<16xi32>
    %add3A_1854 = vector.broadcast %mul3A_18 : i32 to vector<16xi32>
    %add3A_1855 = arith.addi %add3A_1853, %add3A_1854 : vector<16xi32>
    %swap3A_1856 = arith.constant 9920 : index
    %swap3A_1857 = tpu.vector_load %arg10[%swap3A_1856] {strides = array<i32>} : memref<10000xi32, #tpu.memory_space<vmem>>, vector<16xi32>,
    %swap3A_1858 = vector.shape_cast %swap3A_1857 : vector<16xi32> to vector<16xi32>
    %swap3A_1859 = vector.shape_cast %add3A_1855 : vector<16xi32> to vector<16xi32>
    tpu.vector_store %arg10[%swap3A_1856], %swap3A_1859 {strides = array<i32>} : memref<10000xi32, #tpu.memory_space<vmem>>, vector<16xi32>,
    %get3A_1860 = arith.constant 9936 : index
    %get3A_1861 = tpu.vector_load %arg7[%get3A_1860] {strides = array<i32>} : memref<10000xi32, #tpu.memory_space<vmem>>, vector<16xi32>,
    %get3A_1862 = vector.shape_cast %get3A_1861 : vector<16xi32> to vector<16xi32>
    %mul3A_1863 = arith.constant 12 : i32
    %mul3A_1864 = vector.broadcast %mul3A_1863 : i32 to vector<16xi32>
    %mul3A_1865 = arith.muli %get3A_1862, %mul3A_1864 : vector<16xi32>
    %get3A_1866 = arith.constant 9936 : index
    %get3A_1867 = tpu.vector_load %arg8[%get3A_1866] {strides = array<i32>} : memref<10000xi32, #tpu.memory_space<vmem>>, vector<16xi32>,
    %get3A_1868 = vector.shape_cast %get3A_1867 : vector<16xi32> to vector<16xi32>
    %mul3A_1869 = arith.constant 2 : i32
    %mul3A_1870 = vector.broadcast %mul3A_1869 : i32 to vector<16xi32>
    %mul3A_1871 = arith.muli %get3A_1868, %mul3A_1870 : vector<16xi32>
    %add3A_1872 = arith.addi %mul3A_1865, %mul3A_1871 : vector<16xi32>
    %get3A_1873 = arith.constant 9936 : index
    %get3A_1874 = tpu.vector_load %arg9[%get3A_1873] {strides = array<i32>} : memref<10000xi32, #tpu.memory_space<vmem>>, vector<16xi32>,
    %get3A_1875 = vector.shape_cast %get3A_1874 : vector<16xi32> to vector<16xi32>
    %add3A_1876 = arith.addi %add3A_1872, %get3A_1875 : vector<16xi32>
    %add3A_1877 = vector.broadcast %mul3A_18 : i32 to vector<16xi32>
    %add3A_1878 = arith.addi %add3A_1876, %add3A_1877 : vector<16xi32>
    %swap3A_1879 = arith.constant 9936 : index
    %swap3A_1880 = tpu.vector_load %arg10[%swap3A_1879] {strides = array<i32>} : memref<10000xi32, #tpu.memory_space<vmem>>, vector<16xi32>,
    %swap3A_1881 = vector.shape_cast %swap3A_1880 : vector<16xi32> to vector<16xi32>
    %swap3A_1882 = vector.shape_cast %add3A_1878 : vector<16xi32> to vector<16xi32>
    tpu.vector_store %arg10[%swap3A_1879], %swap3A_1882 {strides = array<i32>} : memref<10000xi32, #tpu.memory_space<vmem>>, vector<16xi32>,
    %get3A_1883 = arith.constant 9952 : index
    %get3A_1884 = tpu.vector_load %arg7[%get3A_1883] {strides = array<i32>} : memref<10000xi32, #tpu.memory_space<vmem>>, vector<16xi32>,
    %get3A_1885 = vector.shape_cast %get3A_1884 : vector<16xi32> to vector<16xi32>
    %mul3A_1886 = arith.constant 12 : i32
    %mul3A_1887 = vector.broadcast %mul3A_1886 : i32 to vector<16xi32>
    %mul3A_1888 = arith.muli %get3A_1885, %mul3A_1887 : vector<16xi32>
    %get3A_1889 = arith.constant 9952 : index
    %get3A_1890 = tpu.vector_load %arg8[%get3A_1889] {strides = array<i32>} : memref<10000xi32, #tpu.memory_space<vmem>>, vector<16xi32>,
    %get3A_1891 = vector.shape_cast %get3A_1890 : vector<16xi32> to vector<16xi32>
    %mul3A_1892 = arith.constant 2 : i32
    %mul3A_1893 = vector.broadcast %mul3A_1892 : i32 to vector<16xi32>
    %mul3A_1894 = arith.muli %get3A_1891, %mul3A_1893 : vector<16xi32>
    %add3A_1895 = arith.addi %mul3A_1888, %mul3A_1894 : vector<16xi32>
    %get3A_1896 = arith.constant 9952 : index
    %get3A_1897 = tpu.vector_load %arg9[%get3A_1896] {strides = array<i32>} : memref<10000xi32, #tpu.memory_space<vmem>>, vector<16xi32>,
    %get3A_1898 = vector.shape_cast %get3A_1897 : vector<16xi32> to vector<16xi32>
    %add3A_1899 = arith.addi %add3A_1895, %get3A_1898 : vector<16xi32>
    %add3A_1900 = vector.broadcast %mul3A_18 : i32 to vector<16xi32>
    %add3A_1901 = arith.addi %add3A_1899, %add3A_1900 : vector<16xi32>
    %swap3A_1902 = arith.constant 9952 : index
    %swap3A_1903 = tpu.vector_load %arg10[%swap3A_1902] {strides = array<i32>} : memref<10000xi32, #tpu.memory_space<vmem>>, vector<16xi32>,
    %swap3A_1904 = vector.shape_cast %swap3A_1903 : vector<16xi32> to vector<16xi32>
    %swap3A_1905 = vector.shape_cast %add3A_1901 : vector<16xi32> to vector<16xi32>
    tpu.vector_store %arg10[%swap3A_1902], %swap3A_1905 {strides = array<i32>} : memref<10000xi32, #tpu.memory_space<vmem>>, vector<16xi32>,
    %get3A_1906 = arith.constant 9968 : index
    %get3A_1907 = tpu.vector_load %arg7[%get3A_1906] {strides = array<i32>} : memref<10000xi32, #tpu.memory_space<vmem>>, vector<16xi32>,
    %get3A_1908 = vector.shape_cast %get3A_1907 : vector<16xi32> to vector<16xi32>
    %mul3A_1909 = arith.constant 12 : i32
    %mul3A_1910 = vector.broadcast %mul3A_1909 : i32 to vector<16xi32>
    %mul3A_1911 = arith.muli %get3A_1908, %mul3A_1910 : vector<16xi32>
    %get3A_1912 = arith.constant 9968 : index
    %get3A_1913 = tpu.vector_load %arg8[%get3A_1912] {strides = array<i32>} : memref<10000xi32, #tpu.memory_space<vmem>>, vector<16xi32>,
    %get3A_1914 = vector.shape_cast %get3A_1913 : vector<16xi32> to vector<16xi32>
    %mul3A_1915 = arith.constant 2 : i32
    %mul3A_1916 = vector.broadcast %mul3A_1915 : i32 to vector<16xi32>
    %mul3A_1917 = arith.muli %get3A_1914, %mul3A_1916 : vector<16xi32>
    %add3A_1918 = arith.addi %mul3A_1911, %mul3A_1917 : vector<16xi32>
    %get3A_1919 = arith.constant 9968 : index
    %get3A_1920 = tpu.vector_load %arg9[%get3A_1919] {strides = array<i32>} : memref<10000xi32, #tpu.memory_space<vmem>>, vector<16xi32>,
    %get3A_1921 = vector.shape_cast %get3A_1920 : vector<16xi32> to vector<16xi32>
    %add3A_1922 = arith.addi %add3A_1918, %get3A_1921 : vector<16xi32>
    %add3A_1923 = vector.broadcast %mul3A_18 : i32 to vector<16xi32>
    %add3A_1924 = arith.addi %add3A_1922, %add3A_1923 : vector<16xi32>
    %swap3A_1925 = arith.constant 9968 : index
    %swap3A_1926 = tpu.vector_load %arg10[%swap3A_1925] {strides = array<i32>} : memref<10000xi32, #tpu.memory_space<vmem>>, vector<16xi32>,
    %swap3A_1927 = vector.shape_cast %swap3A_1926 : vector<16xi32> to vector<16xi32>
    %swap3A_1928 = vector.shape_cast %add3A_1924 : vector<16xi32> to vector<16xi32>
    tpu.vector_store %arg10[%swap3A_1925], %swap3A_1928 {strides = array<i32>} : memref<10000xi32, #tpu.memory_space<vmem>>, vector<16xi32>,
    %get3A_1929 = arith.constant 9984 : index
    %get3A_1930 = tpu.vector_load %arg7[%get3A_1929] {strides = array<i32>} : memref<10000xi32, #tpu.memory_space<vmem>>, vector<16xi32>,
    %get3A_1931 = vector.shape_cast %get3A_1930 : vector<16xi32> to vector<16xi32>
    %mul3A_1932 = arith.constant 12 : i32
    %mul3A_1933 = vector.broadcast %mul3A_1932 : i32 to vector<16xi32>
    %mul3A_1934 = arith.muli %get3A_1931, %mul3A_1933 : vector<16xi32>
    %get3A_1935 = arith.constant 9984 : index
    %get3A_1936 = tpu.vector_load %arg8[%get3A_1935] {strides = array<i32>} : memref<10000xi32, #tpu.memory_space<vmem>>, vector<16xi32>,
    %get3A_1937 = vector.shape_cast %get3A_1936 : vector<16xi32> to vector<16xi32>
    %mul3A_1938 = arith.constant 2 : i32
    %mul3A_1939 = vector.broadcast %mul3A_1938 : i32 to vector<16xi32>
    %mul3A_1940 = arith.muli %get3A_1937, %mul3A_1939 : vector<16xi32>
    %add3A_1941 = arith.addi %mul3A_1934, %mul3A_1940 : vector<16xi32>
    %get3A_1942 = arith.constant 9984 : index
    %get3A_1943 = tpu.vector_load %arg9[%get3A_1942] {strides = array<i32>} : memref<10000xi32, #tpu.memory_space<vmem>>, vector<16xi32>,
    %get3A_1944 = vector.shape_cast %get3A_1943 : vector<16xi32> to vector<16xi32>
    %add3A_1945 = arith.addi %add3A_1941, %get3A_1944 : vector<16xi32>
    %add3A_1946 = vector.broadcast %mul3A_18 : i32 to vector<16xi32>
    %add3A_1947 = arith.addi %add3A_1945, %add3A_1946 : vector<16xi32>
    %swap3A_1948 = arith.constant 9984 : index
    %swap3A_1949 = tpu.vector_load %arg10[%swap3A_1948] {strides = array<i32>} : memref<10000xi32, #tpu.memory_space<vmem>>, vector<16xi32>,
    %swap3A_1950 = vector.shape_cast %swap3A_1949 : vector<16xi32> to vector<16xi32>
    %swap3A_1951 = vector.shape_cast %add3A_1947 : vector<16xi32> to vector<16xi32>
    tpu.vector_store %arg10[%swap3A_1948], %swap3A_1951 {strides = array<i32>} : memref<10000xi32, #tpu.memory_space<vmem>>, vector<16xi32>,
    %dma_start3A_1952 = arith.constant 4 : i32
    %dma_start3A_1953 = arith.constant 0 : i32
    %dma_start3A_1954 = arith.constant 0 : i32
    %dma_start3A_1955 = tpu.memref_slice %arg11[%dma_start3A_1952, %dma_start3A_1953, %dma_start3A_1954] : memref<8x80x128xf32, #tpu.memory_space<vmem>> -> memref<1x80x128xf32, #tpu.memory_space<vmem>>
    %dma_start3A_1956 = tpu.memref_squeeze %dma_start3A_1955 : memref<1x80x128xf32, #tpu.memory_space<vmem>> -> memref<80x128xf32, #tpu.memory_space<vmem>>
    %dma_start3A_1957 = arith.constant 9920 : i32
    %dma_start3A_1958 = tpu.memref_slice %arg10[%dma_start3A_1957] : memref<10000xi32, #tpu.memory_space<vmem>> -> memref<80xi32, #tpu.memory_space<vmem>>
    %dma_start3A_1959 = arith.constant 0 : i32
    %dma_start3A_1960 = arith.constant 0 : i32
    %dma_start3A_1961 = tpu.memref_slice %arg12[%dma_start3A_1959, %dma_start3A_1960] : memref<1024x128xf32, #tpu.memory_space<vmem_shared>> -> memref<1024x128xf32, #tpu.memory_space<vmem_shared>>
    tpu.enqueue_indirect_dma source(%dma_start3A_1961 : memref<1024x128xf32, #tpu.memory_space<vmem_shared>>) target(%dma_start3A_1956 : memref<80x128xf32, #tpu.memory_space<vmem>>) offsets(%dma_start3A_1958 : memref<80xi32, #tpu.memory_space<vmem>>) semaphore(%arg13 : memref<!tpu.dma_semaphore, #tpu.memory_space<semaphore_mem>>)
    %dma_wait3A_1962 = arith.constant 0 : i32
    %dma_wait3A_1963 = arith.constant 0 : i32
    %dma_wait3A_1964 = arith.constant 0 : i32
    %dma_wait3A_1965 = tpu.memref_slice %arg11[%dma_wait3A_1962, %dma_wait3A_1963, %dma_wait3A_1964] : memref<8x80x128xf32, #tpu.memory_space<vmem>> -> memref<1x80x128xf32, #tpu.memory_space<vmem>>
    %dma_wait3A_1966 = tpu.memref_squeeze %dma_wait3A_1965 : memref<1x80x128xf32, #tpu.memory_space<vmem>> -> memref<80x128xf32, #tpu.memory_space<vmem>>
    %dma_wait3A_1967 = arith.constant 0 : i32
    %dma_wait3A_1968 = arith.constant 0 : i32
    %dma_wait3A_1969 = tpu.memref_slice %arg6[%dma_wait3A_1967, %dma_wait3A_1968] : memref<320000x128xf32, #tpu.memory_space<hbm>> -> memref<80x128xf32, #tpu.memory_space<hbm>>
    %dma_wait3A_1970 = arith.constant 0 : i32
    %dma_wait3A_1971 = arith.constant 0 : i32
    %dma_wait3A_1972 = tpu.memref_slice %arg11[%dma_wait3A_1962, %dma_wait3A_1970, %dma_wait3A_1971] : memref<8x80x128xf32, #tpu.memory_space<vmem>> -> memref<1x80x128xf32, #tpu.memory_space<vmem>>
    %dma_wait3A_1973 = tpu.memref_squeeze %dma_wait3A_1972 : memref<1x80x128xf32, #tpu.memory_space<vmem>> -> memref<80x128xf32, #tpu.memory_space<vmem>>
    %dma_wait3A_1974 = arith.constant 0 : i32
    %dma_wait3A_1975 = arith.constant 0 : i32
    %dma_wait3A_1976 = tpu.memref_slice %arg6[%dma_wait3A_1974, %dma_wait3A_1975] : memref<320000x128xf32, #tpu.memory_space<hbm>> -> memref<80x128xf32, #tpu.memory_space<hbm>>
    tpu.wait_dma2 semaphore(%arg13 : memref<!tpu.dma_semaphore, #tpu.memory_space<semaphore_mem>>) src(%dma_wait3A_1976 : memref<80x128xf32, #tpu.memory_space<hbm>>) dst(%dma_wait3A_1973 : memref<80x128xf32, #tpu.memory_space<vmem>>)
    %add3A_1977 = arith.constant 9600 : i32
    %add3A_1978 = arith.addi %mul3A_2, %add3A_1977 : i32
    %dma_start3A_1979 = arith.constant 0 : i32
    %dma_start3A_1980 = arith.constant 0 : i32
    %dma_start3A_1981 = arith.constant 0 : i32
    %dma_start3A_1982 = tpu.memref_slice %arg11[%dma_start3A_1979, %dma_start3A_1980, %dma_start3A_1981] : memref<8x80x128xf32, #tpu.memory_space<vmem>> -> memref<1x80x128xf32, #tpu.memory_space<vmem>>
    %dma_start3A_1983 = tpu.memref_squeeze %dma_start3A_1982 : memref<1x80x128xf32, #tpu.memory_space<vmem>> -> memref<80x128xf32, #tpu.memory_space<vmem>>
    %dma_start3A_1984 = arith.constant 0 : i32
    %dma_start3A_1985 = tpu.memref_slice %arg6[%add3A_1978, %dma_start3A_1984] : memref<320000x128xf32, #tpu.memory_space<hbm>> -> memref<80x128xf32, #tpu.memory_space<hbm>>
    %dma_start3A_1986 = arith.constant 0 : i32
    %dma_start3A_1987 = tpu.memref_slice %arg6[%add3A_1978, %dma_start3A_1986] : memref<320000x128xf32, #tpu.memory_space<hbm>> -> memref<80x128xf32, #tpu.memory_space<hbm>>
    %dma_start3A_1988 = arith.constant 0 : i32
    %dma_start3A_1989 = arith.constant 0 : i32
    %dma_start3A_1990 = tpu.memref_slice %arg11[%dma_start3A_1979, %dma_start3A_1988, %dma_start3A_1989] : memref<8x80x128xf32, #tpu.memory_space<vmem>> -> memref<1x80x128xf32, #tpu.memory_space<vmem>>
    %dma_start3A_1991 = tpu.memref_squeeze %dma_start3A_1990 : memref<1x80x128xf32, #tpu.memory_space<vmem>> -> memref<80x128xf32, #tpu.memory_space<vmem>>
    tpu.enqueue_dma source(%dma_start3A_1991 : memref<80x128xf32, #tpu.memory_space<vmem>>) target(%dma_start3A_1987 : memref<80x128xf32, #tpu.memory_space<hbm>>) target_semaphore(%arg14 : memref<!tpu.dma_semaphore, #tpu.memory_space<semaphore_mem>>)
    %dma_wait3A_1992 = arith.constant 5 : i32
    %dma_wait3A_1993 = arith.constant 0 : i32
    %dma_wait3A_1994 = arith.constant 0 : i32
    %dma_wait3A_1995 = tpu.memref_slice %arg11[%dma_wait3A_1992, %dma_wait3A_1993, %dma_wait3A_1994] : memref<8x80x128xf32, #tpu.memory_space<vmem>> -> memref<1x80x128xf32, #tpu.memory_space<vmem>>
    %dma_wait3A_1996 = tpu.memref_squeeze %dma_wait3A_1995 : memref<1x80x128xf32, #tpu.memory_space<vmem>> -> memref<80x128xf32, #tpu.memory_space<vmem>>
    %dma_wait3A_1997 = arith.constant 0 : i32
    %dma_wait3A_1998 = arith.constant 0 : i32
    %dma_wait3A_1999 = tpu.memref_slice %arg6[%dma_wait3A_1997, %dma_wait3A_1998] : memref<320000x128xf32, #tpu.memory_space<hbm>> -> memref<80x128xf32, #tpu.memory_space<hbm>>
    %dma_wait3A_2000 = arith.constant 0 : i32
    %dma_wait3A_2001 = arith.constant 0 : i32
    %dma_wait3A_2002 = tpu.memref_slice %arg6[%dma_wait3A_2000, %dma_wait3A_2001] : memref<320000x128xf32, #tpu.memory_space<hbm>> -> memref<80x128xf32, #tpu.memory_space<hbm>>
    %dma_wait3A_2003 = arith.constant 0 : i32
    %dma_wait3A_2004 = arith.constant 0 : i32
    %dma_wait3A_2005 = tpu.memref_slice %arg11[%dma_wait3A_1992, %dma_wait3A_2003, %dma_wait3A_2004] : memref<8x80x128xf32, #tpu.memory_space<vmem>> -> memref<1x80x128xf32, #tpu.memory_space<vmem>>
    %dma_wait3A_2006 = tpu.memref_squeeze %dma_wait3A_2005 : memref<1x80x128xf32, #tpu.memory_space<vmem>> -> memref<80x128xf32, #tpu.memory_space<vmem>>
    tpu.wait_dma2 semaphore(%arg14 : memref<!tpu.dma_semaphore, #tpu.memory_space<semaphore_mem>>) src(%dma_wait3A_2006 : memref<80x128xf32, #tpu.memory_space<vmem>>) dst(%dma_wait3A_2002 : memref<80x128xf32, #tpu.memory_space<hbm>>)
    %dma_wait3A_2007 = arith.constant 1 : i32
    %dma_wait3A_2008 = arith.constant 0 : i32
    %dma_wait3A_2009 = arith.constant 0 : i32
    %dma_wait3A_2010 = tpu.memref_slice %arg11[%dma_wait3A_2007, %dma_wait3A_2008, %dma_wait3A_2009] : memref<8x80x128xf32, #tpu.memory_space<vmem>> -> memref<1x80x128xf32, #tpu.memory_space<vmem>>
    %dma_wait3A_2011 = tpu.memref_squeeze %dma_wait3A_2010 : memref<1x80x128xf32, #tpu.memory_space<vmem>> -> memref<80x128xf32, #tpu.memory_space<vmem>>
    %dma_wait3A_2012 = arith.constant 0 : i32
    %dma_wait3A_2013 = arith.constant 0 : i32
    %dma_wait3A_2014 = tpu.memref_slice %arg6[%dma_wait3A_2012, %dma_wait3A_2013] : memref<320000x128xf32, #tpu.memory_space<hbm>> -> memref<80x128xf32, #tpu.memory_space<hbm>>
    %dma_wait3A_2015 = arith.constant 0 : i32
    %dma_wait3A_2016 = arith.constant 0 : i32
    %dma_wait3A_2017 = tpu.memref_slice %arg11[%dma_wait3A_2007, %dma_wait3A_2015, %dma_wait3A_2016] : memref<8x80x128xf32, #tpu.memory_space<vmem>> -> memref<1x80x128xf32, #tpu.memory_space<vmem>>
    %dma_wait3A_2018 = tpu.memref_squeeze %dma_wait3A_2017 : memref<1x80x128xf32, #tpu.memory_space<vmem>> -> memref<80x128xf32, #tpu.memory_space<vmem>>
    %dma_wait3A_2019 = arith.constant 0 : i32
    %dma_wait3A_2020 = arith.constant 0 : i32
    %dma_wait3A_2021 = tpu.memref_slice %arg6[%dma_wait3A_2019, %dma_wait3A_2020] : memref<320000x128xf32, #tpu.memory_space<hbm>> -> memref<80x128xf32, #tpu.memory_space<hbm>>
    tpu.wait_dma2 semaphore(%arg13 : memref<!tpu.dma_semaphore, #tpu.memory_space<semaphore_mem>>) src(%dma_wait3A_2021 : memref<80x128xf32, #tpu.memory_space<hbm>>) dst(%dma_wait3A_2018 : memref<80x128xf32, #tpu.memory_space<vmem>>)
    %add3A_2022 = arith.constant 9680 : i32
    %add3A_2023 = arith.addi %mul3A_2, %add3A_2022 : i32
    %dma_start3A_2024 = arith.constant 1 : i32
    %dma_start3A_2025 = arith.constant 0 : i32
    %dma_start3A_2026 = arith.constant 0 : i32
    %dma_start3A_2027 = tpu.memref_slice %arg11[%dma_start3A_2024, %dma_start3A_2025, %dma_start3A_2026] : memref<8x80x128xf32, #tpu.memory_space<vmem>> -> memref<1x80x128xf32, #tpu.memory_space<vmem>>
    %dma_start3A_2028 = tpu.memref_squeeze %dma_start3A_2027 : memref<1x80x128xf32, #tpu.memory_space<vmem>> -> memref<80x128xf32, #tpu.memory_space<vmem>>
    %dma_start3A_2029 = arith.constant 0 : i32
    %dma_start3A_2030 = tpu.memref_slice %arg6[%add3A_2023, %dma_start3A_2029] : memref<320000x128xf32, #tpu.memory_space<hbm>> -> memref<80x128xf32, #tpu.memory_space<hbm>>
    %dma_start3A_2031 = arith.constant 0 : i32
    %dma_start3A_2032 = tpu.memref_slice %arg6[%add3A_2023, %dma_start3A_2031] : memref<320000x128xf32, #tpu.memory_space<hbm>> -> memref<80x128xf32, #tpu.memory_space<hbm>>
    %dma_start3A_2033 = arith.constant 0 : i32
    %dma_start3A_2034 = arith.constant 0 : i32
    %dma_start3A_2035 = tpu.memref_slice %arg11[%dma_start3A_2024, %dma_start3A_2033, %dma_start3A_2034] : memref<8x80x128xf32, #tpu.memory_space<vmem>> -> memref<1x80x128xf32, #tpu.memory_space<vmem>>
    %dma_start3A_2036 = tpu.memref_squeeze %dma_start3A_2035 : memref<1x80x128xf32, #tpu.memory_space<vmem>> -> memref<80x128xf32, #tpu.memory_space<vmem>>
    tpu.enqueue_dma source(%dma_start3A_2036 : memref<80x128xf32, #tpu.memory_space<vmem>>) target(%dma_start3A_2032 : memref<80x128xf32, #tpu.memory_space<hbm>>) target_semaphore(%arg14 : memref<!tpu.dma_semaphore, #tpu.memory_space<semaphore_mem>>)
    %dma_wait3A_2037 = arith.constant 6 : i32
    %dma_wait3A_2038 = arith.constant 0 : i32
    %dma_wait3A_2039 = arith.constant 0 : i32
    %dma_wait3A_2040 = tpu.memref_slice %arg11[%dma_wait3A_2037, %dma_wait3A_2038, %dma_wait3A_2039] : memref<8x80x128xf32, #tpu.memory_space<vmem>> -> memref<1x80x128xf32, #tpu.memory_space<vmem>>
    %dma_wait3A_2041 = tpu.memref_squeeze %dma_wait3A_2040 : memref<1x80x128xf32, #tpu.memory_space<vmem>> -> memref<80x128xf32, #tpu.memory_space<vmem>>
    %dma_wait3A_2042 = arith.constant 0 : i32
    %dma_wait3A_2043 = arith.constant 0 : i32
    %dma_wait3A_2044 = tpu.memref_slice %arg6[%dma_wait3A_2042, %dma_wait3A_2043] : memref<320000x128xf32, #tpu.memory_space<hbm>> -> memref<80x128xf32, #tpu.memory_space<hbm>>
    %dma_wait3A_2045 = arith.constant 0 : i32
    %dma_wait3A_2046 = arith.constant 0 : i32
    %dma_wait3A_2047 = tpu.memref_slice %arg6[%dma_wait3A_2045, %dma_wait3A_2046] : memref<320000x128xf32, #tpu.memory_space<hbm>> -> memref<80x128xf32, #tpu.memory_space<hbm>>
    %dma_wait3A_2048 = arith.constant 0 : i32
    %dma_wait3A_2049 = arith.constant 0 : i32
    %dma_wait3A_2050 = tpu.memref_slice %arg11[%dma_wait3A_2037, %dma_wait3A_2048, %dma_wait3A_2049] : memref<8x80x128xf32, #tpu.memory_space<vmem>> -> memref<1x80x128xf32, #tpu.memory_space<vmem>>
    %dma_wait3A_2051 = tpu.memref_squeeze %dma_wait3A_2050 : memref<1x80x128xf32, #tpu.memory_space<vmem>> -> memref<80x128xf32, #tpu.memory_space<vmem>>
    tpu.wait_dma2 semaphore(%arg14 : memref<!tpu.dma_semaphore, #tpu.memory_space<semaphore_mem>>) src(%dma_wait3A_2051 : memref<80x128xf32, #tpu.memory_space<vmem>>) dst(%dma_wait3A_2047 : memref<80x128xf32, #tpu.memory_space<hbm>>)
    %dma_wait3A_2052 = arith.constant 2 : i32
    %dma_wait3A_2053 = arith.constant 0 : i32
    %dma_wait3A_2054 = arith.constant 0 : i32
    %dma_wait3A_2055 = tpu.memref_slice %arg11[%dma_wait3A_2052, %dma_wait3A_2053, %dma_wait3A_2054] : memref<8x80x128xf32, #tpu.memory_space<vmem>> -> memref<1x80x128xf32, #tpu.memory_space<vmem>>
    %dma_wait3A_2056 = tpu.memref_squeeze %dma_wait3A_2055 : memref<1x80x128xf32, #tpu.memory_space<vmem>> -> memref<80x128xf32, #tpu.memory_space<vmem>>
    %dma_wait3A_2057 = arith.constant 0 : i32
    %dma_wait3A_2058 = arith.constant 0 : i32
    %dma_wait3A_2059 = tpu.memref_slice %arg6[%dma_wait3A_2057, %dma_wait3A_2058] : memref<320000x128xf32, #tpu.memory_space<hbm>> -> memref<80x128xf32, #tpu.memory_space<hbm>>
    %dma_wait3A_2060 = arith.constant 0 : i32
    %dma_wait3A_2061 = arith.constant 0 : i32
    %dma_wait3A_2062 = tpu.memref_slice %arg11[%dma_wait3A_2052, %dma_wait3A_2060, %dma_wait3A_2061] : memref<8x80x128xf32, #tpu.memory_space<vmem>> -> memref<1x80x128xf32, #tpu.memory_space<vmem>>
    %dma_wait3A_2063 = tpu.memref_squeeze %dma_wait3A_2062 : memref<1x80x128xf32, #tpu.memory_space<vmem>> -> memref<80x128xf32, #tpu.memory_space<vmem>>
    %dma_wait3A_2064 = arith.constant 0 : i32
    %dma_wait3A_2065 = arith.constant 0 : i32
    %dma_wait3A_2066 = tpu.memref_slice %arg6[%dma_wait3A_2064, %dma_wait3A_2065] : memref<320000x128xf32, #tpu.memory_space<hbm>> -> memref<80x128xf32, #tpu.memory_space<hbm>>
    tpu.wait_dma2 semaphore(%arg13 : memref<!tpu.dma_semaphore, #tpu.memory_space<semaphore_mem>>) src(%dma_wait3A_2066 : memref<80x128xf32, #tpu.memory_space<hbm>>) dst(%dma_wait3A_2063 : memref<80x128xf32, #tpu.memory_space<vmem>>)
    %add3A_2067 = arith.constant 9760 : i32
    %add3A_2068 = arith.addi %mul3A_2, %add3A_2067 : i32
    %dma_start3A_2069 = arith.constant 2 : i32
    %dma_start3A_2070 = arith.constant 0 : i32
    %dma_start3A_2071 = arith.constant 0 : i32
    %dma_start3A_2072 = tpu.memref_slice %arg11[%dma_start3A_2069, %dma_start3A_2070, %dma_start3A_2071] : memref<8x80x128xf32, #tpu.memory_space<vmem>> -> memref<1x80x128xf32, #tpu.memory_space<vmem>>
    %dma_start3A_2073 = tpu.memref_squeeze %dma_start3A_2072 : memref<1x80x128xf32, #tpu.memory_space<vmem>> -> memref<80x128xf32, #tpu.memory_space<vmem>>
    %dma_start3A_2074 = arith.constant 0 : i32
    %dma_start3A_2075 = tpu.memref_slice %arg6[%add3A_2068, %dma_start3A_2074] : memref<320000x128xf32, #tpu.memory_space<hbm>> -> memref<80x128xf32, #tpu.memory_space<hbm>>
    %dma_start3A_2076 = arith.constant 0 : i32
    %dma_start3A_2077 = tpu.memref_slice %arg6[%add3A_2068, %dma_start3A_2076] : memref<320000x128xf32, #tpu.memory_space<hbm>> -> memref<80x128xf32, #tpu.memory_space<hbm>>
    %dma_start3A_2078 = arith.constant 0 : i32
    %dma_start3A_2079 = arith.constant 0 : i32
    %dma_start3A_2080 = tpu.memref_slice %arg11[%dma_start3A_2069, %dma_start3A_2078, %dma_start3A_2079] : memref<8x80x128xf32, #tpu.memory_space<vmem>> -> memref<1x80x128xf32, #tpu.memory_space<vmem>>
    %dma_start3A_2081 = tpu.memref_squeeze %dma_start3A_2080 : memref<1x80x128xf32, #tpu.memory_space<vmem>> -> memref<80x128xf32, #tpu.memory_space<vmem>>
    tpu.enqueue_dma source(%dma_start3A_2081 : memref<80x128xf32, #tpu.memory_space<vmem>>) target(%dma_start3A_2077 : memref<80x128xf32, #tpu.memory_space<hbm>>) target_semaphore(%arg14 : memref<!tpu.dma_semaphore, #tpu.memory_space<semaphore_mem>>)
    %dma_wait3A_2082 = arith.constant 7 : i32
    %dma_wait3A_2083 = arith.constant 0 : i32
    %dma_wait3A_2084 = arith.constant 0 : i32
    %dma_wait3A_2085 = tpu.memref_slice %arg11[%dma_wait3A_2082, %dma_wait3A_2083, %dma_wait3A_2084] : memref<8x80x128xf32, #tpu.memory_space<vmem>> -> memref<1x80x128xf32, #tpu.memory_space<vmem>>
    %dma_wait3A_2086 = tpu.memref_squeeze %dma_wait3A_2085 : memref<1x80x128xf32, #tpu.memory_space<vmem>> -> memref<80x128xf32, #tpu.memory_space<vmem>>
    %dma_wait3A_2087 = arith.constant 0 : i32
    %dma_wait3A_2088 = arith.constant 0 : i32
    %dma_wait3A_2089 = tpu.memref_slice %arg6[%dma_wait3A_2087, %dma_wait3A_2088] : memref<320000x128xf32, #tpu.memory_space<hbm>> -> memref<80x128xf32, #tpu.memory_space<hbm>>
    %dma_wait3A_2090 = arith.constant 0 : i32
    %dma_wait3A_2091 = arith.constant 0 : i32
    %dma_wait3A_2092 = tpu.memref_slice %arg6[%dma_wait3A_2090, %dma_wait3A_2091] : memref<320000x128xf32, #tpu.memory_space<hbm>> -> memref<80x128xf32, #tpu.memory_space<hbm>>
    %dma_wait3A_2093 = arith.constant 0 : i32
    %dma_wait3A_2094 = arith.constant 0 : i32
    %dma_wait3A_2095 = tpu.memref_slice %arg11[%dma_wait3A_2082, %dma_wait3A_2093, %dma_wait3A_2094] : memref<8x80x128xf32, #tpu.memory_space<vmem>> -> memref<1x80x128xf32, #tpu.memory_space<vmem>>
    %dma_wait3A_2096 = tpu.memref_squeeze %dma_wait3A_2095 : memref<1x80x128xf32, #tpu.memory_space<vmem>> -> memref<80x128xf32, #tpu.memory_space<vmem>>
    tpu.wait_dma2 semaphore(%arg14 : memref<!tpu.dma_semaphore, #tpu.memory_space<semaphore_mem>>) src(%dma_wait3A_2096 : memref<80x128xf32, #tpu.memory_space<vmem>>) dst(%dma_wait3A_2092 : memref<80x128xf32, #tpu.memory_space<hbm>>)
    %dma_wait3A_2097 = arith.constant 3 : i32
    %dma_wait3A_2098 = arith.constant 0 : i32
    %dma_wait3A_2099 = arith.constant 0 : i32
    %dma_wait3A_2100 = tpu.memref_slice %arg11[%dma_wait3A_2097, %dma_wait3A_2098, %dma_wait3A_2099] : memref<8x80x128xf32, #tpu.memory_space<vmem>> -> memref<1x80x128xf32, #tpu.memory_space<vmem>>
    %dma_wait3A_2101 = tpu.memref_squeeze %dma_wait3A_2100 : memref<1x80x128xf32, #tpu.memory_space<vmem>> -> memref<80x128xf32, #tpu.memory_space<vmem>>
    %dma_wait3A_2102 = arith.constant 0 : i32
    %dma_wait3A_2103 = arith.constant 0 : i32
    %dma_wait3A_2104 = tpu.memref_slice %arg6[%dma_wait3A_2102, %dma_wait3A_2103] : memref<320000x128xf32, #tpu.memory_space<hbm>> -> memref<80x128xf32, #tpu.memory_space<hbm>>
    %dma_wait3A_2105 = arith.constant 0 : i32
    %dma_wait3A_2106 = arith.constant 0 : i32
    %dma_wait3A_2107 = tpu.memref_slice %arg11[%dma_wait3A_2097, %dma_wait3A_2105, %dma_wait3A_2106] : memref<8x80x128xf32, #tpu.memory_space<vmem>> -> memref<1x80x128xf32, #tpu.memory_space<vmem>>
    %dma_wait3A_2108 = tpu.memref_squeeze %dma_wait3A_2107 : memref<1x80x128xf32, #tpu.memory_space<vmem>> -> memref<80x128xf32, #tpu.memory_space<vmem>>
    %dma_wait3A_2109 = arith.constant 0 : i32
    %dma_wait3A_2110 = arith.constant 0 : i32
    %dma_wait3A_2111 = tpu.memref_slice %arg6[%dma_wait3A_2109, %dma_wait3A_2110] : memref<320000x128xf32, #tpu.memory_space<hbm>> -> memref<80x128xf32, #tpu.memory_space<hbm>>
    tpu.wait_dma2 semaphore(%arg13 : memref<!tpu.dma_semaphore, #tpu.memory_space<semaphore_mem>>) src(%dma_wait3A_2111 : memref<80x128xf32, #tpu.memory_space<hbm>>) dst(%dma_wait3A_2108 : memref<80x128xf32, #tpu.memory_space<vmem>>)
    %add3A_2112 = arith.constant 9840 : i32
    %add3A_2113 = arith.addi %mul3A_2, %add3A_2112 : i32
    %dma_start3A_2114 = arith.constant 3 : i32
    %dma_start3A_2115 = arith.constant 0 : i32
    %dma_start3A_2116 = arith.constant 0 : i32
    %dma_start3A_2117 = tpu.memref_slice %arg11[%dma_start3A_2114, %dma_start3A_2115, %dma_start3A_2116] : memref<8x80x128xf32, #tpu.memory_space<vmem>> -> memref<1x80x128xf32, #tpu.memory_space<vmem>>
    %dma_start3A_2118 = tpu.memref_squeeze %dma_start3A_2117 : memref<1x80x128xf32, #tpu.memory_space<vmem>> -> memref<80x128xf32, #tpu.memory_space<vmem>>
    %dma_start3A_2119 = arith.constant 0 : i32
    %dma_start3A_2120 = tpu.memref_slice %arg6[%add3A_2113, %dma_start3A_2119] : memref<320000x128xf32, #tpu.memory_space<hbm>> -> memref<80x128xf32, #tpu.memory_space<hbm>>
    %dma_start3A_2121 = arith.constant 0 : i32
    %dma_start3A_2122 = tpu.memref_slice %arg6[%add3A_2113, %dma_start3A_2121] : memref<320000x128xf32, #tpu.memory_space<hbm>> -> memref<80x128xf32, #tpu.memory_space<hbm>>
    %dma_start3A_2123 = arith.constant 0 : i32
    %dma_start3A_2124 = arith.constant 0 : i32
    %dma_start3A_2125 = tpu.memref_slice %arg11[%dma_start3A_2114, %dma_start3A_2123, %dma_start3A_2124] : memref<8x80x128xf32, #tpu.memory_space<vmem>> -> memref<1x80x128xf32, #tpu.memory_space<vmem>>
    %dma_start3A_2126 = tpu.memref_squeeze %dma_start3A_2125 : memref<1x80x128xf32, #tpu.memory_space<vmem>> -> memref<80x128xf32, #tpu.memory_space<vmem>>
    tpu.enqueue_dma source(%dma_start3A_2126 : memref<80x128xf32, #tpu.memory_space<vmem>>) target(%dma_start3A_2122 : memref<80x128xf32, #tpu.memory_space<hbm>>) target_semaphore(%arg14 : memref<!tpu.dma_semaphore, #tpu.memory_space<semaphore_mem>>)
    %dma_wait3A_2127 = arith.constant 0 : i32
    %dma_wait3A_2128 = arith.constant 0 : i32
    %dma_wait3A_2129 = arith.constant 0 : i32
    %dma_wait3A_2130 = tpu.memref_slice %arg11[%dma_wait3A_2127, %dma_wait3A_2128, %dma_wait3A_2129] : memref<8x80x128xf32, #tpu.memory_space<vmem>> -> memref<1x80x128xf32, #tpu.memory_space<vmem>>
    %dma_wait3A_2131 = tpu.memref_squeeze %dma_wait3A_2130 : memref<1x80x128xf32, #tpu.memory_space<vmem>> -> memref<80x128xf32, #tpu.memory_space<vmem>>
    %dma_wait3A_2132 = arith.constant 0 : i32
    %dma_wait3A_2133 = arith.constant 0 : i32
    %dma_wait3A_2134 = tpu.memref_slice %arg6[%dma_wait3A_2132, %dma_wait3A_2133] : memref<320000x128xf32, #tpu.memory_space<hbm>> -> memref<80x128xf32, #tpu.memory_space<hbm>>
    %dma_wait3A_2135 = arith.constant 0 : i32
    %dma_wait3A_2136 = arith.constant 0 : i32
    %dma_wait3A_2137 = tpu.memref_slice %arg6[%dma_wait3A_2135, %dma_wait3A_2136] : memref<320000x128xf32, #tpu.memory_space<hbm>> -> memref<80x128xf32, #tpu.memory_space<hbm>>
    %dma_wait3A_2138 = arith.constant 0 : i32
    %dma_wait3A_2139 = arith.constant 0 : i32
    %dma_wait3A_2140 = tpu.memref_slice %arg11[%dma_wait3A_2127, %dma_wait3A_2138, %dma_wait3A_2139] : memref<8x80x128xf32, #tpu.memory_space<vmem>> -> memref<1x80x128xf32, #tpu.memory_space<vmem>>
    %dma_wait3A_2141 = tpu.memref_squeeze %dma_wait3A_2140 : memref<1x80x128xf32, #tpu.memory_space<vmem>> -> memref<80x128xf32, #tpu.memory_space<vmem>>
    tpu.wait_dma2 semaphore(%arg14 : memref<!tpu.dma_semaphore, #tpu.memory_space<semaphore_mem>>) src(%dma_wait3A_2141 : memref<80x128xf32, #tpu.memory_space<vmem>>) dst(%dma_wait3A_2137 : memref<80x128xf32, #tpu.memory_space<hbm>>)
    %dma_wait3A_2142 = arith.constant 4 : i32
    %dma_wait3A_2143 = arith.constant 0 : i32
    %dma_wait3A_2144 = arith.constant 0 : i32
    %dma_wait3A_2145 = tpu.memref_slice %arg11[%dma_wait3A_2142, %dma_wait3A_2143, %dma_wait3A_2144] : memref<8x80x128xf32, #tpu.memory_space<vmem>> -> memref<1x80x128xf32, #tpu.memory_space<vmem>>
    %dma_wait3A_2146 = tpu.memref_squeeze %dma_wait3A_2145 : memref<1x80x128xf32, #tpu.memory_space<vmem>> -> memref<80x128xf32, #tpu.memory_space<vmem>>
    %dma_wait3A_2147 = arith.constant 0 : i32
    %dma_wait3A_2148 = arith.constant 0 : i32
    %dma_wait3A_2149 = tpu.memref_slice %arg6[%dma_wait3A_2147, %dma_wait3A_2148] : memref<320000x128xf32, #tpu.memory_space<hbm>> -> memref<80x128xf32, #tpu.memory_space<hbm>>
    %dma_wait3A_2150 = arith.constant 0 : i32
    %dma_wait3A_2151 = arith.constant 0 : i32
    %dma_wait3A_2152 = tpu.memref_slice %arg11[%dma_wait3A_2142, %dma_wait3A_2150, %dma_wait3A_2151] : memref<8x80x128xf32, #tpu.memory_space<vmem>> -> memref<1x80x128xf32, #tpu.memory_space<vmem>>
    %dma_wait3A_2153 = tpu.memref_squeeze %dma_wait3A_2152 : memref<1x80x128xf32, #tpu.memory_space<vmem>> -> memref<80x128xf32, #tpu.memory_space<vmem>>
    %dma_wait3A_2154 = arith.constant 0 : i32
    %dma_wait3A_2155 = arith.constant 0 : i32
    %dma_wait3A_2156 = tpu.memref_slice %arg6[%dma_wait3A_2154, %dma_wait3A_2155] : memref<320000x128xf32, #tpu.memory_space<hbm>> -> memref<80x128xf32, #tpu.memory_space<hbm>>
    tpu.wait_dma2 semaphore(%arg13 : memref<!tpu.dma_semaphore, #tpu.memory_space<semaphore_mem>>) src(%dma_wait3A_2156 : memref<80x128xf32, #tpu.memory_space<hbm>>) dst(%dma_wait3A_2153 : memref<80x128xf32, #tpu.memory_space<vmem>>)
    %add3A_2157 = arith.constant 9920 : i32
    %add3A_2158 = arith.addi %mul3A_2, %add3A_2157 : i32
    %dma_start3A_2159 = arith.constant 4 : i32
    %dma_start3A_2160 = arith.constant 0 : i32
    %dma_start3A_2161 = arith.constant 0 : i32
    %dma_start3A_2162 = tpu.memref_slice %arg11[%dma_start3A_2159, %dma_start3A_2160, %dma_start3A_2161] : memref<8x80x128xf32, #tpu.memory_space<vmem>> -> memref<1x80x128xf32, #tpu.memory_space<vmem>>
    %dma_start3A_2163 = tpu.memref_squeeze %dma_start3A_2162 : memref<1x80x128xf32, #tpu.memory_space<vmem>> -> memref<80x128xf32, #tpu.memory_space<vmem>>
    %dma_start3A_2164 = arith.constant 0 : i32
    %dma_start3A_2165 = tpu.memref_slice %arg6[%add3A_2158, %dma_start3A_2164] : memref<320000x128xf32, #tpu.memory_space<hbm>> -> memref<80x128xf32, #tpu.memory_space<hbm>>
    %dma_start3A_2166 = arith.constant 0 : i32
    %dma_start3A_2167 = tpu.memref_slice %arg6[%add3A_2158, %dma_start3A_2166] : memref<320000x128xf32, #tpu.memory_space<hbm>> -> memref<80x128xf32, #tpu.memory_space<hbm>>
    %dma_start3A_2168 = arith.constant 0 : i32
    %dma_start3A_2169 = arith.constant 0 : i32
    %dma_start3A_2170 = tpu.memref_slice %arg11[%dma_start3A_2159, %dma_start3A_2168, %dma_start3A_2169] : memref<8x80x128xf32, #tpu.memory_space<vmem>> -> memref<1x80x128xf32, #tpu.memory_space<vmem>>
    %dma_start3A_2171 = tpu.memref_squeeze %dma_start3A_2170 : memref<1x80x128xf32, #tpu.memory_space<vmem>> -> memref<80x128xf32, #tpu.memory_space<vmem>>
    tpu.enqueue_dma source(%dma_start3A_2171 : memref<80x128xf32, #tpu.memory_space<vmem>>) target(%dma_start3A_2167 : memref<80x128xf32, #tpu.memory_space<hbm>>) target_semaphore(%arg14 : memref<!tpu.dma_semaphore, #tpu.memory_space<semaphore_mem>>)
    %dma_wait3A_2172 = arith.constant 0 : i32
    %dma_wait3A_2173 = arith.constant 0 : i32
    %dma_wait3A_2174 = arith.constant 0 : i32
    %dma_wait3A_2175 = tpu.memref_slice %arg11[%dma_wait3A_2172, %dma_wait3A_2173, %dma_wait3A_2174] : memref<8x80x128xf32, #tpu.memory_space<vmem>> -> memref<1x80x128xf32, #tpu.memory_space<vmem>>
    %dma_wait3A_2176 = tpu.memref_squeeze %dma_wait3A_2175 : memref<1x80x128xf32, #tpu.memory_space<vmem>> -> memref<80x128xf32, #tpu.memory_space<vmem>>
    %dma_wait3A_2177 = arith.constant 0 : i32
    %dma_wait3A_2178 = arith.constant 0 : i32
    %dma_wait3A_2179 = tpu.memref_slice %arg6[%dma_wait3A_2177, %dma_wait3A_2178] : memref<320000x128xf32, #tpu.memory_space<hbm>> -> memref<80x128xf32, #tpu.memory_space<hbm>>
    %dma_wait3A_2180 = arith.constant 0 : i32
    %dma_wait3A_2181 = arith.constant 0 : i32
    %dma_wait3A_2182 = tpu.memref_slice %arg6[%dma_wait3A_2180, %dma_wait3A_2181] : memref<320000x128xf32, #tpu.memory_space<hbm>> -> memref<80x128xf32, #tpu.memory_space<hbm>>
    %dma_wait3A_2183 = arith.constant 0 : i32
    %dma_wait3A_2184 = arith.constant 0 : i32
    %dma_wait3A_2185 = tpu.memref_slice %arg11[%dma_wait3A_2172, %dma_wait3A_2183, %dma_wait3A_2184] : memref<8x80x128xf32, #tpu.memory_space<vmem>> -> memref<1x80x128xf32, #tpu.memory_space<vmem>>
    %dma_wait3A_2186 = tpu.memref_squeeze %dma_wait3A_2185 : memref<1x80x128xf32, #tpu.memory_space<vmem>> -> memref<80x128xf32, #tpu.memory_space<vmem>>
    tpu.wait_dma2 semaphore(%arg14 : memref<!tpu.dma_semaphore, #tpu.memory_space<semaphore_mem>>) src(%dma_wait3A_2186 : memref<80x128xf32, #tpu.memory_space<vmem>>) dst(%dma_wait3A_2182 : memref<80x128xf32, #tpu.memory_space<hbm>>)
    %dma_wait3A_2187 = arith.constant 0 : i32
    %dma_wait3A_2188 = arith.constant 0 : i32
    %dma_wait3A_2189 = arith.constant 0 : i32
    %dma_wait3A_2190 = tpu.memref_slice %arg11[%dma_wait3A_2187, %dma_wait3A_2188, %dma_wait3A_2189] : memref<8x80x128xf32, #tpu.memory_space<vmem>> -> memref<1x80x128xf32, #tpu.memory_space<vmem>>
    %dma_wait3A_2191 = tpu.memref_squeeze %dma_wait3A_2190 : memref<1x80x128xf32, #tpu.memory_space<vmem>> -> memref<80x128xf32, #tpu.memory_space<vmem>>
    %dma_wait3A_2192 = arith.constant 0 : i32
    %dma_wait3A_2193 = arith.constant 0 : i32
    %dma_wait3A_2194 = tpu.memref_slice %arg6[%dma_wait3A_2192, %dma_wait3A_2193] : memref<320000x128xf32, #tpu.memory_space<hbm>> -> memref<80x128xf32, #tpu.memory_space<hbm>>
    %dma_wait3A_2195 = arith.constant 0 : i32
    %dma_wait3A_2196 = arith.constant 0 : i32
    %dma_wait3A_2197 = tpu.memref_slice %arg6[%dma_wait3A_2195, %dma_wait3A_2196] : memref<320000x128xf32, #tpu.memory_space<hbm>> -> memref<80x128xf32, #tpu.memory_space<hbm>>
    %dma_wait3A_2198 = arith.constant 0 : i32
    %dma_wait3A_2199 = arith.constant 0 : i32
    %dma_wait3A_2200 = tpu.memref_slice %arg11[%dma_wait3A_2187, %dma_wait3A_2198, %dma_wait3A_2199] : memref<8x80x128xf32, #tpu.memory_space<vmem>> -> memref<1x80x128xf32, #tpu.memory_space<vmem>>
    %dma_wait3A_2201 = tpu.memref_squeeze %dma_wait3A_2200 : memref<1x80x128xf32, #tpu.memory_space<vmem>> -> memref<80x128xf32, #tpu.memory_space<vmem>>
    tpu.wait_dma2 semaphore(%arg14 : memref<!tpu.dma_semaphore, #tpu.memory_space<semaphore_mem>>) src(%dma_wait3A_2201 : memref<80x128xf32, #tpu.memory_space<vmem>>) dst(%dma_wait3A_2197 : memref<80x128xf32, #tpu.memory_space<hbm>>)
    %dma_wait3A_2202 = arith.constant 0 : i32
    %dma_wait3A_2203 = arith.constant 0 : i32
    %dma_wait3A_2204 = arith.constant 0 : i32
    %dma_wait3A_2205 = tpu.memref_slice %arg11[%dma_wait3A_2202, %dma_wait3A_2203, %dma_wait3A_2204] : memref<8x80x128xf32, #tpu.memory_space<vmem>> -> memref<1x80x128xf32, #tpu.memory_space<vmem>>
    %dma_wait3A_2206 = tpu.memref_squeeze %dma_wait3A_2205 : memref<1x80x128xf32, #tpu.memory_space<vmem>> -> memref<80x128xf32, #tpu.memory_space<vmem>>
    %dma_wait3A_2207 = arith.constant 0 : i32
    %dma_wait3A_2208 = arith.constant 0 : i32
    %dma_wait3A_2209 = tpu.memref_slice %arg6[%dma_wait3A_2207, %dma_wait3A_2208] : memref<320000x128xf32, #tpu.memory_space<hbm>> -> memref<80x128xf32, #tpu.memory_space<hbm>>
    %dma_wait3A_2210 = arith.constant 0 : i32
    %dma_wait3A_2211 = arith.constant 0 : i32
    %dma_wait3A_2212 = tpu.memref_slice %arg6[%dma_wait3A_2210, %dma_wait3A_2211] : memref<320000x128xf32, #tpu.memory_space<hbm>> -> memref<80x128xf32, #tpu.memory_space<hbm>>
    %dma_wait3A_2213 = arith.constant 0 : i32
    %dma_wait3A_2214 = arith.constant 0 : i32
    %dma_wait3A_2215 = tpu.memref_slice %arg11[%dma_wait3A_2202, %dma_wait3A_2213, %dma_wait3A_2214] : memref<8x80x128xf32, #tpu.memory_space<vmem>> -> memref<1x80x128xf32, #tpu.memory_space<vmem>>
    %dma_wait3A_2216 = tpu.memref_squeeze %dma_wait3A_2215 : memref<1x80x128xf32, #tpu.memory_space<vmem>> -> memref<80x128xf32, #tpu.memory_space<vmem>>
    tpu.wait_dma2 semaphore(%arg14 : memref<!tpu.dma_semaphore, #tpu.memory_space<semaphore_mem>>) src(%dma_wait3A_2216 : memref<80x128xf32, #tpu.memory_space<vmem>>) dst(%dma_wait3A_2212 : memref<80x128xf32, #tpu.memory_space<hbm>>)
    %dma_wait3A_2217 = arith.constant 0 : i32
    %dma_wait3A_2218 = arith.constant 0 : i32
    %dma_wait3A_2219 = arith.constant 0 : i32
    %dma_wait3A_2220 = tpu.memref_slice %arg11[%dma_wait3A_2217, %dma_wait3A_2218, %dma_wait3A_2219] : memref<8x80x128xf32, #tpu.memory_space<vmem>> -> memref<1x80x128xf32, #tpu.memory_space<vmem>>
    %dma_wait3A_2221 = tpu.memref_squeeze %dma_wait3A_2220 : memref<1x80x128xf32, #tpu.memory_space<vmem>> -> memref<80x128xf32, #tpu.memory_space<vmem>>
    %dma_wait3A_2222 = arith.constant 0 : i32
    %dma_wait3A_2223 = arith.constant 0 : i32
    %dma_wait3A_2224 = tpu.memref_slice %arg6[%dma_wait3A_2222, %dma_wait3A_2223] : memref<320000x128xf32, #tpu.memory_space<hbm>> -> memref<80x128xf32, #tpu.memory_space<hbm>>
    %dma_wait3A_2225 = arith.constant 0 : i32
    %dma_wait3A_2226 = arith.constant 0 : i32
    %dma_wait3A_2227 = tpu.memref_slice %arg6[%dma_wait3A_2225, %dma_wait3A_2226] : memref<320000x128xf32, #tpu.memory_space<hbm>> -> memref<80x128xf32, #tpu.memory_space<hbm>>
    %dma_wait3A_2228 = arith.constant 0 : i32
    %dma_wait3A_2229 = arith.constant 0 : i32
    %dma_wait3A_2230 = tpu.memref_slice %arg11[%dma_wait3A_2217, %dma_wait3A_2228, %dma_wait3A_2229] : memref<8x80x128xf32, #tpu.memory_space<vmem>> -> memref<1x80x128xf32, #tpu.memory_space<vmem>>
    %dma_wait3A_2231 = tpu.memref_squeeze %dma_wait3A_2230 : memref<1x80x128xf32, #tpu.memory_space<vmem>> -> memref<80x128xf32, #tpu.memory_space<vmem>>
    tpu.wait_dma2 semaphore(%arg14 : memref<!tpu.dma_semaphore, #tpu.memory_space<semaphore_mem>>) src(%dma_wait3A_2231 : memref<80x128xf32, #tpu.memory_space<vmem>>) dst(%dma_wait3A_2227 : memref<80x128xf32, #tpu.memory_space<hbm>>)
    return
  }
}

module attributes {stable_mosaic.version = 14 : i64} {
  func.func @_build_table_body(%arg0: memref<5x128xf32, #tpu.memory_space<vmem>>, %arg1: memref<6x128xf32, #tpu.memory_space<vmem>>, %arg2: memref<2x128xf32, #tpu.memory_space<vmem>>, %arg3: memref<2048x128xf32, #tpu.memory_space<vmem>>) attributes {dimension_semantics = [], scalar_prefetch = 0 : i64, scratch_operands = 0 : i64, tpu.core_type = #tpu.core_type<tc>} {
    %iota3A = tpu.iota {dimensions = array<i32: 0>} : vector<64x1xi32>
    %jit3A = arith.constant 12 : i32
    %div3A = vector.broadcast %jit3A : i32 to vector<64x1xi32>
    %div3A_0 = arith.divsi %iota3A, %div3A : vector<64x1xi32>
    %sign3A = arith.constant 0 : i32
    %sign3A_1 = vector.broadcast %sign3A : i32 to vector<64x1xi32>
    %sign3A_2 = arith.cmpi sgt, %iota3A, %sign3A_1 : vector<64x1xi32>
    %sign3A_3 = arith.extui %sign3A_2 : vector<64x1xi1> to vector<64x1xi32>
    %sign3A_4 = arith.constant 0 : i32
    %sign3A_5 = vector.broadcast %sign3A_4 : i32 to vector<64x1xi32>
    %sign3A_6 = arith.cmpi slt, %iota3A, %sign3A_5 : vector<64x1xi32>
    %sign3A_7 = arith.extui %sign3A_6 : vector<64x1xi1> to vector<64x1xi32>
    %sign3A_8 = arith.subi %sign3A_3, %sign3A_7 : vector<64x1xi32>
    %sign3A_9 = arith.constant 0 : i32
    %sign3A_10 = arith.cmpi sgt, %jit3A, %sign3A_9 : i32
    %sign3A_11 = arith.extui %sign3A_10 : i1 to i32
    %sign3A_12 = arith.constant 0 : i32
    %sign3A_13 = arith.cmpi slt, %jit3A, %sign3A_12 : i32
    %sign3A_14 = arith.extui %sign3A_13 : i1 to i32
    %sign3A_15 = arith.subi %sign3A_11, %sign3A_14 : i32
    %ne3A = vector.broadcast %sign3A_15 : i32 to vector<64x1xi32>
    %ne3A_16 = arith.cmpi ne, %sign3A_8, %ne3A : vector<64x1xi32>
    %rem3A = vector.broadcast %jit3A : i32 to vector<64x1xi32>
    %rem3A_17 = arith.remsi %iota3A, %rem3A : vector<64x1xi32>
    %ne3A_18 = arith.constant 0 : i32
    %ne3A_19 = vector.broadcast %ne3A_18 : i32 to vector<64x1xi32>
    %ne3A_20 = arith.cmpi ne, %rem3A_17, %ne3A_19 : vector<64x1xi32>
    %and3A = arith.andi %ne3A_16, %ne3A_20 : vector<64x1xi1>
    %sub3A = arith.constant 1 : i32
    %sub3A_21 = vector.broadcast %sub3A : i32 to vector<64x1xi32>
    %sub3A_22 = arith.subi %div3A_0, %sub3A_21 : vector<64x1xi32>
    %select_n3A = arith.select %and3A, %sub3A_22, %div3A_0 : vector<64x1xi1>, vector<64x1xi32>
    %iota3A_23 = tpu.iota {dimensions = array<i32: 1>} : vector<64x5xi32>
    %eq3A = vector.broadcast %select_n3A : vector<64x1xi32> to vector<64x5xi32>
    %eq3A_24 = arith.cmpi eq, %eq3A, %iota3A_23 : vector<64x5xi32>
    %convert_element_type3A = arith.extui %eq3A_24 : vector<64x5xi1> to vector<64x5xi32>
    %convert_element_type3A_25 = arith.sitofp %convert_element_type3A : vector<64x5xi32> to vector<64x5xf32>
    %jit3A_26 = arith.constant 2 : i32
    %div3A_27 = vector.broadcast %jit3A_26 : i32 to vector<64x1xi32>
    %div3A_28 = arith.divsi %iota3A, %div3A_27 : vector<64x1xi32>
    %sign3A_29 = arith.constant 0 : i32
    %sign3A_30 = vector.broadcast %sign3A_29 : i32 to vector<64x1xi32>
    %sign3A_31 = arith.cmpi sgt, %iota3A, %sign3A_30 : vector<64x1xi32>
    %sign3A_32 = arith.extui %sign3A_31 : vector<64x1xi1> to vector<64x1xi32>
    %sign3A_33 = arith.constant 0 : i32
    %sign3A_34 = vector.broadcast %sign3A_33 : i32 to vector<64x1xi32>
    %sign3A_35 = arith.cmpi slt, %iota3A, %sign3A_34 : vector<64x1xi32>
    %sign3A_36 = arith.extui %sign3A_35 : vector<64x1xi1> to vector<64x1xi32>
    %sign3A_37 = arith.subi %sign3A_32, %sign3A_36 : vector<64x1xi32>
    %sign3A_38 = arith.constant 0 : i32
    %sign3A_39 = arith.cmpi sgt, %jit3A_26, %sign3A_38 : i32
    %sign3A_40 = arith.extui %sign3A_39 : i1 to i32
    %sign3A_41 = arith.constant 0 : i32
    %sign3A_42 = arith.cmpi slt, %jit3A_26, %sign3A_41 : i32
    %sign3A_43 = arith.extui %sign3A_42 : i1 to i32
    %sign3A_44 = arith.subi %sign3A_40, %sign3A_43 : i32
    %ne3A_45 = vector.broadcast %sign3A_44 : i32 to vector<64x1xi32>
    %ne3A_46 = arith.cmpi ne, %sign3A_37, %ne3A_45 : vector<64x1xi32>
    %rem3A_47 = vector.broadcast %jit3A_26 : i32 to vector<64x1xi32>
    %rem3A_48 = arith.remsi %iota3A, %rem3A_47 : vector<64x1xi32>
    %ne3A_49 = arith.constant 0 : i32
    %ne3A_50 = vector.broadcast %ne3A_49 : i32 to vector<64x1xi32>
    %ne3A_51 = arith.cmpi ne, %rem3A_48, %ne3A_50 : vector<64x1xi32>
    %and3A_52 = arith.andi %ne3A_46, %ne3A_51 : vector<64x1xi1>
    %sub3A_53 = arith.constant 1 : i32
    %sub3A_54 = vector.broadcast %sub3A_53 : i32 to vector<64x1xi32>
    %sub3A_55 = arith.subi %div3A_28, %sub3A_54 : vector<64x1xi32>
    %select_n3A_56 = arith.select %and3A_52, %sub3A_55, %div3A_28 : vector<64x1xi1>, vector<64x1xi32>
    %jit3A_57 = arith.constant 6 : i32
    %eq3A_58 = arith.constant 0 : i32
    %eq3A_59 = arith.cmpi eq, %jit3A_57, %eq3A_58 : i32
    %jit3A_60 = arith.constant 1 : i32
    %select_n3A_61 = arith.select %eq3A_59, %jit3A_60, %jit3A_57 : i32
    %rem3A_62 = vector.broadcast %select_n3A_61 : i32 to vector<64x1xi32>
    %rem3A_63 = arith.remsi %select_n3A_56, %rem3A_62 : vector<64x1xi32>
    %ne3A_64 = arith.constant 0 : i32
    %ne3A_65 = vector.broadcast %ne3A_64 : i32 to vector<64x1xi32>
    %ne3A_66 = arith.cmpi ne, %rem3A_63, %ne3A_65 : vector<64x1xi32>
    %lt3A = arith.constant 0 : i32
    %lt3A_67 = vector.broadcast %lt3A : i32 to vector<64x1xi32>
    %lt3A_68 = arith.cmpi slt, %rem3A_63, %lt3A_67 : vector<64x1xi32>
    %lt3A_69 = arith.constant 0 : i32
    %lt3A_70 = arith.cmpi slt, %select_n3A_61, %lt3A_69 : i32
    %ne3A_71 = vector.broadcast %lt3A_70 : i1 to vector<64x1xi1>
    %ne3A_72 = vector.broadcast %ne3A_71 : vector<64x1xi1> to vector<64x1xi1>
    %ne3A_73 = arith.xori %lt3A_68, %ne3A_72 : vector<64x1xi1>
    %and3A_74 = arith.andi %ne3A_73, %ne3A_66 : vector<64x1xi1>
    %add3A = vector.broadcast %select_n3A_61 : i32 to vector<64x1xi32>
    %add3A_75 = arith.addi %rem3A_63, %add3A : vector<64x1xi32>
    %select_n3A_76 = arith.select %and3A_74, %add3A_75, %rem3A_63 : vector<64x1xi1>, vector<64x1xi32>
    %iota3A_77 = tpu.iota {dimensions = array<i32: 1>} : vector<64x6xi32>
    %eq3A_78 = vector.broadcast %select_n3A_76 : vector<64x1xi32> to vector<64x6xi32>
    %eq3A_79 = arith.cmpi eq, %eq3A_78, %iota3A_77 : vector<64x6xi32>
    %convert_element_type3A_80 = arith.extui %eq3A_79 : vector<64x6xi1> to vector<64x6xi32>
    %convert_element_type3A_81 = arith.sitofp %convert_element_type3A_80 : vector<64x6xi32> to vector<64x6xf32>
    %jit3A_82 = arith.constant 2 : i32
    %eq3A_83 = arith.constant 0 : i32
    %eq3A_84 = arith.cmpi eq, %jit3A_82, %eq3A_83 : i32
    %jit3A_85 = arith.constant 1 : i32
    %select_n3A_86 = arith.select %eq3A_84, %jit3A_85, %jit3A_82 : i32
    %rem3A_87 = vector.broadcast %select_n3A_86 : i32 to vector<64x1xi32>
    %rem3A_88 = arith.remsi %iota3A, %rem3A_87 : vector<64x1xi32>
    %ne3A_89 = arith.constant 0 : i32
    %ne3A_90 = vector.broadcast %ne3A_89 : i32 to vector<64x1xi32>
    %ne3A_91 = arith.cmpi ne, %rem3A_88, %ne3A_90 : vector<64x1xi32>
    %lt3A_92 = arith.constant 0 : i32
    %lt3A_93 = vector.broadcast %lt3A_92 : i32 to vector<64x1xi32>
    %lt3A_94 = arith.cmpi slt, %rem3A_88, %lt3A_93 : vector<64x1xi32>
    %lt3A_95 = arith.constant 0 : i32
    %lt3A_96 = arith.cmpi slt, %select_n3A_86, %lt3A_95 : i32
    %ne3A_97 = vector.broadcast %lt3A_96 : i1 to vector<64x1xi1>
    %ne3A_98 = vector.broadcast %ne3A_97 : vector<64x1xi1> to vector<64x1xi1>
    %ne3A_99 = arith.xori %lt3A_94, %ne3A_98 : vector<64x1xi1>
    %and3A_100 = arith.andi %ne3A_99, %ne3A_91 : vector<64x1xi1>
    %add3A_101 = vector.broadcast %select_n3A_86 : i32 to vector<64x1xi32>
    %add3A_102 = arith.addi %rem3A_88, %add3A_101 : vector<64x1xi32>
    %select_n3A_103 = arith.select %and3A_100, %add3A_102, %rem3A_88 : vector<64x1xi1>, vector<64x1xi32>
    %iota3A_104 = tpu.iota {dimensions = array<i32: 1>} : vector<64x2xi32>
    %eq3A_105 = vector.broadcast %select_n3A_103 : vector<64x1xi32> to vector<64x2xi32>
    %eq3A_106 = arith.cmpi eq, %eq3A_105, %iota3A_104 : vector<64x2xi32>
    %convert_element_type3A_107 = arith.extui %eq3A_106 : vector<64x2xi1> to vector<64x2xi32>
    %convert_element_type3A_108 = arith.sitofp %convert_element_type3A_107 : vector<64x2xi32> to vector<64x2xf32>
    %get3A = arith.constant 0 : index
    %get3A_109 = arith.constant 0 : index
    %get3A_110 = vector.load %arg0[%get3A, %get3A_109] : memref<5x128xf32, #tpu.memory_space<vmem>>, vector<5x128xf32>
    %dot_general3A = arith.constant dense<0.000000e+00> : vector<64x128xf32>
    %dot_general3A_111 = tpu.matmul %convert_element_type3A_25, %get3A_110, %dot_general3A {dimension_numbers = #tpu.dot_dimension_numbers<[1], [0], [0], [1], [0, 0, 1, 1], [], []>, precision = #tpu.contract_precision<fp32>, transpose_lhs_hint = false} : vector<64x5xf32>, vector<5x128xf32>, vector<64x128xf32> -> vector<64x128xf32>
    %get3A_112 = arith.constant 0 : index
    %get3A_113 = arith.constant 0 : index
    %get3A_114 = vector.load %arg1[%get3A_112, %get3A_113] : memref<6x128xf32, #tpu.memory_space<vmem>>, vector<6x128xf32>
    %dot_general3A_115 = arith.constant dense<0.000000e+00> : vector<64x128xf32>
    %dot_general3A_116 = tpu.matmul %convert_element_type3A_81, %get3A_114, %dot_general3A_115 {dimension_numbers = #tpu.dot_dimension_numbers<[1], [0], [0], [1], [0, 0, 1, 1], [], []>, precision = #tpu.contract_precision<fp32>, transpose_lhs_hint = false} : vector<64x6xf32>, vector<6x128xf32>, vector<64x128xf32> -> vector<64x128xf32>
    %add3A_117 = arith.addf %dot_general3A_111, %dot_general3A_116 : vector<64x128xf32>
    %get3A_118 = arith.constant 0 : index
    %get3A_119 = arith.constant 0 : index
    %get3A_120 = vector.load %arg2[%get3A_118, %get3A_119] : memref<2x128xf32, #tpu.memory_space<vmem>>, vector<2x128xf32>
    %dot_general3A_121 = arith.constant dense<0.000000e+00> : vector<64x128xf32>
    %dot_general3A_122 = tpu.matmul %convert_element_type3A_108, %get3A_120, %dot_general3A_121 {dimension_numbers = #tpu.dot_dimension_numbers<[1], [0], [0], [1], [0, 0, 1, 1], [], []>, precision = #tpu.contract_precision<fp32>, transpose_lhs_hint = false} : vector<64x2xf32>, vector<2x128xf32>, vector<64x128xf32> -> vector<64x128xf32>
    %add3A_123 = arith.addf %add3A_117, %dot_general3A_122 : vector<64x128xf32>
    %swap3A = arith.constant 0 : index
    %swap3A_124 = arith.constant 0 : index
    %swap3A_125 = vector.load %arg3[%swap3A, %swap3A_124] : memref<2048x128xf32, #tpu.memory_space<vmem>>, vector<64x128xf32>
    tpu.vector_store %arg3[%swap3A, %swap3A_124], %add3A_123 {strides = array<i32>} : memref<2048x128xf32, #tpu.memory_space<vmem>>, vector<64x128xf32>,
    %swap3A_126 = arith.constant 64 : index
    %swap3A_127 = arith.constant 0 : index
    %swap3A_128 = vector.load %arg3[%swap3A_126, %swap3A_127] : memref<2048x128xf32, #tpu.memory_space<vmem>>, vector<64x128xf32>
    tpu.vector_store %arg3[%swap3A_126, %swap3A_127], %add3A_123 {strides = array<i32>} : memref<2048x128xf32, #tpu.memory_space<vmem>>, vector<64x128xf32>,
    %swap3A_129 = arith.constant 128 : index
    %swap3A_130 = arith.constant 0 : index
    %swap3A_131 = vector.load %arg3[%swap3A_129, %swap3A_130] : memref<2048x128xf32, #tpu.memory_space<vmem>>, vector<64x128xf32>
    tpu.vector_store %arg3[%swap3A_129, %swap3A_130], %add3A_123 {strides = array<i32>} : memref<2048x128xf32, #tpu.memory_space<vmem>>, vector<64x128xf32>,
    %swap3A_132 = arith.constant 192 : index
    %swap3A_133 = arith.constant 0 : index
    %swap3A_134 = vector.load %arg3[%swap3A_132, %swap3A_133] : memref<2048x128xf32, #tpu.memory_space<vmem>>, vector<64x128xf32>
    tpu.vector_store %arg3[%swap3A_132, %swap3A_133], %add3A_123 {strides = array<i32>} : memref<2048x128xf32, #tpu.memory_space<vmem>>, vector<64x128xf32>,
    %swap3A_135 = arith.constant 256 : index
    %swap3A_136 = arith.constant 0 : index
    %swap3A_137 = vector.load %arg3[%swap3A_135, %swap3A_136] : memref<2048x128xf32, #tpu.memory_space<vmem>>, vector<64x128xf32>
    tpu.vector_store %arg3[%swap3A_135, %swap3A_136], %add3A_123 {strides = array<i32>} : memref<2048x128xf32, #tpu.memory_space<vmem>>, vector<64x128xf32>,
    %swap3A_138 = arith.constant 320 : index
    %swap3A_139 = arith.constant 0 : index
    %swap3A_140 = vector.load %arg3[%swap3A_138, %swap3A_139] : memref<2048x128xf32, #tpu.memory_space<vmem>>, vector<64x128xf32>
    tpu.vector_store %arg3[%swap3A_138, %swap3A_139], %add3A_123 {strides = array<i32>} : memref<2048x128xf32, #tpu.memory_space<vmem>>, vector<64x128xf32>,
    %swap3A_141 = arith.constant 384 : index
    %swap3A_142 = arith.constant 0 : index
    %swap3A_143 = vector.load %arg3[%swap3A_141, %swap3A_142] : memref<2048x128xf32, #tpu.memory_space<vmem>>, vector<64x128xf32>
    tpu.vector_store %arg3[%swap3A_141, %swap3A_142], %add3A_123 {strides = array<i32>} : memref<2048x128xf32, #tpu.memory_space<vmem>>, vector<64x128xf32>,
    %swap3A_144 = arith.constant 448 : index
    %swap3A_145 = arith.constant 0 : index
    %swap3A_146 = vector.load %arg3[%swap3A_144, %swap3A_145] : memref<2048x128xf32, #tpu.memory_space<vmem>>, vector<64x128xf32>
    tpu.vector_store %arg3[%swap3A_144, %swap3A_145], %add3A_123 {strides = array<i32>} : memref<2048x128xf32, #tpu.memory_space<vmem>>, vector<64x128xf32>,
    %swap3A_147 = arith.constant 512 : index
    %swap3A_148 = arith.constant 0 : index
    %swap3A_149 = vector.load %arg3[%swap3A_147, %swap3A_148] : memref<2048x128xf32, #tpu.memory_space<vmem>>, vector<64x128xf32>
    tpu.vector_store %arg3[%swap3A_147, %swap3A_148], %add3A_123 {strides = array<i32>} : memref<2048x128xf32, #tpu.memory_space<vmem>>, vector<64x128xf32>,
    %swap3A_150 = arith.constant 576 : index
    %swap3A_151 = arith.constant 0 : index
    %swap3A_152 = vector.load %arg3[%swap3A_150, %swap3A_151] : memref<2048x128xf32, #tpu.memory_space<vmem>>, vector<64x128xf32>
    tpu.vector_store %arg3[%swap3A_150, %swap3A_151], %add3A_123 {strides = array<i32>} : memref<2048x128xf32, #tpu.memory_space<vmem>>, vector<64x128xf32>,
    %swap3A_153 = arith.constant 640 : index
    %swap3A_154 = arith.constant 0 : index
    %swap3A_155 = vector.load %arg3[%swap3A_153, %swap3A_154] : memref<2048x128xf32, #tpu.memory_space<vmem>>, vector<64x128xf32>
    tpu.vector_store %arg3[%swap3A_153, %swap3A_154], %add3A_123 {strides = array<i32>} : memref<2048x128xf32, #tpu.memory_space<vmem>>, vector<64x128xf32>,
    %swap3A_156 = arith.constant 704 : index
    %swap3A_157 = arith.constant 0 : index
    %swap3A_158 = vector.load %arg3[%swap3A_156, %swap3A_157] : memref<2048x128xf32, #tpu.memory_space<vmem>>, vector<64x128xf32>
    tpu.vector_store %arg3[%swap3A_156, %swap3A_157], %add3A_123 {strides = array<i32>} : memref<2048x128xf32, #tpu.memory_space<vmem>>, vector<64x128xf32>,
    %swap3A_159 = arith.constant 768 : index
    %swap3A_160 = arith.constant 0 : index
    %swap3A_161 = vector.load %arg3[%swap3A_159, %swap3A_160] : memref<2048x128xf32, #tpu.memory_space<vmem>>, vector<64x128xf32>
    tpu.vector_store %arg3[%swap3A_159, %swap3A_160], %add3A_123 {strides = array<i32>} : memref<2048x128xf32, #tpu.memory_space<vmem>>, vector<64x128xf32>,
    %swap3A_162 = arith.constant 832 : index
    %swap3A_163 = arith.constant 0 : index
    %swap3A_164 = vector.load %arg3[%swap3A_162, %swap3A_163] : memref<2048x128xf32, #tpu.memory_space<vmem>>, vector<64x128xf32>
    tpu.vector_store %arg3[%swap3A_162, %swap3A_163], %add3A_123 {strides = array<i32>} : memref<2048x128xf32, #tpu.memory_space<vmem>>, vector<64x128xf32>,
    %swap3A_165 = arith.constant 896 : index
    %swap3A_166 = arith.constant 0 : index
    %swap3A_167 = vector.load %arg3[%swap3A_165, %swap3A_166] : memref<2048x128xf32, #tpu.memory_space<vmem>>, vector<64x128xf32>
    tpu.vector_store %arg3[%swap3A_165, %swap3A_166], %add3A_123 {strides = array<i32>} : memref<2048x128xf32, #tpu.memory_space<vmem>>, vector<64x128xf32>,
    %swap3A_168 = arith.constant 960 : index
    %swap3A_169 = arith.constant 0 : index
    %swap3A_170 = vector.load %arg3[%swap3A_168, %swap3A_169] : memref<2048x128xf32, #tpu.memory_space<vmem>>, vector<64x128xf32>
    tpu.vector_store %arg3[%swap3A_168, %swap3A_169], %add3A_123 {strides = array<i32>} : memref<2048x128xf32, #tpu.memory_space<vmem>>, vector<64x128xf32>,
    %swap3A_171 = arith.constant 1024 : index
    %swap3A_172 = arith.constant 0 : index
    %swap3A_173 = vector.load %arg3[%swap3A_171, %swap3A_172] : memref<2048x128xf32, #tpu.memory_space<vmem>>, vector<64x128xf32>
    tpu.vector_store %arg3[%swap3A_171, %swap3A_172], %add3A_123 {strides = array<i32>} : memref<2048x128xf32, #tpu.memory_space<vmem>>, vector<64x128xf32>,
    %swap3A_174 = arith.constant 1088 : index
    %swap3A_175 = arith.constant 0 : index
    %swap3A_176 = vector.load %arg3[%swap3A_174, %swap3A_175] : memref<2048x128xf32, #tpu.memory_space<vmem>>, vector<64x128xf32>
    tpu.vector_store %arg3[%swap3A_174, %swap3A_175], %add3A_123 {strides = array<i32>} : memref<2048x128xf32, #tpu.memory_space<vmem>>, vector<64x128xf32>,
    %swap3A_177 = arith.constant 1152 : index
    %swap3A_178 = arith.constant 0 : index
    %swap3A_179 = vector.load %arg3[%swap3A_177, %swap3A_178] : memref<2048x128xf32, #tpu.memory_space<vmem>>, vector<64x128xf32>
    tpu.vector_store %arg3[%swap3A_177, %swap3A_178], %add3A_123 {strides = array<i32>} : memref<2048x128xf32, #tpu.memory_space<vmem>>, vector<64x128xf32>,
    %swap3A_180 = arith.constant 1216 : index
    %swap3A_181 = arith.constant 0 : index
    %swap3A_182 = vector.load %arg3[%swap3A_180, %swap3A_181] : memref<2048x128xf32, #tpu.memory_space<vmem>>, vector<64x128xf32>
    tpu.vector_store %arg3[%swap3A_180, %swap3A_181], %add3A_123 {strides = array<i32>} : memref<2048x128xf32, #tpu.memory_space<vmem>>, vector<64x128xf32>,
    %swap3A_183 = arith.constant 1280 : index
    %swap3A_184 = arith.constant 0 : index
    %swap3A_185 = vector.load %arg3[%swap3A_183, %swap3A_184] : memref<2048x128xf32, #tpu.memory_space<vmem>>, vector<64x128xf32>
    tpu.vector_store %arg3[%swap3A_183, %swap3A_184], %add3A_123 {strides = array<i32>} : memref<2048x128xf32, #tpu.memory_space<vmem>>, vector<64x128xf32>,
    %swap3A_186 = arith.constant 1344 : index
    %swap3A_187 = arith.constant 0 : index
    %swap3A_188 = vector.load %arg3[%swap3A_186, %swap3A_187] : memref<2048x128xf32, #tpu.memory_space<vmem>>, vector<64x128xf32>
    tpu.vector_store %arg3[%swap3A_186, %swap3A_187], %add3A_123 {strides = array<i32>} : memref<2048x128xf32, #tpu.memory_space<vmem>>, vector<64x128xf32>,
    %swap3A_189 = arith.constant 1408 : index
    %swap3A_190 = arith.constant 0 : index
    %swap3A_191 = vector.load %arg3[%swap3A_189, %swap3A_190] : memref<2048x128xf32, #tpu.memory_space<vmem>>, vector<64x128xf32>
    tpu.vector_store %arg3[%swap3A_189, %swap3A_190], %add3A_123 {strides = array<i32>} : memref<2048x128xf32, #tpu.memory_space<vmem>>, vector<64x128xf32>,
    %swap3A_192 = arith.constant 1472 : index
    %swap3A_193 = arith.constant 0 : index
    %swap3A_194 = vector.load %arg3[%swap3A_192, %swap3A_193] : memref<2048x128xf32, #tpu.memory_space<vmem>>, vector<64x128xf32>
    tpu.vector_store %arg3[%swap3A_192, %swap3A_193], %add3A_123 {strides = array<i32>} : memref<2048x128xf32, #tpu.memory_space<vmem>>, vector<64x128xf32>,
    %swap3A_195 = arith.constant 1536 : index
    %swap3A_196 = arith.constant 0 : index
    %swap3A_197 = vector.load %arg3[%swap3A_195, %swap3A_196] : memref<2048x128xf32, #tpu.memory_space<vmem>>, vector<64x128xf32>
    tpu.vector_store %arg3[%swap3A_195, %swap3A_196], %add3A_123 {strides = array<i32>} : memref<2048x128xf32, #tpu.memory_space<vmem>>, vector<64x128xf32>,
    %swap3A_198 = arith.constant 1600 : index
    %swap3A_199 = arith.constant 0 : index
    %swap3A_200 = vector.load %arg3[%swap3A_198, %swap3A_199] : memref<2048x128xf32, #tpu.memory_space<vmem>>, vector<64x128xf32>
    tpu.vector_store %arg3[%swap3A_198, %swap3A_199], %add3A_123 {strides = array<i32>} : memref<2048x128xf32, #tpu.memory_space<vmem>>, vector<64x128xf32>,
    %swap3A_201 = arith.constant 1664 : index
    %swap3A_202 = arith.constant 0 : index
    %swap3A_203 = vector.load %arg3[%swap3A_201, %swap3A_202] : memref<2048x128xf32, #tpu.memory_space<vmem>>, vector<64x128xf32>
    tpu.vector_store %arg3[%swap3A_201, %swap3A_202], %add3A_123 {strides = array<i32>} : memref<2048x128xf32, #tpu.memory_space<vmem>>, vector<64x128xf32>,
    %swap3A_204 = arith.constant 1728 : index
    %swap3A_205 = arith.constant 0 : index
    %swap3A_206 = vector.load %arg3[%swap3A_204, %swap3A_205] : memref<2048x128xf32, #tpu.memory_space<vmem>>, vector<64x128xf32>
    tpu.vector_store %arg3[%swap3A_204, %swap3A_205], %add3A_123 {strides = array<i32>} : memref<2048x128xf32, #tpu.memory_space<vmem>>, vector<64x128xf32>,
    %swap3A_207 = arith.constant 1792 : index
    %swap3A_208 = arith.constant 0 : index
    %swap3A_209 = vector.load %arg3[%swap3A_207, %swap3A_208] : memref<2048x128xf32, #tpu.memory_space<vmem>>, vector<64x128xf32>
    tpu.vector_store %arg3[%swap3A_207, %swap3A_208], %add3A_123 {strides = array<i32>} : memref<2048x128xf32, #tpu.memory_space<vmem>>, vector<64x128xf32>,
    %swap3A_210 = arith.constant 1856 : index
    %swap3A_211 = arith.constant 0 : index
    %swap3A_212 = vector.load %arg3[%swap3A_210, %swap3A_211] : memref<2048x128xf32, #tpu.memory_space<vmem>>, vector<64x128xf32>
    tpu.vector_store %arg3[%swap3A_210, %swap3A_211], %add3A_123 {strides = array<i32>} : memref<2048x128xf32, #tpu.memory_space<vmem>>, vector<64x128xf32>,
    %swap3A_213 = arith.constant 1920 : index
    %swap3A_214 = arith.constant 0 : index
    %swap3A_215 = vector.load %arg3[%swap3A_213, %swap3A_214] : memref<2048x128xf32, #tpu.memory_space<vmem>>, vector<64x128xf32>
    tpu.vector_store %arg3[%swap3A_213, %swap3A_214], %add3A_123 {strides = array<i32>} : memref<2048x128xf32, #tpu.memory_space<vmem>>, vector<64x128xf32>,
    %swap3A_216 = arith.constant 1984 : index
    %swap3A_217 = arith.constant 0 : index
    %swap3A_218 = vector.load %arg3[%swap3A_216, %swap3A_217] : memref<2048x128xf32, #tpu.memory_space<vmem>>, vector<64x128xf32>
    tpu.vector_store %arg3[%swap3A_216, %swap3A_217], %add3A_123 {strides = array<i32>} : memref<2048x128xf32, #tpu.memory_space<vmem>>, vector<64x128xf32>,
    return
  }
}

</mosaic_0001>

<sc_bundles>
// kernel: kernel.4.cloned.1.call-start
scs
__scs_entry_jumppad:
0x0: {  	(pc) =	sbr.rel $0x88, $3  }
0x1: {  	(tag) =	ssettag $0x0;
	lr =	simm.s32 $0x1  }
0x2: {  	[smem:$0x3F9D] =	sst lr;
	_ =	strace $0xD0000000  }
0x3: {  	_ = 	snop  }
0x4: {  	_ = 	snop  }
0x5: {  	_ = 	snop  }
0x6: {  	_ = 	snop  }
0x7: {  	_ = 	snop  }
__scs_overlays_trampoline_lowered:
0x8: {  	[smem:$0x3FAC] =	sst s0  }
0x9: {  	[smem:$0x3FAD] =	sst s1  }
0xa: {  	[smem:$0x3FAE] =	sst s2  }
0xb: {  	[smem:$0x3FAF] =	sst s3  }
0xc: {  	[smem:$0x3FB0] =	sst s4  }
0xd: {  	[smem:$0x3FB1] =	sst s5  }
0xe: {  	[smem:$0x3FB2] =	sst s6  }
0xf: {  	[smem:$0x3FB3] =	sst s7  }
0x10: {  	[smem:$0x3FB4] =	sst s8  }
0x11: {  	[smem:$0x3FB5] =	sst s9;
	s0 =	simm.s32 @!p0 $0x0  }
0x12: {  	s1 =	sld [smem:$0x3F9B];
	s0 =	simm.s32 @p0 $0x1  }
0x13: {  	[smem:$0x3FB6] =	sst s0;
	s0 =	simm.s32 @!p1 $0x0  }
0x14: {  	s2 =	sld [smem:$0x3F9A];
	s0 =	simm.s32 @p1 $0x1  }
0x15: {  	[smem:$0x3FB7] =	sst s0;
	s0 =	simm.s32 @!p2 $0x0  }
0x16: {  	s3 =	sld [smem:$0x3FDB];
	s0 =	simm.s32 @p2 $0x1  }
0x17: {  	s4 =	simm.s32 $0x1BF5;
	[smem:$0x3FB9] =	sst s0  }
0x18: {  	s0 =	sld [smem:$0x3F9C];
	_ =	swait.ge [sflag:s4], $0x0  }
0x19: {  	s7 =	sld [smem:$0x3F9D]  }
0x1a: {  	s8 =	sadd.s32 $0xFFFFE003, lr  }
0x1b: {  	s9 =	sadd.s32 $0xFFFFFEF7, lr;
	s5 =	simm.s32 $0xFFFFFFFF;
	p2 =	slt.u32 s8, $0xFFFFF086  }
0x1c: {  	p1 =	slt.u32 s9, $0xF7A;
	s5 =	simm.s32 @!p2 $0x0  }
0x1d: {  	s5 =	simm.s32 @p1 $0x1;
	p0 =	seq.s32 s7, s2  }
0x1e: {  	s7 =	smul.u32 @!p0 $0xF7A, s2;
	p2 =	seq.s32 @!p0 s5, $0x0  }
0x1f: {  	s9 =	smul.u32 $0xF7A, s1;
	s8 =	simm.s32 @!p0 $0x1BF5;
	p2 =	por !p2, p0  }
0x20: {  	[sflag:s8] =	ssyncset.s32 @!p0 $0xFFFFF086;
	s6 =	sadd.s32 @!p0 s3, s7;
	s7 =	simm.s32 @!p0 $0x108  }
0x21: {  	s3 =	sadd.s32 s3, s9;
	s6 =	sadd.s32 @!p0 $0x88, s6;
	s7 =	simm.s32 @p2 $0x1082  }
0x22: {  	[simem:s7], [sflag:s8] =	dma.local @!p0 [hbm:s6], $0xF7A  }
0x23: {  	s9 =	sor.u32 $0xD0000000, s2;
	s6 =	simm.s32 $0x108;
	_ =	swait.ge @!p0 [sflag:s8], $0x0  }
0x24: {  	s3 =	sadd.s32 $0x88, s3;
	s6 =	simm.s32 @!p1 $0x1082;
	[sflag:s4] =	ssyncset.s32 $0xFFFFF086  }
0x25: {  	[simem:s6], [sflag:s4] =	dma.local [hbm:s3], $0xF7A  }
0x26: {  	[smem:$0x3F9D] =	sst s1;
	(tag) =	ssettag s2;
	_ =	strace s9  }
0x27: {  	s1 =	sld [smem:$0x3FAD]  }
0x28: {  	s2 =	sld [smem:$0x3FAE]  }
0x29: {  	s4 =	sld [smem:$0x3FB0]  }
0x2a: {  	p0 =	seq.s32 s5, $0x0;
	s5 =	sld [smem:$0x3FB1]  }
0x2b: {  	s6 =	sld [smem:$0x3FB2]  }
0x2c: {  	s7 =	sld [smem:$0x3FB3]  }
0x2d: {  	s3 =	simm.s32 $0x108;
	s8 =	sld [smem:$0x3FB4]  }
0x2e: {  	s3 =	simm.s32 @!p0 $0x1082;
	s9 =	sld [smem:$0x3FB5]  }
0x2f: {  	lr =	sadd.s32 s0, s3;
	s0 =	sld [smem:$0x3FAC]  }
0x30: {  	s3 =	sld [smem:$0x3FAF]  }
0x31: {  	[smem:$0x3FB8] =	sst s10  }
0x32: {  	s10 =	sld [smem:$0x3FB6];
	_ =	sdelay $0x3  }
0x33: {  	p0 =	seq.s32 s10, $0x1;
	s10 =	sld [smem:$0x3FB8];
	_ =	sdelay $0x3  }
0x34: {  	[smem:$0x3FB8] =	sst s10  }
0x35: {  	s10 =	sld [smem:$0x3FB7];
	_ =	sdelay $0x3  }
0x36: {  	p1 =	seq.s32 s10, $0x1;
	s10 =	sld [smem:$0x3FB8];
	_ =	sdelay $0x3  }
0x37: {  	[smem:$0x3FB8] =	sst s10  }
0x38: {  	s10 =	sld [smem:$0x3FB9]  }
0x39: {  	_ = 	snop;
	(pc) =	sbr.ind lr, $3  }
0x3a: {  	_ = 	snop  }
0x3b: {  	_ = 	snop  }
0x3c: {  	p2 =	seq.s32 s10, $0x1;
	s10 =	sld [smem:$0x3FB8]  }
0x3d: {  	_ =	shalt  }
0x3e: {  	_ =	shalt  }
0x3f: {  	_ =	shalt  }
0x40: {  	_ =	shalt  }
0x41: {  	_ =	shalt  }
0x42: {  	_ =	shalt  }
0x43: {  	_ =	shalt  }
0x44: {  	_ =	shalt  }
0x45: {  	_ =	shalt  }
0x46: {  	_ =	shalt  }
0x47: {  	_ =	shalt  }
0x48: {  	_ =	shalt  }
0x49: {  	_ =	shalt  }
0x4a: {  	_ =	shalt  }
0x4b: {  	_ =	shalt  }
0x4c: {  	_ =	shalt  }
0x4d: {  	_ =	shalt  }
0x4e: {  	_ =	shalt  }
0x4f: {  	_ =	shalt  }
0x50: {  	_ =	shalt  }
0x51: {  	_ =	shalt  }
0x52: {  	_ =	shalt  }
0x53: {  	_ =	shalt  }
0x54: {  	_ =	shalt  }
0x55: {  	_ =	shalt  }
0x56: {  	_ =	shalt  }
0x57: {  	_ =	shalt  }
0x58: {  	_ =	shalt  }
0x59: {  	_ =	shalt  }
0x5a: {  	_ =	shalt  }
0x5b: {  	_ =	shalt  }
0x5c: {  	_ =	shalt  }
0x5d: {  	_ =	shalt  }
0x5e: {  	_ =	shalt  }
0x5f: {  	_ =	shalt  }
0x60: {  	_ =	shalt  }
0x61: {  	_ =	shalt  }
0x62: {  	_ =	shalt  }
0x63: {  	_ =	shalt  }
0x64: {  	_ =	shalt  }
0x65: {  	_ =	shalt  }
0x66: {  	_ =	shalt  }
0x67: {  	_ =	shalt  }
0x68: {  	_ =	shalt  }
0x69: {  	_ =	shalt  }
0x6a: {  	_ =	shalt  }
0x6b: {  	_ =	shalt  }
0x6c: {  	_ =	shalt  }
0x6d: {  	_ =	shalt  }
0x6e: {  	_ =	shalt  }
0x6f: {  	_ =	shalt  }
0x70: {  	_ =	shalt  }
0x71: {  	_ =	shalt  }
0x72: {  	_ =	shalt  }
0x73: {  	_ =	shalt  }
0x74: {  	_ =	shalt  }
0x75: {  	_ =	shalt  }
0x76: {  	_ =	shalt  }
0x77: {  	_ =	shalt  }
0x78: {  	_ =	shalt  }
0x79: {  	_ =	shalt  }
0x7a: {  	_ =	shalt  }
0x7b: {  	_ =	shalt  }
0x7c: {  	_ =	shalt  }
0x7d: {  	_ =	shalt  }
0x7e: {  	_ =	shalt  }
0x7f: {  	_ =	shalt  }
0x80: {  	_ =	shalt  }
0x81: {  	_ =	shalt  }
0x82: {  	_ =	shalt  }
0x83: {  	_ =	shalt  }
0x84: {  	_ =	shalt  }
0x85: {  	_ =	shalt  }
0x86: {  	_ =	shalt  }
0x87: {  	_ =	shalt  }
.Lfunc_end0:
.L_simem_size_0:
called_computation_lowered:
.L_overlay_start_0:
0x88: {  	s2 =	sld [smem:$0x3FD9]  }
0x89: {  	s3 =	sld [smem:$0x3FFE];
	_ =	sdelay $0x1  }
0x8a: {  	s1 =	srdreg.scid  }
0x8b: {  	s0 =	sand.u32 $0x1, s1  }
0x8c: {  	s17 =	sshll.u32 s0, $0xA;
	s2 =	sadd.s32 s3, s2  }
0x8d: {  	s2 =	sadd.s32 s2, s17  }
0x8e: {  	[smem:$0x3FC4] =	sst s2  }
0x8f: {  	_ = 	snop  }
0x90: {  	s2 =	sld [smem:$0x3FD0];
	(tm) =	ssettm $0x1  }
0x91: {  	s18 =	sld [smem:$0x3FFB];
	_ =	sdelay $0x3  }
0x92: {  	_ =	strace s18  }
0x93: {  	s3 =	sld [smem:$0x3FFC];
	_ =	sdelay $0x3  }
0x94: {  	_ =	strace s3  }
0x95: {  	s3 =	sld [smem:$0x3FFD];
	_ =	sdelay $0x3  }
0x96: {  	_ =	strace s3  }
0x97: {  	_ =	strace $0x8FFFFFFF  }
0x98: {  	s19 =	sld [smem:$0x3FDB];
	_ =	sdelay $0x1  }
0x99: {  	s4 =	simm.s32 $_scs_section_size  }
0x9a: {  	s5 =	simm.s32 $_size__tile_overlayer_lowered;
	s6 =	simm.s32 $_tile_overlayer_lowered  }
0x9b: {  	s22 =	simm.s32 $0x1BFF;
	s21 =	sshll.u32 s6, $0x1;
	s3 =	sadd.s32 s4, s19  }
0x9c: {  	s7 =	simm.s32 $0x0;
	s20 =	sshll.u32 s5, $0x1;
	s5 =	sadd.s32 s21, s3  }
0x9d: {  	[timem:s7], [sflag:s22] =	dma.local [hbm:s5], s20  }
0x9e: {  	_ =	swait.ge [sflag:s22], s20  }
0x9f: {  	s4 =	ssub.s32 $0x0, s20;
	[sflag:s22] =	ssyncset.done $0x0  }
0xa0: {  	[sflag:s22] =	ssyncadd.s32 s4;
	_ =	sdelay $0x1  }
0xa1: {  	s23 =	simm.s32 $0x1B8B  }
0xa2: {  	_ =	swait.ge [sflag:s23], $0x1  }
0xa3: {  	[sflag:s23] =	ssyncset.done $0x0  }
0xa4: {  	s25 =	simm.s32 $0x1B8E;
	s24 =	sld [smem:$0x3FFE];
	[sflag:s23] =	ssyncadd.s32 $0xFFFFFFFF  }
0xa5: {  	s26 =	simm.s32 $execute0_lowered;
	[smem:$0x3FD2] =	sst s25  }
0xa6: {  	s5 =	sshll.u32 s26, $0x1;
	_ =	strace $0x80000046;
	[dreg:$0x1] =	wrdreg $0xFFFFFFFF  }
0xa7: {  	s28 =	simm.s32 $_size_execute0_lowered;
	s3 =	sadd.s32 s3, s5;
	[dreg:$0x0] =	wrdreg $0x0  }
0xa8: {  	s5 =	sshll.u32 s28, $0x1;
	[dreg:$0x2] =	wrdreg s3  }
0xa9: {  	[dreg:$0x3] =	wrdreg s5  }
0xaa: {  	[dreg:$0x4] =	wrdreg $0xC0  }
0xab: {  	_ =	task [dreg:s7], $0x5FFFF  }
0xac: {  	[dreg:$0x1] =	wrdreg $0xFFFFFFFF  }
0xad: {  	[dreg:$0x0] =	wrdreg $0x60  }
0xae: {  	[dreg:$0x2] =	wrdreg s24  }
0xaf: {  	[dreg:$0x3] =	wrdreg s2  }
0xb0: {  	[dreg:$0x4] =	wrdreg $0x1DE000  }
0xb1: {  	[dreg:$0x5] =	wrdreg $0x9  }
0xb2: {  	_ =	task.clear_ibuf [dreg:s7], $0x6FFFF;
	_ =	strace $0x90000046  }
0xb3: {  	s29 =	simm.s32 $0x9;
	_ =	strace $0x80000048  }
0xb4: {  	_ =	swait.ge [sflag:s29], $0x1  }
0xb5: {  	[sflag:s29] =	ssyncadd.s32 $0xFFFFFFFF  }
0xb6: {  	_ =	strace $0x90000048  }
0xb7: {  	_ =	sfence  }
0xb8: {  	s30 =	sld [smem:$0x0];
	_ =	sdelay $0x2  }
0xb9: {  	s31 =	sshll.u32 s1, $0xD;
	s1 =	sshrl.u32 s1, $0x2  }
0xba: {  	s3 =	sand.u32 $0x4000, s31;
	s1 =	sadd.s32 s1, s30  }
0xbb: {  	s0 =	sor.u32 s3, s0;
	s1 =	sshll.u32 s1, $0x11  }
0xbc: {  	s0 =	sor.u32 s1, s0  }
0xbd: {  	s0 =	sadd.s32 $0x8F2B, s0  }
0xbe: {  	[sflag:s0] =	ssyncadd.remote.s32 $0x1  }
0xbf: {  	_ =	sfence.sel $0xFFFF  }
0xc0: {  	[dreg:$0x0] =	wrdreg $0xFFFFFFFF;
	(pc) =	sbr.abs _section_cstart, $3  }
0xc1: {  	[dreg:$0x1] =	wrdreg $0xFFFFFFFF  }
0xc2: {  	_ =	task.clear_ibuf [dreg:s7], $0x2FFFF;
	_ =	strace $0x9FFFFFFF  }
0xc3: {  	(tm) =	ssettm $0x7FFFFFFF  }
tec
execute0_lowered:
.L_overlay_start_1:
0x0: {  	(tag) =	ssettag $0x1  }
0x1: {  	s0 =	rddreg [dreg:$0x0]  }
0x2: {  	s1 =	rddreg [dreg:$0x1];
	s3 =	srdreg.scid  }
0x3: {  	s10 =	stileid.u32;
	s2 =	rddreg [dreg:$0x2];
	s28 =	simm.s32 $0x3  }
0x4: {  	s29 =	simm.s32 $0x1;
	s30 =	simm.s32 $0x50;
	s31 =	simm.s32 $0xEE00  }
0x5: {  	s5 =	sand.u32 $0x1, s3;
	s4 =	sshll.u32 s10, $0x1;
	s3 =	simm.s32 $0x0  }
0x6: {  	s25 =	sshll.u32 s10, $0xD;
	s13 =	sshll.u32 s10, $0x6;
	s6 =	sor.u32 s5, s4  }
0x7: {  	[smem:$0x7FF] =	sst s3;
	s23 =	ssub.s32 $0x2, s5;
	s5 =	smul.u32 $0x27100, s5  }
0x8: {  	s21 =	sor.u32 $0x1C03, s13;
	s7 =	smul.u32 $0x2710, s6;
	_ =	strace $0x80000047  }
0x9: {  	s8 =	sshll.u32 s6, $0xA;
	s9 =	sshrl.u32 s23, $0x1;
	s26 =	smul.u32 $0x138800, s6  }
0xa: {  	s6 =	smul.u32 $0x27100, s6;
	[dreg:$0x7] =	wrdreg s21;
	s8 =	sadd.s32 s8, s0  }
0xb: {  	s9 =	ssub.s32 s23, s9;
	s24 =	sshrl.u32 s7, $0x3;
	s7 =	sshrl.u32 s26, $0x3  }
0xc: {  	s8 =	sadd.s32 $0x1DA00, s8;
	s6 =	sadd.s32 s1, s6;
	s26 =	smul.u32 $0x4E200, s10  }
0xd: {  	s4 =	sadd.s32 s0, s24;
	s0 =	sadd.s32 s25, s2;
	[dreg:$0x6] =	wrdreg s8  }
0xe: {  	s7 =	sadd.s32 s1, s7;
	[dreg:$0x8] =	wrdreg s6;
	s6 =	simm.s32 $0x18E00  }
0xf: {  	s8 =	simm.s32 $0x2;
	s11 =	sadd.s32 $0x13C00, s4;
	s12 =	sadd.s32 $0x9E00, s4  }
0x10: {  	s22 =	sadd.s32 $0x500, s7;
	s23 =	sadd.s32 $0xA00, s7;
	s24 =	sadd.s32 $0xF00, s7  }
0x11: {  	s25 =	sadd.s32 $0x1400, s7;
	s14 =	sadd.s32 $0x1900, s7;
	[dreg:$0x4] =	wrdreg s11  }
0x12: {  	s15 =	sadd.s32 $0x1E00, s7;
	s16 =	sadd.s32 $0x2300, s7;
	[dreg:$0x5] =	wrdreg s12  }
0x13: {  	s17 =	sadd.s32 $0x25800, s7;
	s1 =	sadd.s32 s26, s1;
	[dreg:$0x9] =	wrdreg s22  }
0x14: {  	s18 =	sadd.s32 $0x25D00, s7;
	s19 =	sadd.s32 $0x26200, s7;
	[dreg:$0xa] =	wrdreg s23  }
0x15: {  	s20 =	sadd.s32 $0x26700, s7;
	s21 =	sadd.s32 $0x26C00, s7;
	[dreg:$0xb] =	wrdreg s24  }
0x16: {  	s26 =	simm.s32 $0x11600;
	s7 =	simm.s32 $0x1B600;
	[dreg:$0xc] =	wrdreg s25  }
0x17: {  	s1 =	sadd.s32 s5, s1;
	s22 =	smax.u32 s9, $0x1;
	s24 =	sshrl.u32 s0, $0x3  }
0x18: {  	s25 =	simm.s32 $0xC600;
	s0 =	simm.s32 $0x13E00;
	s5 =	simm.s32 $0x16600  }
0x19: {  	v0 =	vmov s13;
	s9 =	simm.s32 $0x0;
	s10 =	sadd.s32 $0x4B00, s1;
	s1 =	simm.s32 $0x9E00  }
.LBB2_1:
0x1a: {  	s11 =	rddreg [dreg:$0x4]  }
0x1b: {  	s23 =	rddreg [dreg:$0x5]  }
0x1c: {  	[tilespmem:s3], [sflag:$0x1] =	stream.linear.gather [hbm4b:s11+s3], $0x2710, $0x38;
	[tilespmem:$0x1FE00] =	vst v63  }
0x1d: {  	s12 =	simm.s32 $0x2780;
	s13 =	rddreg [dreg:$0x6]  }
0x1e: {  	[tilespmem:s12], [sflag:$0x1] =	stream.linear.gather [hbm4b:s23+s3], $0x2710, $0x38;
	[tilespmem:$0x1FE00] =	vst v63  }
0x1f: {  	s12 =	simm.s32 $0x4F00;
	s23 =	rddreg [dreg:$0x7]  }
0x20: {  	[tilespmem:s12], [sflag:$0x1] =	stream.linear.gather [hbm4b:s4+s3], $0x2710, $0x38;
	[tilespmem:$0x1FE00] =	vst v63  }
0x21: {  	[spmem:s24], [sflag:s23] =	dma.local [hbm:s13], $0x400  }
0x22: {  	_ =	swait.ge [sflag:s28], $0x400  }
0x23: {  	[sflag:s28] =	ssyncset.done $0x0  }
0x24: {  	[sflag:s28] =	ssyncadd.s32 $0xFFFFFC00  }
0x25: {  	_ =	swait.ge [sflag:s29], $0x2710  }
0x26: {  	[sflag:s29] =	ssyncset.done $0x0  }
0x27: {  	[sflag:s29] =	ssyncadd.s32 $0xFFFFD8F0  }
0x28: {  	_ =	swait.ge [sflag:s29], $0x2710  }
0x29: {  	[sflag:s29] =	ssyncset.done $0x0  }
0x2a: {  	[sflag:s29] =	ssyncadd.s32 $0xFFFFD8F0  }
0x2b: {  	_ =	swait.ge [sflag:s29], $0x2710  }
0x2c: {  	[sflag:s29] =	ssyncset.done $0x0  }
0x2d: {  	[sflag:s29] =	ssyncadd.s32 $0xFFFFD8F0  }
0x2e: {  	v1 =	vld [tilespmem:$0x0]  }
0x2f: {  	v2 =	vld [tilespmem:$0x2780]  }
0x30: {  	v3 =	vld [tilespmem:$0x4F00]  }
0x31: {  	v4 =	vld [tilespmem:$0x10]  }
0x32: {  	v5 =	vld [tilespmem:$0x2790]  }
0x33: {  	v7 =	vld [tilespmem:$0x20]  }
0x34: {  	v8 =	vld [tilespmem:$0x27A0]  }
0x35: {  	v10 =	vld [tilespmem:$0x30]  }
0x36: {  	v11 =	vld [tilespmem:$0x40];
	v1 =	vmul.u32 $0xC, v1  }
0x37: {  	v6 =	vld [tilespmem:$0x4F10]  }
0x38: {  	v9 =	vld [tilespmem:$0x4F20];
	v2 =	vshll.u32 v2, $0x1;
	v1 =	vadd.s32 v0, v1  }
0x39: {  	v1 =	vadd.s32 v2, v1;
	v2 =	vld [tilespmem:$0x27B0]  }
0x3a: {  	v12 =	vld [tilespmem:$0x27C0];
	v4 =	vmul.u32 $0xC, v4;
	v7 =	vmul.u32 $0xC, v7;
	v34 =	vmul.u32 $0xC, v10  }
0x3b: {  	v32 =	vld [tilespmem:$0x4F30];
	v5 =	vshll.u32 v5, $0x1;
	v33 =	vshll.u32 v8, $0x1;
	v36 =	vmul.u32 $0xC, v11  }
0x3c: {  	v35 =	vld [tilespmem:$0x4F40];
	v4 =	vadd.s32 v0, v4;
	v7 =	vadd.s32 v0, v7;
	v37 =	vadd.s32 v0, v34  }
0x3d: {  	v38 =	vadd.s32 v0, v36;
	v1 =	vadd.s32 v3, v1;
	v3 =	vadd.s32 v5, v4  }
0x3e: {  	v5 =	vadd.s32 v33, v7;
	v3 =	vadd.s32 v6, v3;
	[tilespmem:$0x7680] =	vst v1;
	v2 =	vshll.u32 v2, $0x1  }
0x3f: {  	v1 =	vadd.s32 v9, v5;
	[tilespmem:$0x7690] =	vst v3;
	v3 =	vshll.u32 v12, $0x1;
	v2 =	vadd.s32 v2, v37  }
0x40: {  	[tilespmem:$0x76A0] =	vst v1;
	v1 =	vadd.s32 v32, v2;
	v2 =	vadd.s32 v3, v38  }
0x41: {  	[tilespmem:$0x76B0] =	vst v1;
	v1 =	vadd.s32 v35, v2  }
0x42: {  	s13 =	simm.s32 $0x7680;
	[tilespmem:$0x76C0] =	vst v1  }
0x43: {  	[tilespmem:s1], [sflag:$0x1] =	stream.indirect.gather [spmem:s2], $0x80, s13, s30, $0xb8;
	[tilespmem:$0x1FE00] =	vst v63  }
0x44: {  	v1 =	vld [tilespmem:$0x50]  }
0x45: {  	v2 =	vld [tilespmem:$0x27D0]  }
0x46: {  	v3 =	vld [tilespmem:$0x4F50]  }
0x47: {  	v39 =	vld [tilespmem:$0x60]  }
0x48: {  	v40 =	vld [tilespmem:$0x27E0]  }
0x49: {  	v42 =	vld [tilespmem:$0x70]  }
0x4a: {  	v43 =	vld [tilespmem:$0x27F0]  }
0x4b: {  	v45 =	vld [tilespmem:$0x80]  }
0x4c: {  	v46 =	vld [tilespmem:$0x90];
	v1 =	vmul.u32 $0xC, v1  }
0x4d: {  	v41 =	vld [tilespmem:$0x4F60]  }
0x4e: {  	v44 =	vld [tilespmem:$0x4F70];
	v2 =	vshll.u32 v2, $0x1;
	v1 =	vadd.s32 v0, v1  }
0x4f: {  	v1 =	vadd.s32 v2, v1;
	v2 =	vld [tilespmem:$0x2800]  }
0x50: {  	v47 =	vld [tilespmem:$0x2810];
	v4 =	vmul.u32 $0xC, v39;
	v7 =	vmul.u32 $0xC, v42;
	v50 =	vmul.u32 $0xC, v45  }
0x51: {  	v48 =	vld [tilespmem:$0x4F80];
	v5 =	vshll.u32 v40, $0x1;
	v49 =	vshll.u32 v43, $0x1;
	v52 =	vmul.u32 $0xC, v46  }
0x52: {  	v51 =	vld [tilespmem:$0x4F90];
	v4 =	vadd.s32 v0, v4;
	v7 =	vadd.s32 v0, v7;
	v53 =	vadd.s32 v0, v50  }
0x53: {  	v54 =	vadd.s32 v0, v52;
	v1 =	vadd.s32 v3, v1;
	v3 =	vadd.s32 v5, v4  }
0x54: {  	v5 =	vadd.s32 v49, v7;
	v3 =	vadd.s32 v41, v3;
	[tilespmem:$0x76D0] =	vst v1;
	v2 =	vshll.u32 v2, $0x1  }
0x55: {  	v1 =	vadd.s32 v44, v5;
	[tilespmem:$0x76E0] =	vst v3;
	v3 =	vshll.u32 v47, $0x1;
	v2 =	vadd.s32 v2, v53  }
0x56: {  	[tilespmem:$0x76F0] =	vst v1;
	v1 =	vadd.s32 v48, v2;
	v2 =	vadd.s32 v3, v54  }
0x57: {  	[tilespmem:$0x7700] =	vst v1;
	v1 =	vadd.s32 v51, v2  }
0x58: {  	s23 =	simm.s32 $0x76D0;
	[tilespmem:$0x7710] =	vst v1  }
0x59: {  	[tilespmem:s25], [sflag:$0x1] =	stream.indirect.gather [spmem:s2], $0x80, s23, s30, $0xb8;
	[tilespmem:$0x1FE00] =	vst v63  }
0x5a: {  	v1 =	vld [tilespmem:$0xA0]  }
0x5b: {  	v2 =	vld [tilespmem:$0x2820]  }
0x5c: {  	v3 =	vld [tilespmem:$0x4FA0]  }
0x5d: {  	v55 =	vld [tilespmem:$0xB0]  }
0x5e: {  	v56 =	vld [tilespmem:$0x2830]  }
0x5f: {  	v58 =	vld [tilespmem:$0xC0]  }
0x60: {  	v59 =	vld [tilespmem:$0x2840]  }
0x61: {  	v61 =	vld [tilespmem:$0xD0]  }
0x62: {  	v62 =	vld [tilespmem:$0xE0];
	v1 =	vmul.u32 $0xC, v1  }
0x63: {  	v57 =	vld [tilespmem:$0x4FB0]  }
0x64: {  	v60 =	vld [tilespmem:$0x4FC0];
	v2 =	vshll.u32 v2, $0x1;
	v1 =	vadd.s32 v0, v1  }
0x65: {  	v1 =	vadd.s32 v2, v1;
	v2 =	vld [tilespmem:$0x2850]  }
0x66: {  	v63 =	vld [tilespmem:$0x2860];
	v4 =	vmul.u32 $0xC, v55;
	v7 =	vmul.u32 $0xC, v58;
	v17 =	vmul.u32 $0xC, v61  }
0x67: {  	v15 =	vld [tilespmem:$0x4FD0];
	v5 =	vshll.u32 v56, $0x1;
	v16 =	vshll.u32 v59, $0x1;
	v19 =	vmul.u32 $0xC, v62  }
0x68: {  	v18 =	vld [tilespmem:$0x4FE0];
	v4 =	vadd.s32 v0, v4;
	v7 =	vadd.s32 v0, v7;
	v20 =	vadd.s32 v0, v17  }
0x69: {  	v21 =	vadd.s32 v0, v19;
	v1 =	vadd.s32 v3, v1;
	v3 =	vadd.s32 v5, v4  }
0x6a: {  	v5 =	vadd.s32 v16, v7;
	v3 =	vadd.s32 v57, v3;
	[tilespmem:$0x7720] =	vst v1;
	v2 =	vshll.u32 v2, $0x1  }
0x6b: {  	v1 =	vadd.s32 v60, v5;
	[tilespmem:$0x7730] =	vst v3;
	v3 =	vshll.u32 v63, $0x1;
	v2 =	vadd.s32 v2, v20  }
0x6c: {  	[tilespmem:$0x7740] =	vst v1;
	v1 =	vadd.s32 v15, v2;
	v2 =	vadd.s32 v3, v21  }
0x6d: {  	[tilespmem:$0x7750] =	vst v1;
	v1 =	vadd.s32 v18, v2  }
0x6e: {  	s12 =	simm.s32 $0x7720;
	[tilespmem:$0x7760] =	vst v1  }
0x6f: {  	[tilespmem:s31], [sflag:$0x1] =	stream.indirect.gather [spmem:s2], $0x80, s12, s30, $0xb8;
	[tilespmem:$0x1FE00] =	vst v63  }
0x70: {  	v1 =	vld [tilespmem:$0xF0]  }
0x71: {  	v2 =	vld [tilespmem:$0x2870]  }
0x72: {  	v3 =	vld [tilespmem:$0x4FF0]  }
0x73: {  	v22 =	vld [tilespmem:$0x100]  }
0x74: {  	v23 =	vld [tilespmem:$0x2880]  }
0x75: {  	v25 =	vld [tilespmem:$0x110]  }
0x76: {  	v26 =	vld [tilespmem:$0x2890]  }
0x77: {  	v28 =	vld [tilespmem:$0x120]  }
0x78: {  	v29 =	vld [tilespmem:$0x130];
	v1 =	vmul.u32 $0xC, v1  }
0x79: {  	v24 =	vld [tilespmem:$0x5000]  }
0x7a: {  	v27 =	vld [tilespmem:$0x5010];
	v2 =	vshll.u32 v2, $0x1;
	v1 =	vadd.s32 v0, v1  }
0x7b: {  	v1 =	vadd.s32 v2, v1;
	v2 =	vld [tilespmem:$0x28A0]  }
0x7c: {  	v30 =	vld [tilespmem:$0x28B0];
	v4 =	vmul.u32 $0xC, v22;
	v7 =	vmul.u32 $0xC, v25;
	v33 =	vmul.u32 $0xC, v28  }
0x7d: {  	v31 =	vld [tilespmem:$0x5020];
	v5 =	vshll.u32 v23, $0x1;
	v32 =	vshll.u32 v26, $0x1;
	v35 =	vmul.u32 $0xC, v29  }
0x7e: {  	v34 =	vld [tilespmem:$0x5030];
	v4 =	vadd.s32 v0, v4;
	v7 =	vadd.s32 v0, v7;
	v36 =	vadd.s32 v0, v33  }
0x7f: {  	v37 =	vadd.s32 v0, v35;
	v1 =	vadd.s32 v3, v1;
	v3 =	vadd.s32 v5, v4  }
0x80: {  	v5 =	vadd.s32 v32, v7;
	v3 =	vadd.s32 v24, v3;
	[tilespmem:$0x7770] =	vst v1;
	v2 =	vshll.u32 v2, $0x1  }
0x81: {  	v1 =	vadd.s32 v27, v5;
	[tilespmem:$0x7780] =	vst v3;
	v3 =	vshll.u32 v30, $0x1;
	v2 =	vadd.s32 v2, v36  }
0x82: {  	[tilespmem:$0x7790] =	vst v1;
	v1 =	vadd.s32 v31, v2;
	v2 =	vadd.s32 v3, v37  }
0x83: {  	[tilespmem:$0x77A0] =	vst v1;
	v1 =	vadd.s32 v34, v2  }
0x84: {  	s13 =	simm.s32 $0x7770;
	[tilespmem:$0x77B0] =	vst v1  }
0x85: {  	[tilespmem:s26], [sflag:$0x1] =	stream.indirect.gather [spmem:s2], $0x80, s13, s30, $0xb8;
	[tilespmem:$0x1FE00] =	vst v63  }
0x86: {  	v1 =	vld [tilespmem:$0x140]  }
0x87: {  	v2 =	vld [tilespmem:$0x28C0]  }
0x88: {  	v3 =	vld [tilespmem:$0x5040]  }
0x89: {  	v38 =	vld [tilespmem:$0x150]  }
0x8a: {  	v39 =	vld [tilespmem:$0x28D0]  }
0x8b: {  	v41 =	vld [tilespmem:$0x160]  }
0x8c: {  	v42 =	vld [tilespmem:$0x28E0]  }
0x8d: {  	v44 =	vld [tilespmem:$0x170]  }
0x8e: {  	v45 =	vld [tilespmem:$0x180];
	v1 =	vmul.u32 $0xC, v1  }
0x8f: {  	v40 =	vld [tilespmem:$0x5050]  }
0x90: {  	v43 =	vld [tilespmem:$0x5060];
	v2 =	vshll.u32 v2, $0x1;
	v1 =	vadd.s32 v0, v1  }
0x91: {  	v1 =	vadd.s32 v2, v1;
	v2 =	vld [tilespmem:$0x28F0]  }
0x92: {  	v46 =	vld [tilespmem:$0x2900];
	v4 =	vmul.u32 $0xC, v38;
	v7 =	vmul.u32 $0xC, v41;
	v49 =	vmul.u32 $0xC, v44  }
0x93: {  	v47 =	vld [tilespmem:$0x5070];
	v5 =	vshll.u32 v39, $0x1;
	v48 =	vshll.u32 v42, $0x1;
	v51 =	vmul.u32 $0xC, v45  }
0x94: {  	v50 =	vld [tilespmem:$0x5080];
	v4 =	vadd.s32 v0, v4;
	v7 =	vadd.s32 v0, v7;
	v52 =	vadd.s32 v0, v49  }
0x95: {  	v53 =	vadd.s32 v0, v51;
	v1 =	vadd.s32 v3, v1;
	v3 =	vadd.s32 v5, v4  }
0x96: {  	v5 =	vadd.s32 v48, v7;
	v3 =	vadd.s32 v40, v3;
	[tilespmem:$0x77C0] =	vst v1;
	v2 =	vshll.u32 v2, $0x1  }
0x97: {  	v1 =	vadd.s32 v43, v5;
	[tilespmem:$0x77D0] =	vst v3;
	v3 =	vshll.u32 v46, $0x1;
	v2 =	vadd.s32 v2, v52  }
0x98: {  	[tilespmem:$0x77E0] =	vst v1;
	v1 =	vadd.s32 v47, v2;
	v2 =	vadd.s32 v3, v53  }
0x99: {  	[tilespmem:$0x77F0] =	vst v1;
	v1 =	vadd.s32 v50, v2  }
0x9a: {  	s23 =	simm.s32 $0x77C0;
	[tilespmem:$0x7800] =	vst v1  }
0x9b: {  	[tilespmem:s0], [sflag:$0x1] =	stream.indirect.gather [spmem:s2], $0x80, s23, s30, $0xb8;
	[tilespmem:$0x1FE00] =	vst v63  }
0x9c: {  	_ =	swait.ge [sflag:s29], $0x2800  }
0x9d: {  	[sflag:s29] =	ssyncset.done $0x0  }
0x9e: {  	s12 =	rddreg [dreg:$0x8];
	[sflag:s29] =	ssyncadd.s32 $0xFFFFD800  }
0x9f: {  	[hbm4b:s12+s3] =	stream.linear.scatter [tilespmem:s1], [sflag:$0x2], $0x2800, $0x38;
	[tilespmem:$0x1FE00] =	vst v63  }
0xa0: {  	v1 =	vld [tilespmem:$0x190]  }
0xa1: {  	v2 =	vld [tilespmem:$0x2910]  }
0xa2: {  	v3 =	vld [tilespmem:$0x5090]  }
0xa3: {  	v54 =	vld [tilespmem:$0x1A0]  }
0xa4: {  	v55 =	vld [tilespmem:$0x2920]  }
0xa5: {  	v57 =	vld [tilespmem:$0x1B0]  }
0xa6: {  	v58 =	vld [tilespmem:$0x2930]  }
0xa7: {  	v60 =	vld [tilespmem:$0x1C0]  }
0xa8: {  	v61 =	vld [tilespmem:$0x1D0];
	v1 =	vmul.u32 $0xC, v1  }
0xa9: {  	v56 =	vld [tilespmem:$0x50A0]  }
0xaa: {  	v59 =	vld [tilespmem:$0x50B0];
	v2 =	vshll.u32 v2, $0x1;
	v1 =	vadd.s32 v0, v1  }
0xab: {  	v1 =	vadd.s32 v2, v1;
	v2 =	vld [tilespmem:$0x2940]  }
0xac: {  	v62 =	vld [tilespmem:$0x2950];
	v4 =	vmul.u32 $0xC, v54;
	v7 =	vmul.u32 $0xC, v57;
	v14 =	vmul.u32 $0xC, v60  }
0xad: {  	v63 =	vld [tilespmem:$0x50C0];
	v5 =	vshll.u32 v55, $0x1;
	v13 =	vshll.u32 v58, $0x1;
	v16 =	vmul.u32 $0xC, v61  }
0xae: {  	v15 =	vld [tilespmem:$0x50D0];
	v4 =	vadd.s32 v0, v4;
	v7 =	vadd.s32 v0, v7;
	v17 =	vadd.s32 v0, v14  }
0xaf: {  	v18 =	vadd.s32 v0, v16;
	v1 =	vadd.s32 v3, v1;
	v3 =	vadd.s32 v5, v4  }
0xb0: {  	v5 =	vadd.s32 v13, v7;
	v3 =	vadd.s32 v56, v3;
	[tilespmem:$0x7810] =	vst v1;
	v2 =	vshll.u32 v2, $0x1  }
0xb1: {  	v1 =	vadd.s32 v59, v5;
	[tilespmem:$0x7820] =	vst v3;
	v3 =	vshll.u32 v62, $0x1;
	v2 =	vadd.s32 v2, v17  }
0xb2: {  	[tilespmem:$0x7830] =	vst v1;
	v1 =	vadd.s32 v63, v2;
	v2 =	vadd.s32 v3, v18  }
0xb3: {  	[tilespmem:$0x7840] =	vst v1;
	v1 =	vadd.s32 v15, v2  }
0xb4: {  	s13 =	simm.s32 $0x7810;
	[tilespmem:$0x7850] =	vst v1  }
0xb5: {  	[tilespmem:s5], [sflag:$0x1] =	stream.indirect.gather [spmem:s2], $0x80, s13, s30, $0xb8;
	[tilespmem:$0x1FE00] =	vst v63  }
0xb6: {  	_ =	swait.ge [sflag:s29], $0x2800  }
0xb7: {  	[sflag:s29] =	ssyncset.done $0x0  }
0xb8: {  	s23 =	rddreg [dreg:$0x9];
	[sflag:s29] =	ssyncadd.s32 $0xFFFFD800  }
0xb9: {  	[hbm4b:s23+s3] =	stream.linear.scatter [tilespmem:s25], [sflag:$0x2], $0x2800, $0x38;
	[tilespmem:$0x1FE00] =	vst v63  }
0xba: {  	v1 =	vld [tilespmem:$0x1E0]  }
0xbb: {  	v2 =	vld [tilespmem:$0x2960]  }
0xbc: {  	v3 =	vld [tilespmem:$0x50E0]  }
0xbd: {  	v19 =	vld [tilespmem:$0x1F0]  }
0xbe: {  	v20 =	vld [tilespmem:$0x2970]  }
0xbf: {  	v22 =	vld [tilespmem:$0x200]  }
0xc0: {  	v23 =	vld [tilespmem:$0x2980]  }
0xc1: {  	v25 =	vld [tilespmem:$0x210]  }
0xc2: {  	v26 =	vld [tilespmem:$0x220];
	v1 =	vmul.u32 $0xC, v1  }
0xc3: {  	v21 =	vld [tilespmem:$0x50F0]  }
0xc4: {  	v24 =	vld [tilespmem:$0x5100];
	v2 =	vshll.u32 v2, $0x1;
	v1 =	vadd.s32 v0, v1  }
0xc5: {  	v1 =	vadd.s32 v2, v1;
	v2 =	vld [tilespmem:$0x2990]  }
0xc6: {  	v27 =	vld [tilespmem:$0x29A0];
	v4 =	vmul.u32 $0xC, v19;
	v7 =	vmul.u32 $0xC, v22;
	v30 =	vmul.u32 $0xC, v25  }
0xc7: {  	v28 =	vld [tilespmem:$0x5110];
	v5 =	vshll.u32 v20, $0x1;
	v29 =	vshll.u32 v23, $0x1;
	v32 =	vmul.u32 $0xC, v26  }
0xc8: {  	v31 =	vld [tilespmem:$0x5120];
	v4 =	vadd.s32 v0, v4;
	v7 =	vadd.s32 v0, v7;
	v33 =	vadd.s32 v0, v30  }
0xc9: {  	v34 =	vadd.s32 v0, v32;
	v1 =	vadd.s32 v3, v1;
	v3 =	vadd.s32 v5, v4  }
0xca: {  	v5 =	vadd.s32 v29, v7;
	v3 =	vadd.s32 v21, v3;
	[tilespmem:$0x7860] =	vst v1;
	v2 =	vshll.u32 v2, $0x1  }
0xcb: {  	v1 =	vadd.s32 v24, v5;
	[tilespmem:$0x7870] =	vst v3;
	v3 =	vshll.u32 v27, $0x1;
	v2 =	vadd.s32 v2, v33  }
0xcc: {  	[tilespmem:$0x7880] =	vst v1;
	v1 =	vadd.s32 v28, v2;
	v2 =	vadd.s32 v3, v34  }
0xcd: {  	[tilespmem:$0x7890] =	vst v1;
	v1 =	vadd.s32 v31, v2  }
0xce: {  	s12 =	simm.s32 $0x7860;
	[tilespmem:$0x78A0] =	vst v1  }
0xcf: {  	[tilespmem:s6], [sflag:$0x1] =	stream.indirect.gather [spmem:s2], $0x80, s12, s30, $0xb8;
	[tilespmem:$0x1FE00] =	vst v63  }
0xd0: {  	_ =	swait.ge [sflag:s29], $0x2800  }
0xd1: {  	[sflag:s29] =	ssyncset.done $0x0  }
0xd2: {  	s13 =	rddreg [dreg:$0xa];
	[sflag:s29] =	ssyncadd.s32 $0xFFFFD800  }
0xd3: {  	[hbm4b:s13+s3] =	stream.linear.scatter [tilespmem:s31], [sflag:$0x2], $0x2800, $0x38;
	[tilespmem:$0x1FE00] =	vst v63  }
0xd4: {  	v1 =	vld [tilespmem:$0x230]  }
0xd5: {  	v2 =	vld [tilespmem:$0x29B0]  }
0xd6: {  	v3 =	vld [tilespmem:$0x5130]  }
0xd7: {  	v35 =	vld [tilespmem:$0x240]  }
0xd8: {  	v36 =	vld [tilespmem:$0x29C0]  }
0xd9: {  	v38 =	vld [tilespmem:$0x250]  }
0xda: {  	v39 =	vld [tilespmem:$0x29D0]  }
0xdb: {  	v41 =	vld [tilespmem:$0x260]  }
0xdc: {  	v42 =	vld [tilespmem:$0x270];
	v1 =	vmul.u32 $0xC, v1  }
0xdd: {  	v37 =	vld [tilespmem:$0x5140]  }
0xde: {  	v40 =	vld [tilespmem:$0x5150];
	v2 =	vshll.u32 v2, $0x1;
	v1 =	vadd.s32 v0, v1  }
0xdf: {  	v1 =	vadd.s32 v2, v1;
	v2 =	vld [tilespmem:$0x29E0]  }
0xe0: {  	v43 =	vld [tilespmem:$0x29F0];
	v4 =	vmul.u32 $0xC, v35;
	v7 =	vmul.u32 $0xC, v38;
	v46 =	vmul.u32 $0xC, v41  }
0xe1: {  	v44 =	vld [tilespmem:$0x5160];
	v5 =	vshll.u32 v36, $0x1;
	v45 =	vshll.u32 v39, $0x1;
	v48 =	vmul.u32 $0xC, v42  }
0xe2: {  	v47 =	vld [tilespmem:$0x5170];
	v4 =	vadd.s32 v0, v4;
	v7 =	vadd.s32 v0, v7;
	v49 =	vadd.s32 v0, v46  }
0xe3: {  	v50 =	vadd.s32 v0, v48;
	v1 =	vadd.s32 v3, v1;
	v3 =	vadd.s32 v5, v4  }
0xe4: {  	v5 =	vadd.s32 v45, v7;
	v3 =	vadd.s32 v37, v3;
	[tilespmem:$0x78B0] =	vst v1;
	v2 =	vshll.u32 v2, $0x1  }
0xe5: {  	v1 =	vadd.s32 v40, v5;
	[tilespmem:$0x78C0] =	vst v3;
	v3 =	vshll.u32 v43, $0x1;
	v2 =	vadd.s32 v2, v49  }
0xe6: {  	[tilespmem:$0x78D0] =	vst v1;
	v1 =	vadd.s32 v44, v2;
	v2 =	vadd.s32 v3, v50  }
0xe7: {  	[tilespmem:$0x78E0] =	vst v1;
	v1 =	vadd.s32 v47, v2  }
0xe8: {  	s23 =	simm.s32 $0x78B0;
	[tilespmem:$0x78F0] =	vst v1  }
0xe9: {  	[tilespmem:s7], [sflag:$0x1] =	stream.indirect.gather [spmem:s2], $0x80, s23, s30, $0xb8;
	[tilespmem:$0x1FE00] =	vst v63  }
0xea: {  	_ =	swait.ge [sflag:s29], $0x2800  }
0xeb: {  	[sflag:s29] =	ssyncset.done $0x0  }
0xec: {  	s12 =	rddreg [dreg:$0xb];
	[sflag:s29] =	ssyncadd.s32 $0xFFFFD800  }
0xed: {  	[hbm4b:s12+s3] =	stream.linear.scatter [tilespmem:s26], [sflag:$0x2], $0x2800, $0x38;
	[tilespmem:$0x1FE00] =	vst v63  }
0xee: {  	_ =	swait.ge [sflag:s8], $0x2800  }
0xef: {  	[sflag:s8] =	ssyncset.done $0x0  }
0xf0: {  	[sflag:s8] =	ssyncadd.s32 $0xFFFFD800  }
0xf1: {  	v1 =	vld [tilespmem:$0x280]  }
0xf2: {  	v2 =	vld [tilespmem:$0x2A00]  }
0xf3: {  	v3 =	vld [tilespmem:$0x5180]  }
0xf4: {  	v51 =	vld [tilespmem:$0x290]  }
0xf5: {  	v52 =	vld [tilespmem:$0x2A10]  }
0xf6: {  	v54 =	vld [tilespmem:$0x2A0]  }
0xf7: {  	v55 =	vld [tilespmem:$0x2A20]  }
0xf8: {  	v57 =	vld [tilespmem:$0x2B0]  }
0xf9: {  	v58 =	vld [tilespmem:$0x2C0];
	v1 =	vmul.u32 $0xC, v1  }
0xfa: {  	v53 =	vld [tilespmem:$0x5190]  }
0xfb: {  	v56 =	vld [tilespmem:$0x51A0];
	v2 =	vshll.u32 v2, $0x1;
	v1 =	vadd.s32 v0, v1  }
0xfc: {  	v1 =	vadd.s32 v2, v1;
	v2 =	vld [tilespmem:$0x2A30]  }
0xfd: {  	v59 =	vld [tilespmem:$0x2A40];
	v4 =	vmul.u32 $0xC, v51;
	v7 =	vmul.u32 $0xC, v54;
	v62 =	vmul.u32 $0xC, v57  }
0xfe: {  	v60 =	vld [tilespmem:$0x51B0];
	v5 =	vshll.u32 v52, $0x1;
	v61 =	vshll.u32 v55, $0x1;
	v13 =	vmul.u32 $0xC, v58  }
0xff: {  	v63 =	vld [tilespmem:$0x51C0];
	v4 =	vadd.s32 v0, v4;
	v7 =	vadd.s32 v0, v7;
	v14 =	vadd.s32 v0, v62  }
0x100: {  	v15 =	vadd.s32 v0, v13;
	v1 =	vadd.s32 v3, v1;
	v3 =	vadd.s32 v5, v4  }
0x101: {  	v5 =	vadd.s32 v61, v7;
	v3 =	vadd.s32 v53, v3;
	[tilespmem:$0x7900] =	vst v1;
	v2 =	vshll.u32 v2, $0x1  }
0x102: {  	v1 =	vadd.s32 v56, v5;
	[tilespmem:$0x7910] =	vst v3;
	v3 =	vshll.u32 v59, $0x1;
	v2 =	vadd.s32 v2, v14  }
0x103: {  	[tilespmem:$0x7920] =	vst v1;
	v1 =	vadd.s32 v60, v2;
	v2 =	vadd.s32 v3, v15  }
0x104: {  	[tilespmem:$0x7930] =	vst v1;
	v1 =	vadd.s32 v63, v2  }
0x105: {  	s13 =	simm.s32 $0x7900;
	[tilespmem:$0x7940] =	vst v1  }
0x106: {  	[tilespmem:s1], [sflag:$0x1] =	stream.indirect.gather [spmem:s2], $0x80, s13, s30, $0xb8;
	[tilespmem:$0x1FE00] =	vst v63  }
0x107: {  	_ =	swait.ge [sflag:s29], $0x2800  }
0x108: {  	[sflag:s29] =	ssyncset.done $0x0  }
0x109: {  	s23 =	rddreg [dreg:$0xc];
	[sflag:s29] =	ssyncadd.s32 $0xFFFFD800  }
0x10a: {  	[hbm4b:s23+s3] =	stream.linear.scatter [tilespmem:s0], [sflag:$0x2], $0x2800, $0x38;
	[tilespmem:$0x1FE00] =	vst v63  }
0x10b: {  	_ =	swait.ge [sflag:s8], $0x2800  }
0x10c: {  	[sflag:s8] =	ssyncset.done $0x0  }
0x10d: {  	[sflag:s8] =	ssyncadd.s32 $0xFFFFD800  }
0x10e: {  	v1 =	vld [tilespmem:$0x2D0]  }
0x10f: {  	v2 =	vld [tilespmem:$0x2A50]  }
0x110: {  	v3 =	vld [tilespmem:$0x51D0]  }
0x111: {  	v16 =	vld [tilespmem:$0x2E0]  }
0x112: {  	v17 =	vld [tilespmem:$0x2A60]  }
0x113: {  	v19 =	vld [tilespmem:$0x2F0]  }
0x114: {  	v20 =	vld [tilespmem:$0x2A70]  }
0x115: {  	v22 =	vld [tilespmem:$0x300]  }
0x116: {  	v23 =	vld [tilespmem:$0x310];
	v1 =	vmul.u32 $0xC, v1  }
0x117: {  	v18 =	vld [tilespmem:$0x51E0]  }
0x118: {  	v21 =	vld [tilespmem:$0x51F0];
	v2 =	vshll.u32 v2, $0x1;
	v1 =	vadd.s32 v0, v1  }
0x119: {  	v1 =	vadd.s32 v2, v1;
	v2 =	vld [tilespmem:$0x2A80]  }
0x11a: {  	v24 =	vld [tilespmem:$0x2A90];
	v4 =	vmul.u32 $0xC, v16;
	v7 =	vmul.u32 $0xC, v19;
	v27 =	vmul.u32 $0xC, v22  }
0x11b: {  	v25 =	vld [tilespmem:$0x5200];
	v5 =	vshll.u32 v17, $0x1;
	v26 =	vshll.u32 v20, $0x1;
	v29 =	vmul.u32 $0xC, v23  }
0x11c: {  	v28 =	vld [tilespmem:$0x5210];
	v4 =	vadd.s32 v0, v4;
	v7 =	vadd.s32 v0, v7;
	v30 =	vadd.s32 v0, v27  }
0x11d: {  	v31 =	vadd.s32 v0, v29;
	v1 =	vadd.s32 v3, v1;
	v3 =	vadd.s32 v5, v4  }
0x11e: {  	v5 =	vadd.s32 v26, v7;
	v3 =	vadd.s32 v18, v3;
	[tilespmem:$0x7950] =	vst v1;
	v2 =	vshll.u32 v2, $0x1  }
0x11f: {  	v1 =	vadd.s32 v21, v5;
	[tilespmem:$0x7960] =	vst v3;
	v3 =	vshll.u32 v24, $0x1;
	v2 =	vadd.s32 v2, v30  }
0x120: {  	[tilespmem:$0x7970] =	vst v1;
	v1 =	vadd.s32 v25, v2;
	v2 =	vadd.s32 v3, v31  }
0x121: {  	[tilespmem:$0x7980] =	vst v1;
	v1 =	vadd.s32 v28, v2  }
0x122: {  	s12 =	simm.s32 $0x7950;
	[tilespmem:$0x7990] =	vst v1  }
0x123: {  	[tilespmem:s25], [sflag:$0x1] =	stream.indirect.gather [spmem:s2], $0x80, s12, s30, $0xb8;
	[tilespmem:$0x1FE00] =	vst v63  }
0x124: {  	_ =	swait.ge [sflag:s29], $0x2800  }
0x125: {  	[sflag:s29] =	ssyncset.done $0x0  }
0x126: {  	[sflag:s29] =	ssyncadd.s32 $0xFFFFD800  }
0x127: {  	[hbm4b:s14+s3] =	stream.linear.scatter [tilespmem:s5], [sflag:$0x2], $0x2800, $0x38;
	[tilespmem:$0x1FE00] =	vst v63  }
0x128: {  	_ =	swait.ge [sflag:s8], $0x2800  }
0x129: {  	[sflag:s8] =	ssyncset.done $0x0  }
0x12a: {  	[sflag:s8] =	ssyncadd.s32 $0xFFFFD800  }
0x12b: {  	v1 =	vld [tilespmem:$0x320]  }
0x12c: {  	v2 =	vld [tilespmem:$0x2AA0]  }
0x12d: {  	v3 =	vld [tilespmem:$0x5220]  }
0x12e: {  	v32 =	vld [tilespmem:$0x330]  }
0x12f: {  	v33 =	vld [tilespmem:$0x2AB0]  }
0x130: {  	v35 =	vld [tilespmem:$0x340]  }
0x131: {  	v36 =	vld [tilespmem:$0x2AC0]  }
0x132: {  	v38 =	vld [tilespmem:$0x350]  }
0x133: {  	v39 =	vld [tilespmem:$0x360];
	v1 =	vmul.u32 $0xC, v1  }
0x134: {  	v34 =	vld [tilespmem:$0x5230]  }
0x135: {  	v37 =	vld [tilespmem:$0x5240];
	v2 =	vshll.u32 v2, $0x1;
	v1 =	vadd.s32 v0, v1  }
0x136: {  	v1 =	vadd.s32 v2, v1;
	v2 =	vld [tilespmem:$0x2AD0]  }
0x137: {  	v40 =	vld [tilespmem:$0x2AE0];
	v4 =	vmul.u32 $0xC, v32;
	v7 =	vmul.u32 $0xC, v35;
	v43 =	vmul.u32 $0xC, v38  }
0x138: {  	v41 =	vld [tilespmem:$0x5250];
	v5 =	vshll.u32 v33, $0x1;
	v42 =	vshll.u32 v36, $0x1;
	v45 =	vmul.u32 $0xC, v39  }
0x139: {  	v44 =	vld [tilespmem:$0x5260];
	v4 =	vadd.s32 v0, v4;
	v7 =	vadd.s32 v0, v7;
	v46 =	vadd.s32 v0, v43  }
0x13a: {  	v47 =	vadd.s32 v0, v45;
	v1 =	vadd.s32 v3, v1;
	v3 =	vadd.s32 v5, v4  }
0x13b: {  	v5 =	vadd.s32 v42, v7;
	v3 =	vadd.s32 v34, v3;
	[tilespmem:$0x79A0] =	vst v1;
	v2 =	vshll.u32 v2, $0x1  }
0x13c: {  	v1 =	vadd.s32 v37, v5;
	[tilespmem:$0x79B0] =	vst v3;
	v3 =	vshll.u32 v40, $0x1;
	v2 =	vadd.s32 v2, v46  }
0x13d: {  	[tilespmem:$0x79C0] =	vst v1;
	v1 =	vadd.s32 v41, v2;
	v2 =	vadd.s32 v3, v47  }
0x13e: {  	[tilespmem:$0x79D0] =	vst v1;
	v1 =	vadd.s32 v44, v2  }
0x13f: {  	s13 =	simm.s32 $0x79A0;
	[tilespmem:$0x79E0] =	vst v1  }
0x140: {  	[tilespmem:s31], [sflag:$0x1] =	stream.indirect.gather [spmem:s2], $0x80, s13, s30, $0xb8;
	[tilespmem:$0x1FE00] =	vst v63  }
0x141: {  	_ =	swait.ge [sflag:s29], $0x2800  }
0x142: {  	[sflag:s29] =	ssyncset.done $0x0  }
0x143: {  	[sflag:s29] =	ssyncadd.s32 $0xFFFFD800  }
0x144: {  	[hbm4b:s15+s3] =	stream.linear.scatter [tilespmem:s6], [sflag:$0x2], $0x2800, $0x38;
	[tilespmem:$0x1FE00] =	vst v63  }
0x145: {  	_ =	swait.ge [sflag:s8], $0x2800  }
0x146: {  	[sflag:s8] =	ssyncset.done $0x0  }
0x147: {  	[sflag:s8] =	ssyncadd.s32 $0xFFFFD800  }
0x148: {  	v1 =	vld [tilespmem:$0x370]  }
0x149: {  	v2 =	vld [tilespmem:$0x2AF0]  }
0x14a: {  	v3 =	vld [tilespmem:$0x5270]  }
0x14b: {  	v48 =	vld [tilespmem:$0x380]  }
0x14c: {  	v49 =	vld [tilespmem:$0x2B00]  }
0x14d: {  	v51 =	vld [tilespmem:$0x390]  }
0x14e: {  	v52 =	vld [tilespmem:$0x2B10]  }
0x14f: {  	v54 =	vld [tilespmem:$0x3A0]  }
0x150: {  	v55 =	vld [tilespmem:$0x3B0];
	v1 =	vmul.u32 $0xC, v1  }
0x151: {  	v50 =	vld [tilespmem:$0x5280]  }
0x152: {  	v53 =	vld [tilespmem:$0x5290];
	v2 =	vshll.u32 v2, $0x1;
	v1 =	vadd.s32 v0, v1  }
0x153: {  	v1 =	vadd.s32 v2, v1;
	v2 =	vld [tilespmem:$0x2B20]  }
0x154: {  	v56 =	vld [tilespmem:$0x2B30];
	v4 =	vmul.u32 $0xC, v48;
	v7 =	vmul.u32 $0xC, v51;
	v59 =	vmul.u32 $0xC, v54  }
0x155: {  	v57 =	vld [tilespmem:$0x52A0];
	v5 =	vshll.u32 v49, $0x1;
	v58 =	vshll.u32 v52, $0x1;
	v61 =	vmul.u32 $0xC, v55  }
0x156: {  	v60 =	vld [tilespmem:$0x52B0];
	v4 =	vadd.s32 v0, v4;
	v7 =	vadd.s32 v0, v7;
	v62 =	vadd.s32 v0, v59  }
0x157: {  	v63 =	vadd.s32 v0, v61;
	v1 =	vadd.s32 v3, v1;
	v3 =	vadd.s32 v5, v4  }
0x158: {  	v5 =	vadd.s32 v58, v7;
	v3 =	vadd.s32 v50, v3;
	[tilespmem:$0x79F0] =	vst v1;
	v2 =	vshll.u32 v2, $0x1  }
0x159: {  	v1 =	vadd.s32 v53, v5;
	[tilespmem:$0x7A00] =	vst v3;
	v3 =	vshll.u32 v56, $0x1;
	v2 =	vadd.s32 v2, v62  }
0x15a: {  	[tilespmem:$0x7A10] =	vst v1;
	v1 =	vadd.s32 v57, v2;
	v2 =	vadd.s32 v3, v63  }
0x15b: {  	[tilespmem:$0x7A20] =	vst v1;
	v1 =	vadd.s32 v60, v2  }
0x15c: {  	s23 =	simm.s32 $0x79F0;
	[tilespmem:$0x7A30] =	vst v1  }
0x15d: {  	[tilespmem:s26], [sflag:$0x1] =	stream.indirect.gather [spmem:s2], $0x80, s23, s30, $0xb8;
	[tilespmem:$0x1FE00] =	vst v63  }
0x15e: {  	_ =	swait.ge [sflag:s29], $0x2800  }
0x15f: {  	[sflag:s29] =	ssyncset.done $0x0  }
0x160: {  	s11 =	simm.s32 $0x0;
	s23 =	smov.u32 s10;
	[sflag:s29] =	ssyncadd.s32 $0xFFFFD800  }
0x161: {  	[hbm4b:s16+s3] =	stream.linear.scatter [tilespmem:s7], [sflag:$0x2], $0x2800, $0x38;
	[tilespmem:$0x1FE00] =	vst v63  }
.LBB2_2:
0x162: {  	_ =	swait.ge [sflag:s8], $0x2800  }
0x163: {  	[sflag:s8] =	ssyncset.done $0x0  }
0x164: {  	s12 =	sshra.s32 s11, $0x2;
	[sflag:s8] =	ssyncadd.s32 $0xFFFFD800  }
0x165: {  	v1 =	vld [tilespmem:s12+$0x3C0]  }
0x166: {  	v2 =	vld [tilespmem:s12+$0x2B40]  }
0x167: {  	v3 =	vld [tilespmem:s12+$0x52C0]  }
0x168: {  	v4 =	vld [tilespmem:s12+$0x3D0]  }
0x169: {  	v5 =	vld [tilespmem:s12+$0x2B50]  }
0x16a: {  	v7 =	vld [tilespmem:s12+$0x3E0]  }
0x16b: {  	v8 =	vld [tilespmem:s12+$0x2B60]  }
0x16c: {  	v10 =	vld [tilespmem:s12+$0x3F0]  }
0x16d: {  	v11 =	vld [tilespmem:s12+$0x400];
	v1 =	vmul.u32 $0xC, v1  }
0x16e: {  	v6 =	vld [tilespmem:s12+$0x52D0]  }
0x16f: {  	v9 =	vld [tilespmem:s12+$0x52E0];
	v2 =	vshll.u32 v2, $0x1;
	v1 =	vadd.s32 v0, v1  }
0x170: {  	v1 =	vadd.s32 v2, v1;
	v2 =	vld [tilespmem:s12+$0x2B70]  }
0x171: {  	v12 =	vld [tilespmem:s12+$0x2B80];
	v4 =	vmul.u32 $0xC, v4;
	v7 =	vmul.u32 $0xC, v7;
	v49 =	vmul.u32 $0xC, v10  }
0x172: {  	v47 =	vld [tilespmem:s12+$0x52F0];
	v5 =	vshll.u32 v5, $0x1;
	v48 =	vshll.u32 v8, $0x1;
	v51 =	vmul.u32 $0xC, v11  }
0x173: {  	v50 =	vld [tilespmem:s12+$0x5300];
	v4 =	vadd.s32 v0, v4;
	v7 =	vadd.s32 v0, v7;
	v52 =	vadd.s32 v0, v49  }
0x174: {  	v53 =	vadd.s32 v0, v51;
	v1 =	vadd.s32 v3, v1;
	v3 =	vadd.s32 v5, v4  }
0x175: {  	v5 =	vadd.s32 v48, v7;
	v3 =	vadd.s32 v6, v3;
	[tilespmem:s12+$0x7A40] =	vst v1;
	v2 =	vshll.u32 v2, $0x1  }
0x176: {  	v1 =	vadd.s32 v9, v5;
	[tilespmem:s12+$0x7A50] =	vst v3;
	v3 =	vshll.u32 v12, $0x1;
	v2 =	vadd.s32 v2, v52  }
0x177: {  	[tilespmem:s12+$0x7A60] =	vst v1;
	v1 =	vadd.s32 v47, v2;
	v2 =	vadd.s32 v3, v53  }
0x178: {  	[tilespmem:s12+$0x7A70] =	vst v1;
	v1 =	vadd.s32 v50, v2  }
0x179: {  	s13 =	sadd.s32 $0x7A40, s12;
	[tilespmem:s12+$0x7A80] =	vst v1  }
0x17a: {  	[tilespmem:s0], [sflag:$0x1] =	stream.indirect.gather [spmem:s2], $0x80, s13, s30, $0xb8;
	[tilespmem:$0x1FE00] =	vst v63  }
0x17b: {  	_ =	swait.ge [sflag:s29], $0x2800  }
0x17c: {  	[sflag:s29] =	ssyncset.done $0x0  }
0x17d: {  	s13 =	sadd.s32 $0xFFFFDD00, s23;
	[sflag:s29] =	ssyncadd.s32 $0xFFFFD800  }
0x17e: {  	[hbm4b:s13+s3] =	stream.linear.scatter [tilespmem:s1], [sflag:$0x2], $0x2800, $0x38;
	[tilespmem:$0x1FE00] =	vst v63  }
0x17f: {  	_ =	swait.ge [sflag:s8], $0x2800  }
0x180: {  	[sflag:s8] =	ssyncset.done $0x0  }
0x181: {  	[sflag:s8] =	ssyncadd.s32 $0xFFFFD800  }
0x182: {  	v1 =	vld [tilespmem:s12+$0x410]  }
0x183: {  	v2 =	vld [tilespmem:s12+$0x2B90]  }
0x184: {  	v3 =	vld [tilespmem:s12+$0x5310]  }
0x185: {  	v54 =	vld [tilespmem:s12+$0x420]  }
0x186: {  	v55 =	vld [tilespmem:s12+$0x2BA0]  }
0x187: {  	v57 =	vld [tilespmem:s12+$0x430]  }
0x188: {  	v58 =	vld [tilespmem:s12+$0x2BB0]  }
0x189: {  	v60 =	vld [tilespmem:s12+$0x440]  }
0x18a: {  	v61 =	vld [tilespmem:s12+$0x450];
	v1 =	vmul.u32 $0xC, v1  }
0x18b: {  	v56 =	vld [tilespmem:s12+$0x5320]  }
0x18c: {  	v59 =	vld [tilespmem:s12+$0x5330];
	v2 =	vshll.u32 v2, $0x1;
	v1 =	vadd.s32 v0, v1  }
0x18d: {  	v1 =	vadd.s32 v2, v1;
	v2 =	vld [tilespmem:s12+$0x2BC0]  }
0x18e: {  	v62 =	vld [tilespmem:s12+$0x2BD0];
	v4 =	vmul.u32 $0xC, v54;
	v7 =	vmul.u32 $0xC, v57;
	v14 =	vmul.u32 $0xC, v60  }
0x18f: {  	v63 =	vld [tilespmem:s12+$0x5340];
	v5 =	vshll.u32 v55, $0x1;
	v13 =	vshll.u32 v58, $0x1;
	v16 =	vmul.u32 $0xC, v61  }
0x190: {  	v15 =	vld [tilespmem:s12+$0x5350];
	v4 =	vadd.s32 v0, v4;
	v7 =	vadd.s32 v0, v7;
	v17 =	vadd.s32 v0, v14  }
0x191: {  	v18 =	vadd.s32 v0, v16;
	v1 =	vadd.s32 v3, v1;
	v3 =	vadd.s32 v5, v4  }
0x192: {  	v5 =	vadd.s32 v13, v7;
	v3 =	vadd.s32 v56, v3;
	[tilespmem:s12+$0x7A90] =	vst v1;
	v2 =	vshll.u32 v2, $0x1  }
0x193: {  	v1 =	vadd.s32 v59, v5;
	[tilespmem:s12+$0x7AA0] =	vst v3;
	v3 =	vshll.u32 v62, $0x1;
	v2 =	vadd.s32 v2, v17  }
0x194: {  	[tilespmem:s12+$0x7AB0] =	vst v1;
	v1 =	vadd.s32 v63, v2;
	v2 =	vadd.s32 v3, v18  }
0x195: {  	[tilespmem:s12+$0x7AC0] =	vst v1;
	v1 =	vadd.s32 v15, v2  }
0x196: {  	s13 =	sadd.s32 $0x7A90, s12;
	[tilespmem:s12+$0x7AD0] =	vst v1  }
0x197: {  	[tilespmem:s5], [sflag:$0x1] =	stream.indirect.gather [spmem:s2], $0x80, s13, s30, $0xb8;
	[tilespmem:$0x1FE00] =	vst v63  }
0x198: {  	_ =	swait.ge [sflag:s29], $0x2800  }
0x199: {  	[sflag:s29] =	ssyncset.done $0x0  }
0x19a: {  	s13 =	sadd.s32 $0xFFFFE200, s23;
	[sflag:s29] =	ssyncadd.s32 $0xFFFFD800  }
0x19b: {  	[hbm4b:s13+s3] =	stream.linear.scatter [tilespmem:s25], [sflag:$0x2], $0x2800, $0x38;
	[tilespmem:$0x1FE00] =	vst v63  }
0x19c: {  	_ =	swait.ge [sflag:s8], $0x2800  }
0x19d: {  	[sflag:s8] =	ssyncset.done $0x0  }
0x19e: {  	[sflag:s8] =	ssyncadd.s32 $0xFFFFD800  }
0x19f: {  	v1 =	vld [tilespmem:s12+$0x460]  }
0x1a0: {  	v2 =	vld [tilespmem:s12+$0x2BE0]  }
0x1a1: {  	v3 =	vld [tilespmem:s12+$0x5360]  }
0x1a2: {  	v19 =	vld [tilespmem:s12+$0x470]  }
0x1a3: {  	v20 =	vld [tilespmem:s12+$0x2BF0]  }
0x1a4: {  	v22 =	vld [tilespmem:s12+$0x480]  }
0x1a5: {  	v23 =	vld [tilespmem:s12+$0x2C00]  }
0x1a6: {  	v25 =	vld [tilespmem:s12+$0x490]  }
0x1a7: {  	v26 =	vld [tilespmem:s12+$0x4A0];
	v1 =	vmul.u32 $0xC, v1  }
0x1a8: {  	v21 =	vld [tilespmem:s12+$0x5370]  }
0x1a9: {  	v24 =	vld [tilespmem:s12+$0x5380];
	v2 =	vshll.u32 v2, $0x1;
	v1 =	vadd.s32 v0, v1  }
0x1aa: {  	v1 =	vadd.s32 v2, v1;
	v2 =	vld [tilespmem:s12+$0x2C10]  }
0x1ab: {  	v27 =	vld [tilespmem:s12+$0x2C20];
	v4 =	vmul.u32 $0xC, v19;
	v7 =	vmul.u32 $0xC, v22;
	v30 =	vmul.u32 $0xC, v25  }
0x1ac: {  	v28 =	vld [tilespmem:s12+$0x5390];
	v5 =	vshll.u32 v20, $0x1;
	v29 =	vshll.u32 v23, $0x1;
	v32 =	vmul.u32 $0xC, v26  }
0x1ad: {  	v31 =	vld [tilespmem:s12+$0x53A0];
	v4 =	vadd.s32 v0, v4;
	v7 =	vadd.s32 v0, v7;
	v33 =	vadd.s32 v0, v30  }
0x1ae: {  	v34 =	vadd.s32 v0, v32;
	v1 =	vadd.s32 v3, v1;
	v3 =	vadd.s32 v5, v4  }
0x1af: {  	v5 =	vadd.s32 v29, v7;
	v3 =	vadd.s32 v21, v3;
	[tilespmem:s12+$0x7AE0] =	vst v1;
	v2 =	vshll.u32 v2, $0x1  }
0x1b0: {  	v1 =	vadd.s32 v24, v5;
	[tilespmem:s12+$0x7AF0] =	vst v3;
	v3 =	vshll.u32 v27, $0x1;
	v2 =	vadd.s32 v2, v33  }
0x1b1: {  	[tilespmem:s12+$0x7B00] =	vst v1;
	v1 =	vadd.s32 v28, v2;
	v2 =	vadd.s32 v3, v34  }
0x1b2: {  	[tilespmem:s12+$0x7B10] =	vst v1;
	v1 =	vadd.s32 v31, v2  }
0x1b3: {  	s13 =	sadd.s32 $0x7AE0, s12;
	[tilespmem:s12+$0x7B20] =	vst v1  }
0x1b4: {  	[tilespmem:s6], [sflag:$0x1] =	stream.indirect.gather [spmem:s2], $0x80, s13, s30, $0xb8;
	[tilespmem:$0x1FE00] =	vst v63  }
0x1b5: {  	_ =	swait.ge [sflag:s29], $0x2800  }
0x1b6: {  	[sflag:s29] =	ssyncset.done $0x0  }
0x1b7: {  	s13 =	sadd.s32 $0xFFFFE700, s23;
	[sflag:s29] =	ssyncadd.s32 $0xFFFFD800  }
0x1b8: {  	[hbm4b:s13+s3] =	stream.linear.scatter [tilespmem:s31], [sflag:$0x2], $0x2800, $0x38;
	[tilespmem:$0x1FE00] =	vst v63  }
0x1b9: {  	_ =	swait.ge [sflag:s8], $0x2800  }
0x1ba: {  	[sflag:s8] =	ssyncset.done $0x0  }
0x1bb: {  	[sflag:s8] =	ssyncadd.s32 $0xFFFFD800  }
0x1bc: {  	v1 =	vld [tilespmem:s12+$0x4B0]  }
0x1bd: {  	v2 =	vld [tilespmem:s12+$0x2C30]  }
0x1be: {  	v3 =	vld [tilespmem:s12+$0x53B0]  }
0x1bf: {  	v35 =	vld [tilespmem:s12+$0x4C0]  }
0x1c0: {  	v36 =	vld [tilespmem:s12+$0x2C40]  }
0x1c1: {  	v38 =	vld [tilespmem:s12+$0x4D0]  }
0x1c2: {  	v39 =	vld [tilespmem:s12+$0x2C50]  }
0x1c3: {  	v41 =	vld [tilespmem:s12+$0x4E0]  }
0x1c4: {  	v42 =	vld [tilespmem:s12+$0x4F0];
	v1 =	vmul.u32 $0xC, v1  }
0x1c5: {  	v37 =	vld [tilespmem:s12+$0x53C0]  }
0x1c6: {  	v40 =	vld [tilespmem:s12+$0x53D0];
	v2 =	vshll.u32 v2, $0x1;
	v1 =	vadd.s32 v0, v1  }
0x1c7: {  	v1 =	vadd.s32 v2, v1;
	v2 =	vld [tilespmem:s12+$0x2C60]  }
0x1c8: {  	v43 =	vld [tilespmem:s12+$0x2C70];
	v4 =	vmul.u32 $0xC, v35;
	v7 =	vmul.u32 $0xC, v38;
	v46 =	vmul.u32 $0xC, v41  }
0x1c9: {  	v44 =	vld [tilespmem:s12+$0x53E0];
	v5 =	vshll.u32 v36, $0x1;
	v45 =	vshll.u32 v39, $0x1;
	v48 =	vmul.u32 $0xC, v42  }
0x1ca: {  	v47 =	vld [tilespmem:s12+$0x53F0];
	v4 =	vadd.s32 v0, v4;
	v7 =	vadd.s32 v0, v7;
	v49 =	vadd.s32 v0, v46  }
0x1cb: {  	v50 =	vadd.s32 v0, v48;
	v1 =	vadd.s32 v3, v1;
	v3 =	vadd.s32 v5, v4  }
0x1cc: {  	v5 =	vadd.s32 v45, v7;
	v3 =	vadd.s32 v37, v3;
	[tilespmem:s12+$0x7B30] =	vst v1;
	v2 =	vshll.u32 v2, $0x1  }
0x1cd: {  	v1 =	vadd.s32 v40, v5;
	[tilespmem:s12+$0x7B40] =	vst v3;
	v3 =	vshll.u32 v43, $0x1;
	v2 =	vadd.s32 v2, v49  }
0x1ce: {  	[tilespmem:s12+$0x7B50] =	vst v1;
	v1 =	vadd.s32 v44, v2;
	v2 =	vadd.s32 v3, v50  }
0x1cf: {  	[tilespmem:s12+$0x7B60] =	vst v1;
	v1 =	vadd.s32 v47, v2  }
0x1d0: {  	s13 =	sadd.s32 $0x7B30, s12;
	[tilespmem:s12+$0x7B70] =	vst v1  }
0x1d1: {  	[tilespmem:s7], [sflag:$0x1] =	stream.indirect.gather [spmem:s2], $0x80, s13, s30, $0xb8;
	[tilespmem:$0x1FE00] =	vst v63  }
0x1d2: {  	_ =	swait.ge [sflag:s29], $0x2800  }
0x1d3: {  	[sflag:s29] =	ssyncset.done $0x0  }
0x1d4: {  	s13 =	sadd.s32 $0xFFFFEC00, s23;
	[sflag:s29] =	ssyncadd.s32 $0xFFFFD800  }
0x1d5: {  	[hbm4b:s13+s3] =	stream.linear.scatter [tilespmem:s26], [sflag:$0x2], $0x2800, $0x38;
	[tilespmem:$0x1FE00] =	vst v63  }
0x1d6: {  	_ =	swait.ge [sflag:s8], $0x2800  }
0x1d7: {  	[sflag:s8] =	ssyncset.done $0x0  }
0x1d8: {  	[sflag:s8] =	ssyncadd.s32 $0xFFFFD800  }
0x1d9: {  	v1 =	vld [tilespmem:s12+$0x500]  }
0x1da: {  	v2 =	vld [tilespmem:s12+$0x2C80]  }
0x1db: {  	v3 =	vld [tilespmem:s12+$0x5400]  }
0x1dc: {  	v51 =	vld [tilespmem:s12+$0x510]  }
0x1dd: {  	v52 =	vld [tilespmem:s12+$0x2C90]  }
0x1de: {  	v54 =	vld [tilespmem:s12+$0x520]  }
0x1df: {  	v55 =	vld [tilespmem:s12+$0x2CA0]  }
0x1e0: {  	v57 =	vld [tilespmem:s12+$0x530]  }
0x1e1: {  	v58 =	vld [tilespmem:s12+$0x540];
	v1 =	vmul.u32 $0xC, v1  }
0x1e2: {  	v53 =	vld [tilespmem:s12+$0x5410]  }
0x1e3: {  	v56 =	vld [tilespmem:s12+$0x5420];
	v2 =	vshll.u32 v2, $0x1;
	v1 =	vadd.s32 v0, v1  }
0x1e4: {  	v1 =	vadd.s32 v2, v1;
	v2 =	vld [tilespmem:s12+$0x2CB0]  }
0x1e5: {  	v59 =	vld [tilespmem:s12+$0x2CC0];
	v4 =	vmul.u32 $0xC, v51;
	v7 =	vmul.u32 $0xC, v54;
	v62 =	vmul.u32 $0xC, v57  }
0x1e6: {  	v60 =	vld [tilespmem:s12+$0x5430];
	v5 =	vshll.u32 v52, $0x1;
	v61 =	vshll.u32 v55, $0x1;
	v13 =	vmul.u32 $0xC, v58  }
0x1e7: {  	v63 =	vld [tilespmem:s12+$0x5440];
	v4 =	vadd.s32 v0, v4;
	v7 =	vadd.s32 v0, v7;
	v14 =	vadd.s32 v0, v62  }
0x1e8: {  	v15 =	vadd.s32 v0, v13;
	v1 =	vadd.s32 v3, v1;
	v3 =	vadd.s32 v5, v4  }
0x1e9: {  	v5 =	vadd.s32 v61, v7;
	v3 =	vadd.s32 v53, v3;
	[tilespmem:s12+$0x7B80] =	vst v1;
	v2 =	vshll.u32 v2, $0x1  }
0x1ea: {  	v1 =	vadd.s32 v56, v5;
	[tilespmem:s12+$0x7B90] =	vst v3;
	v3 =	vshll.u32 v59, $0x1;
	v2 =	vadd.s32 v2, v14  }
0x1eb: {  	[tilespmem:s12+$0x7BA0] =	vst v1;
	v1 =	vadd.s32 v60, v2;
	v2 =	vadd.s32 v3, v15  }
0x1ec: {  	[tilespmem:s12+$0x7BB0] =	vst v1;
	v1 =	vadd.s32 v63, v2  }
0x1ed: {  	s13 =	sadd.s32 $0x7B80, s12;
	[tilespmem:s12+$0x7BC0] =	vst v1  }
0x1ee: {  	[tilespmem:s1], [sflag:$0x1] =	stream.indirect.gather [spmem:s2], $0x80, s13, s30, $0xb8;
	[tilespmem:$0x1FE00] =	vst v63  }
0x1ef: {  	_ =	swait.ge [sflag:s29], $0x2800  }
0x1f0: {  	[sflag:s29] =	ssyncset.done $0x0  }
0x1f1: {  	s13 =	sadd.s32 $0xFFFFF100, s23;
	[sflag:s29] =	ssyncadd.s32 $0xFFFFD800  }
0x1f2: {  	[hbm4b:s13+s3] =	stream.linear.scatter [tilespmem:s0], [sflag:$0x2], $0x2800, $0x38;
	[tilespmem:$0x1FE00] =	vst v63  }
0x1f3: {  	_ =	swait.ge [sflag:s8], $0x2800  }
0x1f4: {  	[sflag:s8] =	ssyncset.done $0x0  }
0x1f5: {  	[sflag:s8] =	ssyncadd.s32 $0xFFFFD800  }
0x1f6: {  	v1 =	vld [tilespmem:s12+$0x550]  }
0x1f7: {  	v2 =	vld [tilespmem:s12+$0x2CD0]  }
0x1f8: {  	v3 =	vld [tilespmem:s12+$0x5450]  }
0x1f9: {  	v16 =	vld [tilespmem:s12+$0x560]  }
0x1fa: {  	v17 =	vld [tilespmem:s12+$0x2CE0]  }
0x1fb: {  	v19 =	vld [tilespmem:s12+$0x570]  }
0x1fc: {  	v20 =	vld [tilespmem:s12+$0x2CF0]  }
0x1fd: {  	v22 =	vld [tilespmem:s12+$0x580]  }
0x1fe: {  	v23 =	vld [tilespmem:s12+$0x590];
	v1 =	vmul.u32 $0xC, v1  }
0x1ff: {  	v18 =	vld [tilespmem:s12+$0x5460]  }
0x200: {  	v21 =	vld [tilespmem:s12+$0x5470];
	v2 =	vshll.u32 v2, $0x1;
	v1 =	vadd.s32 v0, v1  }
0x201: {  	v1 =	vadd.s32 v2, v1;
	v2 =	vld [tilespmem:s12+$0x2D00]  }
0x202: {  	v24 =	vld [tilespmem:s12+$0x2D10];
	v4 =	vmul.u32 $0xC, v16;
	v7 =	vmul.u32 $0xC, v19;
	v27 =	vmul.u32 $0xC, v22  }
0x203: {  	v25 =	vld [tilespmem:s12+$0x5480];
	v5 =	vshll.u32 v17, $0x1;
	v26 =	vshll.u32 v20, $0x1;
	v29 =	vmul.u32 $0xC, v23  }
0x204: {  	v28 =	vld [tilespmem:s12+$0x5490];
	v4 =	vadd.s32 v0, v4;
	v7 =	vadd.s32 v0, v7;
	v30 =	vadd.s32 v0, v27  }
0x205: {  	v31 =	vadd.s32 v0, v29;
	v1 =	vadd.s32 v3, v1;
	v3 =	vadd.s32 v5, v4  }
0x206: {  	v5 =	vadd.s32 v26, v7;
	v3 =	vadd.s32 v18, v3;
	[tilespmem:s12+$0x7BD0] =	vst v1;
	v2 =	vshll.u32 v2, $0x1  }
0x207: {  	v1 =	vadd.s32 v21, v5;
	[tilespmem:s12+$0x7BE0] =	vst v3;
	v3 =	vshll.u32 v24, $0x1;
	v2 =	vadd.s32 v2, v30  }
0x208: {  	[tilespmem:s12+$0x7BF0] =	vst v1;
	v1 =	vadd.s32 v25, v2;
	v2 =	vadd.s32 v3, v31  }
0x209: {  	[tilespmem:s12+$0x7C00] =	vst v1;
	v1 =	vadd.s32 v28, v2  }
0x20a: {  	s13 =	sadd.s32 $0x7BD0, s12;
	[tilespmem:s12+$0x7C10] =	vst v1  }
0x20b: {  	[tilespmem:s25], [sflag:$0x1] =	stream.indirect.gather [spmem:s2], $0x80, s13, s30, $0xb8;
	[tilespmem:$0x1FE00] =	vst v63  }
0x20c: {  	_ =	swait.ge [sflag:s29], $0x2800  }
0x20d: {  	[sflag:s29] =	ssyncset.done $0x0  }
0x20e: {  	s13 =	sadd.s32 $0xFFFFF600, s23;
	[sflag:s29] =	ssyncadd.s32 $0xFFFFD800  }
0x20f: {  	[hbm4b:s13+s3] =	stream.linear.scatter [tilespmem:s5], [sflag:$0x2], $0x2800, $0x38;
	[tilespmem:$0x1FE00] =	vst v63  }
0x210: {  	_ =	swait.ge [sflag:s8], $0x2800  }
0x211: {  	[sflag:s8] =	ssyncset.done $0x0  }
0x212: {  	[sflag:s8] =	ssyncadd.s32 $0xFFFFD800  }
0x213: {  	v1 =	vld [tilespmem:s12+$0x5A0]  }
0x214: {  	v2 =	vld [tilespmem:s12+$0x2D20]  }
0x215: {  	v3 =	vld [tilespmem:s12+$0x54A0]  }
0x216: {  	v32 =	vld [tilespmem:s12+$0x5B0]  }
0x217: {  	v33 =	vld [tilespmem:s12+$0x2D30]  }
0x218: {  	v35 =	vld [tilespmem:s12+$0x5C0]  }
0x219: {  	v36 =	vld [tilespmem:s12+$0x2D40]  }
0x21a: {  	v38 =	vld [tilespmem:s12+$0x5D0]  }
0x21b: {  	v39 =	vld [tilespmem:s12+$0x5E0];
	v1 =	vmul.u32 $0xC, v1  }
0x21c: {  	v34 =	vld [tilespmem:s12+$0x54B0]  }
0x21d: {  	v37 =	vld [tilespmem:s12+$0x54C0];
	v2 =	vshll.u32 v2, $0x1;
	v1 =	vadd.s32 v0, v1  }
0x21e: {  	v1 =	vadd.s32 v2, v1;
	v2 =	vld [tilespmem:s12+$0x2D50]  }
0x21f: {  	v40 =	vld [tilespmem:s12+$0x2D60];
	v4 =	vmul.u32 $0xC, v32;
	v7 =	vmul.u32 $0xC, v35;
	v43 =	vmul.u32 $0xC, v38  }
0x220: {  	v41 =	vld [tilespmem:s12+$0x54D0];
	v5 =	vshll.u32 v33, $0x1;
	v42 =	vshll.u32 v36, $0x1;
	v45 =	vmul.u32 $0xC, v39  }
0x221: {  	v44 =	vld [tilespmem:s12+$0x54E0];
	v4 =	vadd.s32 v0, v4;
	v7 =	vadd.s32 v0, v7;
	v46 =	vadd.s32 v0, v43  }
0x222: {  	v47 =	vadd.s32 v0, v45;
	v1 =	vadd.s32 v3, v1;
	v3 =	vadd.s32 v5, v4  }
0x223: {  	v5 =	vadd.s32 v42, v7;
	v3 =	vadd.s32 v34, v3;
	[tilespmem:s12+$0x7C20] =	vst v1;
	v2 =	vshll.u32 v2, $0x1  }
0x224: {  	v1 =	vadd.s32 v37, v5;
	[tilespmem:s12+$0x7C30] =	vst v3;
	v3 =	vshll.u32 v40, $0x1;
	v2 =	vadd.s32 v2, v46  }
0x225: {  	[tilespmem:s12+$0x7C40] =	vst v1;
	v1 =	vadd.s32 v41, v2;
	v2 =	vadd.s32 v3, v47  }
0x226: {  	[tilespmem:s12+$0x7C50] =	vst v1;
	v1 =	vadd.s32 v44, v2  }
0x227: {  	s13 =	sadd.s32 $0x7C20, s12;
	[tilespmem:s12+$0x7C60] =	vst v1  }
0x228: {  	[tilespmem:s31], [sflag:$0x1] =	stream.indirect.gather [spmem:s2], $0x80, s13, s30, $0xb8;
	[tilespmem:$0x1FE00] =	vst v63  }
0x229: {  	_ =	swait.ge [sflag:s29], $0x2800  }
0x22a: {  	[sflag:s29] =	ssyncset.done $0x0  }
0x22b: {  	s13 =	sadd.s32 $0xFFFFFB00, s23;
	[sflag:s29] =	ssyncadd.s32 $0xFFFFD800  }
0x22c: {  	[hbm4b:s13+s3] =	stream.linear.scatter [tilespmem:s6], [sflag:$0x2], $0x2800, $0x38;
	[tilespmem:$0x1FE00] =	vst v63  }
0x22d: {  	_ =	swait.ge [sflag:s8], $0x2800  }
0x22e: {  	[sflag:s8] =	ssyncset.done $0x0  }
0x22f: {  	[sflag:s8] =	ssyncadd.s32 $0xFFFFD800  }
0x230: {  	v1 =	vld [tilespmem:s12+$0x5F0]  }
0x231: {  	v2 =	vld [tilespmem:s12+$0x2D70]  }
0x232: {  	v3 =	vld [tilespmem:s12+$0x54F0]  }
0x233: {  	v48 =	vld [tilespmem:s12+$0x600]  }
0x234: {  	v49 =	vld [tilespmem:s12+$0x2D80]  }
0x235: {  	v51 =	vld [tilespmem:s12+$0x610]  }
0x236: {  	v52 =	vld [tilespmem:s12+$0x2D90]  }
0x237: {  	v54 =	vld [tilespmem:s12+$0x620]  }
0x238: {  	v55 =	vld [tilespmem:s12+$0x630];
	v1 =	vmul.u32 $0xC, v1  }
0x239: {  	v50 =	vld [tilespmem:s12+$0x5500]  }
0x23a: {  	v53 =	vld [tilespmem:s12+$0x5510];
	v2 =	vshll.u32 v2, $0x1;
	v1 =	vadd.s32 v0, v1  }
0x23b: {  	v1 =	vadd.s32 v2, v1;
	v2 =	vld [tilespmem:s12+$0x2DA0]  }
0x23c: {  	v56 =	vld [tilespmem:s12+$0x2DB0];
	v4 =	vmul.u32 $0xC, v48;
	v7 =	vmul.u32 $0xC, v51;
	v59 =	vmul.u32 $0xC, v54  }
0x23d: {  	v57 =	vld [tilespmem:s12+$0x5520];
	v5 =	vshll.u32 v49, $0x1;
	v58 =	vshll.u32 v52, $0x1;
	v61 =	vmul.u32 $0xC, v55  }
0x23e: {  	v60 =	vld [tilespmem:s12+$0x5530];
	v4 =	vadd.s32 v0, v4;
	v7 =	vadd.s32 v0, v7;
	v62 =	vadd.s32 v0, v59  }
0x23f: {  	v63 =	vadd.s32 v0, v61;
	v1 =	vadd.s32 v3, v1;
	v3 =	vadd.s32 v5, v4  }
0x240: {  	v5 =	vadd.s32 v58, v7;
	v3 =	vadd.s32 v50, v3;
	[tilespmem:s12+$0x7C70] =	vst v1;
	v2 =	vshll.u32 v2, $0x1  }
0x241: {  	v1 =	vadd.s32 v53, v5;
	[tilespmem:s12+$0x7C80] =	vst v3;
	v3 =	vshll.u32 v56, $0x1;
	v2 =	vadd.s32 v2, v62  }
0x242: {  	[tilespmem:s12+$0x7C90] =	vst v1;
	v1 =	vadd.s32 v57, v2;
	v2 =	vadd.s32 v3, v63  }
0x243: {  	[tilespmem:s12+$0x7CA0] =	vst v1;
	v1 =	vadd.s32 v60, v2  }
0x244: {  	p0 =	sne.s32 s11, $0x8200;
	s13 =	sadd.s32 $0x7C70, s12;
	[tilespmem:s12+$0x7CB0] =	vst v1  }
0x245: {  	[tilespmem:s26], [sflag:$0x1] =	stream.indirect.gather [spmem:s2], $0x80, s13, s30, $0xb8;
	[tilespmem:$0x1FE00] =	vst v63  }
.Ltmp0:
0x246: {  	_ =	swait.ge [sflag:s29], $0x2800;
	(pc) =	sbr.rel @p0 .LBB2_2-.Ltmp0, $4  }
0x247: {  	[sflag:s29] =	ssyncset.done $0x0  }
0x248: {  	[sflag:s29] =	ssyncadd.s32 $0xFFFFD800  }
0x249: {  	[hbm4b:s23+s3] =	stream.linear.scatter [tilespmem:s7], [sflag:$0x2], $0x2800, $0x38;
	[tilespmem:$0x1FE00] =	vst v63  }
0x24a: {  	s11 =	sadd.s32 $0xA00, s11;
	s23 =	sadd.s32 $0x2800, s23  }
0x24b: {  	_ =	swait.ge [sflag:s8], $0x2800  }
0x24c: {  	[sflag:s8] =	ssyncset.done $0x0  }
0x24d: {  	[sflag:s8] =	ssyncadd.s32 $0xFFFFD800  }
0x24e: {  	v1 =	vld [tilespmem:$0x26C0]  }
0x24f: {  	v2 =	vld [tilespmem:$0x4E40]  }
0x250: {  	v3 =	vld [tilespmem:$0x75C0]  }
0x251: {  	v4 =	vld [tilespmem:$0x26D0]  }
0x252: {  	v5 =	vld [tilespmem:$0x4E50]  }
0x253: {  	v7 =	vld [tilespmem:$0x26E0]  }
0x254: {  	v8 =	vld [tilespmem:$0x4E60]  }
0x255: {  	v10 =	vld [tilespmem:$0x26F0]  }
0x256: {  	v11 =	vld [tilespmem:$0x2700];
	v1 =	vmul.u32 $0xC, v1  }
0x257: {  	v6 =	vld [tilespmem:$0x75D0]  }
0x258: {  	v9 =	vld [tilespmem:$0x75E0];
	v2 =	vshll.u32 v2, $0x1;
	v1 =	vadd.s32 v0, v1  }
0x259: {  	v1 =	vadd.s32 v2, v1;
	v2 =	vld [tilespmem:$0x4E70]  }
0x25a: {  	v12 =	vld [tilespmem:$0x4E80];
	v4 =	vmul.u32 $0xC, v4;
	v7 =	vmul.u32 $0xC, v7;
	v59 =	vmul.u32 $0xC, v10  }
0x25b: {  	v57 =	vld [tilespmem:$0x75F0];
	v5 =	vshll.u32 v5, $0x1;
	v58 =	vshll.u32 v8, $0x1;
	v61 =	vmul.u32 $0xC, v11  }
0x25c: {  	v60 =	vld [tilespmem:$0x7600];
	v4 =	vadd.s32 v0, v4;
	v7 =	vadd.s32 v0, v7;
	v62 =	vadd.s32 v0, v59  }
0x25d: {  	v63 =	vadd.s32 v0, v61;
	v1 =	vadd.s32 v3, v1;
	v3 =	vadd.s32 v5, v4  }
0x25e: {  	v5 =	vadd.s32 v58, v7;
	v3 =	vadd.s32 v6, v3;
	[tilespmem:$0x9D40] =	vst v1;
	v2 =	vshll.u32 v2, $0x1  }
0x25f: {  	v1 =	vadd.s32 v9, v5;
	[tilespmem:$0x9D50] =	vst v3;
	v3 =	vshll.u32 v12, $0x1;
	v2 =	vadd.s32 v2, v62  }
0x260: {  	[tilespmem:$0x9D60] =	vst v1;
	v1 =	vadd.s32 v57, v2;
	v2 =	vadd.s32 v3, v63  }
0x261: {  	[tilespmem:$0x9D70] =	vst v1;
	v1 =	vadd.s32 v60, v2  }
0x262: {  	s11 =	simm.s32 $0x9D40;
	[tilespmem:$0x9D80] =	vst v1  }
0x263: {  	[tilespmem:s0], [sflag:$0x1] =	stream.indirect.gather [spmem:s2], $0x80, s11, s30, $0xb8;
	[tilespmem:$0x1FE00] =	vst v63  }
0x264: {  	_ =	swait.ge [sflag:s29], $0x2800  }
0x265: {  	[sflag:s29] =	ssyncset.done $0x0  }
0x266: {  	[sflag:s29] =	ssyncadd.s32 $0xFFFFD800  }
0x267: {  	[hbm4b:s17+s3] =	stream.linear.scatter [tilespmem:s1], [sflag:$0x2], $0x2800, $0x38;
	[tilespmem:$0x1FE00] =	vst v63  }
0x268: {  	_ =	swait.ge [sflag:s8], $0x2800  }
0x269: {  	[sflag:s8] =	ssyncset.done $0x0  }
0x26a: {  	[sflag:s8] =	ssyncadd.s32 $0xFFFFD800  }
0x26b: {  	_ =	swait.ge [sflag:s29], $0x2800  }
0x26c: {  	[sflag:s29] =	ssyncset.done $0x0  }
0x26d: {  	[sflag:s29] =	ssyncadd.s32 $0xFFFFD800  }
0x26e: {  	[hbm4b:s18+s3] =	stream.linear.scatter [tilespmem:s25], [sflag:$0x2], $0x2800, $0x38;
	[tilespmem:$0x1FE00] =	vst v63  }
0x26f: {  	_ =	swait.ge [sflag:s8], $0x2800  }
0x270: {  	[sflag:s8] =	ssyncset.done $0x0  }
0x271: {  	[sflag:s8] =	ssyncadd.s32 $0xFFFFD800  }
0x272: {  	_ =	swait.ge [sflag:s29], $0x2800  }
0x273: {  	[sflag:s29] =	ssyncset.done $0x0  }
0x274: {  	[sflag:s29] =	ssyncadd.s32 $0xFFFFD800  }
0x275: {  	[hbm4b:s19+s3] =	stream.linear.scatter [tilespmem:s31], [sflag:$0x2], $0x2800, $0x38;
	[tilespmem:$0x1FE00] =	vst v63  }
0x276: {  	_ =	swait.ge [sflag:s8], $0x2800  }
0x277: {  	[sflag:s8] =	ssyncset.done $0x0  }
0x278: {  	[sflag:s8] =	ssyncadd.s32 $0xFFFFD800  }
0x279: {  	_ =	swait.ge [sflag:s29], $0x2800  }
0x27a: {  	[sflag:s29] =	ssyncset.done $0x0  }
0x27b: {  	[sflag:s29] =	ssyncadd.s32 $0xFFFFD800  }
0x27c: {  	[hbm4b:s20+s3] =	stream.linear.scatter [tilespmem:s26], [sflag:$0x2], $0x2800, $0x38;
	[tilespmem:$0x1FE00] =	vst v63  }
0x27d: {  	_ =	swait.ge [sflag:s8], $0x2800  }
0x27e: {  	[sflag:s8] =	ssyncset.done $0x0  }
0x27f: {  	[sflag:s8] =	ssyncadd.s32 $0xFFFFD800  }
0x280: {  	_ =	swait.ge [sflag:s29], $0x2800  }
0x281: {  	[sflag:s29] =	ssyncset.done $0x0  }
0x282: {  	[sflag:s29] =	ssyncadd.s32 $0xFFFFD800  }
0x283: {  	[hbm4b:s21+s3] =	stream.linear.scatter [tilespmem:s0], [sflag:$0x2], $0x2800, $0x38;
	[tilespmem:$0x1FE00] =	vst v63  }
0x284: {  	_ =	swait.ge [sflag:s8], $0x2800  }
0x285: {  	[sflag:s8] =	ssyncset.done $0x0  }
0x286: {  	[sflag:s8] =	ssyncadd.s32 $0xFFFFD800  }
0x287: {  	_ =	swait.ge [sflag:s8], $0x2800  }
0x288: {  	[sflag:s8] =	ssyncset.done $0x0  }
0x289: {  	s9 =	sadd.s32 $0x1, s9;
	[sflag:s8] =	ssyncadd.s32 $0xFFFFD800  }
0x28a: {  	p0 =	sne.s32 s9, s22;
	_ =	swait.ge [sflag:s8], $0x2800  }
.Ltmp1:
0x28b: {  	[sflag:s8] =	ssyncset.done $0x0;
	(pc) =	sbr.rel @p0 .LBB2_1-.Ltmp1, $4  }
0x28c: {  	[sflag:s8] =	ssyncadd.s32 $0xFFFFD800  }
0x28d: {  	_ =	swait.ge [sflag:s8], $0x2800  }
0x28e: {  	[sflag:s8] =	ssyncset.done $0x0  }
0x28f: {  	[sflag:s8] =	ssyncadd.s32 $0xFFFFD800  }
0x290: {  	_ =	sfence.sel $0x180000  }
0x291: {  	[bflag:$0x0] =	sbarrier.arrive $0xFFFF  }
0x292: {  	_ =	strace $0x90000047  }
0x293: {  	s0 =	stileid.u32;
	[bflag:$0x2] =	sbarrier.arrive $0xFFFF  }
0x294: {  	p0 =	sne.s32 s0, $0x0;
	s0 =	rddreg [dreg:$0x3]  }
0x295: {  	s0 =	sadd.s32 @!p0 $0x100000, s0  }
0x296: {  	[sflag:s0] =	ssyncadd.tile.s32 @!p0 $0x1;
	_ =	shalt  }
.Lfunc_end2:
_tile_overlayer_lowered:
.L_overlay_start_2:
0x297: {  	(tag) =	ssettag $0x2  }
0x298: {  	s0 =	rddreg [dreg:$0x0];
	s2 =	stileid.u32  }
0x299: {  	s1 =	rddreg [dreg:$0x1];
	p0 =	sne.s32 s2, $0x0  }
0x29a: {  	s3 =	rddreg [dreg:$0x2];
	[bflag:$0x3] =	sbarrier.arrive $0xFFFF;
	s2 =	simm.s32 @!p0 $0x1C03  }
0x29b: {  	[timem:s3], [sflag:s2] =	dma.local @!p0 [hbm:s0], s1  }
0x29c: {  	s0 =	simm.s32 @!p0 $0x3  }
0x29d: {  	_ =	swait.ge @!p0 [sflag:s0], s1  }
0x29e: {  	s1 =	ssub.s32 @!p0 $0x0, s1;
	[sflag:s0] =	ssyncset.done @!p0 $0x0  }
0x29f: {  	[sflag:s0] =	ssyncadd.s32 @!p0 s1  }
0x2a0: {  	[bflag:$0x3] =	sbarrier.arrive $0xFFFF  }
0x2a1: {  	_ =	shalt  }

</sc_bundles>
